<compile_context>
chip_gen: v7x
topology: tpu7x:2x2x1
jax: 0.10.2.dev20260603
libtpu: 0.0.44.dev20260713+nightly
codegen_flags: <defaults>
</compile_context>

<pallas_src>
import functools
import math

import jax
import jax.numpy as jnp
import numpy as np
from jax import lax
from jax.experimental import pallas as pl
from jax.experimental.pallas import tpu as pltpu
from jax.experimental.pallas import tpu_sc as plsc

N = 10000
E = 320000
D = 128
DE = 16
H = 8
C = 16
FFN = 512
EPS = 1e-8

PAY = 144
NC, NS = 2, 16
NW = NC * NS
EPT = E // NW
CH = 40
NG = EPT // CH
ROWS_PT = N // NS
SQRT_D = math.sqrt(D)
INV_SQRT_C = 1.0 / math.sqrt(C)

BN = 400
BE = 3200

_ILV = plsc.PackFormat.INTERLEAVED

_PERM_T = np.empty(2 * D, np.int32)
for _h in range(H):
    for _k in range(C):
        _PERM_T[32 * _h + 2 * _k] = 16 * _h + _k
        _PERM_T[32 * _h + 2 * _k + 1] = D + 16 * _h + _k
_PERM_V = np.empty(D, np.int32)
for _j in range(H // 2):
    for _k in range(C):
        _PERM_V[32 * _j + 2 * _k] = 32 * _j + _k
        _PERM_V[32 * _j + 2 * _k + 1] = 32 * _j + 16 + _k


def _bcast_lane(v, h):
    idx = jnp.full((16,), h, jnp.int32)
    return v.at[idx].get(mode="promise_in_bounds")


def _pre_body(nf, s_attn, wcat_t, bcat_t, wcat_s, t_tgt, t_src):
    x = nf[...]
    nrm = jnp.sqrt(jnp.sum(x * x, axis=1, keepdims=True))
    h = s_attn[...] * x / (nrm / SQRT_D + EPS)
    t_tgt[...] = (jnp.dot(h, wcat_t[...], preferred_element_type=jnp.float32)
                  + bcat_t[...]).astype(jnp.bfloat16)
    t_src[...] = jnp.dot(h, wcat_s[...],
                         preferred_element_type=jnp.float32).astype(jnp.bfloat16)


def _ve_body(ef, wve, bv, ve):
    ve[...] = (jnp.dot(ef[...], wve[...], preferred_element_type=jnp.float32)
               + bv[...]).astype(jnp.bfloat16)


def _post_body(acc, nf, wo, bo, srep, s_ffn, w1, w2, out):
    a = acc[0] + acc[1]
    arep = jnp.dot(a, srep[...], preferred_element_type=jnp.float32)
    attn = a[:, :D] * (1.0 / (arep + 1e-16))
    y = jnp.dot(attn, wo[...], preferred_element_type=jnp.float32) + bo[...]
    x1 = nf[...] + y
    nrm = jnp.sqrt(jnp.sum(x1 * x1, axis=1, keepdims=True))
    h2 = s_ffn[...] * x1 / (nrm / SQRT_D + EPS)
    g = jax.nn.gelu(jnp.dot(h2, w1[...], preferred_element_type=jnp.float32))
    out[...] = x1 + jnp.dot(g, w2[...], preferred_element_type=jnp.float32)


def _sc_edge_body(t_tgt, t_src, ve_hbm, ef_hbm, src_hbm, tgt_hbm, out_hbm,
                  sidx0, sidx1, tidx0, tidx1, ve0, ve1, ef0, ef1,
                  rt0, rt1, rs0, rs1, pay, acc,
                  s_si0, s_si1, s_ti0, s_ti1, s_ve0, s_ve1, s_ef0, s_ef1,
                  s_rt0, s_rt1, s_rs0, s_rs1):
    c = lax.axis_index("c")
    s = lax.axis_index("s")
    wid = c * NS + s
    zero16 = jnp.zeros((16,), jnp.float32)
    lane = lax.iota(jnp.int32, 16)
    ivef = ((sidx0, tidx0, ve0, ef0, s_si0, s_ti0, s_ve0, s_ef0),
            (sidx1, tidx1, ve1, ef1, s_si1, s_ti1, s_ve1, s_ef1))
    rows = ((rt0, rs0, s_rt0, s_rs0), (rt1, rs1, s_rt1, s_rs1))

    def zrow(i, carry):
        for j in range(PAY // 16):
            pay[i, pl.ds(j * 16, 16)] = zero16
        return carry

    lax.fori_loop(0, CH, zrow, None)
    rowbase = s * ROWS_PT
    nfull = ROWS_PT // CH
    rem = ROWS_PT - nfull * CH
    for j in range(nfull):
        pltpu.sync_copy(pay.at[pl.ds(0, CH)],
                        acc.at[pl.ds(rowbase + j * CH, CH)])
    if rem:
        pltpu.sync_copy(pay.at[pl.ds(0, rem)],
                        acc.at[pl.ds(rowbase + nfull * CH, rem)])
    plsc.subcore_barrier()

    ebase = wid * EPT

    def issue_ivef(off, b):
        si, ti, ve, ef, ssi, sti, sve, sef = ivef[b]
        pltpu.async_copy(src_hbm.at[pl.ds(off, CH)], si, ssi)
        pltpu.async_copy(tgt_hbm.at[pl.ds(off, CH)], ti, sti)
        pltpu.async_copy(ve_hbm.at[pl.ds(off, CH)], ve, sve)
        pltpu.async_copy(ef_hbm.at[pl.ds(off, CH)], ef, sef)

    def wait_idx(off, b):
        si, ti, _, _, ssi, sti, _, _ = ivef[b]
        pltpu.make_async_copy(src_hbm.at[pl.ds(off, CH)], si, ssi).wait()
        pltpu.make_async_copy(tgt_hbm.at[pl.ds(off, CH)], ti, sti).wait()

    def issue_rows(b):
        si, ti = ivef[b][0], ivef[b][1]
        rt, rs, srt, srs = rows[b]
        pltpu.async_copy(t_tgt.at[ti], rt, srt)
        pltpu.async_copy(t_src.at[si], rs, srs)

    def wait_rows(b):
        si, ti = ivef[b][0], ivef[b][1]
        rt, rs, srt, srs = rows[b]
        pltpu.make_async_copy(t_tgt.at[ti], rt, srt).wait()
        pltpu.make_async_copy(t_src.at[si], rs, srs).wait()

    def compute(b, off):
        _, _, ve_v, ef_v, _, _, sve, sef = ivef[b]
        rt, rs, _, _ = rows[b]
        pltpu.make_async_copy(ve_hbm.at[pl.ds(off, CH)], ve_v, sve).wait()
        pltpu.make_async_copy(ef_hbm.at[pl.ds(off, CH)], ef_v, sef).wait()
        wait_rows(b)

        def edge2(i):
                efe = ef_v[i, :]
                pc = zero16
                vns = []
                for h in range(H):
                    qt, bt = plsc.unpack(rt[i, pl.ds(32 * h, 32)], format=_ILV,
                                         preferred_element_type=jnp.float32)
                    ks, vn = plsc.unpack(rs[i, pl.ds(32 * h, 32)], format=_ILV,
                                         preferred_element_type=jnp.float32)
                    vns.append(vn)
                    lg = jnp.sum(qt * ks + bt * efe)
                    pc = jnp.where(lane == h, lg, pc)
                pv = jnp.exp(pc)
                pay[i, pl.ds(128, 16)] = pv
                for j in range(H // 2):
                    va, vb = plsc.unpack(ve_v[i, pl.ds(32 * j, 32)], format=_ILV,
                                         preferred_element_type=jnp.float32)
                    for p, veh in ((0, va), (1, vb)):
                        h = 2 * j + p
                        pb = _bcast_lane(pv, h)
                        pay[i, pl.ds(16 * h, 16)] = pb * (vns[h] + veh)

        plsc.parallel_loop(0, CH, 1)(edge2)

    def body(g, b, pre1, pre2):
        off = ebase + g * CH
        if pre1:
            wait_idx(off + CH, 1 - b)
            issue_rows(1 - b)
        compute(b, off)
        pltpu.sync_copy(pay, acc.at[ivef[b][1]], add=True)
        if pre2:
            issue_ivef(off + 2 * CH, b)

    issue_ivef(ebase, 0)
    wait_idx(ebase, 0)
    issue_rows(0)
    issue_ivef(ebase + CH, 1)

    def pair(gp, carry):
        body(2 * gp, 0, True, True)
        body(2 * gp + 1, 1, True, True)
        return carry

    lax.fori_loop(0, NG // 2 - 1, pair, None)
    body(NG - 2, 0, True, False)
    body(NG - 1, 1, False, False)
    plsc.subcore_barrier()
    for j in range(nfull):
        pltpu.sync_copy(acc.at[pl.ds(rowbase + j * CH, CH)],
                        out_hbm.at[c, pl.ds(rowbase + j * CH, CH)])
    if rem:
        pltpu.sync_copy(acc.at[pl.ds(rowbase + nfull * CH, rem)],
                        out_hbm.at[c, pl.ds(rowbase + nfull * CH, rem)])


def _pre_call(nf, s_attn, wcat_t, bcat_t, wcat_s):
    grid = N // BN
    return pl.pallas_call(
        _pre_body,
        grid=(grid,),
        in_specs=[
            pl.BlockSpec((BN, D), lambda i: (i, 0)),
            pl.BlockSpec((1, D), lambda i: (0, 0)),
            pl.BlockSpec((D, 2 * D), lambda i: (0, 0)),
            pl.BlockSpec((1, 2 * D), lambda i: (0, 0)),
            pl.BlockSpec((D, 2 * D), lambda i: (0, 0)),
        ],
        out_specs=[
            pl.BlockSpec((BN, 2 * D), lambda i: (i, 0)),
            pl.BlockSpec((BN, 2 * D), lambda i: (i, 0)),
        ],
        out_shape=[
            jax.ShapeDtypeStruct((N, 2 * D), jnp.bfloat16),
            jax.ShapeDtypeStruct((N, 2 * D), jnp.bfloat16),
        ],
    )(nf, s_attn, wcat_t, bcat_t, wcat_s)


def _ve_call(ef, wve, bv):
    grid = E // BE
    return pl.pallas_call(
        _ve_body,
        grid=(grid,),
        in_specs=[
            pl.BlockSpec((BE, DE), lambda i: (i, 0)),
            pl.BlockSpec((DE, D), lambda i: (0, 0)),
            pl.BlockSpec((1, D), lambda i: (0, 0)),
        ],
        out_specs=pl.BlockSpec((BE, D), lambda i: (i, 0)),
        out_shape=jax.ShapeDtypeStruct((E, D), jnp.bfloat16),
    )(ef, wve, bv)


def _post_call(acc, nf, wo, bo, srep, s_ffn, w1, w2):
    grid = N // BN
    return pl.pallas_call(
        _post_body,
        grid=(grid,),
        in_specs=[
            pl.BlockSpec((2, BN, PAY), lambda i: (0, i, 0)),
            pl.BlockSpec((BN, D), lambda i: (i, 0)),
            pl.BlockSpec((D, D), lambda i: (0, 0)),
            pl.BlockSpec((1, D), lambda i: (0, 0)),
            pl.BlockSpec((PAY, D), lambda i: (0, 0)),
            pl.BlockSpec((1, D), lambda i: (0, 0)),
            pl.BlockSpec((D, FFN), lambda i: (0, 0)),
            pl.BlockSpec((FFN, D), lambda i: (0, 0)),
        ],
        out_specs=pl.BlockSpec((BN, D), lambda i: (i, 0)),
        out_shape=jax.ShapeDtypeStruct((N, D), jnp.float32),
    )(acc, nf, wo, bo, srep, s_ffn, w1, w2)


_sc_edge_call = functools.partial(
    pl.kernel,
    out_type=jax.ShapeDtypeStruct((NC, N, PAY), jnp.float32),
    mesh=plsc.VectorSubcoreMesh(core_axis_name="c", subcore_axis_name="s"),
    compiler_params=pltpu.CompilerParams(use_tc_tiling_on_sc=False,
                                         needs_layout_passes=False),
    scratch_types=(
        [pltpu.VMEM((CH,), jnp.int32)] * 4
        + [pltpu.VMEM((CH, D), jnp.bfloat16)] * 2
        + [pltpu.VMEM((CH, DE), jnp.float32)] * 2
        + [pltpu.VMEM((CH, 2 * D), jnp.bfloat16)] * 4
        + [pltpu.VMEM((CH, PAY), jnp.float32)]
        + [pltpu.VMEM_SHARED((N, PAY), jnp.float32)]
        + [pltpu.SemaphoreType.DMA] * 12
    ),
)(_sc_edge_body)


def kernel(node_feats, edge_feats, edge_index, Wq, bq, Wk, bk, Wv, bv,
           Wo, bo, s_attn, s_ffn, W1, W2):
    src = edge_index[0]
    tgt = edge_index[1]
    we = Wk[D:].reshape(DE, H, C)
    wblk = jnp.einsum('jhc,hg->hcgj', we, jnp.eye(H, dtype=jnp.float32))
    wblk = wblk.reshape(H * C, H * DE)
    wq_s = Wq * INV_SQRT_C
    bq_s = bq * INV_SQRT_C
    wcat_t = jnp.concatenate([wq_s, wq_s @ wblk], axis=1)[:, _PERM_T]
    bcat_t = jnp.concatenate([bq_s, bq_s @ wblk])[_PERM_T].reshape(1, 2 * D)
    wcat_s = jnp.concatenate([Wk[:D], Wv[:D]], axis=1)[:, _PERM_T]
    wve = Wv[D:][:, _PERM_V]
    bv_p = bv[_PERM_V].reshape(1, D)
    srep = jnp.concatenate(
        [jnp.zeros((D, D), jnp.float32),
         jnp.kron(jnp.eye(H, dtype=jnp.float32), jnp.ones((1, C), jnp.float32)),
         jnp.zeros((PAY - D - H, D), jnp.float32)], axis=0)

    t_tgt, t_src = _pre_call(node_feats, s_attn.reshape(1, D),
                             wcat_t, bcat_t, wcat_s)
    ve = _ve_call(edge_feats, wve, bv_p)
    acc = _sc_edge_call(t_tgt, t_src, ve, edge_feats, src, tgt)
    out = _post_call(acc, node_feats, Wo, bo.reshape(1, D), srep,
                     s_ffn.reshape(1, D), W1, W2)
    return out

# --- scband reference (transcript-rebuilt; emitter-appended) ---
"""Pipeline reference for scband-transformer-encoder-7361573945687 (READ-ONLY COPY).

The authoritative reference and input builder live on the scoring server;
editing this copy changes nothing except your own understanding.
"""

import jax, jax.numpy as jnp
import numpy as np
import math

N = 10000
E = 320000
D = 128
DE = 16
H = 8
C = D // H
FFN = 512
EPS = 1e-8


def setup_inputs(seed: int = 0) -> dict:
    key = jax.random.key(seed)
    ks = jax.random.split(key, 16)
    inp = {}
    inp["node_feats"] = jax.random.normal(ks[0], (N, D), dtype=jnp.float32)
    inp["edge_feats"] = jax.random.normal(ks[1], (E, DE), dtype=jnp.float32)
    inp["edge_index"] = jax.random.randint(ks[2], (2, E), 0, N, dtype=jnp.int32)
    inp["Wq"] = jax.random.normal(ks[3], (D, D), dtype=jnp.float32) / math.sqrt(D)
    inp["bq"] = jnp.zeros((D,), dtype=jnp.float32)
    inp["Wk"] = jax.random.normal(ks[4], (D + DE, D), dtype=jnp.float32) / math.sqrt(D + DE)
    inp["bk"] = jnp.zeros((D,), dtype=jnp.float32)
    inp["Wv"] = jax.random.normal(ks[5], (D + DE, D), dtype=jnp.float32) / math.sqrt(D + DE)
    inp["bv"] = jnp.zeros((D,), dtype=jnp.float32)
    inp["Wo"] = jax.random.normal(ks[6], (D, D), dtype=jnp.float32) / math.sqrt(D)
    inp["bo"] = jnp.zeros((D,), dtype=jnp.float32)
    inp["s_attn"] = jnp.ones((D,), dtype=jnp.float32)
    inp["s_ffn"] = jnp.ones((D,), dtype=jnp.float32)
    inp["W1"] = jax.random.normal(ks[7], (D, FFN), dtype=jnp.float32) / math.sqrt(D)
    inp["W2"] = jax.random.normal(ks[8], (FFN, D), dtype=jnp.float32) / math.sqrt(FFN)
    return inp


def _rmsnorm(x, scale):
    norm_x = jnp.linalg.norm(x, axis=-1, keepdims=True)
    rms_x = norm_x / math.sqrt(D)
    return scale * (x / (rms_x + EPS))


def _attention(h, edge_feats, edge_index, Wq, bq, Wk, bk, Wv, bv, Wo, bo):
    src = edge_index[0]
    tgt = edge_index[1]
    q = h[tgt] @ Wq + bq
    q = q.reshape(E, H, C)
    kv_input = jnp.concatenate([h[src], edge_feats], axis=-1)
    k = (kv_input @ Wk + bk).reshape(E, H, C)
    v = (kv_input @ Wv + bv).reshape(E, H, C)
    a = jnp.einsum('ehc,ehc->eh', q, k) / math.sqrt(C)
    # softmax over edges grouped by tgt node
    amax = jax.ops.segment_max(a, tgt, num_segments=N)
    amax = jnp.where(jnp.isfinite(amax), amax, 0.0)
    a = jnp.exp(a - amax[tgt])
    asum = jax.ops.segment_sum(a, tgt, num_segments=N)
    a = a / (asum[tgt] + 1e-16)
    o_msg = a[..., None] * v
    out = jax.ops.segment_sum(o_msg, tgt, num_segments=N)
    out = out.reshape(N, D)
    return out @ Wo + bo


def reference(node_feats, edge_feats, edge_index, Wq, bq, Wk, bk, Wv, bv, Wo, bo, s_attn, s_ffn, W1, W2):
    # ln_mode == 'pre', norm == 'rmsnorm', dropout == 0
    residual = node_feats
    h = _rmsnorm(node_feats, s_attn)
    h = _attention(h, edge_feats, edge_index, Wq, bq, Wk, bk, Wv, bv, Wo, bo)
    x = residual + h
    residual = x
    h = _rmsnorm(x, s_ffn)
    h = jax.nn.gelu(h @ W1) @ W2
    x = residual + h
    return x

if __name__ == "__main__":
    import jax
    _d = setup_inputs()
    print(jax.jit(kernel)(*tuple(_d.values())))

</pallas_src>

<mosaic_0001>
#map = affine_map<(d0, d1) -> (0, 0)>
#map1 = affine_map<(d0, d1) -> (0)>
#map2 = affine_map<(d0, d1) -> (0, 0, 0)>
module attributes {stable_mosaic.version = 14 : i64} {
  func.func @_sc_edge_body(%arg0: i32, %arg1: i32, %arg2: memref<10000x256xbf16, #tpu.memory_space<hbm>>, %arg3: memref<10000x256xbf16, #tpu.memory_space<hbm>>, %arg4: memref<320000x128xbf16, #tpu.memory_space<hbm>>, %arg5: memref<320000x16xf32, #tpu.memory_space<hbm>>, %arg6: memref<320000xi32, #tpu.memory_space<hbm>>, %arg7: memref<320000xi32, #tpu.memory_space<hbm>>, %arg8: memref<2x10000x144xf32, #tpu.memory_space<hbm>>, %arg9: memref<40xi32, #tpu.memory_space<vmem>>, %arg10: memref<40xi32, #tpu.memory_space<vmem>>, %arg11: memref<40xi32, #tpu.memory_space<vmem>>, %arg12: memref<40xi32, #tpu.memory_space<vmem>>, %arg13: memref<40x128xbf16, #tpu.memory_space<vmem>>, %arg14: memref<40x128xbf16, #tpu.memory_space<vmem>>, %arg15: memref<40x16xf32, #tpu.memory_space<vmem>>, %arg16: memref<40x16xf32, #tpu.memory_space<vmem>>, %arg17: memref<40x256xbf16, #tpu.memory_space<vmem>>, %arg18: memref<40x256xbf16, #tpu.memory_space<vmem>>, %arg19: memref<40x256xbf16, #tpu.memory_space<vmem>>, %arg20: memref<40x256xbf16, #tpu.memory_space<vmem>>, %arg21: memref<40x144xf32, #tpu.memory_space<vmem>>, %arg22: memref<10000x144xf32, #tpu.memory_space<vmem_shared>>, %arg23: memref<!tpu.dma_semaphore, #tpu.memory_space<semaphore_mem>>, %arg24: memref<!tpu.dma_semaphore, #tpu.memory_space<semaphore_mem>>, %arg25: memref<!tpu.dma_semaphore, #tpu.memory_space<semaphore_mem>>, %arg26: memref<!tpu.dma_semaphore, #tpu.memory_space<semaphore_mem>>, %arg27: memref<!tpu.dma_semaphore, #tpu.memory_space<semaphore_mem>>, %arg28: memref<!tpu.dma_semaphore, #tpu.memory_space<semaphore_mem>>, %arg29: memref<!tpu.dma_semaphore, #tpu.memory_space<semaphore_mem>>, %arg30: memref<!tpu.dma_semaphore, #tpu.memory_space<semaphore_mem>>, %arg31: memref<!tpu.dma_semaphore, #tpu.memory_space<semaphore_mem>>, %arg32: memref<!tpu.dma_semaphore, #tpu.memory_space<semaphore_mem>>, %arg33: memref<!tpu.dma_semaphore, #tpu.memory_space<semaphore_mem>>, %arg34: memref<!tpu.dma_semaphore, #tpu.memory_space<semaphore_mem>>) attributes {dimension_semantics = [#tpu.dimension_semantics<core_parallel>, #tpu.dimension_semantics<subcore_parallel>], iteration_bounds = array<i64: 2, 16>, scalar_prefetch = 0 : i64, scratch_operands = 26 : i64, tpu.core_type = #tpu.core_type<sc_vector_subcore>, window_params = [{transform_indices = #map}, {transform_indices = #map}, {transform_indices = #map}, {transform_indices = #map}, {transform_indices = #map1}, {transform_indices = #map1}, {transform_indices = #map2}]} {
    %mul3A = arith.constant 16 : i32
    %mul3A_0 = arith.muli %arg0, %mul3A : i32
    %add3A = arith.addi %mul3A_0, %arg1 : i32
    %broadcast_in_dim3A = arith.constant 0.000000e+00 : f32
    %broadcast_in_dim3A_1 = vector.broadcast %broadcast_in_dim3A : f32 to vector<16xf32>
    %iota3A = tpu.iota {dimensions = array<i32: 0>} : vector<16xi32>
    %scan3A = arith.constant 0 : i32
    %scan3A_2 = arith.constant 40 : i32
    %scan3A_3 = arith.addi %scan3A, %scan3A_2 : i32
    %scan3A_4 = arith.constant 1 : i32
    scf.for %scan3A_195 = %scan3A to %scan3A_3 step %scan3A_4  : i32 {
      %swap3A = arith.index_cast %scan3A_195 : i32 to index
      %swap3A_196 = arith.constant 0 : index
      %swap3A_197 = tpu.vector_load %arg21[%swap3A, %swap3A_196] {strides = array<i32>} : memref<40x144xf32, #tpu.memory_space<vmem>>, vector<16xf32>,
      tpu.vector_store %arg21[%swap3A, %swap3A_196], %broadcast_in_dim3A_1 {strides = array<i32>} : memref<40x144xf32, #tpu.memory_space<vmem>>, vector<16xf32>,
      %swap3A_198 = arith.index_cast %scan3A_195 : i32 to index
      %swap3A_199 = arith.constant 16 : index
      %swap3A_200 = tpu.vector_load %arg21[%swap3A_198, %swap3A_199] {strides = array<i32>} : memref<40x144xf32, #tpu.memory_space<vmem>>, vector<16xf32>,
      tpu.vector_store %arg21[%swap3A_198, %swap3A_199], %broadcast_in_dim3A_1 {strides = array<i32>} : memref<40x144xf32, #tpu.memory_space<vmem>>, vector<16xf32>,
      %swap3A_201 = arith.index_cast %scan3A_195 : i32 to index
      %swap3A_202 = arith.constant 32 : index
      %swap3A_203 = tpu.vector_load %arg21[%swap3A_201, %swap3A_202] {strides = array<i32>} : memref<40x144xf32, #tpu.memory_space<vmem>>, vector<16xf32>,
      tpu.vector_store %arg21[%swap3A_201, %swap3A_202], %broadcast_in_dim3A_1 {strides = array<i32>} : memref<40x144xf32, #tpu.memory_space<vmem>>, vector<16xf32>,
      %swap3A_204 = arith.index_cast %scan3A_195 : i32 to index
      %swap3A_205 = arith.constant 48 : index
      %swap3A_206 = tpu.vector_load %arg21[%swap3A_204, %swap3A_205] {strides = array<i32>} : memref<40x144xf32, #tpu.memory_space<vmem>>, vector<16xf32>,
      tpu.vector_store %arg21[%swap3A_204, %swap3A_205], %broadcast_in_dim3A_1 {strides = array<i32>} : memref<40x144xf32, #tpu.memory_space<vmem>>, vector<16xf32>,
      %swap3A_207 = arith.index_cast %scan3A_195 : i32 to index
      %swap3A_208 = arith.constant 64 : index
      %swap3A_209 = tpu.vector_load %arg21[%swap3A_207, %swap3A_208] {strides = array<i32>} : memref<40x144xf32, #tpu.memory_space<vmem>>, vector<16xf32>,
      tpu.vector_store %arg21[%swap3A_207, %swap3A_208], %broadcast_in_dim3A_1 {strides = array<i32>} : memref<40x144xf32, #tpu.memory_space<vmem>>, vector<16xf32>,
      %swap3A_210 = arith.index_cast %scan3A_195 : i32 to index
      %swap3A_211 = arith.constant 80 : index
      %swap3A_212 = tpu.vector_load %arg21[%swap3A_210, %swap3A_211] {strides = array<i32>} : memref<40x144xf32, #tpu.memory_space<vmem>>, vector<16xf32>,
      tpu.vector_store %arg21[%swap3A_210, %swap3A_211], %broadcast_in_dim3A_1 {strides = array<i32>} : memref<40x144xf32, #tpu.memory_space<vmem>>, vector<16xf32>,
      %swap3A_213 = arith.index_cast %scan3A_195 : i32 to index
      %swap3A_214 = arith.constant 96 : index
      %swap3A_215 = tpu.vector_load %arg21[%swap3A_213, %swap3A_214] {strides = array<i32>} : memref<40x144xf32, #tpu.memory_space<vmem>>, vector<16xf32>,
      tpu.vector_store %arg21[%swap3A_213, %swap3A_214], %broadcast_in_dim3A_1 {strides = array<i32>} : memref<40x144xf32, #tpu.memory_space<vmem>>, vector<16xf32>,
      %swap3A_216 = arith.index_cast %scan3A_195 : i32 to index
      %swap3A_217 = arith.constant 112 : index
      %swap3A_218 = tpu.vector_load %arg21[%swap3A_216, %swap3A_217] {strides = array<i32>} : memref<40x144xf32, #tpu.memory_space<vmem>>, vector<16xf32>,
      tpu.vector_store %arg21[%swap3A_216, %swap3A_217], %broadcast_in_dim3A_1 {strides = array<i32>} : memref<40x144xf32, #tpu.memory_space<vmem>>, vector<16xf32>,
      %swap3A_219 = arith.index_cast %scan3A_195 : i32 to index
      %swap3A_220 = arith.constant 128 : index
      %swap3A_221 = tpu.vector_load %arg21[%swap3A_219, %swap3A_220] {strides = array<i32>} : memref<40x144xf32, #tpu.memory_space<vmem>>, vector<16xf32>,
      tpu.vector_store %arg21[%swap3A_219, %swap3A_220], %broadcast_in_dim3A_1 {strides = array<i32>} : memref<40x144xf32, #tpu.memory_space<vmem>>, vector<16xf32>,
    }
    %scan3A_5 = arith.constant 40 : i32
    %mul3A_6 = arith.constant 625 : i32
    %mul3A_7 = arith.muli %arg1, %mul3A_6 : i32
    %add3A_8 = arith.constant 0 : i32
    %add3A_9 = arith.addi %mul3A_7, %add3A_8 : i32
    "tpu.region"() ({
      %run_scoped3A = tpu.sem_alloc : memref<!tpu.dma_semaphore, #tpu.memory_space<semaphore_mem>>
      %dma_start3A_195 = arith.constant 0 : i32
      %dma_start3A_196 = arith.constant 0 : i32
      %dma_start3A_197 = tpu.memref_slice %arg21[%dma_start3A_195, %dma_start3A_196] : memref<40x144xf32, #tpu.memory_space<vmem>> -> memref<40x144xf32, #tpu.memory_space<vmem>>
      %dma_start3A_198 = arith.constant 0 : i32
      %dma_start3A_199 = tpu.memref_slice %arg22[%add3A_9, %dma_start3A_198] : memref<10000x144xf32, #tpu.memory_space<vmem_shared>> -> memref<40x144xf32, #tpu.memory_space<vmem_shared>>
      %dma_start3A_200 = arith.constant 0 : i32
      %dma_start3A_201 = tpu.memref_slice %arg22[%add3A_9, %dma_start3A_200] : memref<10000x144xf32, #tpu.memory_space<vmem_shared>> -> memref<40x144xf32, #tpu.memory_space<vmem_shared>>
      %dma_start3A_202 = arith.constant 0 : i32
      %dma_start3A_203 = arith.constant 0 : i32
      %dma_start3A_204 = tpu.memref_slice %arg21[%dma_start3A_202, %dma_start3A_203] : memref<40x144xf32, #tpu.memory_space<vmem>> -> memref<40x144xf32, #tpu.memory_space<vmem>>
      tpu.enqueue_dma source(%dma_start3A_204 : memref<40x144xf32, #tpu.memory_space<vmem>>) target(%dma_start3A_201 : memref<40x144xf32, #tpu.memory_space<vmem_shared>>) target_semaphore(%run_scoped3A : memref<!tpu.dma_semaphore, #tpu.memory_space<semaphore_mem>>)
      %dma_wait3A_205 = arith.constant 0 : i32
      %dma_wait3A_206 = arith.constant 0 : i32
      %dma_wait3A_207 = tpu.memref_slice %arg21[%dma_wait3A_205, %dma_wait3A_206] : memref<40x144xf32, #tpu.memory_space<vmem>> -> memref<40x144xf32, #tpu.memory_space<vmem>>
      %dma_wait3A_208 = arith.constant 0 : i32
      %dma_wait3A_209 = tpu.memref_slice %arg22[%add3A_9, %dma_wait3A_208] : memref<10000x144xf32, #tpu.memory_space<vmem_shared>> -> memref<40x144xf32, #tpu.memory_space<vmem_shared>>
      %dma_wait3A_210 = arith.constant 0 : i32
      %dma_wait3A_211 = tpu.memref_slice %arg22[%add3A_9, %dma_wait3A_210] : memref<10000x144xf32, #tpu.memory_space<vmem_shared>> -> memref<40x144xf32, #tpu.memory_space<vmem_shared>>
      %dma_wait3A_212 = arith.constant 0 : i32
      %dma_wait3A_213 = arith.constant 0 : i32
      %dma_wait3A_214 = tpu.memref_slice %arg21[%dma_wait3A_212, %dma_wait3A_213] : memref<40x144xf32, #tpu.memory_space<vmem>> -> memref<40x144xf32, #tpu.memory_space<vmem>>
      tpu.wait_dma2 semaphore(%run_scoped3A : memref<!tpu.dma_semaphore, #tpu.memory_space<semaphore_mem>>) src(%dma_wait3A_214 : memref<40x144xf32, #tpu.memory_space<vmem>>) dst(%dma_wait3A_211 : memref<40x144xf32, #tpu.memory_space<vmem_shared>>)
      tpu.yield
    }) : () -> ()
    %add3A_10 = arith.constant 40 : i32
    %add3A_11 = arith.addi %mul3A_7, %add3A_10 : i32
    "tpu.region"() ({
      %run_scoped3A = tpu.sem_alloc : memref<!tpu.dma_semaphore, #tpu.memory_space<semaphore_mem>>
      %dma_start3A_195 = arith.constant 0 : i32
      %dma_start3A_196 = arith.constant 0 : i32
      %dma_start3A_197 = tpu.memref_slice %arg21[%dma_start3A_195, %dma_start3A_196] : memref<40x144xf32, #tpu.memory_space<vmem>> -> memref<40x144xf32, #tpu.memory_space<vmem>>
      %dma_start3A_198 = arith.constant 0 : i32
      %dma_start3A_199 = tpu.memref_slice %arg22[%add3A_11, %dma_start3A_198] : memref<10000x144xf32, #tpu.memory_space<vmem_shared>> -> memref<40x144xf32, #tpu.memory_space<vmem_shared>>
      %dma_start3A_200 = arith.constant 0 : i32
      %dma_start3A_201 = tpu.memref_slice %arg22[%add3A_11, %dma_start3A_200] : memref<10000x144xf32, #tpu.memory_space<vmem_shared>> -> memref<40x144xf32, #tpu.memory_space<vmem_shared>>
      %dma_start3A_202 = arith.constant 0 : i32
      %dma_start3A_203 = arith.constant 0 : i32
      %dma_start3A_204 = tpu.memref_slice %arg21[%dma_start3A_202, %dma_start3A_203] : memref<40x144xf32, #tpu.memory_space<vmem>> -> memref<40x144xf32, #tpu.memory_space<vmem>>
      tpu.enqueue_dma source(%dma_start3A_204 : memref<40x144xf32, #tpu.memory_space<vmem>>) target(%dma_start3A_201 : memref<40x144xf32, #tpu.memory_space<vmem_shared>>) target_semaphore(%run_scoped3A : memref<!tpu.dma_semaphore, #tpu.memory_space<semaphore_mem>>)
      %dma_wait3A_205 = arith.constant 0 : i32
      %dma_wait3A_206 = arith.constant 0 : i32
      %dma_wait3A_207 = tpu.memref_slice %arg21[%dma_wait3A_205, %dma_wait3A_206] : memref<40x144xf32, #tpu.memory_space<vmem>> -> memref<40x144xf32, #tpu.memory_space<vmem>>
      %dma_wait3A_208 = arith.constant 0 : i32
      %dma_wait3A_209 = tpu.memref_slice %arg22[%add3A_11, %dma_wait3A_208] : memref<10000x144xf32, #tpu.memory_space<vmem_shared>> -> memref<40x144xf32, #tpu.memory_space<vmem_shared>>
      %dma_wait3A_210 = arith.constant 0 : i32
      %dma_wait3A_211 = tpu.memref_slice %arg22[%add3A_11, %dma_wait3A_210] : memref<10000x144xf32, #tpu.memory_space<vmem_shared>> -> memref<40x144xf32, #tpu.memory_space<vmem_shared>>
      %dma_wait3A_212 = arith.constant 0 : i32
      %dma_wait3A_213 = arith.constant 0 : i32
      %dma_wait3A_214 = tpu.memref_slice %arg21[%dma_wait3A_212, %dma_wait3A_213] : memref<40x144xf32, #tpu.memory_space<vmem>> -> memref<40x144xf32, #tpu.memory_space<vmem>>
      tpu.wait_dma2 semaphore(%run_scoped3A : memref<!tpu.dma_semaphore, #tpu.memory_space<semaphore_mem>>) src(%dma_wait3A_214 : memref<40x144xf32, #tpu.memory_space<vmem>>) dst(%dma_wait3A_211 : memref<40x144xf32, #tpu.memory_space<vmem_shared>>)
      tpu.yield
    }) : () -> ()
    %add3A_12 = arith.constant 80 : i32
    %add3A_13 = arith.addi %mul3A_7, %add3A_12 : i32
    "tpu.region"() ({
      %run_scoped3A = tpu.sem_alloc : memref<!tpu.dma_semaphore, #tpu.memory_space<semaphore_mem>>
      %dma_start3A_195 = arith.constant 0 : i32
      %dma_start3A_196 = arith.constant 0 : i32
      %dma_start3A_197 = tpu.memref_slice %arg21[%dma_start3A_195, %dma_start3A_196] : memref<40x144xf32, #tpu.memory_space<vmem>> -> memref<40x144xf32, #tpu.memory_space<vmem>>
      %dma_start3A_198 = arith.constant 0 : i32
      %dma_start3A_199 = tpu.memref_slice %arg22[%add3A_13, %dma_start3A_198] : memref<10000x144xf32, #tpu.memory_space<vmem_shared>> -> memref<40x144xf32, #tpu.memory_space<vmem_shared>>
      %dma_start3A_200 = arith.constant 0 : i32
      %dma_start3A_201 = tpu.memref_slice %arg22[%add3A_13, %dma_start3A_200] : memref<10000x144xf32, #tpu.memory_space<vmem_shared>> -> memref<40x144xf32, #tpu.memory_space<vmem_shared>>
      %dma_start3A_202 = arith.constant 0 : i32
      %dma_start3A_203 = arith.constant 0 : i32
      %dma_start3A_204 = tpu.memref_slice %arg21[%dma_start3A_202, %dma_start3A_203] : memref<40x144xf32, #tpu.memory_space<vmem>> -> memref<40x144xf32, #tpu.memory_space<vmem>>
      tpu.enqueue_dma source(%dma_start3A_204 : memref<40x144xf32, #tpu.memory_space<vmem>>) target(%dma_start3A_201 : memref<40x144xf32, #tpu.memory_space<vmem_shared>>) target_semaphore(%run_scoped3A : memref<!tpu.dma_semaphore, #tpu.memory_space<semaphore_mem>>)
      %dma_wait3A_205 = arith.constant 0 : i32
      %dma_wait3A_206 = arith.constant 0 : i32
      %dma_wait3A_207 = tpu.memref_slice %arg21[%dma_wait3A_205, %dma_wait3A_206] : memref<40x144xf32, #tpu.memory_space<vmem>> -> memref<40x144xf32, #tpu.memory_space<vmem>>
      %dma_wait3A_208 = arith.constant 0 : i32
      %dma_wait3A_209 = tpu.memref_slice %arg22[%add3A_13, %dma_wait3A_208] : memref<10000x144xf32, #tpu.memory_space<vmem_shared>> -> memref<40x144xf32, #tpu.memory_space<vmem_shared>>
      %dma_wait3A_210 = arith.constant 0 : i32
      %dma_wait3A_211 = tpu.memref_slice %arg22[%add3A_13, %dma_wait3A_210] : memref<10000x144xf32, #tpu.memory_space<vmem_shared>> -> memref<40x144xf32, #tpu.memory_space<vmem_shared>>
      %dma_wait3A_212 = arith.constant 0 : i32
      %dma_wait3A_213 = arith.constant 0 : i32
      %dma_wait3A_214 = tpu.memref_slice %arg21[%dma_wait3A_212, %dma_wait3A_213] : memref<40x144xf32, #tpu.memory_space<vmem>> -> memref<40x144xf32, #tpu.memory_space<vmem>>
      tpu.wait_dma2 semaphore(%run_scoped3A : memref<!tpu.dma_semaphore, #tpu.memory_space<semaphore_mem>>) src(%dma_wait3A_214 : memref<40x144xf32, #tpu.memory_space<vmem>>) dst(%dma_wait3A_211 : memref<40x144xf32, #tpu.memory_space<vmem_shared>>)
      tpu.yield
    }) : () -> ()
    %add3A_14 = arith.constant 120 : i32
    %add3A_15 = arith.addi %mul3A_7, %add3A_14 : i32
    "tpu.region"() ({
      %run_scoped3A = tpu.sem_alloc : memref<!tpu.dma_semaphore, #tpu.memory_space<semaphore_mem>>
      %dma_start3A_195 = arith.constant 0 : i32
      %dma_start3A_196 = arith.constant 0 : i32
      %dma_start3A_197 = tpu.memref_slice %arg21[%dma_start3A_195, %dma_start3A_196] : memref<40x144xf32, #tpu.memory_space<vmem>> -> memref<40x144xf32, #tpu.memory_space<vmem>>
      %dma_start3A_198 = arith.constant 0 : i32
      %dma_start3A_199 = tpu.memref_slice %arg22[%add3A_15, %dma_start3A_198] : memref<10000x144xf32, #tpu.memory_space<vmem_shared>> -> memref<40x144xf32, #tpu.memory_space<vmem_shared>>
      %dma_start3A_200 = arith.constant 0 : i32
      %dma_start3A_201 = tpu.memref_slice %arg22[%add3A_15, %dma_start3A_200] : memref<10000x144xf32, #tpu.memory_space<vmem_shared>> -> memref<40x144xf32, #tpu.memory_space<vmem_shared>>
      %dma_start3A_202 = arith.constant 0 : i32
      %dma_start3A_203 = arith.constant 0 : i32
      %dma_start3A_204 = tpu.memref_slice %arg21[%dma_start3A_202, %dma_start3A_203] : memref<40x144xf32, #tpu.memory_space<vmem>> -> memref<40x144xf32, #tpu.memory_space<vmem>>
      tpu.enqueue_dma source(%dma_start3A_204 : memref<40x144xf32, #tpu.memory_space<vmem>>) target(%dma_start3A_201 : memref<40x144xf32, #tpu.memory_space<vmem_shared>>) target_semaphore(%run_scoped3A : memref<!tpu.dma_semaphore, #tpu.memory_space<semaphore_mem>>)
      %dma_wait3A_205 = arith.constant 0 : i32
      %dma_wait3A_206 = arith.constant 0 : i32
      %dma_wait3A_207 = tpu.memref_slice %arg21[%dma_wait3A_205, %dma_wait3A_206] : memref<40x144xf32, #tpu.memory_space<vmem>> -> memref<40x144xf32, #tpu.memory_space<vmem>>
      %dma_wait3A_208 = arith.constant 0 : i32
      %dma_wait3A_209 = tpu.memref_slice %arg22[%add3A_15, %dma_wait3A_208] : memref<10000x144xf32, #tpu.memory_space<vmem_shared>> -> memref<40x144xf32, #tpu.memory_space<vmem_shared>>
      %dma_wait3A_210 = arith.constant 0 : i32
      %dma_wait3A_211 = tpu.memref_slice %arg22[%add3A_15, %dma_wait3A_210] : memref<10000x144xf32, #tpu.memory_space<vmem_shared>> -> memref<40x144xf32, #tpu.memory_space<vmem_shared>>
      %dma_wait3A_212 = arith.constant 0 : i32
      %dma_wait3A_213 = arith.constant 0 : i32
      %dma_wait3A_214 = tpu.memref_slice %arg21[%dma_wait3A_212, %dma_wait3A_213] : memref<40x144xf32, #tpu.memory_space<vmem>> -> memref<40x144xf32, #tpu.memory_space<vmem>>
      tpu.wait_dma2 semaphore(%run_scoped3A : memref<!tpu.dma_semaphore, #tpu.memory_space<semaphore_mem>>) src(%dma_wait3A_214 : memref<40x144xf32, #tpu.memory_space<vmem>>) dst(%dma_wait3A_211 : memref<40x144xf32, #tpu.memory_space<vmem_shared>>)
      tpu.yield
    }) : () -> ()
    %add3A_16 = arith.constant 160 : i32
    %add3A_17 = arith.addi %mul3A_7, %add3A_16 : i32
    "tpu.region"() ({
      %run_scoped3A = tpu.sem_alloc : memref<!tpu.dma_semaphore, #tpu.memory_space<semaphore_mem>>
      %dma_start3A_195 = arith.constant 0 : i32
      %dma_start3A_196 = arith.constant 0 : i32
      %dma_start3A_197 = tpu.memref_slice %arg21[%dma_start3A_195, %dma_start3A_196] : memref<40x144xf32, #tpu.memory_space<vmem>> -> memref<40x144xf32, #tpu.memory_space<vmem>>
      %dma_start3A_198 = arith.constant 0 : i32
      %dma_start3A_199 = tpu.memref_slice %arg22[%add3A_17, %dma_start3A_198] : memref<10000x144xf32, #tpu.memory_space<vmem_shared>> -> memref<40x144xf32, #tpu.memory_space<vmem_shared>>
      %dma_start3A_200 = arith.constant 0 : i32
      %dma_start3A_201 = tpu.memref_slice %arg22[%add3A_17, %dma_start3A_200] : memref<10000x144xf32, #tpu.memory_space<vmem_shared>> -> memref<40x144xf32, #tpu.memory_space<vmem_shared>>
      %dma_start3A_202 = arith.constant 0 : i32
      %dma_start3A_203 = arith.constant 0 : i32
      %dma_start3A_204 = tpu.memref_slice %arg21[%dma_start3A_202, %dma_start3A_203] : memref<40x144xf32, #tpu.memory_space<vmem>> -> memref<40x144xf32, #tpu.memory_space<vmem>>
      tpu.enqueue_dma source(%dma_start3A_204 : memref<40x144xf32, #tpu.memory_space<vmem>>) target(%dma_start3A_201 : memref<40x144xf32, #tpu.memory_space<vmem_shared>>) target_semaphore(%run_scoped3A : memref<!tpu.dma_semaphore, #tpu.memory_space<semaphore_mem>>)
      %dma_wait3A_205 = arith.constant 0 : i32
      %dma_wait3A_206 = arith.constant 0 : i32
      %dma_wait3A_207 = tpu.memref_slice %arg21[%dma_wait3A_205, %dma_wait3A_206] : memref<40x144xf32, #tpu.memory_space<vmem>> -> memref<40x144xf32, #tpu.memory_space<vmem>>
      %dma_wait3A_208 = arith.constant 0 : i32
      %dma_wait3A_209 = tpu.memref_slice %arg22[%add3A_17, %dma_wait3A_208] : memref<10000x144xf32, #tpu.memory_space<vmem_shared>> -> memref<40x144xf32, #tpu.memory_space<vmem_shared>>
      %dma_wait3A_210 = arith.constant 0 : i32
      %dma_wait3A_211 = tpu.memref_slice %arg22[%add3A_17, %dma_wait3A_210] : memref<10000x144xf32, #tpu.memory_space<vmem_shared>> -> memref<40x144xf32, #tpu.memory_space<vmem_shared>>
      %dma_wait3A_212 = arith.constant 0 : i32
      %dma_wait3A_213 = arith.constant 0 : i32
      %dma_wait3A_214 = tpu.memref_slice %arg21[%dma_wait3A_212, %dma_wait3A_213] : memref<40x144xf32, #tpu.memory_space<vmem>> -> memref<40x144xf32, #tpu.memory_space<vmem>>
      tpu.wait_dma2 semaphore(%run_scoped3A : memref<!tpu.dma_semaphore, #tpu.memory_space<semaphore_mem>>) src(%dma_wait3A_214 : memref<40x144xf32, #tpu.memory_space<vmem>>) dst(%dma_wait3A_211 : memref<40x144xf32, #tpu.memory_space<vmem_shared>>)
      tpu.yield
    }) : () -> ()
    %add3A_18 = arith.constant 200 : i32
    %add3A_19 = arith.addi %mul3A_7, %add3A_18 : i32
    "tpu.region"() ({
      %run_scoped3A = tpu.sem_alloc : memref<!tpu.dma_semaphore, #tpu.memory_space<semaphore_mem>>
      %dma_start3A_195 = arith.constant 0 : i32
      %dma_start3A_196 = arith.constant 0 : i32
      %dma_start3A_197 = tpu.memref_slice %arg21[%dma_start3A_195, %dma_start3A_196] : memref<40x144xf32, #tpu.memory_space<vmem>> -> memref<40x144xf32, #tpu.memory_space<vmem>>
      %dma_start3A_198 = arith.constant 0 : i32
      %dma_start3A_199 = tpu.memref_slice %arg22[%add3A_19, %dma_start3A_198] : memref<10000x144xf32, #tpu.memory_space<vmem_shared>> -> memref<40x144xf32, #tpu.memory_space<vmem_shared>>
      %dma_start3A_200 = arith.constant 0 : i32
      %dma_start3A_201 = tpu.memref_slice %arg22[%add3A_19, %dma_start3A_200] : memref<10000x144xf32, #tpu.memory_space<vmem_shared>> -> memref<40x144xf32, #tpu.memory_space<vmem_shared>>
      %dma_start3A_202 = arith.constant 0 : i32
      %dma_start3A_203 = arith.constant 0 : i32
      %dma_start3A_204 = tpu.memref_slice %arg21[%dma_start3A_202, %dma_start3A_203] : memref<40x144xf32, #tpu.memory_space<vmem>> -> memref<40x144xf32, #tpu.memory_space<vmem>>
      tpu.enqueue_dma source(%dma_start3A_204 : memref<40x144xf32, #tpu.memory_space<vmem>>) target(%dma_start3A_201 : memref<40x144xf32, #tpu.memory_space<vmem_shared>>) target_semaphore(%run_scoped3A : memref<!tpu.dma_semaphore, #tpu.memory_space<semaphore_mem>>)
      %dma_wait3A_205 = arith.constant 0 : i32
      %dma_wait3A_206 = arith.constant 0 : i32
      %dma_wait3A_207 = tpu.memref_slice %arg21[%dma_wait3A_205, %dma_wait3A_206] : memref<40x144xf32, #tpu.memory_space<vmem>> -> memref<40x144xf32, #tpu.memory_space<vmem>>
      %dma_wait3A_208 = arith.constant 0 : i32
      %dma_wait3A_209 = tpu.memref_slice %arg22[%add3A_19, %dma_wait3A_208] : memref<10000x144xf32, #tpu.memory_space<vmem_shared>> -> memref<40x144xf32, #tpu.memory_space<vmem_shared>>
      %dma_wait3A_210 = arith.constant 0 : i32
      %dma_wait3A_211 = tpu.memref_slice %arg22[%add3A_19, %dma_wait3A_210] : memref<10000x144xf32, #tpu.memory_space<vmem_shared>> -> memref<40x144xf32, #tpu.memory_space<vmem_shared>>
      %dma_wait3A_212 = arith.constant 0 : i32
      %dma_wait3A_213 = arith.constant 0 : i32
      %dma_wait3A_214 = tpu.memref_slice %arg21[%dma_wait3A_212, %dma_wait3A_213] : memref<40x144xf32, #tpu.memory_space<vmem>> -> memref<40x144xf32, #tpu.memory_space<vmem>>
      tpu.wait_dma2 semaphore(%run_scoped3A : memref<!tpu.dma_semaphore, #tpu.memory_space<semaphore_mem>>) src(%dma_wait3A_214 : memref<40x144xf32, #tpu.memory_space<vmem>>) dst(%dma_wait3A_211 : memref<40x144xf32, #tpu.memory_space<vmem_shared>>)
      tpu.yield
    }) : () -> ()
    %add3A_20 = arith.constant 240 : i32
    %add3A_21 = arith.addi %mul3A_7, %add3A_20 : i32
    "tpu.region"() ({
      %run_scoped3A = tpu.sem_alloc : memref<!tpu.dma_semaphore, #tpu.memory_space<semaphore_mem>>
      %dma_start3A_195 = arith.constant 0 : i32
      %dma_start3A_196 = arith.constant 0 : i32
      %dma_start3A_197 = tpu.memref_slice %arg21[%dma_start3A_195, %dma_start3A_196] : memref<40x144xf32, #tpu.memory_space<vmem>> -> memref<40x144xf32, #tpu.memory_space<vmem>>
      %dma_start3A_198 = arith.constant 0 : i32
      %dma_start3A_199 = tpu.memref_slice %arg22[%add3A_21, %dma_start3A_198] : memref<10000x144xf32, #tpu.memory_space<vmem_shared>> -> memref<40x144xf32, #tpu.memory_space<vmem_shared>>
      %dma_start3A_200 = arith.constant 0 : i32
      %dma_start3A_201 = tpu.memref_slice %arg22[%add3A_21, %dma_start3A_200] : memref<10000x144xf32, #tpu.memory_space<vmem_shared>> -> memref<40x144xf32, #tpu.memory_space<vmem_shared>>
      %dma_start3A_202 = arith.constant 0 : i32
      %dma_start3A_203 = arith.constant 0 : i32
      %dma_start3A_204 = tpu.memref_slice %arg21[%dma_start3A_202, %dma_start3A_203] : memref<40x144xf32, #tpu.memory_space<vmem>> -> memref<40x144xf32, #tpu.memory_space<vmem>>
      tpu.enqueue_dma source(%dma_start3A_204 : memref<40x144xf32, #tpu.memory_space<vmem>>) target(%dma_start3A_201 : memref<40x144xf32, #tpu.memory_space<vmem_shared>>) target_semaphore(%run_scoped3A : memref<!tpu.dma_semaphore, #tpu.memory_space<semaphore_mem>>)
      %dma_wait3A_205 = arith.constant 0 : i32
      %dma_wait3A_206 = arith.constant 0 : i32
      %dma_wait3A_207 = tpu.memref_slice %arg21[%dma_wait3A_205, %dma_wait3A_206] : memref<40x144xf32, #tpu.memory_space<vmem>> -> memref<40x144xf32, #tpu.memory_space<vmem>>
      %dma_wait3A_208 = arith.constant 0 : i32
      %dma_wait3A_209 = tpu.memref_slice %arg22[%add3A_21, %dma_wait3A_208] : memref<10000x144xf32, #tpu.memory_space<vmem_shared>> -> memref<40x144xf32, #tpu.memory_space<vmem_shared>>
      %dma_wait3A_210 = arith.constant 0 : i32
      %dma_wait3A_211 = tpu.memref_slice %arg22[%add3A_21, %dma_wait3A_210] : memref<10000x144xf32, #tpu.memory_space<vmem_shared>> -> memref<40x144xf32, #tpu.memory_space<vmem_shared>>
      %dma_wait3A_212 = arith.constant 0 : i32
      %dma_wait3A_213 = arith.constant 0 : i32
      %dma_wait3A_214 = tpu.memref_slice %arg21[%dma_wait3A_212, %dma_wait3A_213] : memref<40x144xf32, #tpu.memory_space<vmem>> -> memref<40x144xf32, #tpu.memory_space<vmem>>
      tpu.wait_dma2 semaphore(%run_scoped3A : memref<!tpu.dma_semaphore, #tpu.memory_space<semaphore_mem>>) src(%dma_wait3A_214 : memref<40x144xf32, #tpu.memory_space<vmem>>) dst(%dma_wait3A_211 : memref<40x144xf32, #tpu.memory_space<vmem_shared>>)
      tpu.yield
    }) : () -> ()
    %add3A_22 = arith.constant 280 : i32
    %add3A_23 = arith.addi %mul3A_7, %add3A_22 : i32
    "tpu.region"() ({
      %run_scoped3A = tpu.sem_alloc : memref<!tpu.dma_semaphore, #tpu.memory_space<semaphore_mem>>
      %dma_start3A_195 = arith.constant 0 : i32
      %dma_start3A_196 = arith.constant 0 : i32
      %dma_start3A_197 = tpu.memref_slice %arg21[%dma_start3A_195, %dma_start3A_196] : memref<40x144xf32, #tpu.memory_space<vmem>> -> memref<40x144xf32, #tpu.memory_space<vmem>>
      %dma_start3A_198 = arith.constant 0 : i32
      %dma_start3A_199 = tpu.memref_slice %arg22[%add3A_23, %dma_start3A_198] : memref<10000x144xf32, #tpu.memory_space<vmem_shared>> -> memref<40x144xf32, #tpu.memory_space<vmem_shared>>
      %dma_start3A_200 = arith.constant 0 : i32
      %dma_start3A_201 = tpu.memref_slice %arg22[%add3A_23, %dma_start3A_200] : memref<10000x144xf32, #tpu.memory_space<vmem_shared>> -> memref<40x144xf32, #tpu.memory_space<vmem_shared>>
      %dma_start3A_202 = arith.constant 0 : i32
      %dma_start3A_203 = arith.constant 0 : i32
      %dma_start3A_204 = tpu.memref_slice %arg21[%dma_start3A_202, %dma_start3A_203] : memref<40x144xf32, #tpu.memory_space<vmem>> -> memref<40x144xf32, #tpu.memory_space<vmem>>
      tpu.enqueue_dma source(%dma_start3A_204 : memref<40x144xf32, #tpu.memory_space<vmem>>) target(%dma_start3A_201 : memref<40x144xf32, #tpu.memory_space<vmem_shared>>) target_semaphore(%run_scoped3A : memref<!tpu.dma_semaphore, #tpu.memory_space<semaphore_mem>>)
      %dma_wait3A_205 = arith.constant 0 : i32
      %dma_wait3A_206 = arith.constant 0 : i32
      %dma_wait3A_207 = tpu.memref_slice %arg21[%dma_wait3A_205, %dma_wait3A_206] : memref<40x144xf32, #tpu.memory_space<vmem>> -> memref<40x144xf32, #tpu.memory_space<vmem>>
      %dma_wait3A_208 = arith.constant 0 : i32
      %dma_wait3A_209 = tpu.memref_slice %arg22[%add3A_23, %dma_wait3A_208] : memref<10000x144xf32, #tpu.memory_space<vmem_shared>> -> memref<40x144xf32, #tpu.memory_space<vmem_shared>>
      %dma_wait3A_210 = arith.constant 0 : i32
      %dma_wait3A_211 = tpu.memref_slice %arg22[%add3A_23, %dma_wait3A_210] : memref<10000x144xf32, #tpu.memory_space<vmem_shared>> -> memref<40x144xf32, #tpu.memory_space<vmem_shared>>
      %dma_wait3A_212 = arith.constant 0 : i32
      %dma_wait3A_213 = arith.constant 0 : i32
      %dma_wait3A_214 = tpu.memref_slice %arg21[%dma_wait3A_212, %dma_wait3A_213] : memref<40x144xf32, #tpu.memory_space<vmem>> -> memref<40x144xf32, #tpu.memory_space<vmem>>
      tpu.wait_dma2 semaphore(%run_scoped3A : memref<!tpu.dma_semaphore, #tpu.memory_space<semaphore_mem>>) src(%dma_wait3A_214 : memref<40x144xf32, #tpu.memory_space<vmem>>) dst(%dma_wait3A_211 : memref<40x144xf32, #tpu.memory_space<vmem_shared>>)
      tpu.yield
    }) : () -> ()
    %add3A_24 = arith.constant 320 : i32
    %add3A_25 = arith.addi %mul3A_7, %add3A_24 : i32
    "tpu.region"() ({
      %run_scoped3A = tpu.sem_alloc : memref<!tpu.dma_semaphore, #tpu.memory_space<semaphore_mem>>
      %dma_start3A_195 = arith.constant 0 : i32
      %dma_start3A_196 = arith.constant 0 : i32
      %dma_start3A_197 = tpu.memref_slice %arg21[%dma_start3A_195, %dma_start3A_196] : memref<40x144xf32, #tpu.memory_space<vmem>> -> memref<40x144xf32, #tpu.memory_space<vmem>>
      %dma_start3A_198 = arith.constant 0 : i32
      %dma_start3A_199 = tpu.memref_slice %arg22[%add3A_25, %dma_start3A_198] : memref<10000x144xf32, #tpu.memory_space<vmem_shared>> -> memref<40x144xf32, #tpu.memory_space<vmem_shared>>
      %dma_start3A_200 = arith.constant 0 : i32
      %dma_start3A_201 = tpu.memref_slice %arg22[%add3A_25, %dma_start3A_200] : memref<10000x144xf32, #tpu.memory_space<vmem_shared>> -> memref<40x144xf32, #tpu.memory_space<vmem_shared>>
      %dma_start3A_202 = arith.constant 0 : i32
      %dma_start3A_203 = arith.constant 0 : i32
      %dma_start3A_204 = tpu.memref_slice %arg21[%dma_start3A_202, %dma_start3A_203] : memref<40x144xf32, #tpu.memory_space<vmem>> -> memref<40x144xf32, #tpu.memory_space<vmem>>
      tpu.enqueue_dma source(%dma_start3A_204 : memref<40x144xf32, #tpu.memory_space<vmem>>) target(%dma_start3A_201 : memref<40x144xf32, #tpu.memory_space<vmem_shared>>) target_semaphore(%run_scoped3A : memref<!tpu.dma_semaphore, #tpu.memory_space<semaphore_mem>>)
      %dma_wait3A_205 = arith.constant 0 : i32
      %dma_wait3A_206 = arith.constant 0 : i32
      %dma_wait3A_207 = tpu.memref_slice %arg21[%dma_wait3A_205, %dma_wait3A_206] : memref<40x144xf32, #tpu.memory_space<vmem>> -> memref<40x144xf32, #tpu.memory_space<vmem>>
      %dma_wait3A_208 = arith.constant 0 : i32
      %dma_wait3A_209 = tpu.memref_slice %arg22[%add3A_25, %dma_wait3A_208] : memref<10000x144xf32, #tpu.memory_space<vmem_shared>> -> memref<40x144xf32, #tpu.memory_space<vmem_shared>>
      %dma_wait3A_210 = arith.constant 0 : i32
      %dma_wait3A_211 = tpu.memref_slice %arg22[%add3A_25, %dma_wait3A_210] : memref<10000x144xf32, #tpu.memory_space<vmem_shared>> -> memref<40x144xf32, #tpu.memory_space<vmem_shared>>
      %dma_wait3A_212 = arith.constant 0 : i32
      %dma_wait3A_213 = arith.constant 0 : i32
      %dma_wait3A_214 = tpu.memref_slice %arg21[%dma_wait3A_212, %dma_wait3A_213] : memref<40x144xf32, #tpu.memory_space<vmem>> -> memref<40x144xf32, #tpu.memory_space<vmem>>
      tpu.wait_dma2 semaphore(%run_scoped3A : memref<!tpu.dma_semaphore, #tpu.memory_space<semaphore_mem>>) src(%dma_wait3A_214 : memref<40x144xf32, #tpu.memory_space<vmem>>) dst(%dma_wait3A_211 : memref<40x144xf32, #tpu.memory_space<vmem_shared>>)
      tpu.yield
    }) : () -> ()
    %add3A_26 = arith.constant 360 : i32
    %add3A_27 = arith.addi %mul3A_7, %add3A_26 : i32
    "tpu.region"() ({
      %run_scoped3A = tpu.sem_alloc : memref<!tpu.dma_semaphore, #tpu.memory_space<semaphore_mem>>
      %dma_start3A_195 = arith.constant 0 : i32
      %dma_start3A_196 = arith.constant 0 : i32
      %dma_start3A_197 = tpu.memref_slice %arg21[%dma_start3A_195, %dma_start3A_196] : memref<40x144xf32, #tpu.memory_space<vmem>> -> memref<40x144xf32, #tpu.memory_space<vmem>>
      %dma_start3A_198 = arith.constant 0 : i32
      %dma_start3A_199 = tpu.memref_slice %arg22[%add3A_27, %dma_start3A_198] : memref<10000x144xf32, #tpu.memory_space<vmem_shared>> -> memref<40x144xf32, #tpu.memory_space<vmem_shared>>
      %dma_start3A_200 = arith.constant 0 : i32
      %dma_start3A_201 = tpu.memref_slice %arg22[%add3A_27, %dma_start3A_200] : memref<10000x144xf32, #tpu.memory_space<vmem_shared>> -> memref<40x144xf32, #tpu.memory_space<vmem_shared>>
      %dma_start3A_202 = arith.constant 0 : i32
      %dma_start3A_203 = arith.constant 0 : i32
      %dma_start3A_204 = tpu.memref_slice %arg21[%dma_start3A_202, %dma_start3A_203] : memref<40x144xf32, #tpu.memory_space<vmem>> -> memref<40x144xf32, #tpu.memory_space<vmem>>
      tpu.enqueue_dma source(%dma_start3A_204 : memref<40x144xf32, #tpu.memory_space<vmem>>) target(%dma_start3A_201 : memref<40x144xf32, #tpu.memory_space<vmem_shared>>) target_semaphore(%run_scoped3A : memref<!tpu.dma_semaphore, #tpu.memory_space<semaphore_mem>>)
      %dma_wait3A_205 = arith.constant 0 : i32
      %dma_wait3A_206 = arith.constant 0 : i32
      %dma_wait3A_207 = tpu.memref_slice %arg21[%dma_wait3A_205, %dma_wait3A_206] : memref<40x144xf32, #tpu.memory_space<vmem>> -> memref<40x144xf32, #tpu.memory_space<vmem>>
      %dma_wait3A_208 = arith.constant 0 : i32
      %dma_wait3A_209 = tpu.memref_slice %arg22[%add3A_27, %dma_wait3A_208] : memref<10000x144xf32, #tpu.memory_space<vmem_shared>> -> memref<40x144xf32, #tpu.memory_space<vmem_shared>>
      %dma_wait3A_210 = arith.constant 0 : i32
      %dma_wait3A_211 = tpu.memref_slice %arg22[%add3A_27, %dma_wait3A_210] : memref<10000x144xf32, #tpu.memory_space<vmem_shared>> -> memref<40x144xf32, #tpu.memory_space<vmem_shared>>
      %dma_wait3A_212 = arith.constant 0 : i32
      %dma_wait3A_213 = arith.constant 0 : i32
      %dma_wait3A_214 = tpu.memref_slice %arg21[%dma_wait3A_212, %dma_wait3A_213] : memref<40x144xf32, #tpu.memory_space<vmem>> -> memref<40x144xf32, #tpu.memory_space<vmem>>
      tpu.wait_dma2 semaphore(%run_scoped3A : memref<!tpu.dma_semaphore, #tpu.memory_space<semaphore_mem>>) src(%dma_wait3A_214 : memref<40x144xf32, #tpu.memory_space<vmem>>) dst(%dma_wait3A_211 : memref<40x144xf32, #tpu.memory_space<vmem_shared>>)
      tpu.yield
    }) : () -> ()
    %add3A_28 = arith.constant 400 : i32
    %add3A_29 = arith.addi %mul3A_7, %add3A_28 : i32
    "tpu.region"() ({
      %run_scoped3A = tpu.sem_alloc : memref<!tpu.dma_semaphore, #tpu.memory_space<semaphore_mem>>
      %dma_start3A_195 = arith.constant 0 : i32
      %dma_start3A_196 = arith.constant 0 : i32
      %dma_start3A_197 = tpu.memref_slice %arg21[%dma_start3A_195, %dma_start3A_196] : memref<40x144xf32, #tpu.memory_space<vmem>> -> memref<40x144xf32, #tpu.memory_space<vmem>>
      %dma_start3A_198 = arith.constant 0 : i32
      %dma_start3A_199 = tpu.memref_slice %arg22[%add3A_29, %dma_start3A_198] : memref<10000x144xf32, #tpu.memory_space<vmem_shared>> -> memref<40x144xf32, #tpu.memory_space<vmem_shared>>
      %dma_start3A_200 = arith.constant 0 : i32
      %dma_start3A_201 = tpu.memref_slice %arg22[%add3A_29, %dma_start3A_200] : memref<10000x144xf32, #tpu.memory_space<vmem_shared>> -> memref<40x144xf32, #tpu.memory_space<vmem_shared>>
      %dma_start3A_202 = arith.constant 0 : i32
      %dma_start3A_203 = arith.constant 0 : i32
      %dma_start3A_204 = tpu.memref_slice %arg21[%dma_start3A_202, %dma_start3A_203] : memref<40x144xf32, #tpu.memory_space<vmem>> -> memref<40x144xf32, #tpu.memory_space<vmem>>
      tpu.enqueue_dma source(%dma_start3A_204 : memref<40x144xf32, #tpu.memory_space<vmem>>) target(%dma_start3A_201 : memref<40x144xf32, #tpu.memory_space<vmem_shared>>) target_semaphore(%run_scoped3A : memref<!tpu.dma_semaphore, #tpu.memory_space<semaphore_mem>>)
      %dma_wait3A_205 = arith.constant 0 : i32
      %dma_wait3A_206 = arith.constant 0 : i32
      %dma_wait3A_207 = tpu.memref_slice %arg21[%dma_wait3A_205, %dma_wait3A_206] : memref<40x144xf32, #tpu.memory_space<vmem>> -> memref<40x144xf32, #tpu.memory_space<vmem>>
      %dma_wait3A_208 = arith.constant 0 : i32
      %dma_wait3A_209 = tpu.memref_slice %arg22[%add3A_29, %dma_wait3A_208] : memref<10000x144xf32, #tpu.memory_space<vmem_shared>> -> memref<40x144xf32, #tpu.memory_space<vmem_shared>>
      %dma_wait3A_210 = arith.constant 0 : i32
      %dma_wait3A_211 = tpu.memref_slice %arg22[%add3A_29, %dma_wait3A_210] : memref<10000x144xf32, #tpu.memory_space<vmem_shared>> -> memref<40x144xf32, #tpu.memory_space<vmem_shared>>
      %dma_wait3A_212 = arith.constant 0 : i32
      %dma_wait3A_213 = arith.constant 0 : i32
      %dma_wait3A_214 = tpu.memref_slice %arg21[%dma_wait3A_212, %dma_wait3A_213] : memref<40x144xf32, #tpu.memory_space<vmem>> -> memref<40x144xf32, #tpu.memory_space<vmem>>
      tpu.wait_dma2 semaphore(%run_scoped3A : memref<!tpu.dma_semaphore, #tpu.memory_space<semaphore_mem>>) src(%dma_wait3A_214 : memref<40x144xf32, #tpu.memory_space<vmem>>) dst(%dma_wait3A_211 : memref<40x144xf32, #tpu.memory_space<vmem_shared>>)
      tpu.yield
    }) : () -> ()
    %add3A_30 = arith.constant 440 : i32
    %add3A_31 = arith.addi %mul3A_7, %add3A_30 : i32
    "tpu.region"() ({
      %run_scoped3A = tpu.sem_alloc : memref<!tpu.dma_semaphore, #tpu.memory_space<semaphore_mem>>
      %dma_start3A_195 = arith.constant 0 : i32
      %dma_start3A_196 = arith.constant 0 : i32
      %dma_start3A_197 = tpu.memref_slice %arg21[%dma_start3A_195, %dma_start3A_196] : memref<40x144xf32, #tpu.memory_space<vmem>> -> memref<40x144xf32, #tpu.memory_space<vmem>>
      %dma_start3A_198 = arith.constant 0 : i32
      %dma_start3A_199 = tpu.memref_slice %arg22[%add3A_31, %dma_start3A_198] : memref<10000x144xf32, #tpu.memory_space<vmem_shared>> -> memref<40x144xf32, #tpu.memory_space<vmem_shared>>
      %dma_start3A_200 = arith.constant 0 : i32
      %dma_start3A_201 = tpu.memref_slice %arg22[%add3A_31, %dma_start3A_200] : memref<10000x144xf32, #tpu.memory_space<vmem_shared>> -> memref<40x144xf32, #tpu.memory_space<vmem_shared>>
      %dma_start3A_202 = arith.constant 0 : i32
      %dma_start3A_203 = arith.constant 0 : i32
      %dma_start3A_204 = tpu.memref_slice %arg21[%dma_start3A_202, %dma_start3A_203] : memref<40x144xf32, #tpu.memory_space<vmem>> -> memref<40x144xf32, #tpu.memory_space<vmem>>
      tpu.enqueue_dma source(%dma_start3A_204 : memref<40x144xf32, #tpu.memory_space<vmem>>) target(%dma_start3A_201 : memref<40x144xf32, #tpu.memory_space<vmem_shared>>) target_semaphore(%run_scoped3A : memref<!tpu.dma_semaphore, #tpu.memory_space<semaphore_mem>>)
      %dma_wait3A_205 = arith.constant 0 : i32
      %dma_wait3A_206 = arith.constant 0 : i32
      %dma_wait3A_207 = tpu.memref_slice %arg21[%dma_wait3A_205, %dma_wait3A_206] : memref<40x144xf32, #tpu.memory_space<vmem>> -> memref<40x144xf32, #tpu.memory_space<vmem>>
      %dma_wait3A_208 = arith.constant 0 : i32
      %dma_wait3A_209 = tpu.memref_slice %arg22[%add3A_31, %dma_wait3A_208] : memref<10000x144xf32, #tpu.memory_space<vmem_shared>> -> memref<40x144xf32, #tpu.memory_space<vmem_shared>>
      %dma_wait3A_210 = arith.constant 0 : i32
      %dma_wait3A_211 = tpu.memref_slice %arg22[%add3A_31, %dma_wait3A_210] : memref<10000x144xf32, #tpu.memory_space<vmem_shared>> -> memref<40x144xf32, #tpu.memory_space<vmem_shared>>
      %dma_wait3A_212 = arith.constant 0 : i32
      %dma_wait3A_213 = arith.constant 0 : i32
      %dma_wait3A_214 = tpu.memref_slice %arg21[%dma_wait3A_212, %dma_wait3A_213] : memref<40x144xf32, #tpu.memory_space<vmem>> -> memref<40x144xf32, #tpu.memory_space<vmem>>
      tpu.wait_dma2 semaphore(%run_scoped3A : memref<!tpu.dma_semaphore, #tpu.memory_space<semaphore_mem>>) src(%dma_wait3A_214 : memref<40x144xf32, #tpu.memory_space<vmem>>) dst(%dma_wait3A_211 : memref<40x144xf32, #tpu.memory_space<vmem_shared>>)
      tpu.yield
    }) : () -> ()
    %add3A_32 = arith.constant 480 : i32
    %add3A_33 = arith.addi %mul3A_7, %add3A_32 : i32
    "tpu.region"() ({
      %run_scoped3A = tpu.sem_alloc : memref<!tpu.dma_semaphore, #tpu.memory_space<semaphore_mem>>
      %dma_start3A_195 = arith.constant 0 : i32
      %dma_start3A_196 = arith.constant 0 : i32
      %dma_start3A_197 = tpu.memref_slice %arg21[%dma_start3A_195, %dma_start3A_196] : memref<40x144xf32, #tpu.memory_space<vmem>> -> memref<40x144xf32, #tpu.memory_space<vmem>>
      %dma_start3A_198 = arith.constant 0 : i32
      %dma_start3A_199 = tpu.memref_slice %arg22[%add3A_33, %dma_start3A_198] : memref<10000x144xf32, #tpu.memory_space<vmem_shared>> -> memref<40x144xf32, #tpu.memory_space<vmem_shared>>
      %dma_start3A_200 = arith.constant 0 : i32
      %dma_start3A_201 = tpu.memref_slice %arg22[%add3A_33, %dma_start3A_200] : memref<10000x144xf32, #tpu.memory_space<vmem_shared>> -> memref<40x144xf32, #tpu.memory_space<vmem_shared>>
      %dma_start3A_202 = arith.constant 0 : i32
      %dma_start3A_203 = arith.constant 0 : i32
      %dma_start3A_204 = tpu.memref_slice %arg21[%dma_start3A_202, %dma_start3A_203] : memref<40x144xf32, #tpu.memory_space<vmem>> -> memref<40x144xf32, #tpu.memory_space<vmem>>
      tpu.enqueue_dma source(%dma_start3A_204 : memref<40x144xf32, #tpu.memory_space<vmem>>) target(%dma_start3A_201 : memref<40x144xf32, #tpu.memory_space<vmem_shared>>) target_semaphore(%run_scoped3A : memref<!tpu.dma_semaphore, #tpu.memory_space<semaphore_mem>>)
      %dma_wait3A_205 = arith.constant 0 : i32
      %dma_wait3A_206 = arith.constant 0 : i32
      %dma_wait3A_207 = tpu.memref_slice %arg21[%dma_wait3A_205, %dma_wait3A_206] : memref<40x144xf32, #tpu.memory_space<vmem>> -> memref<40x144xf32, #tpu.memory_space<vmem>>
      %dma_wait3A_208 = arith.constant 0 : i32
      %dma_wait3A_209 = tpu.memref_slice %arg22[%add3A_33, %dma_wait3A_208] : memref<10000x144xf32, #tpu.memory_space<vmem_shared>> -> memref<40x144xf32, #tpu.memory_space<vmem_shared>>
      %dma_wait3A_210 = arith.constant 0 : i32
      %dma_wait3A_211 = tpu.memref_slice %arg22[%add3A_33, %dma_wait3A_210] : memref<10000x144xf32, #tpu.memory_space<vmem_shared>> -> memref<40x144xf32, #tpu.memory_space<vmem_shared>>
      %dma_wait3A_212 = arith.constant 0 : i32
      %dma_wait3A_213 = arith.constant 0 : i32
      %dma_wait3A_214 = tpu.memref_slice %arg21[%dma_wait3A_212, %dma_wait3A_213] : memref<40x144xf32, #tpu.memory_space<vmem>> -> memref<40x144xf32, #tpu.memory_space<vmem>>
      tpu.wait_dma2 semaphore(%run_scoped3A : memref<!tpu.dma_semaphore, #tpu.memory_space<semaphore_mem>>) src(%dma_wait3A_214 : memref<40x144xf32, #tpu.memory_space<vmem>>) dst(%dma_wait3A_211 : memref<40x144xf32, #tpu.memory_space<vmem_shared>>)
      tpu.yield
    }) : () -> ()
    %add3A_34 = arith.constant 520 : i32
    %add3A_35 = arith.addi %mul3A_7, %add3A_34 : i32
    "tpu.region"() ({
      %run_scoped3A = tpu.sem_alloc : memref<!tpu.dma_semaphore, #tpu.memory_space<semaphore_mem>>
      %dma_start3A_195 = arith.constant 0 : i32
      %dma_start3A_196 = arith.constant 0 : i32
      %dma_start3A_197 = tpu.memref_slice %arg21[%dma_start3A_195, %dma_start3A_196] : memref<40x144xf32, #tpu.memory_space<vmem>> -> memref<40x144xf32, #tpu.memory_space<vmem>>
      %dma_start3A_198 = arith.constant 0 : i32
      %dma_start3A_199 = tpu.memref_slice %arg22[%add3A_35, %dma_start3A_198] : memref<10000x144xf32, #tpu.memory_space<vmem_shared>> -> memref<40x144xf32, #tpu.memory_space<vmem_shared>>
      %dma_start3A_200 = arith.constant 0 : i32
      %dma_start3A_201 = tpu.memref_slice %arg22[%add3A_35, %dma_start3A_200] : memref<10000x144xf32, #tpu.memory_space<vmem_shared>> -> memref<40x144xf32, #tpu.memory_space<vmem_shared>>
      %dma_start3A_202 = arith.constant 0 : i32
      %dma_start3A_203 = arith.constant 0 : i32
      %dma_start3A_204 = tpu.memref_slice %arg21[%dma_start3A_202, %dma_start3A_203] : memref<40x144xf32, #tpu.memory_space<vmem>> -> memref<40x144xf32, #tpu.memory_space<vmem>>
      tpu.enqueue_dma source(%dma_start3A_204 : memref<40x144xf32, #tpu.memory_space<vmem>>) target(%dma_start3A_201 : memref<40x144xf32, #tpu.memory_space<vmem_shared>>) target_semaphore(%run_scoped3A : memref<!tpu.dma_semaphore, #tpu.memory_space<semaphore_mem>>)
      %dma_wait3A_205 = arith.constant 0 : i32
      %dma_wait3A_206 = arith.constant 0 : i32
      %dma_wait3A_207 = tpu.memref_slice %arg21[%dma_wait3A_205, %dma_wait3A_206] : memref<40x144xf32, #tpu.memory_space<vmem>> -> memref<40x144xf32, #tpu.memory_space<vmem>>
      %dma_wait3A_208 = arith.constant 0 : i32
      %dma_wait3A_209 = tpu.memref_slice %arg22[%add3A_35, %dma_wait3A_208] : memref<10000x144xf32, #tpu.memory_space<vmem_shared>> -> memref<40x144xf32, #tpu.memory_space<vmem_shared>>
      %dma_wait3A_210 = arith.constant 0 : i32
      %dma_wait3A_211 = tpu.memref_slice %arg22[%add3A_35, %dma_wait3A_210] : memref<10000x144xf32, #tpu.memory_space<vmem_shared>> -> memref<40x144xf32, #tpu.memory_space<vmem_shared>>
      %dma_wait3A_212 = arith.constant 0 : i32
      %dma_wait3A_213 = arith.constant 0 : i32
      %dma_wait3A_214 = tpu.memref_slice %arg21[%dma_wait3A_212, %dma_wait3A_213] : memref<40x144xf32, #tpu.memory_space<vmem>> -> memref<40x144xf32, #tpu.memory_space<vmem>>
      tpu.wait_dma2 semaphore(%run_scoped3A : memref<!tpu.dma_semaphore, #tpu.memory_space<semaphore_mem>>) src(%dma_wait3A_214 : memref<40x144xf32, #tpu.memory_space<vmem>>) dst(%dma_wait3A_211 : memref<40x144xf32, #tpu.memory_space<vmem_shared>>)
      tpu.yield
    }) : () -> ()
    %add3A_36 = arith.constant 560 : i32
    %add3A_37 = arith.addi %mul3A_7, %add3A_36 : i32
    "tpu.region"() ({
      %run_scoped3A = tpu.sem_alloc : memref<!tpu.dma_semaphore, #tpu.memory_space<semaphore_mem>>
      %dma_start3A_195 = arith.constant 0 : i32
      %dma_start3A_196 = arith.constant 0 : i32
      %dma_start3A_197 = tpu.memref_slice %arg21[%dma_start3A_195, %dma_start3A_196] : memref<40x144xf32, #tpu.memory_space<vmem>> -> memref<40x144xf32, #tpu.memory_space<vmem>>
      %dma_start3A_198 = arith.constant 0 : i32
      %dma_start3A_199 = tpu.memref_slice %arg22[%add3A_37, %dma_start3A_198] : memref<10000x144xf32, #tpu.memory_space<vmem_shared>> -> memref<40x144xf32, #tpu.memory_space<vmem_shared>>
      %dma_start3A_200 = arith.constant 0 : i32
      %dma_start3A_201 = tpu.memref_slice %arg22[%add3A_37, %dma_start3A_200] : memref<10000x144xf32, #tpu.memory_space<vmem_shared>> -> memref<40x144xf32, #tpu.memory_space<vmem_shared>>
      %dma_start3A_202 = arith.constant 0 : i32
      %dma_start3A_203 = arith.constant 0 : i32
      %dma_start3A_204 = tpu.memref_slice %arg21[%dma_start3A_202, %dma_start3A_203] : memref<40x144xf32, #tpu.memory_space<vmem>> -> memref<40x144xf32, #tpu.memory_space<vmem>>
      tpu.enqueue_dma source(%dma_start3A_204 : memref<40x144xf32, #tpu.memory_space<vmem>>) target(%dma_start3A_201 : memref<40x144xf32, #tpu.memory_space<vmem_shared>>) target_semaphore(%run_scoped3A : memref<!tpu.dma_semaphore, #tpu.memory_space<semaphore_mem>>)
      %dma_wait3A_205 = arith.constant 0 : i32
      %dma_wait3A_206 = arith.constant 0 : i32
      %dma_wait3A_207 = tpu.memref_slice %arg21[%dma_wait3A_205, %dma_wait3A_206] : memref<40x144xf32, #tpu.memory_space<vmem>> -> memref<40x144xf32, #tpu.memory_space<vmem>>
      %dma_wait3A_208 = arith.constant 0 : i32
      %dma_wait3A_209 = tpu.memref_slice %arg22[%add3A_37, %dma_wait3A_208] : memref<10000x144xf32, #tpu.memory_space<vmem_shared>> -> memref<40x144xf32, #tpu.memory_space<vmem_shared>>
      %dma_wait3A_210 = arith.constant 0 : i32
      %dma_wait3A_211 = tpu.memref_slice %arg22[%add3A_37, %dma_wait3A_210] : memref<10000x144xf32, #tpu.memory_space<vmem_shared>> -> memref<40x144xf32, #tpu.memory_space<vmem_shared>>
      %dma_wait3A_212 = arith.constant 0 : i32
      %dma_wait3A_213 = arith.constant 0 : i32
      %dma_wait3A_214 = tpu.memref_slice %arg21[%dma_wait3A_212, %dma_wait3A_213] : memref<40x144xf32, #tpu.memory_space<vmem>> -> memref<40x144xf32, #tpu.memory_space<vmem>>
      tpu.wait_dma2 semaphore(%run_scoped3A : memref<!tpu.dma_semaphore, #tpu.memory_space<semaphore_mem>>) src(%dma_wait3A_214 : memref<40x144xf32, #tpu.memory_space<vmem>>) dst(%dma_wait3A_211 : memref<40x144xf32, #tpu.memory_space<vmem_shared>>)
      tpu.yield
    }) : () -> ()
    %add3A_38 = arith.constant 600 : i32
    %add3A_39 = arith.addi %mul3A_7, %add3A_38 : i32
    "tpu.region"() ({
      %run_scoped3A = tpu.sem_alloc : memref<!tpu.dma_semaphore, #tpu.memory_space<semaphore_mem>>
      %dma_start3A_195 = arith.constant 0 : i32
      %dma_start3A_196 = arith.constant 0 : i32
      %dma_start3A_197 = tpu.memref_slice %arg21[%dma_start3A_195, %dma_start3A_196] : memref<40x144xf32, #tpu.memory_space<vmem>> -> memref<25x144xf32, #tpu.memory_space<vmem>>
      %dma_start3A_198 = arith.constant 0 : i32
      %dma_start3A_199 = tpu.memref_slice %arg22[%add3A_39, %dma_start3A_198] : memref<10000x144xf32, #tpu.memory_space<vmem_shared>> -> memref<25x144xf32, #tpu.memory_space<vmem_shared>>
      %dma_start3A_200 = arith.constant 0 : i32
      %dma_start3A_201 = tpu.memref_slice %arg22[%add3A_39, %dma_start3A_200] : memref<10000x144xf32, #tpu.memory_space<vmem_shared>> -> memref<25x144xf32, #tpu.memory_space<vmem_shared>>
      %dma_start3A_202 = arith.constant 0 : i32
      %dma_start3A_203 = arith.constant 0 : i32
      %dma_start3A_204 = tpu.memref_slice %arg21[%dma_start3A_202, %dma_start3A_203] : memref<40x144xf32, #tpu.memory_space<vmem>> -> memref<25x144xf32, #tpu.memory_space<vmem>>
      tpu.enqueue_dma source(%dma_start3A_204 : memref<25x144xf32, #tpu.memory_space<vmem>>) target(%dma_start3A_201 : memref<25x144xf32, #tpu.memory_space<vmem_shared>>) target_semaphore(%run_scoped3A : memref<!tpu.dma_semaphore, #tpu.memory_space<semaphore_mem>>)
      %dma_wait3A_205 = arith.constant 0 : i32
      %dma_wait3A_206 = arith.constant 0 : i32
      %dma_wait3A_207 = tpu.memref_slice %arg21[%dma_wait3A_205, %dma_wait3A_206] : memref<40x144xf32, #tpu.memory_space<vmem>> -> memref<25x144xf32, #tpu.memory_space<vmem>>
      %dma_wait3A_208 = arith.constant 0 : i32
      %dma_wait3A_209 = tpu.memref_slice %arg22[%add3A_39, %dma_wait3A_208] : memref<10000x144xf32, #tpu.memory_space<vmem_shared>> -> memref<25x144xf32, #tpu.memory_space<vmem_shared>>
      %dma_wait3A_210 = arith.constant 0 : i32
      %dma_wait3A_211 = tpu.memref_slice %arg22[%add3A_39, %dma_wait3A_210] : memref<10000x144xf32, #tpu.memory_space<vmem_shared>> -> memref<25x144xf32, #tpu.memory_space<vmem_shared>>
      %dma_wait3A_212 = arith.constant 0 : i32
      %dma_wait3A_213 = arith.constant 0 : i32
      %dma_wait3A_214 = tpu.memref_slice %arg21[%dma_wait3A_212, %dma_wait3A_213] : memref<40x144xf32, #tpu.memory_space<vmem>> -> memref<25x144xf32, #tpu.memory_space<vmem>>
      tpu.wait_dma2 semaphore(%run_scoped3A : memref<!tpu.dma_semaphore, #tpu.memory_space<semaphore_mem>>) src(%dma_wait3A_214 : memref<25x144xf32, #tpu.memory_space<vmem>>) dst(%dma_wait3A_211 : memref<25x144xf32, #tpu.memory_space<vmem_shared>>)
      tpu.yield
    }) : () -> ()
    %barrier3A = arith.constant 0 : index
    tpu.barrier barrier_id(%barrier3A)
    %mul3A_40 = arith.constant 10000 : i32
    %mul3A_41 = arith.muli %add3A, %mul3A_40 : i32
    %dma_start3A = tpu.memref_slice %arg6[%mul3A_41] : memref<320000xi32, #tpu.memory_space<hbm>> -> memref<40xi32, #tpu.memory_space<hbm>>
    %dma_start3A_42 = tpu.memref_slice %arg6[%mul3A_41] : memref<320000xi32, #tpu.memory_space<hbm>> -> memref<40xi32, #tpu.memory_space<hbm>>
    tpu.enqueue_dma source(%dma_start3A_42 : memref<40xi32, #tpu.memory_space<hbm>>) target(%arg9 : memref<40xi32, #tpu.memory_space<vmem>>) target_semaphore(%arg23 : memref<!tpu.dma_semaphore, #tpu.memory_space<semaphore_mem>>)
    %dma_start3A_43 = tpu.memref_slice %arg7[%mul3A_41] : memref<320000xi32, #tpu.memory_space<hbm>> -> memref<40xi32, #tpu.memory_space<hbm>>
    %dma_start3A_44 = tpu.memref_slice %arg7[%mul3A_41] : memref<320000xi32, #tpu.memory_space<hbm>> -> memref<40xi32, #tpu.memory_space<hbm>>
    tpu.enqueue_dma source(%dma_start3A_44 : memref<40xi32, #tpu.memory_space<hbm>>) target(%arg11 : memref<40xi32, #tpu.memory_space<vmem>>) target_semaphore(%arg25 : memref<!tpu.dma_semaphore, #tpu.memory_space<semaphore_mem>>)
    %dma_start3A_45 = arith.constant 0 : i32
    %dma_start3A_46 = tpu.memref_slice %arg4[%mul3A_41, %dma_start3A_45] : memref<320000x128xbf16, #tpu.memory_space<hbm>> -> memref<40x128xbf16, #tpu.memory_space<hbm>>
    %dma_start3A_47 = arith.constant 0 : i32
    %dma_start3A_48 = tpu.memref_slice %arg4[%mul3A_41, %dma_start3A_47] : memref<320000x128xbf16, #tpu.memory_space<hbm>> -> memref<40x128xbf16, #tpu.memory_space<hbm>>
    tpu.enqueue_dma source(%dma_start3A_48 : memref<40x128xbf16, #tpu.memory_space<hbm>>) target(%arg13 : memref<40x128xbf16, #tpu.memory_space<vmem>>) target_semaphore(%arg27 : memref<!tpu.dma_semaphore, #tpu.memory_space<semaphore_mem>>)
    %dma_start3A_49 = arith.constant 0 : i32
    %dma_start3A_50 = tpu.memref_slice %arg5[%mul3A_41, %dma_start3A_49] : memref<320000x16xf32, #tpu.memory_space<hbm>> -> memref<40x16xf32, #tpu.memory_space<hbm>>
    %dma_start3A_51 = arith.constant 0 : i32
    %dma_start3A_52 = tpu.memref_slice %arg5[%mul3A_41, %dma_start3A_51] : memref<320000x16xf32, #tpu.memory_space<hbm>> -> memref<40x16xf32, #tpu.memory_space<hbm>>
    tpu.enqueue_dma source(%dma_start3A_52 : memref<40x16xf32, #tpu.memory_space<hbm>>) target(%arg15 : memref<40x16xf32, #tpu.memory_space<vmem>>) target_semaphore(%arg29 : memref<!tpu.dma_semaphore, #tpu.memory_space<semaphore_mem>>)
    %dma_wait3A = tpu.memref_slice %arg6[%mul3A_41] : memref<320000xi32, #tpu.memory_space<hbm>> -> memref<40xi32, #tpu.memory_space<hbm>>
    %dma_wait3A_53 = tpu.memref_slice %arg6[%mul3A_41] : memref<320000xi32, #tpu.memory_space<hbm>> -> memref<40xi32, #tpu.memory_space<hbm>>
    tpu.wait_dma2 semaphore(%arg23 : memref<!tpu.dma_semaphore, #tpu.memory_space<semaphore_mem>>) src(%dma_wait3A_53 : memref<40xi32, #tpu.memory_space<hbm>>) dst(%arg9 : memref<40xi32, #tpu.memory_space<vmem>>)
    %dma_wait3A_54 = tpu.memref_slice %arg7[%mul3A_41] : memref<320000xi32, #tpu.memory_space<hbm>> -> memref<40xi32, #tpu.memory_space<hbm>>
    %dma_wait3A_55 = tpu.memref_slice %arg7[%mul3A_41] : memref<320000xi32, #tpu.memory_space<hbm>> -> memref<40xi32, #tpu.memory_space<hbm>>
    tpu.wait_dma2 semaphore(%arg25 : memref<!tpu.dma_semaphore, #tpu.memory_space<semaphore_mem>>) src(%dma_wait3A_55 : memref<40xi32, #tpu.memory_space<hbm>>) dst(%arg11 : memref<40xi32, #tpu.memory_space<vmem>>)
    %dma_start3A_56 = arith.constant 0 : i32
    %dma_start3A_57 = arith.constant 0 : i32
    %dma_start3A_58 = tpu.memref_slice %arg2[%dma_start3A_56, %dma_start3A_57] : memref<10000x256xbf16, #tpu.memory_space<hbm>> -> memref<10000x256xbf16, #tpu.memory_space<hbm>>
    tpu.enqueue_indirect_dma source(%dma_start3A_58 : memref<10000x256xbf16, #tpu.memory_space<hbm>>) target(%arg17 : memref<40x256xbf16, #tpu.memory_space<vmem>>) offsets(%arg11 : memref<40xi32, #tpu.memory_space<vmem>>) semaphore(%arg31 : memref<!tpu.dma_semaphore, #tpu.memory_space<semaphore_mem>>)
    %dma_start3A_59 = arith.constant 0 : i32
    %dma_start3A_60 = arith.constant 0 : i32
    %dma_start3A_61 = tpu.memref_slice %arg3[%dma_start3A_59, %dma_start3A_60] : memref<10000x256xbf16, #tpu.memory_space<hbm>> -> memref<10000x256xbf16, #tpu.memory_space<hbm>>
    tpu.enqueue_indirect_dma source(%dma_start3A_61 : memref<10000x256xbf16, #tpu.memory_space<hbm>>) target(%arg19 : memref<40x256xbf16, #tpu.memory_space<vmem>>) offsets(%arg9 : memref<40xi32, #tpu.memory_space<vmem>>) semaphore(%arg33 : memref<!tpu.dma_semaphore, #tpu.memory_space<semaphore_mem>>)
    %add3A_62 = arith.constant 40 : i32
    %add3A_63 = arith.addi %mul3A_41, %add3A_62 : i32
    %dma_start3A_64 = tpu.memref_slice %arg6[%add3A_63] : memref<320000xi32, #tpu.memory_space<hbm>> -> memref<40xi32, #tpu.memory_space<hbm>>
    %dma_start3A_65 = tpu.memref_slice %arg6[%add3A_63] : memref<320000xi32, #tpu.memory_space<hbm>> -> memref<40xi32, #tpu.memory_space<hbm>>
    tpu.enqueue_dma source(%dma_start3A_65 : memref<40xi32, #tpu.memory_space<hbm>>) target(%arg10 : memref<40xi32, #tpu.memory_space<vmem>>) target_semaphore(%arg24 : memref<!tpu.dma_semaphore, #tpu.memory_space<semaphore_mem>>)
    %dma_start3A_66 = tpu.memref_slice %arg7[%add3A_63] : memref<320000xi32, #tpu.memory_space<hbm>> -> memref<40xi32, #tpu.memory_space<hbm>>
    %dma_start3A_67 = tpu.memref_slice %arg7[%add3A_63] : memref<320000xi32, #tpu.memory_space<hbm>> -> memref<40xi32, #tpu.memory_space<hbm>>
    tpu.enqueue_dma source(%dma_start3A_67 : memref<40xi32, #tpu.memory_space<hbm>>) target(%arg12 : memref<40xi32, #tpu.memory_space<vmem>>) target_semaphore(%arg26 : memref<!tpu.dma_semaphore, #tpu.memory_space<semaphore_mem>>)
    %dma_start3A_68 = arith.constant 0 : i32
    %dma_start3A_69 = tpu.memref_slice %arg4[%add3A_63, %dma_start3A_68] : memref<320000x128xbf16, #tpu.memory_space<hbm>> -> memref<40x128xbf16, #tpu.memory_space<hbm>>
    %dma_start3A_70 = arith.constant 0 : i32
    %dma_start3A_71 = tpu.memref_slice %arg4[%add3A_63, %dma_start3A_70] : memref<320000x128xbf16, #tpu.memory_space<hbm>> -> memref<40x128xbf16, #tpu.memory_space<hbm>>
    tpu.enqueue_dma source(%dma_start3A_71 : memref<40x128xbf16, #tpu.memory_space<hbm>>) target(%arg14 : memref<40x128xbf16, #tpu.memory_space<vmem>>) target_semaphore(%arg28 : memref<!tpu.dma_semaphore, #tpu.memory_space<semaphore_mem>>)
    %dma_start3A_72 = arith.constant 0 : i32
    %dma_start3A_73 = tpu.memref_slice %arg5[%add3A_63, %dma_start3A_72] : memref<320000x16xf32, #tpu.memory_space<hbm>> -> memref<40x16xf32, #tpu.memory_space<hbm>>
    %dma_start3A_74 = arith.constant 0 : i32
    %dma_start3A_75 = tpu.memref_slice %arg5[%add3A_63, %dma_start3A_74] : memref<320000x16xf32, #tpu.memory_space<hbm>> -> memref<40x16xf32, #tpu.memory_space<hbm>>
    tpu.enqueue_dma source(%dma_start3A_75 : memref<40x16xf32, #tpu.memory_space<hbm>>) target(%arg16 : memref<40x16xf32, #tpu.memory_space<vmem>>) target_semaphore(%arg30 : memref<!tpu.dma_semaphore, #tpu.memory_space<semaphore_mem>>)
    %scan3A_76 = arith.constant 0 : i32
    %scan3A_77 = arith.constant 124 : i32
    %scan3A_78 = arith.addi %scan3A_76, %scan3A_77 : i32
    %scan3A_79 = arith.constant 1 : i32
    scf.for %scan3A_195 = %scan3A_76 to %scan3A_78 step %scan3A_79  : i32 {
      %mul3A_196 = arith.constant 2 : i32
      %mul3A_197 = arith.muli %mul3A_196, %scan3A_195 : i32
      %mul3A_198 = arith.constant 40 : i32
      %mul3A_199 = arith.muli %mul3A_197, %mul3A_198 : i32
      %add3A_200 = arith.addi %mul3A_41, %mul3A_199 : i32
      %add3A_201 = arith.constant 40 : i32
      %add3A_202 = arith.addi %add3A_200, %add3A_201 : i32
      %dma_wait3A_203 = tpu.memref_slice %arg6[%add3A_202] : memref<320000xi32, #tpu.memory_space<hbm>> -> memref<40xi32, #tpu.memory_space<hbm>>
      %dma_wait3A_204 = tpu.memref_slice %arg6[%add3A_202] : memref<320000xi32, #tpu.memory_space<hbm>> -> memref<40xi32, #tpu.memory_space<hbm>>
      tpu.wait_dma2 semaphore(%arg24 : memref<!tpu.dma_semaphore, #tpu.memory_space<semaphore_mem>>) src(%dma_wait3A_204 : memref<40xi32, #tpu.memory_space<hbm>>) dst(%arg10 : memref<40xi32, #tpu.memory_space<vmem>>)
      %dma_wait3A_205 = tpu.memref_slice %arg7[%add3A_202] : memref<320000xi32, #tpu.memory_space<hbm>> -> memref<40xi32, #tpu.memory_space<hbm>>
      %dma_wait3A_206 = tpu.memref_slice %arg7[%add3A_202] : memref<320000xi32, #tpu.memory_space<hbm>> -> memref<40xi32, #tpu.memory_space<hbm>>
      tpu.wait_dma2 semaphore(%arg26 : memref<!tpu.dma_semaphore, #tpu.memory_space<semaphore_mem>>) src(%dma_wait3A_206 : memref<40xi32, #tpu.memory_space<hbm>>) dst(%arg12 : memref<40xi32, #tpu.memory_space<vmem>>)
      %dma_start3A_207 = arith.constant 0 : i32
      %dma_start3A_208 = arith.constant 0 : i32
      %dma_start3A_209 = tpu.memref_slice %arg2[%dma_start3A_207, %dma_start3A_208] : memref<10000x256xbf16, #tpu.memory_space<hbm>> -> memref<10000x256xbf16, #tpu.memory_space<hbm>>
      tpu.enqueue_indirect_dma source(%dma_start3A_209 : memref<10000x256xbf16, #tpu.memory_space<hbm>>) target(%arg18 : memref<40x256xbf16, #tpu.memory_space<vmem>>) offsets(%arg12 : memref<40xi32, #tpu.memory_space<vmem>>) semaphore(%arg32 : memref<!tpu.dma_semaphore, #tpu.memory_space<semaphore_mem>>)
      %dma_start3A_210 = arith.constant 0 : i32
      %dma_start3A_211 = arith.constant 0 : i32
      %dma_start3A_212 = tpu.memref_slice %arg3[%dma_start3A_210, %dma_start3A_211] : memref<10000x256xbf16, #tpu.memory_space<hbm>> -> memref<10000x256xbf16, #tpu.memory_space<hbm>>
      tpu.enqueue_indirect_dma source(%dma_start3A_212 : memref<10000x256xbf16, #tpu.memory_space<hbm>>) target(%arg20 : memref<40x256xbf16, #tpu.memory_space<vmem>>) offsets(%arg10 : memref<40xi32, #tpu.memory_space<vmem>>) semaphore(%arg34 : memref<!tpu.dma_semaphore, #tpu.memory_space<semaphore_mem>>)
      %dma_wait3A_213 = arith.constant 0 : i32
      %dma_wait3A_214 = tpu.memref_slice %arg4[%add3A_200, %dma_wait3A_213] : memref<320000x128xbf16, #tpu.memory_space<hbm>> -> memref<40x128xbf16, #tpu.memory_space<hbm>>
      %dma_wait3A_215 = arith.constant 0 : i32
      %dma_wait3A_216 = tpu.memref_slice %arg4[%add3A_200, %dma_wait3A_215] : memref<320000x128xbf16, #tpu.memory_space<hbm>> -> memref<40x128xbf16, #tpu.memory_space<hbm>>
      tpu.wait_dma2 semaphore(%arg27 : memref<!tpu.dma_semaphore, #tpu.memory_space<semaphore_mem>>) src(%dma_wait3A_216 : memref<40x128xbf16, #tpu.memory_space<hbm>>) dst(%arg13 : memref<40x128xbf16, #tpu.memory_space<vmem>>)
      %dma_wait3A_217 = arith.constant 0 : i32
      %dma_wait3A_218 = tpu.memref_slice %arg5[%add3A_200, %dma_wait3A_217] : memref<320000x16xf32, #tpu.memory_space<hbm>> -> memref<40x16xf32, #tpu.memory_space<hbm>>
      %dma_wait3A_219 = arith.constant 0 : i32
      %dma_wait3A_220 = tpu.memref_slice %arg5[%add3A_200, %dma_wait3A_219] : memref<320000x16xf32, #tpu.memory_space<hbm>> -> memref<40x16xf32, #tpu.memory_space<hbm>>
      tpu.wait_dma2 semaphore(%arg29 : memref<!tpu.dma_semaphore, #tpu.memory_space<semaphore_mem>>) src(%dma_wait3A_220 : memref<40x16xf32, #tpu.memory_space<hbm>>) dst(%arg15 : memref<40x16xf32, #tpu.memory_space<vmem>>)
      %dma_wait3A_221 = arith.constant 0 : i32
      %dma_wait3A_222 = arith.constant 0 : i32
      %dma_wait3A_223 = tpu.memref_slice %arg2[%dma_wait3A_221, %dma_wait3A_222] : memref<10000x256xbf16, #tpu.memory_space<hbm>> -> memref<10000x256xbf16, #tpu.memory_space<hbm>>
      tpu.wait_indirect_dma semaphore(%arg31 : memref<!tpu.dma_semaphore, #tpu.memory_space<semaphore_mem>>) src(%dma_wait3A_223 : memref<10000x256xbf16, #tpu.memory_space<hbm>>) dst(%arg17 : memref<40x256xbf16, #tpu.memory_space<vmem>>)
      %dma_wait3A_224 = arith.constant 0 : i32
      %dma_wait3A_225 = arith.constant 0 : i32
      %dma_wait3A_226 = tpu.memref_slice %arg3[%dma_wait3A_224, %dma_wait3A_225] : memref<10000x256xbf16, #tpu.memory_space<hbm>> -> memref<10000x256xbf16, #tpu.memory_space<hbm>>
      tpu.wait_indirect_dma semaphore(%arg33 : memref<!tpu.dma_semaphore, #tpu.memory_space<semaphore_mem>>) src(%dma_wait3A_226 : memref<10000x256xbf16, #tpu.memory_space<hbm>>) dst(%arg19 : memref<40x256xbf16, #tpu.memory_space<vmem>>)
      %parallel_loop3A_227 = arith.constant 0 : i32
      %parallel_loop3A_228 = arith.constant 40 : i32
      %parallel_loop3A_229 = arith.constant 1 : i32
      scf.for %parallel_loop3A_294 = %parallel_loop3A_227 to %parallel_loop3A_228 step %parallel_loop3A_229  : i32 {
        %parallel_loop3A_295 = arith.index_cast %parallel_loop3A_294 : i32 to index
        %parallel_loop3A_296 = arith.constant 0 : index
        %parallel_loop3A_297 = tpu.vector_load %arg15[%parallel_loop3A_295, %parallel_loop3A_296] {strides = array<i32>} : memref<40x16xf32, #tpu.memory_space<vmem>>, vector<16xf32>,
        %parallel_loop3A_298 = arith.index_cast %parallel_loop3A_294 : i32 to index
        %parallel_loop3A_299 = arith.constant 0 : index
        %parallel_loop3A_300 = tpu.vector_load %arg17[%parallel_loop3A_298, %parallel_loop3A_299] {strides = array<i32>} : memref<40x256xbf16, #tpu.memory_space<vmem>>, vector<32xbf16>,
        %parallel_loop3A_301 = tpu.unpack_subelements %parallel_loop3A_300, 0 {pack_format = #tpu.pack_format<interleaved>} : vector<32xbf16> -> vector<16xf32>
        %parallel_loop3A_302 = tpu.unpack_subelements %parallel_loop3A_300, 1 {pack_format = #tpu.pack_format<interleaved>} : vector<32xbf16> -> vector<16xf32>
        %parallel_loop3A_303 = arith.index_cast %parallel_loop3A_294 : i32 to index
        %parallel_loop3A_304 = arith.constant 0 : index
        %parallel_loop3A_305 = tpu.vector_load %arg19[%parallel_loop3A_303, %parallel_loop3A_304] {strides = array<i32>} : memref<40x256xbf16, #tpu.memory_space<vmem>>, vector<32xbf16>,
        %parallel_loop3A_306 = tpu.unpack_subelements %parallel_loop3A_305, 0 {pack_format = #tpu.pack_format<interleaved>} : vector<32xbf16> -> vector<16xf32>
        %parallel_loop3A_307 = tpu.unpack_subelements %parallel_loop3A_305, 1 {pack_format = #tpu.pack_format<interleaved>} : vector<32xbf16> -> vector<16xf32>
        %parallel_loop3A_308 = arith.mulf %parallel_loop3A_301, %parallel_loop3A_306 : vector<16xf32>
        %parallel_loop3A_309 = arith.mulf %parallel_loop3A_302, %parallel_loop3A_297 : vector<16xf32>
        %parallel_loop3A_310 = arith.addf %parallel_loop3A_308, %parallel_loop3A_309 : vector<16xf32>
        %parallel_loop3A_311 = arith.constant true
        %parallel_loop3A_312 = vector.broadcast %parallel_loop3A_311 : i1 to vector<16xi1>
        %parallel_loop3A_313 = tpu.scan <sum>, %parallel_loop3A_310 masked %parallel_loop3A_312 : vector<16xf32>, vector<16xi1> -> vector<16xf32>
        %parallel_loop3A_314 = vector.extract %parallel_loop3A_313[15] : f32 from vector<16xf32>
        %parallel_loop3A_315 = arith.constant 0 : i32
        %parallel_loop3A_316 = vector.broadcast %parallel_loop3A_315 : i32 to vector<16xi32>
        %parallel_loop3A_317 = arith.cmpi eq, %iota3A, %parallel_loop3A_316 : vector<16xi32>
        %parallel_loop3A_318 = vector.broadcast %parallel_loop3A_314 : f32 to vector<16xf32>
        %parallel_loop3A_319 = arith.select %parallel_loop3A_317, %parallel_loop3A_318, %broadcast_in_dim3A_1 : vector<16xi1>, vector<16xf32>
        %parallel_loop3A_320 = arith.index_cast %parallel_loop3A_294 : i32 to index
        %parallel_loop3A_321 = arith.constant 32 : index
        %parallel_loop3A_322 = tpu.vector_load %arg17[%parallel_loop3A_320, %parallel_loop3A_321] {strides = array<i32>} : memref<40x256xbf16, #tpu.memory_space<vmem>>, vector<32xbf16>,
        %parallel_loop3A_323 = tpu.unpack_subelements %parallel_loop3A_322, 0 {pack_format = #tpu.pack_format<interleaved>} : vector<32xbf16> -> vector<16xf32>
        %parallel_loop3A_324 = tpu.unpack_subelements %parallel_loop3A_322, 1 {pack_format = #tpu.pack_format<interleaved>} : vector<32xbf16> -> vector<16xf32>
        %parallel_loop3A_325 = arith.index_cast %parallel_loop3A_294 : i32 to index
        %parallel_loop3A_326 = arith.constant 32 : index
        %parallel_loop3A_327 = tpu.vector_load %arg19[%parallel_loop3A_325, %parallel_loop3A_326] {strides = array<i32>} : memref<40x256xbf16, #tpu.memory_space<vmem>>, vector<32xbf16>,
        %parallel_loop3A_328 = tpu.unpack_subelements %parallel_loop3A_327, 0 {pack_format = #tpu.pack_format<interleaved>} : vector<32xbf16> -> vector<16xf32>
        %parallel_loop3A_329 = tpu.unpack_subelements %parallel_loop3A_327, 1 {pack_format = #tpu.pack_format<interleaved>} : vector<32xbf16> -> vector<16xf32>
        %parallel_loop3A_330 = arith.mulf %parallel_loop3A_323, %parallel_loop3A_328 : vector<16xf32>
        %parallel_loop3A_331 = arith.mulf %parallel_loop3A_324, %parallel_loop3A_297 : vector<16xf32>
        %parallel_loop3A_332 = arith.addf %parallel_loop3A_330, %parallel_loop3A_331 : vector<16xf32>
        %parallel_loop3A_333 = arith.constant true
        %parallel_loop3A_334 = vector.broadcast %parallel_loop3A_333 : i1 to vector<16xi1>
        %parallel_loop3A_335 = tpu.scan <sum>, %parallel_loop3A_332 masked %parallel_loop3A_334 : vector<16xf32>, vector<16xi1> -> vector<16xf32>
        %parallel_loop3A_336 = vector.extract %parallel_loop3A_335[15] : f32 from vector<16xf32>
        %parallel_loop3A_337 = arith.constant 1 : i32
        %parallel_loop3A_338 = vector.broadcast %parallel_loop3A_337 : i32 to vector<16xi32>
        %parallel_loop3A_339 = arith.cmpi eq, %iota3A, %parallel_loop3A_338 : vector<16xi32>
        %parallel_loop3A_340 = vector.broadcast %parallel_loop3A_336 : f32 to vector<16xf32>
        %parallel_loop3A_341 = arith.select %parallel_loop3A_339, %parallel_loop3A_340, %parallel_loop3A_319 : vector<16xi1>, vector<16xf32>
        %parallel_loop3A_342 = arith.index_cast %parallel_loop3A_294 : i32 to index
        %parallel_loop3A_343 = arith.constant 64 : index
        %parallel_loop3A_344 = tpu.vector_load %arg17[%parallel_loop3A_342, %parallel_loop3A_343] {strides = array<i32>} : memref<40x256xbf16, #tpu.memory_space<vmem>>, vector<32xbf16>,
        %parallel_loop3A_345 = tpu.unpack_subelements %parallel_loop3A_344, 0 {pack_format = #tpu.pack_format<interleaved>} : vector<32xbf16> -> vector<16xf32>
        %parallel_loop3A_346 = tpu.unpack_subelements %parallel_loop3A_344, 1 {pack_format = #tpu.pack_format<interleaved>} : vector<32xbf16> -> vector<16xf32>
        %parallel_loop3A_347 = arith.index_cast %parallel_loop3A_294 : i32 to index
        %parallel_loop3A_348 = arith.constant 64 : index
        %parallel_loop3A_349 = tpu.vector_load %arg19[%parallel_loop3A_347, %parallel_loop3A_348] {strides = array<i32>} : memref<40x256xbf16, #tpu.memory_space<vmem>>, vector<32xbf16>,
        %parallel_loop3A_350 = tpu.unpack_subelements %parallel_loop3A_349, 0 {pack_format = #tpu.pack_format<interleaved>} : vector<32xbf16> -> vector<16xf32>
        %parallel_loop3A_351 = tpu.unpack_subelements %parallel_loop3A_349, 1 {pack_format = #tpu.pack_format<interleaved>} : vector<32xbf16> -> vector<16xf32>
        %parallel_loop3A_352 = arith.mulf %parallel_loop3A_345, %parallel_loop3A_350 : vector<16xf32>
        %parallel_loop3A_353 = arith.mulf %parallel_loop3A_346, %parallel_loop3A_297 : vector<16xf32>
        %parallel_loop3A_354 = arith.addf %parallel_loop3A_352, %parallel_loop3A_353 : vector<16xf32>
        %parallel_loop3A_355 = arith.constant true
        %parallel_loop3A_356 = vector.broadcast %parallel_loop3A_355 : i1 to vector<16xi1>
        %parallel_loop3A_357 = tpu.scan <sum>, %parallel_loop3A_354 masked %parallel_loop3A_356 : vector<16xf32>, vector<16xi1> -> vector<16xf32>
        %parallel_loop3A_358 = vector.extract %parallel_loop3A_357[15] : f32 from vector<16xf32>
        %parallel_loop3A_359 = arith.constant 2 : i32
        %parallel_loop3A_360 = vector.broadcast %parallel_loop3A_359 : i32 to vector<16xi32>
        %parallel_loop3A_361 = arith.cmpi eq, %iota3A, %parallel_loop3A_360 : vector<16xi32>
        %parallel_loop3A_362 = vector.broadcast %parallel_loop3A_358 : f32 to vector<16xf32>
        %parallel_loop3A_363 = arith.select %parallel_loop3A_361, %parallel_loop3A_362, %parallel_loop3A_341 : vector<16xi1>, vector<16xf32>
        %parallel_loop3A_364 = arith.index_cast %parallel_loop3A_294 : i32 to index
        %parallel_loop3A_365 = arith.constant 96 : index
        %parallel_loop3A_366 = tpu.vector_load %arg17[%parallel_loop3A_364, %parallel_loop3A_365] {strides = array<i32>} : memref<40x256xbf16, #tpu.memory_space<vmem>>, vector<32xbf16>,
        %parallel_loop3A_367 = tpu.unpack_subelements %parallel_loop3A_366, 0 {pack_format = #tpu.pack_format<interleaved>} : vector<32xbf16> -> vector<16xf32>
        %parallel_loop3A_368 = tpu.unpack_subelements %parallel_loop3A_366, 1 {pack_format = #tpu.pack_format<interleaved>} : vector<32xbf16> -> vector<16xf32>
        %parallel_loop3A_369 = arith.index_cast %parallel_loop3A_294 : i32 to index
        %parallel_loop3A_370 = arith.constant 96 : index
        %parallel_loop3A_371 = tpu.vector_load %arg19[%parallel_loop3A_369, %parallel_loop3A_370] {strides = array<i32>} : memref<40x256xbf16, #tpu.memory_space<vmem>>, vector<32xbf16>,
        %parallel_loop3A_372 = tpu.unpack_subelements %parallel_loop3A_371, 0 {pack_format = #tpu.pack_format<interleaved>} : vector<32xbf16> -> vector<16xf32>
        %parallel_loop3A_373 = tpu.unpack_subelements %parallel_loop3A_371, 1 {pack_format = #tpu.pack_format<interleaved>} : vector<32xbf16> -> vector<16xf32>
        %parallel_loop3A_374 = arith.mulf %parallel_loop3A_367, %parallel_loop3A_372 : vector<16xf32>
        %parallel_loop3A_375 = arith.mulf %parallel_loop3A_368, %parallel_loop3A_297 : vector<16xf32>
        %parallel_loop3A_376 = arith.addf %parallel_loop3A_374, %parallel_loop3A_375 : vector<16xf32>
        %parallel_loop3A_377 = arith.constant true
        %parallel_loop3A_378 = vector.broadcast %parallel_loop3A_377 : i1 to vector<16xi1>
        %parallel_loop3A_379 = tpu.scan <sum>, %parallel_loop3A_376 masked %parallel_loop3A_378 : vector<16xf32>, vector<16xi1> -> vector<16xf32>
        %parallel_loop3A_380 = vector.extract %parallel_loop3A_379[15] : f32 from vector<16xf32>
        %parallel_loop3A_381 = arith.constant 3 : i32
        %parallel_loop3A_382 = vector.broadcast %parallel_loop3A_381 : i32 to vector<16xi32>
        %parallel_loop3A_383 = arith.cmpi eq, %iota3A, %parallel_loop3A_382 : vector<16xi32>
        %parallel_loop3A_384 = vector.broadcast %parallel_loop3A_380 : f32 to vector<16xf32>
        %parallel_loop3A_385 = arith.select %parallel_loop3A_383, %parallel_loop3A_384, %parallel_loop3A_363 : vector<16xi1>, vector<16xf32>
        %parallel_loop3A_386 = arith.index_cast %parallel_loop3A_294 : i32 to index
        %parallel_loop3A_387 = arith.constant 128 : index
        %parallel_loop3A_388 = tpu.vector_load %arg17[%parallel_loop3A_386, %parallel_loop3A_387] {strides = array<i32>} : memref<40x256xbf16, #tpu.memory_space<vmem>>, vector<32xbf16>,
        %parallel_loop3A_389 = tpu.unpack_subelements %parallel_loop3A_388, 0 {pack_format = #tpu.pack_format<interleaved>} : vector<32xbf16> -> vector<16xf32>
        %parallel_loop3A_390 = tpu.unpack_subelements %parallel_loop3A_388, 1 {pack_format = #tpu.pack_format<interleaved>} : vector<32xbf16> -> vector<16xf32>
        %parallel_loop3A_391 = arith.index_cast %parallel_loop3A_294 : i32 to index
        %parallel_loop3A_392 = arith.constant 128 : index
        %parallel_loop3A_393 = tpu.vector_load %arg19[%parallel_loop3A_391, %parallel_loop3A_392] {strides = array<i32>} : memref<40x256xbf16, #tpu.memory_space<vmem>>, vector<32xbf16>,
        %parallel_loop3A_394 = tpu.unpack_subelements %parallel_loop3A_393, 0 {pack_format = #tpu.pack_format<interleaved>} : vector<32xbf16> -> vector<16xf32>
        %parallel_loop3A_395 = tpu.unpack_subelements %parallel_loop3A_393, 1 {pack_format = #tpu.pack_format<interleaved>} : vector<32xbf16> -> vector<16xf32>
        %parallel_loop3A_396 = arith.mulf %parallel_loop3A_389, %parallel_loop3A_394 : vector<16xf32>
        %parallel_loop3A_397 = arith.mulf %parallel_loop3A_390, %parallel_loop3A_297 : vector<16xf32>
        %parallel_loop3A_398 = arith.addf %parallel_loop3A_396, %parallel_loop3A_397 : vector<16xf32>
        %parallel_loop3A_399 = arith.constant true
        %parallel_loop3A_400 = vector.broadcast %parallel_loop3A_399 : i1 to vector<16xi1>
        %parallel_loop3A_401 = tpu.scan <sum>, %parallel_loop3A_398 masked %parallel_loop3A_400 : vector<16xf32>, vector<16xi1> -> vector<16xf32>
        %parallel_loop3A_402 = vector.extract %parallel_loop3A_401[15] : f32 from vector<16xf32>
        %parallel_loop3A_403 = arith.constant 4 : i32
        %parallel_loop3A_404 = vector.broadcast %parallel_loop3A_403 : i32 to vector<16xi32>
        %parallel_loop3A_405 = arith.cmpi eq, %iota3A, %parallel_loop3A_404 : vector<16xi32>
        %parallel_loop3A_406 = vector.broadcast %parallel_loop3A_402 : f32 to vector<16xf32>
        %parallel_loop3A_407 = arith.select %parallel_loop3A_405, %parallel_loop3A_406, %parallel_loop3A_385 : vector<16xi1>, vector<16xf32>
        %parallel_loop3A_408 = arith.index_cast %parallel_loop3A_294 : i32 to index
        %parallel_loop3A_409 = arith.constant 160 : index
        %parallel_loop3A_410 = tpu.vector_load %arg17[%parallel_loop3A_408, %parallel_loop3A_409] {strides = array<i32>} : memref<40x256xbf16, #tpu.memory_space<vmem>>, vector<32xbf16>,
        %parallel_loop3A_411 = tpu.unpack_subelements %parallel_loop3A_410, 0 {pack_format = #tpu.pack_format<interleaved>} : vector<32xbf16> -> vector<16xf32>
        %parallel_loop3A_412 = tpu.unpack_subelements %parallel_loop3A_410, 1 {pack_format = #tpu.pack_format<interleaved>} : vector<32xbf16> -> vector<16xf32>
        %parallel_loop3A_413 = arith.index_cast %parallel_loop3A_294 : i32 to index
        %parallel_loop3A_414 = arith.constant 160 : index
        %parallel_loop3A_415 = tpu.vector_load %arg19[%parallel_loop3A_413, %parallel_loop3A_414] {strides = array<i32>} : memref<40x256xbf16, #tpu.memory_space<vmem>>, vector<32xbf16>,
        %parallel_loop3A_416 = tpu.unpack_subelements %parallel_loop3A_415, 0 {pack_format = #tpu.pack_format<interleaved>} : vector<32xbf16> -> vector<16xf32>
        %parallel_loop3A_417 = tpu.unpack_subelements %parallel_loop3A_415, 1 {pack_format = #tpu.pack_format<interleaved>} : vector<32xbf16> -> vector<16xf32>
        %parallel_loop3A_418 = arith.mulf %parallel_loop3A_411, %parallel_loop3A_416 : vector<16xf32>
        %parallel_loop3A_419 = arith.mulf %parallel_loop3A_412, %parallel_loop3A_297 : vector<16xf32>
        %parallel_loop3A_420 = arith.addf %parallel_loop3A_418, %parallel_loop3A_419 : vector<16xf32>
        %parallel_loop3A_421 = arith.constant true
        %parallel_loop3A_422 = vector.broadcast %parallel_loop3A_421 : i1 to vector<16xi1>
        %parallel_loop3A_423 = tpu.scan <sum>, %parallel_loop3A_420 masked %parallel_loop3A_422 : vector<16xf32>, vector<16xi1> -> vector<16xf32>
        %parallel_loop3A_424 = vector.extract %parallel_loop3A_423[15] : f32 from vector<16xf32>
        %parallel_loop3A_425 = arith.constant 5 : i32
        %parallel_loop3A_426 = vector.broadcast %parallel_loop3A_425 : i32 to vector<16xi32>
        %parallel_loop3A_427 = arith.cmpi eq, %iota3A, %parallel_loop3A_426 : vector<16xi32>
        %parallel_loop3A_428 = vector.broadcast %parallel_loop3A_424 : f32 to vector<16xf32>
        %parallel_loop3A_429 = arith.select %parallel_loop3A_427, %parallel_loop3A_428, %parallel_loop3A_407 : vector<16xi1>, vector<16xf32>
        %parallel_loop3A_430 = arith.index_cast %parallel_loop3A_294 : i32 to index
        %parallel_loop3A_431 = arith.constant 192 : index
        %parallel_loop3A_432 = tpu.vector_load %arg17[%parallel_loop3A_430, %parallel_loop3A_431] {strides = array<i32>} : memref<40x256xbf16, #tpu.memory_space<vmem>>, vector<32xbf16>,
        %parallel_loop3A_433 = tpu.unpack_subelements %parallel_loop3A_432, 0 {pack_format = #tpu.pack_format<interleaved>} : vector<32xbf16> -> vector<16xf32>
        %parallel_loop3A_434 = tpu.unpack_subelements %parallel_loop3A_432, 1 {pack_format = #tpu.pack_format<interleaved>} : vector<32xbf16> -> vector<16xf32>
        %parallel_loop3A_435 = arith.index_cast %parallel_loop3A_294 : i32 to index
        %parallel_loop3A_436 = arith.constant 192 : index
        %parallel_loop3A_437 = tpu.vector_load %arg19[%parallel_loop3A_435, %parallel_loop3A_436] {strides = array<i32>} : memref<40x256xbf16, #tpu.memory_space<vmem>>, vector<32xbf16>,
        %parallel_loop3A_438 = tpu.unpack_subelements %parallel_loop3A_437, 0 {pack_format = #tpu.pack_format<interleaved>} : vector<32xbf16> -> vector<16xf32>
        %parallel_loop3A_439 = tpu.unpack_subelements %parallel_loop3A_437, 1 {pack_format = #tpu.pack_format<interleaved>} : vector<32xbf16> -> vector<16xf32>
        %parallel_loop3A_440 = arith.mulf %parallel_loop3A_433, %parallel_loop3A_438 : vector<16xf32>
        %parallel_loop3A_441 = arith.mulf %parallel_loop3A_434, %parallel_loop3A_297 : vector<16xf32>
        %parallel_loop3A_442 = arith.addf %parallel_loop3A_440, %parallel_loop3A_441 : vector<16xf32>
        %parallel_loop3A_443 = arith.constant true
        %parallel_loop3A_444 = vector.broadcast %parallel_loop3A_443 : i1 to vector<16xi1>
        %parallel_loop3A_445 = tpu.scan <sum>, %parallel_loop3A_442 masked %parallel_loop3A_444 : vector<16xf32>, vector<16xi1> -> vector<16xf32>
        %parallel_loop3A_446 = vector.extract %parallel_loop3A_445[15] : f32 from vector<16xf32>
        %parallel_loop3A_447 = arith.constant 6 : i32
        %parallel_loop3A_448 = vector.broadcast %parallel_loop3A_447 : i32 to vector<16xi32>
        %parallel_loop3A_449 = arith.cmpi eq, %iota3A, %parallel_loop3A_448 : vector<16xi32>
        %parallel_loop3A_450 = vector.broadcast %parallel_loop3A_446 : f32 to vector<16xf32>
        %parallel_loop3A_451 = arith.select %parallel_loop3A_449, %parallel_loop3A_450, %parallel_loop3A_429 : vector<16xi1>, vector<16xf32>
        %parallel_loop3A_452 = arith.index_cast %parallel_loop3A_294 : i32 to index
        %parallel_loop3A_453 = arith.constant 224 : index
        %parallel_loop3A_454 = tpu.vector_load %arg17[%parallel_loop3A_452, %parallel_loop3A_453] {strides = array<i32>} : memref<40x256xbf16, #tpu.memory_space<vmem>>, vector<32xbf16>,
        %parallel_loop3A_455 = tpu.unpack_subelements %parallel_loop3A_454, 0 {pack_format = #tpu.pack_format<interleaved>} : vector<32xbf16> -> vector<16xf32>
        %parallel_loop3A_456 = tpu.unpack_subelements %parallel_loop3A_454, 1 {pack_format = #tpu.pack_format<interleaved>} : vector<32xbf16> -> vector<16xf32>
        %parallel_loop3A_457 = arith.index_cast %parallel_loop3A_294 : i32 to index
        %parallel_loop3A_458 = arith.constant 224 : index
        %parallel_loop3A_459 = tpu.vector_load %arg19[%parallel_loop3A_457, %parallel_loop3A_458] {strides = array<i32>} : memref<40x256xbf16, #tpu.memory_space<vmem>>, vector<32xbf16>,
        %parallel_loop3A_460 = tpu.unpack_subelements %parallel_loop3A_459, 0 {pack_format = #tpu.pack_format<interleaved>} : vector<32xbf16> -> vector<16xf32>
        %parallel_loop3A_461 = tpu.unpack_subelements %parallel_loop3A_459, 1 {pack_format = #tpu.pack_format<interleaved>} : vector<32xbf16> -> vector<16xf32>
        %parallel_loop3A_462 = arith.mulf %parallel_loop3A_455, %parallel_loop3A_460 : vector<16xf32>
        %parallel_loop3A_463 = arith.mulf %parallel_loop3A_456, %parallel_loop3A_297 : vector<16xf32>
        %parallel_loop3A_464 = arith.addf %parallel_loop3A_462, %parallel_loop3A_463 : vector<16xf32>
        %parallel_loop3A_465 = arith.constant true
        %parallel_loop3A_466 = vector.broadcast %parallel_loop3A_465 : i1 to vector<16xi1>
        %parallel_loop3A_467 = tpu.scan <sum>, %parallel_loop3A_464 masked %parallel_loop3A_466 : vector<16xf32>, vector<16xi1> -> vector<16xf32>
        %parallel_loop3A_468 = vector.extract %parallel_loop3A_467[15] : f32 from vector<16xf32>
        %parallel_loop3A_469 = arith.constant 7 : i32
        %parallel_loop3A_470 = vector.broadcast %parallel_loop3A_469 : i32 to vector<16xi32>
        %parallel_loop3A_471 = arith.cmpi eq, %iota3A, %parallel_loop3A_470 : vector<16xi32>
        %parallel_loop3A_472 = vector.broadcast %parallel_loop3A_468 : f32 to vector<16xf32>
        %parallel_loop3A_473 = arith.select %parallel_loop3A_471, %parallel_loop3A_472, %parallel_loop3A_451 : vector<16xi1>, vector<16xf32>
        %parallel_loop3A_474 = math.exp %parallel_loop3A_473 : vector<16xf32>
        %parallel_loop3A_475 = arith.index_cast %parallel_loop3A_294 : i32 to index
        %parallel_loop3A_476 = arith.constant 128 : index
        %parallel_loop3A_477 = tpu.vector_load %arg21[%parallel_loop3A_475, %parallel_loop3A_476] {strides = array<i32>} : memref<40x144xf32, #tpu.memory_space<vmem>>, vector<16xf32>,
        tpu.vector_store %arg21[%parallel_loop3A_475, %parallel_loop3A_476], %parallel_loop3A_474 {strides = array<i32>} : memref<40x144xf32, #tpu.memory_space<vmem>>, vector<16xf32>,
        %parallel_loop3A_478 = arith.index_cast %parallel_loop3A_294 : i32 to index
        %parallel_loop3A_479 = arith.constant 0 : index
        %parallel_loop3A_480 = tpu.vector_load %arg13[%parallel_loop3A_478, %parallel_loop3A_479] {strides = array<i32>} : memref<40x128xbf16, #tpu.memory_space<vmem>>, vector<32xbf16>,
        %parallel_loop3A_481 = tpu.unpack_subelements %parallel_loop3A_480, 0 {pack_format = #tpu.pack_format<interleaved>} : vector<32xbf16> -> vector<16xf32>
        %parallel_loop3A_482 = tpu.unpack_subelements %parallel_loop3A_480, 1 {pack_format = #tpu.pack_format<interleaved>} : vector<32xbf16> -> vector<16xf32>
        %parallel_loop3A_483 = arith.constant 0 : i32
        %parallel_loop3A_484 = vector.broadcast %parallel_loop3A_483 : i32 to vector<16xi32>
        %parallel_loop3A_485 = arith.constant 0 : i32
        %parallel_loop3A_486 = vector.broadcast %parallel_loop3A_485 : i32 to vector<16xi32>
        %parallel_loop3A_487 = arith.cmpi slt, %parallel_loop3A_484, %parallel_loop3A_486 : vector<16xi32>
        %parallel_loop3A_488 = arith.constant 16 : i32
        %parallel_loop3A_489 = vector.broadcast %parallel_loop3A_488 : i32 to vector<16xi32>
        %parallel_loop3A_490 = arith.addi %parallel_loop3A_484, %parallel_loop3A_489 : vector<16xi32>
        %parallel_loop3A_491 = arith.select %parallel_loop3A_487, %parallel_loop3A_490, %parallel_loop3A_484 : vector<16xi1>, vector<16xi32>
        %parallel_loop3A_492 = vector.shape_cast %parallel_loop3A_491 : vector<16xi32> to vector<16x1xi32>
        %parallel_loop3A_493 = vector.shape_cast %parallel_loop3A_492 : vector<16x1xi32> to vector<16xi32>
        %parallel_loop3A_494 = tpu.dynamic_gather %parallel_loop3A_474[%parallel_loop3A_493] in [0] : vector<16xf32>, vector<16xi32> -> vector<16xf32>
        %parallel_loop3A_495 = arith.addf %parallel_loop3A_307, %parallel_loop3A_481 : vector<16xf32>
        %parallel_loop3A_496 = arith.mulf %parallel_loop3A_494, %parallel_loop3A_495 : vector<16xf32>
        %parallel_loop3A_497 = arith.index_cast %parallel_loop3A_294 : i32 to index
        %parallel_loop3A_498 = arith.constant 0 : index
        %parallel_loop3A_499 = tpu.vector_load %arg21[%parallel_loop3A_497, %parallel_loop3A_498] {strides = array<i32>} : memref<40x144xf32, #tpu.memory_space<vmem>>, vector<16xf32>,
        tpu.vector_store %arg21[%parallel_loop3A_497, %parallel_loop3A_498], %parallel_loop3A_496 {strides = array<i32>} : memref<40x144xf32, #tpu.memory_space<vmem>>, vector<16xf32>,
        %parallel_loop3A_500 = arith.constant 1 : i32
        %parallel_loop3A_501 = vector.broadcast %parallel_loop3A_500 : i32 to vector<16xi32>
        %parallel_loop3A_502 = arith.constant 0 : i32
        %parallel_loop3A_503 = vector.broadcast %parallel_loop3A_502 : i32 to vector<16xi32>
        %parallel_loop3A_504 = arith.cmpi slt, %parallel_loop3A_501, %parallel_loop3A_503 : vector<16xi32>
        %parallel_loop3A_505 = arith.constant 16 : i32
        %parallel_loop3A_506 = vector.broadcast %parallel_loop3A_505 : i32 to vector<16xi32>
        %parallel_loop3A_507 = arith.addi %parallel_loop3A_501, %parallel_loop3A_506 : vector<16xi32>
        %parallel_loop3A_508 = arith.select %parallel_loop3A_504, %parallel_loop3A_507, %parallel_loop3A_501 : vector<16xi1>, vector<16xi32>
        %parallel_loop3A_509 = vector.shape_cast %parallel_loop3A_508 : vector<16xi32> to vector<16x1xi32>
        %parallel_loop3A_510 = vector.shape_cast %parallel_loop3A_509 : vector<16x1xi32> to vector<16xi32>
        %parallel_loop3A_511 = tpu.dynamic_gather %parallel_loop3A_474[%parallel_loop3A_510] in [0] : vector<16xf32>, vector<16xi32> -> vector<16xf32>
        %parallel_loop3A_512 = arith.addf %parallel_loop3A_329, %parallel_loop3A_482 : vector<16xf32>
        %parallel_loop3A_513 = arith.mulf %parallel_loop3A_511, %parallel_loop3A_512 : vector<16xf32>
        %parallel_loop3A_514 = arith.index_cast %parallel_loop3A_294 : i32 to index
        %parallel_loop3A_515 = arith.constant 16 : index
        %parallel_loop3A_516 = tpu.vector_load %arg21[%parallel_loop3A_514, %parallel_loop3A_515] {strides = array<i32>} : memref<40x144xf32, #tpu.memory_space<vmem>>, vector<16xf32>,
        tpu.vector_store %arg21[%parallel_loop3A_514, %parallel_loop3A_515], %parallel_loop3A_513 {strides = array<i32>} : memref<40x144xf32, #tpu.memory_space<vmem>>, vector<16xf32>,
        %parallel_loop3A_517 = arith.index_cast %parallel_loop3A_294 : i32 to index
        %parallel_loop3A_518 = arith.constant 32 : index
        %parallel_loop3A_519 = tpu.vector_load %arg13[%parallel_loop3A_517, %parallel_loop3A_518] {strides = array<i32>} : memref<40x128xbf16, #tpu.memory_space<vmem>>, vector<32xbf16>,
        %parallel_loop3A_520 = tpu.unpack_subelements %parallel_loop3A_519, 0 {pack_format = #tpu.pack_format<interleaved>} : vector<32xbf16> -> vector<16xf32>
        %parallel_loop3A_521 = tpu.unpack_subelements %parallel_loop3A_519, 1 {pack_format = #tpu.pack_format<interleaved>} : vector<32xbf16> -> vector<16xf32>
        %parallel_loop3A_522 = arith.constant 2 : i32
        %parallel_loop3A_523 = vector.broadcast %parallel_loop3A_522 : i32 to vector<16xi32>
        %parallel_loop3A_524 = arith.constant 0 : i32
        %parallel_loop3A_525 = vector.broadcast %parallel_loop3A_524 : i32 to vector<16xi32>
        %parallel_loop3A_526 = arith.cmpi slt, %parallel_loop3A_523, %parallel_loop3A_525 : vector<16xi32>
        %parallel_loop3A_527 = arith.constant 16 : i32
        %parallel_loop3A_528 = vector.broadcast %parallel_loop3A_527 : i32 to vector<16xi32>
        %parallel_loop3A_529 = arith.addi %parallel_loop3A_523, %parallel_loop3A_528 : vector<16xi32>
        %parallel_loop3A_530 = arith.select %parallel_loop3A_526, %parallel_loop3A_529, %parallel_loop3A_523 : vector<16xi1>, vector<16xi32>
        %parallel_loop3A_531 = vector.shape_cast %parallel_loop3A_530 : vector<16xi32> to vector<16x1xi32>
        %parallel_loop3A_532 = vector.shape_cast %parallel_loop3A_531 : vector<16x1xi32> to vector<16xi32>
        %parallel_loop3A_533 = tpu.dynamic_gather %parallel_loop3A_474[%parallel_loop3A_532] in [0] : vector<16xf32>, vector<16xi32> -> vector<16xf32>
        %parallel_loop3A_534 = arith.addf %parallel_loop3A_351, %parallel_loop3A_520 : vector<16xf32>
        %parallel_loop3A_535 = arith.mulf %parallel_loop3A_533, %parallel_loop3A_534 : vector<16xf32>
        %parallel_loop3A_536 = arith.index_cast %parallel_loop3A_294 : i32 to index
        %parallel_loop3A_537 = arith.constant 32 : index
        %parallel_loop3A_538 = tpu.vector_load %arg21[%parallel_loop3A_536, %parallel_loop3A_537] {strides = array<i32>} : memref<40x144xf32, #tpu.memory_space<vmem>>, vector<16xf32>,
        tpu.vector_store %arg21[%parallel_loop3A_536, %parallel_loop3A_537], %parallel_loop3A_535 {strides = array<i32>} : memref<40x144xf32, #tpu.memory_space<vmem>>, vector<16xf32>,
        %parallel_loop3A_539 = arith.constant 3 : i32
        %parallel_loop3A_540 = vector.broadcast %parallel_loop3A_539 : i32 to vector<16xi32>
        %parallel_loop3A_541 = arith.constant 0 : i32
        %parallel_loop3A_542 = vector.broadcast %parallel_loop3A_541 : i32 to vector<16xi32>
        %parallel_loop3A_543 = arith.cmpi slt, %parallel_loop3A_540, %parallel_loop3A_542 : vector<16xi32>
        %parallel_loop3A_544 = arith.constant 16 : i32
        %parallel_loop3A_545 = vector.broadcast %parallel_loop3A_544 : i32 to vector<16xi32>
        %parallel_loop3A_546 = arith.addi %parallel_loop3A_540, %parallel_loop3A_545 : vector<16xi32>
        %parallel_loop3A_547 = arith.select %parallel_loop3A_543, %parallel_loop3A_546, %parallel_loop3A_540 : vector<16xi1>, vector<16xi32>
        %parallel_loop3A_548 = vector.shape_cast %parallel_loop3A_547 : vector<16xi32> to vector<16x1xi32>
        %parallel_loop3A_549 = vector.shape_cast %parallel_loop3A_548 : vector<16x1xi32> to vector<16xi32>
        %parallel_loop3A_550 = tpu.dynamic_gather %parallel_loop3A_474[%parallel_loop3A_549] in [0] : vector<16xf32>, vector<16xi32> -> vector<16xf32>
        %parallel_loop3A_551 = arith.addf %parallel_loop3A_373, %parallel_loop3A_521 : vector<16xf32>
        %parallel_loop3A_552 = arith.mulf %parallel_loop3A_550, %parallel_loop3A_551 : vector<16xf32>
        %parallel_loop3A_553 = arith.index_cast %parallel_loop3A_294 : i32 to index
        %parallel_loop3A_554 = arith.constant 48 : index
        %parallel_loop3A_555 = tpu.vector_load %arg21[%parallel_loop3A_553, %parallel_loop3A_554] {strides = array<i32>} : memref<40x144xf32, #tpu.memory_space<vmem>>, vector<16xf32>,
        tpu.vector_store %arg21[%parallel_loop3A_553, %parallel_loop3A_554], %parallel_loop3A_552 {strides = array<i32>} : memref<40x144xf32, #tpu.memory_space<vmem>>, vector<16xf32>,
        %parallel_loop3A_556 = arith.index_cast %parallel_loop3A_294 : i32 to index
        %parallel_loop3A_557 = arith.constant 64 : index
        %parallel_loop3A_558 = tpu.vector_load %arg13[%parallel_loop3A_556, %parallel_loop3A_557] {strides = array<i32>} : memref<40x128xbf16, #tpu.memory_space<vmem>>, vector<32xbf16>,
        %parallel_loop3A_559 = tpu.unpack_subelements %parallel_loop3A_558, 0 {pack_format = #tpu.pack_format<interleaved>} : vector<32xbf16> -> vector<16xf32>
        %parallel_loop3A_560 = tpu.unpack_subelements %parallel_loop3A_558, 1 {pack_format = #tpu.pack_format<interleaved>} : vector<32xbf16> -> vector<16xf32>
        %parallel_loop3A_561 = arith.constant 4 : i32
        %parallel_loop3A_562 = vector.broadcast %parallel_loop3A_561 : i32 to vector<16xi32>
        %parallel_loop3A_563 = arith.constant 0 : i32
        %parallel_loop3A_564 = vector.broadcast %parallel_loop3A_563 : i32 to vector<16xi32>
        %parallel_loop3A_565 = arith.cmpi slt, %parallel_loop3A_562, %parallel_loop3A_564 : vector<16xi32>
        %parallel_loop3A_566 = arith.constant 16 : i32
        %parallel_loop3A_567 = vector.broadcast %parallel_loop3A_566 : i32 to vector<16xi32>
        %parallel_loop3A_568 = arith.addi %parallel_loop3A_562, %parallel_loop3A_567 : vector<16xi32>
        %parallel_loop3A_569 = arith.select %parallel_loop3A_565, %parallel_loop3A_568, %parallel_loop3A_562 : vector<16xi1>, vector<16xi32>
        %parallel_loop3A_570 = vector.shape_cast %parallel_loop3A_569 : vector<16xi32> to vector<16x1xi32>
        %parallel_loop3A_571 = vector.shape_cast %parallel_loop3A_570 : vector<16x1xi32> to vector<16xi32>
        %parallel_loop3A_572 = tpu.dynamic_gather %parallel_loop3A_474[%parallel_loop3A_571] in [0] : vector<16xf32>, vector<16xi32> -> vector<16xf32>
        %parallel_loop3A_573 = arith.addf %parallel_loop3A_395, %parallel_loop3A_559 : vector<16xf32>
        %parallel_loop3A_574 = arith.mulf %parallel_loop3A_572, %parallel_loop3A_573 : vector<16xf32>
        %parallel_loop3A_575 = arith.index_cast %parallel_loop3A_294 : i32 to index
        %parallel_loop3A_576 = arith.constant 64 : index
        %parallel_loop3A_577 = tpu.vector_load %arg21[%parallel_loop3A_575, %parallel_loop3A_576] {strides = array<i32>} : memref<40x144xf32, #tpu.memory_space<vmem>>, vector<16xf32>,
        tpu.vector_store %arg21[%parallel_loop3A_575, %parallel_loop3A_576], %parallel_loop3A_574 {strides = array<i32>} : memref<40x144xf32, #tpu.memory_space<vmem>>, vector<16xf32>,
        %parallel_loop3A_578 = arith.constant 5 : i32
        %parallel_loop3A_579 = vector.broadcast %parallel_loop3A_578 : i32 to vector<16xi32>
        %parallel_loop3A_580 = arith.constant 0 : i32
        %parallel_loop3A_581 = vector.broadcast %parallel_loop3A_580 : i32 to vector<16xi32>
        %parallel_loop3A_582 = arith.cmpi slt, %parallel_loop3A_579, %parallel_loop3A_581 : vector<16xi32>
        %parallel_loop3A_583 = arith.constant 16 : i32
        %parallel_loop3A_584 = vector.broadcast %parallel_loop3A_583 : i32 to vector<16xi32>
        %parallel_loop3A_585 = arith.addi %parallel_loop3A_579, %parallel_loop3A_584 : vector<16xi32>
        %parallel_loop3A_586 = arith.select %parallel_loop3A_582, %parallel_loop3A_585, %parallel_loop3A_579 : vector<16xi1>, vector<16xi32>
        %parallel_loop3A_587 = vector.shape_cast %parallel_loop3A_586 : vector<16xi32> to vector<16x1xi32>
        %parallel_loop3A_588 = vector.shape_cast %parallel_loop3A_587 : vector<16x1xi32> to vector<16xi32>
        %parallel_loop3A_589 = tpu.dynamic_gather %parallel_loop3A_474[%parallel_loop3A_588] in [0] : vector<16xf32>, vector<16xi32> -> vector<16xf32>
        %parallel_loop3A_590 = arith.addf %parallel_loop3A_417, %parallel_loop3A_560 : vector<16xf32>
        %parallel_loop3A_591 = arith.mulf %parallel_loop3A_589, %parallel_loop3A_590 : vector<16xf32>
        %parallel_loop3A_592 = arith.index_cast %parallel_loop3A_294 : i32 to index
        %parallel_loop3A_593 = arith.constant 80 : index
        %parallel_loop3A_594 = tpu.vector_load %arg21[%parallel_loop3A_592, %parallel_loop3A_593] {strides = array<i32>} : memref<40x144xf32, #tpu.memory_space<vmem>>, vector<16xf32>,
        tpu.vector_store %arg21[%parallel_loop3A_592, %parallel_loop3A_593], %parallel_loop3A_591 {strides = array<i32>} : memref<40x144xf32, #tpu.memory_space<vmem>>, vector<16xf32>,
        %parallel_loop3A_595 = arith.index_cast %parallel_loop3A_294 : i32 to index
        %parallel_loop3A_596 = arith.constant 96 : index
        %parallel_loop3A_597 = tpu.vector_load %arg13[%parallel_loop3A_595, %parallel_loop3A_596] {strides = array<i32>} : memref<40x128xbf16, #tpu.memory_space<vmem>>, vector<32xbf16>,
        %parallel_loop3A_598 = tpu.unpack_subelements %parallel_loop3A_597, 0 {pack_format = #tpu.pack_format<interleaved>} : vector<32xbf16> -> vector<16xf32>
        %parallel_loop3A_599 = tpu.unpack_subelements %parallel_loop3A_597, 1 {pack_format = #tpu.pack_format<interleaved>} : vector<32xbf16> -> vector<16xf32>
        %parallel_loop3A_600 = arith.constant 6 : i32
        %parallel_loop3A_601 = vector.broadcast %parallel_loop3A_600 : i32 to vector<16xi32>
        %parallel_loop3A_602 = arith.constant 0 : i32
        %parallel_loop3A_603 = vector.broadcast %parallel_loop3A_602 : i32 to vector<16xi32>
        %parallel_loop3A_604 = arith.cmpi slt, %parallel_loop3A_601, %parallel_loop3A_603 : vector<16xi32>
        %parallel_loop3A_605 = arith.constant 16 : i32
        %parallel_loop3A_606 = vector.broadcast %parallel_loop3A_605 : i32 to vector<16xi32>
        %parallel_loop3A_607 = arith.addi %parallel_loop3A_601, %parallel_loop3A_606 : vector<16xi32>
        %parallel_loop3A_608 = arith.select %parallel_loop3A_604, %parallel_loop3A_607, %parallel_loop3A_601 : vector<16xi1>, vector<16xi32>
        %parallel_loop3A_609 = vector.shape_cast %parallel_loop3A_608 : vector<16xi32> to vector<16x1xi32>
        %parallel_loop3A_610 = vector.shape_cast %parallel_loop3A_609 : vector<16x1xi32> to vector<16xi32>
        %parallel_loop3A_611 = tpu.dynamic_gather %parallel_loop3A_474[%parallel_loop3A_610] in [0] : vector<16xf32>, vector<16xi32> -> vector<16xf32>
        %parallel_loop3A_612 = arith.addf %parallel_loop3A_439, %parallel_loop3A_598 : vector<16xf32>
        %parallel_loop3A_613 = arith.mulf %parallel_loop3A_611, %parallel_loop3A_612 : vector<16xf32>
        %parallel_loop3A_614 = arith.index_cast %parallel_loop3A_294 : i32 to index
        %parallel_loop3A_615 = arith.constant 96 : index
        %parallel_loop3A_616 = tpu.vector_load %arg21[%parallel_loop3A_614, %parallel_loop3A_615] {strides = array<i32>} : memref<40x144xf32, #tpu.memory_space<vmem>>, vector<16xf32>,
        tpu.vector_store %arg21[%parallel_loop3A_614, %parallel_loop3A_615], %parallel_loop3A_613 {strides = array<i32>} : memref<40x144xf32, #tpu.memory_space<vmem>>, vector<16xf32>,
        %parallel_loop3A_617 = arith.constant 7 : i32
        %parallel_loop3A_618 = vector.broadcast %parallel_loop3A_617 : i32 to vector<16xi32>
        %parallel_loop3A_619 = arith.constant 0 : i32
        %parallel_loop3A_620 = vector.broadcast %parallel_loop3A_619 : i32 to vector<16xi32>
        %parallel_loop3A_621 = arith.cmpi slt, %parallel_loop3A_618, %parallel_loop3A_620 : vector<16xi32>
        %parallel_loop3A_622 = arith.constant 16 : i32
        %parallel_loop3A_623 = vector.broadcast %parallel_loop3A_622 : i32 to vector<16xi32>
        %parallel_loop3A_624 = arith.addi %parallel_loop3A_618, %parallel_loop3A_623 : vector<16xi32>
        %parallel_loop3A_625 = arith.select %parallel_loop3A_621, %parallel_loop3A_624, %parallel_loop3A_618 : vector<16xi1>, vector<16xi32>
        %parallel_loop3A_626 = vector.shape_cast %parallel_loop3A_625 : vector<16xi32> to vector<16x1xi32>
        %parallel_loop3A_627 = vector.shape_cast %parallel_loop3A_626 : vector<16x1xi32> to vector<16xi32>
        %parallel_loop3A_628 = tpu.dynamic_gather %parallel_loop3A_474[%parallel_loop3A_627] in [0] : vector<16xf32>, vector<16xi32> -> vector<16xf32>
        %parallel_loop3A_629 = arith.addf %parallel_loop3A_461, %parallel_loop3A_599 : vector<16xf32>
        %parallel_loop3A_630 = arith.mulf %parallel_loop3A_628, %parallel_loop3A_629 : vector<16xf32>
        %parallel_loop3A_631 = arith.index_cast %parallel_loop3A_294 : i32 to index
        %parallel_loop3A_632 = arith.constant 112 : index
        %parallel_loop3A_633 = tpu.vector_load %arg21[%parallel_loop3A_631, %parallel_loop3A_632] {strides = array<i32>} : memref<40x144xf32, #tpu.memory_space<vmem>>, vector<16xf32>,
        tpu.vector_store %arg21[%parallel_loop3A_631, %parallel_loop3A_632], %parallel_loop3A_630 {strides = array<i32>} : memref<40x144xf32, #tpu.memory_space<vmem>>, vector<16xf32>,
      } {sc.loop_unroll_factor = 1 : i64, sc.parallel_access}
      "tpu.region"() ({
        %run_scoped3A = tpu.sem_alloc : memref<!tpu.dma_semaphore, #tpu.memory_space<semaphore_mem>>
        %dma_start3A_294 = arith.constant 0 : i32
        %dma_start3A_295 = arith.constant 0 : i32
        %dma_start3A_296 = tpu.memref_slice %arg22[%dma_start3A_294, %dma_start3A_295] : memref<10000x144xf32, #tpu.memory_space<vmem_shared>> -> memref<10000x144xf32, #tpu.memory_space<vmem_shared>>
        tpu.enqueue_indirect_dma source(%arg21 : memref<40x144xf32, #tpu.memory_space<vmem>>) target(%dma_start3A_296 : memref<10000x144xf32, #tpu.memory_space<vmem_shared>>) offsets(%arg11 : memref<40xi32, #tpu.memory_space<vmem>>) semaphore(%run_scoped3A : memref<!tpu.dma_semaphore, #tpu.memory_space<semaphore_mem>>) {add = true}
        %dma_wait3A_297 = arith.constant 0 : i32
        %dma_wait3A_298 = arith.constant 0 : i32
        %dma_wait3A_299 = tpu.memref_slice %arg22[%dma_wait3A_297, %dma_wait3A_298] : memref<10000x144xf32, #tpu.memory_space<vmem_shared>> -> memref<10000x144xf32, #tpu.memory_space<vmem_shared>>
        tpu.wait_indirect_dma semaphore(%run_scoped3A : memref<!tpu.dma_semaphore, #tpu.memory_space<semaphore_mem>>) src(%arg21 : memref<40x144xf32, #tpu.memory_space<vmem>>) dst(%dma_wait3A_299 : memref<10000x144xf32, #tpu.memory_space<vmem_shared>>)
        tpu.yield
      }) : () -> ()
      %add3A_230 = arith.constant 80 : i32
      %add3A_231 = arith.addi %add3A_200, %add3A_230 : i32
      %dma_start3A_232 = tpu.memref_slice %arg6[%add3A_231] : memref<320000xi32, #tpu.memory_space<hbm>> -> memref<40xi32, #tpu.memory_space<hbm>>
      %dma_start3A_233 = tpu.memref_slice %arg6[%add3A_231] : memref<320000xi32, #tpu.memory_space<hbm>> -> memref<40xi32, #tpu.memory_space<hbm>>
      tpu.enqueue_dma source(%dma_start3A_233 : memref<40xi32, #tpu.memory_space<hbm>>) target(%arg9 : memref<40xi32, #tpu.memory_space<vmem>>) target_semaphore(%arg23 : memref<!tpu.dma_semaphore, #tpu.memory_space<semaphore_mem>>)
      %dma_start3A_234 = tpu.memref_slice %arg7[%add3A_231] : memref<320000xi32, #tpu.memory_space<hbm>> -> memref<40xi32, #tpu.memory_space<hbm>>
      %dma_start3A_235 = tpu.memref_slice %arg7[%add3A_231] : memref<320000xi32, #tpu.memory_space<hbm>> -> memref<40xi32, #tpu.memory_space<hbm>>
      tpu.enqueue_dma source(%dma_start3A_235 : memref<40xi32, #tpu.memory_space<hbm>>) target(%arg11 : memref<40xi32, #tpu.memory_space<vmem>>) target_semaphore(%arg25 : memref<!tpu.dma_semaphore, #tpu.memory_space<semaphore_mem>>)
      %dma_start3A_236 = arith.constant 0 : i32
      %dma_start3A_237 = tpu.memref_slice %arg4[%add3A_231, %dma_start3A_236] : memref<320000x128xbf16, #tpu.memory_space<hbm>> -> memref<40x128xbf16, #tpu.memory_space<hbm>>
      %dma_start3A_238 = arith.constant 0 : i32
      %dma_start3A_239 = tpu.memref_slice %arg4[%add3A_231, %dma_start3A_238] : memref<320000x128xbf16, #tpu.memory_space<hbm>> -> memref<40x128xbf16, #tpu.memory_space<hbm>>
      tpu.enqueue_dma source(%dma_start3A_239 : memref<40x128xbf16, #tpu.memory_space<hbm>>) target(%arg13 : memref<40x128xbf16, #tpu.memory_space<vmem>>) target_semaphore(%arg27 : memref<!tpu.dma_semaphore, #tpu.memory_space<semaphore_mem>>)
      %dma_start3A_240 = arith.constant 0 : i32
      %dma_start3A_241 = tpu.memref_slice %arg5[%add3A_231, %dma_start3A_240] : memref<320000x16xf32, #tpu.memory_space<hbm>> -> memref<40x16xf32, #tpu.memory_space<hbm>>
      %dma_start3A_242 = arith.constant 0 : i32
      %dma_start3A_243 = tpu.memref_slice %arg5[%add3A_231, %dma_start3A_242] : memref<320000x16xf32, #tpu.memory_space<hbm>> -> memref<40x16xf32, #tpu.memory_space<hbm>>
      tpu.enqueue_dma source(%dma_start3A_243 : memref<40x16xf32, #tpu.memory_space<hbm>>) target(%arg15 : memref<40x16xf32, #tpu.memory_space<vmem>>) target_semaphore(%arg29 : memref<!tpu.dma_semaphore, #tpu.memory_space<semaphore_mem>>)
      %mul3A_244 = arith.constant 2 : i32
      %mul3A_245 = arith.muli %mul3A_244, %scan3A_195 : i32
      %add3A_246 = arith.constant 1 : i32
      %add3A_247 = arith.addi %mul3A_245, %add3A_246 : i32
      %mul3A_248 = arith.constant 40 : i32
      %mul3A_249 = arith.muli %add3A_247, %mul3A_248 : i32
      %add3A_250 = arith.addi %mul3A_41, %mul3A_249 : i32
      %add3A_251 = arith.constant 40 : i32
      %add3A_252 = arith.addi %add3A_250, %add3A_251 : i32
      %dma_wait3A_253 = tpu.memref_slice %arg6[%add3A_252] : memref<320000xi32, #tpu.memory_space<hbm>> -> memref<40xi32, #tpu.memory_space<hbm>>
      %dma_wait3A_254 = tpu.memref_slice %arg6[%add3A_252] : memref<320000xi32, #tpu.memory_space<hbm>> -> memref<40xi32, #tpu.memory_space<hbm>>
      tpu.wait_dma2 semaphore(%arg23 : memref<!tpu.dma_semaphore, #tpu.memory_space<semaphore_mem>>) src(%dma_wait3A_254 : memref<40xi32, #tpu.memory_space<hbm>>) dst(%arg9 : memref<40xi32, #tpu.memory_space<vmem>>)
      %dma_wait3A_255 = tpu.memref_slice %arg7[%add3A_252] : memref<320000xi32, #tpu.memory_space<hbm>> -> memref<40xi32, #tpu.memory_space<hbm>>
      %dma_wait3A_256 = tpu.memref_slice %arg7[%add3A_252] : memref<320000xi32, #tpu.memory_space<hbm>> -> memref<40xi32, #tpu.memory_space<hbm>>
      tpu.wait_dma2 semaphore(%arg25 : memref<!tpu.dma_semaphore, #tpu.memory_space<semaphore_mem>>) src(%dma_wait3A_256 : memref<40xi32, #tpu.memory_space<hbm>>) dst(%arg11 : memref<40xi32, #tpu.memory_space<vmem>>)
      %dma_start3A_257 = arith.constant 0 : i32
      %dma_start3A_258 = arith.constant 0 : i32
      %dma_start3A_259 = tpu.memref_slice %arg2[%dma_start3A_257, %dma_start3A_258] : memref<10000x256xbf16, #tpu.memory_space<hbm>> -> memref<10000x256xbf16, #tpu.memory_space<hbm>>
      tpu.enqueue_indirect_dma source(%dma_start3A_259 : memref<10000x256xbf16, #tpu.memory_space<hbm>>) target(%arg17 : memref<40x256xbf16, #tpu.memory_space<vmem>>) offsets(%arg11 : memref<40xi32, #tpu.memory_space<vmem>>) semaphore(%arg31 : memref<!tpu.dma_semaphore, #tpu.memory_space<semaphore_mem>>)
      %dma_start3A_260 = arith.constant 0 : i32
      %dma_start3A_261 = arith.constant 0 : i32
      %dma_start3A_262 = tpu.memref_slice %arg3[%dma_start3A_260, %dma_start3A_261] : memref<10000x256xbf16, #tpu.memory_space<hbm>> -> memref<10000x256xbf16, #tpu.memory_space<hbm>>
      tpu.enqueue_indirect_dma source(%dma_start3A_262 : memref<10000x256xbf16, #tpu.memory_space<hbm>>) target(%arg19 : memref<40x256xbf16, #tpu.memory_space<vmem>>) offsets(%arg9 : memref<40xi32, #tpu.memory_space<vmem>>) semaphore(%arg33 : memref<!tpu.dma_semaphore, #tpu.memory_space<semaphore_mem>>)
      %dma_wait3A_263 = arith.constant 0 : i32
      %dma_wait3A_264 = tpu.memref_slice %arg4[%add3A_250, %dma_wait3A_263] : memref<320000x128xbf16, #tpu.memory_space<hbm>> -> memref<40x128xbf16, #tpu.memory_space<hbm>>
      %dma_wait3A_265 = arith.constant 0 : i32
      %dma_wait3A_266 = tpu.memref_slice %arg4[%add3A_250, %dma_wait3A_265] : memref<320000x128xbf16, #tpu.memory_space<hbm>> -> memref<40x128xbf16, #tpu.memory_space<hbm>>
      tpu.wait_dma2 semaphore(%arg28 : memref<!tpu.dma_semaphore, #tpu.memory_space<semaphore_mem>>) src(%dma_wait3A_266 : memref<40x128xbf16, #tpu.memory_space<hbm>>) dst(%arg14 : memref<40x128xbf16, #tpu.memory_space<vmem>>)
      %dma_wait3A_267 = arith.constant 0 : i32
      %dma_wait3A_268 = tpu.memref_slice %arg5[%add3A_250, %dma_wait3A_267] : memref<320000x16xf32, #tpu.memory_space<hbm>> -> memref<40x16xf32, #tpu.memory_space<hbm>>
      %dma_wait3A_269 = arith.constant 0 : i32
      %dma_wait3A_270 = tpu.memref_slice %arg5[%add3A_250, %dma_wait3A_269] : memref<320000x16xf32, #tpu.memory_space<hbm>> -> memref<40x16xf32, #tpu.memory_space<hbm>>
      tpu.wait_dma2 semaphore(%arg30 : memref<!tpu.dma_semaphore, #tpu.memory_space<semaphore_mem>>) src(%dma_wait3A_270 : memref<40x16xf32, #tpu.memory_space<hbm>>) dst(%arg16 : memref<40x16xf32, #tpu.memory_space<vmem>>)
      %dma_wait3A_271 = arith.constant 0 : i32
      %dma_wait3A_272 = arith.constant 0 : i32
      %dma_wait3A_273 = tpu.memref_slice %arg2[%dma_wait3A_271, %dma_wait3A_272] : memref<10000x256xbf16, #tpu.memory_space<hbm>> -> memref<10000x256xbf16, #tpu.memory_space<hbm>>
      tpu.wait_indirect_dma semaphore(%arg32 : memref<!tpu.dma_semaphore, #tpu.memory_space<semaphore_mem>>) src(%dma_wait3A_273 : memref<10000x256xbf16, #tpu.memory_space<hbm>>) dst(%arg18 : memref<40x256xbf16, #tpu.memory_space<vmem>>)
      %dma_wait3A_274 = arith.constant 0 : i32
      %dma_wait3A_275 = arith.constant 0 : i32
      %dma_wait3A_276 = tpu.memref_slice %arg3[%dma_wait3A_274, %dma_wait3A_275] : memref<10000x256xbf16, #tpu.memory_space<hbm>> -> memref<10000x256xbf16, #tpu.memory_space<hbm>>
      tpu.wait_indirect_dma semaphore(%arg34 : memref<!tpu.dma_semaphore, #tpu.memory_space<semaphore_mem>>) src(%dma_wait3A_276 : memref<10000x256xbf16, #tpu.memory_space<hbm>>) dst(%arg20 : memref<40x256xbf16, #tpu.memory_space<vmem>>)
      %parallel_loop3A_277 = arith.constant 0 : i32
      %parallel_loop3A_278 = arith.constant 40 : i32
      %parallel_loop3A_279 = arith.constant 1 : i32
      scf.for %parallel_loop3A_294 = %parallel_loop3A_277 to %parallel_loop3A_278 step %parallel_loop3A_279  : i32 {
        %parallel_loop3A_295 = arith.index_cast %parallel_loop3A_294 : i32 to index
        %parallel_loop3A_296 = arith.constant 0 : index
        %parallel_loop3A_297 = tpu.vector_load %arg16[%parallel_loop3A_295, %parallel_loop3A_296] {strides = array<i32>} : memref<40x16xf32, #tpu.memory_space<vmem>>, vector<16xf32>,
        %parallel_loop3A_298 = arith.index_cast %parallel_loop3A_294 : i32 to index
        %parallel_loop3A_299 = arith.constant 0 : index
        %parallel_loop3A_300 = tpu.vector_load %arg18[%parallel_loop3A_298, %parallel_loop3A_299] {strides = array<i32>} : memref<40x256xbf16, #tpu.memory_space<vmem>>, vector<32xbf16>,
        %parallel_loop3A_301 = tpu.unpack_subelements %parallel_loop3A_300, 0 {pack_format = #tpu.pack_format<interleaved>} : vector<32xbf16> -> vector<16xf32>
        %parallel_loop3A_302 = tpu.unpack_subelements %parallel_loop3A_300, 1 {pack_format = #tpu.pack_format<interleaved>} : vector<32xbf16> -> vector<16xf32>
        %parallel_loop3A_303 = arith.index_cast %parallel_loop3A_294 : i32 to index
        %parallel_loop3A_304 = arith.constant 0 : index
        %parallel_loop3A_305 = tpu.vector_load %arg20[%parallel_loop3A_303, %parallel_loop3A_304] {strides = array<i32>} : memref<40x256xbf16, #tpu.memory_space<vmem>>, vector<32xbf16>,
        %parallel_loop3A_306 = tpu.unpack_subelements %parallel_loop3A_305, 0 {pack_format = #tpu.pack_format<interleaved>} : vector<32xbf16> -> vector<16xf32>
        %parallel_loop3A_307 = tpu.unpack_subelements %parallel_loop3A_305, 1 {pack_format = #tpu.pack_format<interleaved>} : vector<32xbf16> -> vector<16xf32>
        %parallel_loop3A_308 = arith.mulf %parallel_loop3A_301, %parallel_loop3A_306 : vector<16xf32>
        %parallel_loop3A_309 = arith.mulf %parallel_loop3A_302, %parallel_loop3A_297 : vector<16xf32>
        %parallel_loop3A_310 = arith.addf %parallel_loop3A_308, %parallel_loop3A_309 : vector<16xf32>
        %parallel_loop3A_311 = arith.constant true
        %parallel_loop3A_312 = vector.broadcast %parallel_loop3A_311 : i1 to vector<16xi1>
        %parallel_loop3A_313 = tpu.scan <sum>, %parallel_loop3A_310 masked %parallel_loop3A_312 : vector<16xf32>, vector<16xi1> -> vector<16xf32>
        %parallel_loop3A_314 = vector.extract %parallel_loop3A_313[15] : f32 from vector<16xf32>
        %parallel_loop3A_315 = arith.constant 0 : i32
        %parallel_loop3A_316 = vector.broadcast %parallel_loop3A_315 : i32 to vector<16xi32>
        %parallel_loop3A_317 = arith.cmpi eq, %iota3A, %parallel_loop3A_316 : vector<16xi32>
        %parallel_loop3A_318 = vector.broadcast %parallel_loop3A_314 : f32 to vector<16xf32>
        %parallel_loop3A_319 = arith.select %parallel_loop3A_317, %parallel_loop3A_318, %broadcast_in_dim3A_1 : vector<16xi1>, vector<16xf32>
        %parallel_loop3A_320 = arith.index_cast %parallel_loop3A_294 : i32 to index
        %parallel_loop3A_321 = arith.constant 32 : index
        %parallel_loop3A_322 = tpu.vector_load %arg18[%parallel_loop3A_320, %parallel_loop3A_321] {strides = array<i32>} : memref<40x256xbf16, #tpu.memory_space<vmem>>, vector<32xbf16>,
        %parallel_loop3A_323 = tpu.unpack_subelements %parallel_loop3A_322, 0 {pack_format = #tpu.pack_format<interleaved>} : vector<32xbf16> -> vector<16xf32>
        %parallel_loop3A_324 = tpu.unpack_subelements %parallel_loop3A_322, 1 {pack_format = #tpu.pack_format<interleaved>} : vector<32xbf16> -> vector<16xf32>
        %parallel_loop3A_325 = arith.index_cast %parallel_loop3A_294 : i32 to index
        %parallel_loop3A_326 = arith.constant 32 : index
        %parallel_loop3A_327 = tpu.vector_load %arg20[%parallel_loop3A_325, %parallel_loop3A_326] {strides = array<i32>} : memref<40x256xbf16, #tpu.memory_space<vmem>>, vector<32xbf16>,
        %parallel_loop3A_328 = tpu.unpack_subelements %parallel_loop3A_327, 0 {pack_format = #tpu.pack_format<interleaved>} : vector<32xbf16> -> vector<16xf32>
        %parallel_loop3A_329 = tpu.unpack_subelements %parallel_loop3A_327, 1 {pack_format = #tpu.pack_format<interleaved>} : vector<32xbf16> -> vector<16xf32>
        %parallel_loop3A_330 = arith.mulf %parallel_loop3A_323, %parallel_loop3A_328 : vector<16xf32>
        %parallel_loop3A_331 = arith.mulf %parallel_loop3A_324, %parallel_loop3A_297 : vector<16xf32>
        %parallel_loop3A_332 = arith.addf %parallel_loop3A_330, %parallel_loop3A_331 : vector<16xf32>
        %parallel_loop3A_333 = arith.constant true
        %parallel_loop3A_334 = vector.broadcast %parallel_loop3A_333 : i1 to vector<16xi1>
        %parallel_loop3A_335 = tpu.scan <sum>, %parallel_loop3A_332 masked %parallel_loop3A_334 : vector<16xf32>, vector<16xi1> -> vector<16xf32>
        %parallel_loop3A_336 = vector.extract %parallel_loop3A_335[15] : f32 from vector<16xf32>
        %parallel_loop3A_337 = arith.constant 1 : i32
        %parallel_loop3A_338 = vector.broadcast %parallel_loop3A_337 : i32 to vector<16xi32>
        %parallel_loop3A_339 = arith.cmpi eq, %iota3A, %parallel_loop3A_338 : vector<16xi32>
        %parallel_loop3A_340 = vector.broadcast %parallel_loop3A_336 : f32 to vector<16xf32>
        %parallel_loop3A_341 = arith.select %parallel_loop3A_339, %parallel_loop3A_340, %parallel_loop3A_319 : vector<16xi1>, vector<16xf32>
        %parallel_loop3A_342 = arith.index_cast %parallel_loop3A_294 : i32 to index
        %parallel_loop3A_343 = arith.constant 64 : index
        %parallel_loop3A_344 = tpu.vector_load %arg18[%parallel_loop3A_342, %parallel_loop3A_343] {strides = array<i32>} : memref<40x256xbf16, #tpu.memory_space<vmem>>, vector<32xbf16>,
        %parallel_loop3A_345 = tpu.unpack_subelements %parallel_loop3A_344, 0 {pack_format = #tpu.pack_format<interleaved>} : vector<32xbf16> -> vector<16xf32>
        %parallel_loop3A_346 = tpu.unpack_subelements %parallel_loop3A_344, 1 {pack_format = #tpu.pack_format<interleaved>} : vector<32xbf16> -> vector<16xf32>
        %parallel_loop3A_347 = arith.index_cast %parallel_loop3A_294 : i32 to index
        %parallel_loop3A_348 = arith.constant 64 : index
        %parallel_loop3A_349 = tpu.vector_load %arg20[%parallel_loop3A_347, %parallel_loop3A_348] {strides = array<i32>} : memref<40x256xbf16, #tpu.memory_space<vmem>>, vector<32xbf16>,
        %parallel_loop3A_350 = tpu.unpack_subelements %parallel_loop3A_349, 0 {pack_format = #tpu.pack_format<interleaved>} : vector<32xbf16> -> vector<16xf32>
        %parallel_loop3A_351 = tpu.unpack_subelements %parallel_loop3A_349, 1 {pack_format = #tpu.pack_format<interleaved>} : vector<32xbf16> -> vector<16xf32>
        %parallel_loop3A_352 = arith.mulf %parallel_loop3A_345, %parallel_loop3A_350 : vector<16xf32>
        %parallel_loop3A_353 = arith.mulf %parallel_loop3A_346, %parallel_loop3A_297 : vector<16xf32>
        %parallel_loop3A_354 = arith.addf %parallel_loop3A_352, %parallel_loop3A_353 : vector<16xf32>
        %parallel_loop3A_355 = arith.constant true
        %parallel_loop3A_356 = vector.broadcast %parallel_loop3A_355 : i1 to vector<16xi1>
        %parallel_loop3A_357 = tpu.scan <sum>, %parallel_loop3A_354 masked %parallel_loop3A_356 : vector<16xf32>, vector<16xi1> -> vector<16xf32>
        %parallel_loop3A_358 = vector.extract %parallel_loop3A_357[15] : f32 from vector<16xf32>
        %parallel_loop3A_359 = arith.constant 2 : i32
        %parallel_loop3A_360 = vector.broadcast %parallel_loop3A_359 : i32 to vector<16xi32>
        %parallel_loop3A_361 = arith.cmpi eq, %iota3A, %parallel_loop3A_360 : vector<16xi32>
        %parallel_loop3A_362 = vector.broadcast %parallel_loop3A_358 : f32 to vector<16xf32>
        %parallel_loop3A_363 = arith.select %parallel_loop3A_361, %parallel_loop3A_362, %parallel_loop3A_341 : vector<16xi1>, vector<16xf32>
        %parallel_loop3A_364 = arith.index_cast %parallel_loop3A_294 : i32 to index
        %parallel_loop3A_365 = arith.constant 96 : index
        %parallel_loop3A_366 = tpu.vector_load %arg18[%parallel_loop3A_364, %parallel_loop3A_365] {strides = array<i32>} : memref<40x256xbf16, #tpu.memory_space<vmem>>, vector<32xbf16>,
        %parallel_loop3A_367 = tpu.unpack_subelements %parallel_loop3A_366, 0 {pack_format = #tpu.pack_format<interleaved>} : vector<32xbf16> -> vector<16xf32>
        %parallel_loop3A_368 = tpu.unpack_subelements %parallel_loop3A_366, 1 {pack_format = #tpu.pack_format<interleaved>} : vector<32xbf16> -> vector<16xf32>
        %parallel_loop3A_369 = arith.index_cast %parallel_loop3A_294 : i32 to index
        %parallel_loop3A_370 = arith.constant 96 : index
        %parallel_loop3A_371 = tpu.vector_load %arg20[%parallel_loop3A_369, %parallel_loop3A_370] {strides = array<i32>} : memref<40x256xbf16, #tpu.memory_space<vmem>>, vector<32xbf16>,
        %parallel_loop3A_372 = tpu.unpack_subelements %parallel_loop3A_371, 0 {pack_format = #tpu.pack_format<interleaved>} : vector<32xbf16> -> vector<16xf32>
        %parallel_loop3A_373 = tpu.unpack_subelements %parallel_loop3A_371, 1 {pack_format = #tpu.pack_format<interleaved>} : vector<32xbf16> -> vector<16xf32>
        %parallel_loop3A_374 = arith.mulf %parallel_loop3A_367, %parallel_loop3A_372 : vector<16xf32>
        %parallel_loop3A_375 = arith.mulf %parallel_loop3A_368, %parallel_loop3A_297 : vector<16xf32>
        %parallel_loop3A_376 = arith.addf %parallel_loop3A_374, %parallel_loop3A_375 : vector<16xf32>
        %parallel_loop3A_377 = arith.constant true
        %parallel_loop3A_378 = vector.broadcast %parallel_loop3A_377 : i1 to vector<16xi1>
        %parallel_loop3A_379 = tpu.scan <sum>, %parallel_loop3A_376 masked %parallel_loop3A_378 : vector<16xf32>, vector<16xi1> -> vector<16xf32>
        %parallel_loop3A_380 = vector.extract %parallel_loop3A_379[15] : f32 from vector<16xf32>
        %parallel_loop3A_381 = arith.constant 3 : i32
        %parallel_loop3A_382 = vector.broadcast %parallel_loop3A_381 : i32 to vector<16xi32>
        %parallel_loop3A_383 = arith.cmpi eq, %iota3A, %parallel_loop3A_382 : vector<16xi32>
        %parallel_loop3A_384 = vector.broadcast %parallel_loop3A_380 : f32 to vector<16xf32>
        %parallel_loop3A_385 = arith.select %parallel_loop3A_383, %parallel_loop3A_384, %parallel_loop3A_363 : vector<16xi1>, vector<16xf32>
        %parallel_loop3A_386 = arith.index_cast %parallel_loop3A_294 : i32 to index
        %parallel_loop3A_387 = arith.constant 128 : index
        %parallel_loop3A_388 = tpu.vector_load %arg18[%parallel_loop3A_386, %parallel_loop3A_387] {strides = array<i32>} : memref<40x256xbf16, #tpu.memory_space<vmem>>, vector<32xbf16>,
        %parallel_loop3A_389 = tpu.unpack_subelements %parallel_loop3A_388, 0 {pack_format = #tpu.pack_format<interleaved>} : vector<32xbf16> -> vector<16xf32>
        %parallel_loop3A_390 = tpu.unpack_subelements %parallel_loop3A_388, 1 {pack_format = #tpu.pack_format<interleaved>} : vector<32xbf16> -> vector<16xf32>
        %parallel_loop3A_391 = arith.index_cast %parallel_loop3A_294 : i32 to index
        %parallel_loop3A_392 = arith.constant 128 : index
        %parallel_loop3A_393 = tpu.vector_load %arg20[%parallel_loop3A_391, %parallel_loop3A_392] {strides = array<i32>} : memref<40x256xbf16, #tpu.memory_space<vmem>>, vector<32xbf16>,
        %parallel_loop3A_394 = tpu.unpack_subelements %parallel_loop3A_393, 0 {pack_format = #tpu.pack_format<interleaved>} : vector<32xbf16> -> vector<16xf32>
        %parallel_loop3A_395 = tpu.unpack_subelements %parallel_loop3A_393, 1 {pack_format = #tpu.pack_format<interleaved>} : vector<32xbf16> -> vector<16xf32>
        %parallel_loop3A_396 = arith.mulf %parallel_loop3A_389, %parallel_loop3A_394 : vector<16xf32>
        %parallel_loop3A_397 = arith.mulf %parallel_loop3A_390, %parallel_loop3A_297 : vector<16xf32>
        %parallel_loop3A_398 = arith.addf %parallel_loop3A_396, %parallel_loop3A_397 : vector<16xf32>
        %parallel_loop3A_399 = arith.constant true
        %parallel_loop3A_400 = vector.broadcast %parallel_loop3A_399 : i1 to vector<16xi1>
        %parallel_loop3A_401 = tpu.scan <sum>, %parallel_loop3A_398 masked %parallel_loop3A_400 : vector<16xf32>, vector<16xi1> -> vector<16xf32>
        %parallel_loop3A_402 = vector.extract %parallel_loop3A_401[15] : f32 from vector<16xf32>
        %parallel_loop3A_403 = arith.constant 4 : i32
        %parallel_loop3A_404 = vector.broadcast %parallel_loop3A_403 : i32 to vector<16xi32>
        %parallel_loop3A_405 = arith.cmpi eq, %iota3A, %parallel_loop3A_404 : vector<16xi32>
        %parallel_loop3A_406 = vector.broadcast %parallel_loop3A_402 : f32 to vector<16xf32>
        %parallel_loop3A_407 = arith.select %parallel_loop3A_405, %parallel_loop3A_406, %parallel_loop3A_385 : vector<16xi1>, vector<16xf32>
        %parallel_loop3A_408 = arith.index_cast %parallel_loop3A_294 : i32 to index
        %parallel_loop3A_409 = arith.constant 160 : index
        %parallel_loop3A_410 = tpu.vector_load %arg18[%parallel_loop3A_408, %parallel_loop3A_409] {strides = array<i32>} : memref<40x256xbf16, #tpu.memory_space<vmem>>, vector<32xbf16>,
        %parallel_loop3A_411 = tpu.unpack_subelements %parallel_loop3A_410, 0 {pack_format = #tpu.pack_format<interleaved>} : vector<32xbf16> -> vector<16xf32>
        %parallel_loop3A_412 = tpu.unpack_subelements %parallel_loop3A_410, 1 {pack_format = #tpu.pack_format<interleaved>} : vector<32xbf16> -> vector<16xf32>
        %parallel_loop3A_413 = arith.index_cast %parallel_loop3A_294 : i32 to index
        %parallel_loop3A_414 = arith.constant 160 : index
        %parallel_loop3A_415 = tpu.vector_load %arg20[%parallel_loop3A_413, %parallel_loop3A_414] {strides = array<i32>} : memref<40x256xbf16, #tpu.memory_space<vmem>>, vector<32xbf16>,
        %parallel_loop3A_416 = tpu.unpack_subelements %parallel_loop3A_415, 0 {pack_format = #tpu.pack_format<interleaved>} : vector<32xbf16> -> vector<16xf32>
        %parallel_loop3A_417 = tpu.unpack_subelements %parallel_loop3A_415, 1 {pack_format = #tpu.pack_format<interleaved>} : vector<32xbf16> -> vector<16xf32>
        %parallel_loop3A_418 = arith.mulf %parallel_loop3A_411, %parallel_loop3A_416 : vector<16xf32>
        %parallel_loop3A_419 = arith.mulf %parallel_loop3A_412, %parallel_loop3A_297 : vector<16xf32>
        %parallel_loop3A_420 = arith.addf %parallel_loop3A_418, %parallel_loop3A_419 : vector<16xf32>
        %parallel_loop3A_421 = arith.constant true
        %parallel_loop3A_422 = vector.broadcast %parallel_loop3A_421 : i1 to vector<16xi1>
        %parallel_loop3A_423 = tpu.scan <sum>, %parallel_loop3A_420 masked %parallel_loop3A_422 : vector<16xf32>, vector<16xi1> -> vector<16xf32>
        %parallel_loop3A_424 = vector.extract %parallel_loop3A_423[15] : f32 from vector<16xf32>
        %parallel_loop3A_425 = arith.constant 5 : i32
        %parallel_loop3A_426 = vector.broadcast %parallel_loop3A_425 : i32 to vector<16xi32>
        %parallel_loop3A_427 = arith.cmpi eq, %iota3A, %parallel_loop3A_426 : vector<16xi32>
        %parallel_loop3A_428 = vector.broadcast %parallel_loop3A_424 : f32 to vector<16xf32>
        %parallel_loop3A_429 = arith.select %parallel_loop3A_427, %parallel_loop3A_428, %parallel_loop3A_407 : vector<16xi1>, vector<16xf32>
        %parallel_loop3A_430 = arith.index_cast %parallel_loop3A_294 : i32 to index
        %parallel_loop3A_431 = arith.constant 192 : index
        %parallel_loop3A_432 = tpu.vector_load %arg18[%parallel_loop3A_430, %parallel_loop3A_431] {strides = array<i32>} : memref<40x256xbf16, #tpu.memory_space<vmem>>, vector<32xbf16>,
        %parallel_loop3A_433 = tpu.unpack_subelements %parallel_loop3A_432, 0 {pack_format = #tpu.pack_format<interleaved>} : vector<32xbf16> -> vector<16xf32>
        %parallel_loop3A_434 = tpu.unpack_subelements %parallel_loop3A_432, 1 {pack_format = #tpu.pack_format<interleaved>} : vector<32xbf16> -> vector<16xf32>
        %parallel_loop3A_435 = arith.index_cast %parallel_loop3A_294 : i32 to index
        %parallel_loop3A_436 = arith.constant 192 : index
        %parallel_loop3A_437 = tpu.vector_load %arg20[%parallel_loop3A_435, %parallel_loop3A_436] {strides = array<i32>} : memref<40x256xbf16, #tpu.memory_space<vmem>>, vector<32xbf16>,
        %parallel_loop3A_438 = tpu.unpack_subelements %parallel_loop3A_437, 0 {pack_format = #tpu.pack_format<interleaved>} : vector<32xbf16> -> vector<16xf32>
        %parallel_loop3A_439 = tpu.unpack_subelements %parallel_loop3A_437, 1 {pack_format = #tpu.pack_format<interleaved>} : vector<32xbf16> -> vector<16xf32>
        %parallel_loop3A_440 = arith.mulf %parallel_loop3A_433, %parallel_loop3A_438 : vector<16xf32>
        %parallel_loop3A_441 = arith.mulf %parallel_loop3A_434, %parallel_loop3A_297 : vector<16xf32>
        %parallel_loop3A_442 = arith.addf %parallel_loop3A_440, %parallel_loop3A_441 : vector<16xf32>
        %parallel_loop3A_443 = arith.constant true
        %parallel_loop3A_444 = vector.broadcast %parallel_loop3A_443 : i1 to vector<16xi1>
        %parallel_loop3A_445 = tpu.scan <sum>, %parallel_loop3A_442 masked %parallel_loop3A_444 : vector<16xf32>, vector<16xi1> -> vector<16xf32>
        %parallel_loop3A_446 = vector.extract %parallel_loop3A_445[15] : f32 from vector<16xf32>
        %parallel_loop3A_447 = arith.constant 6 : i32
        %parallel_loop3A_448 = vector.broadcast %parallel_loop3A_447 : i32 to vector<16xi32>
        %parallel_loop3A_449 = arith.cmpi eq, %iota3A, %parallel_loop3A_448 : vector<16xi32>
        %parallel_loop3A_450 = vector.broadcast %parallel_loop3A_446 : f32 to vector<16xf32>
        %parallel_loop3A_451 = arith.select %parallel_loop3A_449, %parallel_loop3A_450, %parallel_loop3A_429 : vector<16xi1>, vector<16xf32>
        %parallel_loop3A_452 = arith.index_cast %parallel_loop3A_294 : i32 to index
        %parallel_loop3A_453 = arith.constant 224 : index
        %parallel_loop3A_454 = tpu.vector_load %arg18[%parallel_loop3A_452, %parallel_loop3A_453] {strides = array<i32>} : memref<40x256xbf16, #tpu.memory_space<vmem>>, vector<32xbf16>,
        %parallel_loop3A_455 = tpu.unpack_subelements %parallel_loop3A_454, 0 {pack_format = #tpu.pack_format<interleaved>} : vector<32xbf16> -> vector<16xf32>
        %parallel_loop3A_456 = tpu.unpack_subelements %parallel_loop3A_454, 1 {pack_format = #tpu.pack_format<interleaved>} : vector<32xbf16> -> vector<16xf32>
        %parallel_loop3A_457 = arith.index_cast %parallel_loop3A_294 : i32 to index
        %parallel_loop3A_458 = arith.constant 224 : index
        %parallel_loop3A_459 = tpu.vector_load %arg20[%parallel_loop3A_457, %parallel_loop3A_458] {strides = array<i32>} : memref<40x256xbf16, #tpu.memory_space<vmem>>, vector<32xbf16>,
        %parallel_loop3A_460 = tpu.unpack_subelements %parallel_loop3A_459, 0 {pack_format = #tpu.pack_format<interleaved>} : vector<32xbf16> -> vector<16xf32>
        %parallel_loop3A_461 = tpu.unpack_subelements %parallel_loop3A_459, 1 {pack_format = #tpu.pack_format<interleaved>} : vector<32xbf16> -> vector<16xf32>
        %parallel_loop3A_462 = arith.mulf %parallel_loop3A_455, %parallel_loop3A_460 : vector<16xf32>
        %parallel_loop3A_463 = arith.mulf %parallel_loop3A_456, %parallel_loop3A_297 : vector<16xf32>
        %parallel_loop3A_464 = arith.addf %parallel_loop3A_462, %parallel_loop3A_463 : vector<16xf32>
        %parallel_loop3A_465 = arith.constant true
        %parallel_loop3A_466 = vector.broadcast %parallel_loop3A_465 : i1 to vector<16xi1>
        %parallel_loop3A_467 = tpu.scan <sum>, %parallel_loop3A_464 masked %parallel_loop3A_466 : vector<16xf32>, vector<16xi1> -> vector<16xf32>
        %parallel_loop3A_468 = vector.extract %parallel_loop3A_467[15] : f32 from vector<16xf32>
        %parallel_loop3A_469 = arith.constant 7 : i32
        %parallel_loop3A_470 = vector.broadcast %parallel_loop3A_469 : i32 to vector<16xi32>
        %parallel_loop3A_471 = arith.cmpi eq, %iota3A, %parallel_loop3A_470 : vector<16xi32>
        %parallel_loop3A_472 = vector.broadcast %parallel_loop3A_468 : f32 to vector<16xf32>
        %parallel_loop3A_473 = arith.select %parallel_loop3A_471, %parallel_loop3A_472, %parallel_loop3A_451 : vector<16xi1>, vector<16xf32>
        %parallel_loop3A_474 = math.exp %parallel_loop3A_473 : vector<16xf32>
        %parallel_loop3A_475 = arith.index_cast %parallel_loop3A_294 : i32 to index
        %parallel_loop3A_476 = arith.constant 128 : index
        %parallel_loop3A_477 = tpu.vector_load %arg21[%parallel_loop3A_475, %parallel_loop3A_476] {strides = array<i32>} : memref<40x144xf32, #tpu.memory_space<vmem>>, vector<16xf32>,
        tpu.vector_store %arg21[%parallel_loop3A_475, %parallel_loop3A_476], %parallel_loop3A_474 {strides = array<i32>} : memref<40x144xf32, #tpu.memory_space<vmem>>, vector<16xf32>,
        %parallel_loop3A_478 = arith.index_cast %parallel_loop3A_294 : i32 to index
        %parallel_loop3A_479 = arith.constant 0 : index
        %parallel_loop3A_480 = tpu.vector_load %arg14[%parallel_loop3A_478, %parallel_loop3A_479] {strides = array<i32>} : memref<40x128xbf16, #tpu.memory_space<vmem>>, vector<32xbf16>,
        %parallel_loop3A_481 = tpu.unpack_subelements %parallel_loop3A_480, 0 {pack_format = #tpu.pack_format<interleaved>} : vector<32xbf16> -> vector<16xf32>
        %parallel_loop3A_482 = tpu.unpack_subelements %parallel_loop3A_480, 1 {pack_format = #tpu.pack_format<interleaved>} : vector<32xbf16> -> vector<16xf32>
        %parallel_loop3A_483 = arith.constant 0 : i32
        %parallel_loop3A_484 = vector.broadcast %parallel_loop3A_483 : i32 to vector<16xi32>
        %parallel_loop3A_485 = arith.constant 0 : i32
        %parallel_loop3A_486 = vector.broadcast %parallel_loop3A_485 : i32 to vector<16xi32>
        %parallel_loop3A_487 = arith.cmpi slt, %parallel_loop3A_484, %parallel_loop3A_486 : vector<16xi32>
        %parallel_loop3A_488 = arith.constant 16 : i32
        %parallel_loop3A_489 = vector.broadcast %parallel_loop3A_488 : i32 to vector<16xi32>
        %parallel_loop3A_490 = arith.addi %parallel_loop3A_484, %parallel_loop3A_489 : vector<16xi32>
        %parallel_loop3A_491 = arith.select %parallel_loop3A_487, %parallel_loop3A_490, %parallel_loop3A_484 : vector<16xi1>, vector<16xi32>
        %parallel_loop3A_492 = vector.shape_cast %parallel_loop3A_491 : vector<16xi32> to vector<16x1xi32>
        %parallel_loop3A_493 = vector.shape_cast %parallel_loop3A_492 : vector<16x1xi32> to vector<16xi32>
        %parallel_loop3A_494 = tpu.dynamic_gather %parallel_loop3A_474[%parallel_loop3A_493] in [0] : vector<16xf32>, vector<16xi32> -> vector<16xf32>
        %parallel_loop3A_495 = arith.addf %parallel_loop3A_307, %parallel_loop3A_481 : vector<16xf32>
        %parallel_loop3A_496 = arith.mulf %parallel_loop3A_494, %parallel_loop3A_495 : vector<16xf32>
        %parallel_loop3A_497 = arith.index_cast %parallel_loop3A_294 : i32 to index
        %parallel_loop3A_498 = arith.constant 0 : index
        %parallel_loop3A_499 = tpu.vector_load %arg21[%parallel_loop3A_497, %parallel_loop3A_498] {strides = array<i32>} : memref<40x144xf32, #tpu.memory_space<vmem>>, vector<16xf32>,
        tpu.vector_store %arg21[%parallel_loop3A_497, %parallel_loop3A_498], %parallel_loop3A_496 {strides = array<i32>} : memref<40x144xf32, #tpu.memory_space<vmem>>, vector<16xf32>,
        %parallel_loop3A_500 = arith.constant 1 : i32
        %parallel_loop3A_501 = vector.broadcast %parallel_loop3A_500 : i32 to vector<16xi32>
        %parallel_loop3A_502 = arith.constant 0 : i32
        %parallel_loop3A_503 = vector.broadcast %parallel_loop3A_502 : i32 to vector<16xi32>
        %parallel_loop3A_504 = arith.cmpi slt, %parallel_loop3A_501, %parallel_loop3A_503 : vector<16xi32>
        %parallel_loop3A_505 = arith.constant 16 : i32
        %parallel_loop3A_506 = vector.broadcast %parallel_loop3A_505 : i32 to vector<16xi32>
        %parallel_loop3A_507 = arith.addi %parallel_loop3A_501, %parallel_loop3A_506 : vector<16xi32>
        %parallel_loop3A_508 = arith.select %parallel_loop3A_504, %parallel_loop3A_507, %parallel_loop3A_501 : vector<16xi1>, vector<16xi32>
        %parallel_loop3A_509 = vector.shape_cast %parallel_loop3A_508 : vector<16xi32> to vector<16x1xi32>
        %parallel_loop3A_510 = vector.shape_cast %parallel_loop3A_509 : vector<16x1xi32> to vector<16xi32>
        %parallel_loop3A_511 = tpu.dynamic_gather %parallel_loop3A_474[%parallel_loop3A_510] in [0] : vector<16xf32>, vector<16xi32> -> vector<16xf32>
        %parallel_loop3A_512 = arith.addf %parallel_loop3A_329, %parallel_loop3A_482 : vector<16xf32>
        %parallel_loop3A_513 = arith.mulf %parallel_loop3A_511, %parallel_loop3A_512 : vector<16xf32>
        %parallel_loop3A_514 = arith.index_cast %parallel_loop3A_294 : i32 to index
        %parallel_loop3A_515 = arith.constant 16 : index
        %parallel_loop3A_516 = tpu.vector_load %arg21[%parallel_loop3A_514, %parallel_loop3A_515] {strides = array<i32>} : memref<40x144xf32, #tpu.memory_space<vmem>>, vector<16xf32>,
        tpu.vector_store %arg21[%parallel_loop3A_514, %parallel_loop3A_515], %parallel_loop3A_513 {strides = array<i32>} : memref<40x144xf32, #tpu.memory_space<vmem>>, vector<16xf32>,
        %parallel_loop3A_517 = arith.index_cast %parallel_loop3A_294 : i32 to index
        %parallel_loop3A_518 = arith.constant 32 : index
        %parallel_loop3A_519 = tpu.vector_load %arg14[%parallel_loop3A_517, %parallel_loop3A_518] {strides = array<i32>} : memref<40x128xbf16, #tpu.memory_space<vmem>>, vector<32xbf16>,
        %parallel_loop3A_520 = tpu.unpack_subelements %parallel_loop3A_519, 0 {pack_format = #tpu.pack_format<interleaved>} : vector<32xbf16> -> vector<16xf32>
        %parallel_loop3A_521 = tpu.unpack_subelements %parallel_loop3A_519, 1 {pack_format = #tpu.pack_format<interleaved>} : vector<32xbf16> -> vector<16xf32>
        %parallel_loop3A_522 = arith.constant 2 : i32
        %parallel_loop3A_523 = vector.broadcast %parallel_loop3A_522 : i32 to vector<16xi32>
        %parallel_loop3A_524 = arith.constant 0 : i32
        %parallel_loop3A_525 = vector.broadcast %parallel_loop3A_524 : i32 to vector<16xi32>
        %parallel_loop3A_526 = arith.cmpi slt, %parallel_loop3A_523, %parallel_loop3A_525 : vector<16xi32>
        %parallel_loop3A_527 = arith.constant 16 : i32
        %parallel_loop3A_528 = vector.broadcast %parallel_loop3A_527 : i32 to vector<16xi32>
        %parallel_loop3A_529 = arith.addi %parallel_loop3A_523, %parallel_loop3A_528 : vector<16xi32>
        %parallel_loop3A_530 = arith.select %parallel_loop3A_526, %parallel_loop3A_529, %parallel_loop3A_523 : vector<16xi1>, vector<16xi32>
        %parallel_loop3A_531 = vector.shape_cast %parallel_loop3A_530 : vector<16xi32> to vector<16x1xi32>
        %parallel_loop3A_532 = vector.shape_cast %parallel_loop3A_531 : vector<16x1xi32> to vector<16xi32>
        %parallel_loop3A_533 = tpu.dynamic_gather %parallel_loop3A_474[%parallel_loop3A_532] in [0] : vector<16xf32>, vector<16xi32> -> vector<16xf32>
        %parallel_loop3A_534 = arith.addf %parallel_loop3A_351, %parallel_loop3A_520 : vector<16xf32>
        %parallel_loop3A_535 = arith.mulf %parallel_loop3A_533, %parallel_loop3A_534 : vector<16xf32>
        %parallel_loop3A_536 = arith.index_cast %parallel_loop3A_294 : i32 to index
        %parallel_loop3A_537 = arith.constant 32 : index
        %parallel_loop3A_538 = tpu.vector_load %arg21[%parallel_loop3A_536, %parallel_loop3A_537] {strides = array<i32>} : memref<40x144xf32, #tpu.memory_space<vmem>>, vector<16xf32>,
        tpu.vector_store %arg21[%parallel_loop3A_536, %parallel_loop3A_537], %parallel_loop3A_535 {strides = array<i32>} : memref<40x144xf32, #tpu.memory_space<vmem>>, vector<16xf32>,
        %parallel_loop3A_539 = arith.constant 3 : i32
        %parallel_loop3A_540 = vector.broadcast %parallel_loop3A_539 : i32 to vector<16xi32>
        %parallel_loop3A_541 = arith.constant 0 : i32
        %parallel_loop3A_542 = vector.broadcast %parallel_loop3A_541 : i32 to vector<16xi32>
        %parallel_loop3A_543 = arith.cmpi slt, %parallel_loop3A_540, %parallel_loop3A_542 : vector<16xi32>
        %parallel_loop3A_544 = arith.constant 16 : i32
        %parallel_loop3A_545 = vector.broadcast %parallel_loop3A_544 : i32 to vector<16xi32>
        %parallel_loop3A_546 = arith.addi %parallel_loop3A_540, %parallel_loop3A_545 : vector<16xi32>
        %parallel_loop3A_547 = arith.select %parallel_loop3A_543, %parallel_loop3A_546, %parallel_loop3A_540 : vector<16xi1>, vector<16xi32>
        %parallel_loop3A_548 = vector.shape_cast %parallel_loop3A_547 : vector<16xi32> to vector<16x1xi32>
        %parallel_loop3A_549 = vector.shape_cast %parallel_loop3A_548 : vector<16x1xi32> to vector<16xi32>
        %parallel_loop3A_550 = tpu.dynamic_gather %parallel_loop3A_474[%parallel_loop3A_549] in [0] : vector<16xf32>, vector<16xi32> -> vector<16xf32>
        %parallel_loop3A_551 = arith.addf %parallel_loop3A_373, %parallel_loop3A_521 : vector<16xf32>
        %parallel_loop3A_552 = arith.mulf %parallel_loop3A_550, %parallel_loop3A_551 : vector<16xf32>
        %parallel_loop3A_553 = arith.index_cast %parallel_loop3A_294 : i32 to index
        %parallel_loop3A_554 = arith.constant 48 : index
        %parallel_loop3A_555 = tpu.vector_load %arg21[%parallel_loop3A_553, %parallel_loop3A_554] {strides = array<i32>} : memref<40x144xf32, #tpu.memory_space<vmem>>, vector<16xf32>,
        tpu.vector_store %arg21[%parallel_loop3A_553, %parallel_loop3A_554], %parallel_loop3A_552 {strides = array<i32>} : memref<40x144xf32, #tpu.memory_space<vmem>>, vector<16xf32>,
        %parallel_loop3A_556 = arith.index_cast %parallel_loop3A_294 : i32 to index
        %parallel_loop3A_557 = arith.constant 64 : index
        %parallel_loop3A_558 = tpu.vector_load %arg14[%parallel_loop3A_556, %parallel_loop3A_557] {strides = array<i32>} : memref<40x128xbf16, #tpu.memory_space<vmem>>, vector<32xbf16>,
        %parallel_loop3A_559 = tpu.unpack_subelements %parallel_loop3A_558, 0 {pack_format = #tpu.pack_format<interleaved>} : vector<32xbf16> -> vector<16xf32>
        %parallel_loop3A_560 = tpu.unpack_subelements %parallel_loop3A_558, 1 {pack_format = #tpu.pack_format<interleaved>} : vector<32xbf16> -> vector<16xf32>
        %parallel_loop3A_561 = arith.constant 4 : i32
        %parallel_loop3A_562 = vector.broadcast %parallel_loop3A_561 : i32 to vector<16xi32>
        %parallel_loop3A_563 = arith.constant 0 : i32
        %parallel_loop3A_564 = vector.broadcast %parallel_loop3A_563 : i32 to vector<16xi32>
        %parallel_loop3A_565 = arith.cmpi slt, %parallel_loop3A_562, %parallel_loop3A_564 : vector<16xi32>
        %parallel_loop3A_566 = arith.constant 16 : i32
        %parallel_loop3A_567 = vector.broadcast %parallel_loop3A_566 : i32 to vector<16xi32>
        %parallel_loop3A_568 = arith.addi %parallel_loop3A_562, %parallel_loop3A_567 : vector<16xi32>
        %parallel_loop3A_569 = arith.select %parallel_loop3A_565, %parallel_loop3A_568, %parallel_loop3A_562 : vector<16xi1>, vector<16xi32>
        %parallel_loop3A_570 = vector.shape_cast %parallel_loop3A_569 : vector<16xi32> to vector<16x1xi32>
        %parallel_loop3A_571 = vector.shape_cast %parallel_loop3A_570 : vector<16x1xi32> to vector<16xi32>
        %parallel_loop3A_572 = tpu.dynamic_gather %parallel_loop3A_474[%parallel_loop3A_571] in [0] : vector<16xf32>, vector<16xi32> -> vector<16xf32>
        %parallel_loop3A_573 = arith.addf %parallel_loop3A_395, %parallel_loop3A_559 : vector<16xf32>
        %parallel_loop3A_574 = arith.mulf %parallel_loop3A_572, %parallel_loop3A_573 : vector<16xf32>
        %parallel_loop3A_575 = arith.index_cast %parallel_loop3A_294 : i32 to index
        %parallel_loop3A_576 = arith.constant 64 : index
        %parallel_loop3A_577 = tpu.vector_load %arg21[%parallel_loop3A_575, %parallel_loop3A_576] {strides = array<i32>} : memref<40x144xf32, #tpu.memory_space<vmem>>, vector<16xf32>,
        tpu.vector_store %arg21[%parallel_loop3A_575, %parallel_loop3A_576], %parallel_loop3A_574 {strides = array<i32>} : memref<40x144xf32, #tpu.memory_space<vmem>>, vector<16xf32>,
        %parallel_loop3A_578 = arith.constant 5 : i32
        %parallel_loop3A_579 = vector.broadcast %parallel_loop3A_578 : i32 to vector<16xi32>
        %parallel_loop3A_580 = arith.constant 0 : i32
        %parallel_loop3A_581 = vector.broadcast %parallel_loop3A_580 : i32 to vector<16xi32>
        %parallel_loop3A_582 = arith.cmpi slt, %parallel_loop3A_579, %parallel_loop3A_581 : vector<16xi32>
        %parallel_loop3A_583 = arith.constant 16 : i32
        %parallel_loop3A_584 = vector.broadcast %parallel_loop3A_583 : i32 to vector<16xi32>
        %parallel_loop3A_585 = arith.addi %parallel_loop3A_579, %parallel_loop3A_584 : vector<16xi32>
        %parallel_loop3A_586 = arith.select %parallel_loop3A_582, %parallel_loop3A_585, %parallel_loop3A_579 : vector<16xi1>, vector<16xi32>
        %parallel_loop3A_587 = vector.shape_cast %parallel_loop3A_586 : vector<16xi32> to vector<16x1xi32>
        %parallel_loop3A_588 = vector.shape_cast %parallel_loop3A_587 : vector<16x1xi32> to vector<16xi32>
        %parallel_loop3A_589 = tpu.dynamic_gather %parallel_loop3A_474[%parallel_loop3A_588] in [0] : vector<16xf32>, vector<16xi32> -> vector<16xf32>
        %parallel_loop3A_590 = arith.addf %parallel_loop3A_417, %parallel_loop3A_560 : vector<16xf32>
        %parallel_loop3A_591 = arith.mulf %parallel_loop3A_589, %parallel_loop3A_590 : vector<16xf32>
        %parallel_loop3A_592 = arith.index_cast %parallel_loop3A_294 : i32 to index
        %parallel_loop3A_593 = arith.constant 80 : index
        %parallel_loop3A_594 = tpu.vector_load %arg21[%parallel_loop3A_592, %parallel_loop3A_593] {strides = array<i32>} : memref<40x144xf32, #tpu.memory_space<vmem>>, vector<16xf32>,
        tpu.vector_store %arg21[%parallel_loop3A_592, %parallel_loop3A_593], %parallel_loop3A_591 {strides = array<i32>} : memref<40x144xf32, #tpu.memory_space<vmem>>, vector<16xf32>,
        %parallel_loop3A_595 = arith.index_cast %parallel_loop3A_294 : i32 to index
        %parallel_loop3A_596 = arith.constant 96 : index
        %parallel_loop3A_597 = tpu.vector_load %arg14[%parallel_loop3A_595, %parallel_loop3A_596] {strides = array<i32>} : memref<40x128xbf16, #tpu.memory_space<vmem>>, vector<32xbf16>,
        %parallel_loop3A_598 = tpu.unpack_subelements %parallel_loop3A_597, 0 {pack_format = #tpu.pack_format<interleaved>} : vector<32xbf16> -> vector<16xf32>
        %parallel_loop3A_599 = tpu.unpack_subelements %parallel_loop3A_597, 1 {pack_format = #tpu.pack_format<interleaved>} : vector<32xbf16> -> vector<16xf32>
        %parallel_loop3A_600 = arith.constant 6 : i32
        %parallel_loop3A_601 = vector.broadcast %parallel_loop3A_600 : i32 to vector<16xi32>
        %parallel_loop3A_602 = arith.constant 0 : i32
        %parallel_loop3A_603 = vector.broadcast %parallel_loop3A_602 : i32 to vector<16xi32>
        %parallel_loop3A_604 = arith.cmpi slt, %parallel_loop3A_601, %parallel_loop3A_603 : vector<16xi32>
        %parallel_loop3A_605 = arith.constant 16 : i32
        %parallel_loop3A_606 = vector.broadcast %parallel_loop3A_605 : i32 to vector<16xi32>
        %parallel_loop3A_607 = arith.addi %parallel_loop3A_601, %parallel_loop3A_606 : vector<16xi32>
        %parallel_loop3A_608 = arith.select %parallel_loop3A_604, %parallel_loop3A_607, %parallel_loop3A_601 : vector<16xi1>, vector<16xi32>
        %parallel_loop3A_609 = vector.shape_cast %parallel_loop3A_608 : vector<16xi32> to vector<16x1xi32>
        %parallel_loop3A_610 = vector.shape_cast %parallel_loop3A_609 : vector<16x1xi32> to vector<16xi32>
        %parallel_loop3A_611 = tpu.dynamic_gather %parallel_loop3A_474[%parallel_loop3A_610] in [0] : vector<16xf32>, vector<16xi32> -> vector<16xf32>
        %parallel_loop3A_612 = arith.addf %parallel_loop3A_439, %parallel_loop3A_598 : vector<16xf32>
        %parallel_loop3A_613 = arith.mulf %parallel_loop3A_611, %parallel_loop3A_612 : vector<16xf32>
        %parallel_loop3A_614 = arith.index_cast %parallel_loop3A_294 : i32 to index
        %parallel_loop3A_615 = arith.constant 96 : index
        %parallel_loop3A_616 = tpu.vector_load %arg21[%parallel_loop3A_614, %parallel_loop3A_615] {strides = array<i32>} : memref<40x144xf32, #tpu.memory_space<vmem>>, vector<16xf32>,
        tpu.vector_store %arg21[%parallel_loop3A_614, %parallel_loop3A_615], %parallel_loop3A_613 {strides = array<i32>} : memref<40x144xf32, #tpu.memory_space<vmem>>, vector<16xf32>,
        %parallel_loop3A_617 = arith.constant 7 : i32
        %parallel_loop3A_618 = vector.broadcast %parallel_loop3A_617 : i32 to vector<16xi32>
        %parallel_loop3A_619 = arith.constant 0 : i32
        %parallel_loop3A_620 = vector.broadcast %parallel_loop3A_619 : i32 to vector<16xi32>
        %parallel_loop3A_621 = arith.cmpi slt, %parallel_loop3A_618, %parallel_loop3A_620 : vector<16xi32>
        %parallel_loop3A_622 = arith.constant 16 : i32
        %parallel_loop3A_623 = vector.broadcast %parallel_loop3A_622 : i32 to vector<16xi32>
        %parallel_loop3A_624 = arith.addi %parallel_loop3A_618, %parallel_loop3A_623 : vector<16xi32>
        %parallel_loop3A_625 = arith.select %parallel_loop3A_621, %parallel_loop3A_624, %parallel_loop3A_618 : vector<16xi1>, vector<16xi32>
        %parallel_loop3A_626 = vector.shape_cast %parallel_loop3A_625 : vector<16xi32> to vector<16x1xi32>
        %parallel_loop3A_627 = vector.shape_cast %parallel_loop3A_626 : vector<16x1xi32> to vector<16xi32>
        %parallel_loop3A_628 = tpu.dynamic_gather %parallel_loop3A_474[%parallel_loop3A_627] in [0] : vector<16xf32>, vector<16xi32> -> vector<16xf32>
        %parallel_loop3A_629 = arith.addf %parallel_loop3A_461, %parallel_loop3A_599 : vector<16xf32>
        %parallel_loop3A_630 = arith.mulf %parallel_loop3A_628, %parallel_loop3A_629 : vector<16xf32>
        %parallel_loop3A_631 = arith.index_cast %parallel_loop3A_294 : i32 to index
        %parallel_loop3A_632 = arith.constant 112 : index
        %parallel_loop3A_633 = tpu.vector_load %arg21[%parallel_loop3A_631, %parallel_loop3A_632] {strides = array<i32>} : memref<40x144xf32, #tpu.memory_space<vmem>>, vector<16xf32>,
        tpu.vector_store %arg21[%parallel_loop3A_631, %parallel_loop3A_632], %parallel_loop3A_630 {strides = array<i32>} : memref<40x144xf32, #tpu.memory_space<vmem>>, vector<16xf32>,
      } {sc.loop_unroll_factor = 1 : i64, sc.parallel_access}
      "tpu.region"() ({
        %run_scoped3A = tpu.sem_alloc : memref<!tpu.dma_semaphore, #tpu.memory_space<semaphore_mem>>
        %dma_start3A_294 = arith.constant 0 : i32
        %dma_start3A_295 = arith.constant 0 : i32
        %dma_start3A_296 = tpu.memref_slice %arg22[%dma_start3A_294, %dma_start3A_295] : memref<10000x144xf32, #tpu.memory_space<vmem_shared>> -> memref<10000x144xf32, #tpu.memory_space<vmem_shared>>
        tpu.enqueue_indirect_dma source(%arg21 : memref<40x144xf32, #tpu.memory_space<vmem>>) target(%dma_start3A_296 : memref<10000x144xf32, #tpu.memory_space<vmem_shared>>) offsets(%arg12 : memref<40xi32, #tpu.memory_space<vmem>>) semaphore(%run_scoped3A : memref<!tpu.dma_semaphore, #tpu.memory_space<semaphore_mem>>) {add = true}
        %dma_wait3A_297 = arith.constant 0 : i32
        %dma_wait3A_298 = arith.constant 0 : i32
        %dma_wait3A_299 = tpu.memref_slice %arg22[%dma_wait3A_297, %dma_wait3A_298] : memref<10000x144xf32, #tpu.memory_space<vmem_shared>> -> memref<10000x144xf32, #tpu.memory_space<vmem_shared>>
        tpu.wait_indirect_dma semaphore(%run_scoped3A : memref<!tpu.dma_semaphore, #tpu.memory_space<semaphore_mem>>) src(%arg21 : memref<40x144xf32, #tpu.memory_space<vmem>>) dst(%dma_wait3A_299 : memref<10000x144xf32, #tpu.memory_space<vmem_shared>>)
        tpu.yield
      }) : () -> ()
      %add3A_280 = arith.constant 80 : i32
      %add3A_281 = arith.addi %add3A_250, %add3A_280 : i32
      %dma_start3A_282 = tpu.memref_slice %arg6[%add3A_281] : memref<320000xi32, #tpu.memory_space<hbm>> -> memref<40xi32, #tpu.memory_space<hbm>>
      %dma_start3A_283 = tpu.memref_slice %arg6[%add3A_281] : memref<320000xi32, #tpu.memory_space<hbm>> -> memref<40xi32, #tpu.memory_space<hbm>>
      tpu.enqueue_dma source(%dma_start3A_283 : memref<40xi32, #tpu.memory_space<hbm>>) target(%arg10 : memref<40xi32, #tpu.memory_space<vmem>>) target_semaphore(%arg24 : memref<!tpu.dma_semaphore, #tpu.memory_space<semaphore_mem>>)
      %dma_start3A_284 = tpu.memref_slice %arg7[%add3A_281] : memref<320000xi32, #tpu.memory_space<hbm>> -> memref<40xi32, #tpu.memory_space<hbm>>
      %dma_start3A_285 = tpu.memref_slice %arg7[%add3A_281] : memref<320000xi32, #tpu.memory_space<hbm>> -> memref<40xi32, #tpu.memory_space<hbm>>
      tpu.enqueue_dma source(%dma_start3A_285 : memref<40xi32, #tpu.memory_space<hbm>>) target(%arg12 : memref<40xi32, #tpu.memory_space<vmem>>) target_semaphore(%arg26 : memref<!tpu.dma_semaphore, #tpu.memory_space<semaphore_mem>>)
      %dma_start3A_286 = arith.constant 0 : i32
      %dma_start3A_287 = tpu.memref_slice %arg4[%add3A_281, %dma_start3A_286] : memref<320000x128xbf16, #tpu.memory_space<hbm>> -> memref<40x128xbf16, #tpu.memory_space<hbm>>
      %dma_start3A_288 = arith.constant 0 : i32
      %dma_start3A_289 = tpu.memref_slice %arg4[%add3A_281, %dma_start3A_288] : memref<320000x128xbf16, #tpu.memory_space<hbm>> -> memref<40x128xbf16, #tpu.memory_space<hbm>>
      tpu.enqueue_dma source(%dma_start3A_289 : memref<40x128xbf16, #tpu.memory_space<hbm>>) target(%arg14 : memref<40x128xbf16, #tpu.memory_space<vmem>>) target_semaphore(%arg28 : memref<!tpu.dma_semaphore, #tpu.memory_space<semaphore_mem>>)
      %dma_start3A_290 = arith.constant 0 : i32
      %dma_start3A_291 = tpu.memref_slice %arg5[%add3A_281, %dma_start3A_290] : memref<320000x16xf32, #tpu.memory_space<hbm>> -> memref<40x16xf32, #tpu.memory_space<hbm>>
      %dma_start3A_292 = arith.constant 0 : i32
      %dma_start3A_293 = tpu.memref_slice %arg5[%add3A_281, %dma_start3A_292] : memref<320000x16xf32, #tpu.memory_space<hbm>> -> memref<40x16xf32, #tpu.memory_space<hbm>>
      tpu.enqueue_dma source(%dma_start3A_293 : memref<40x16xf32, #tpu.memory_space<hbm>>) target(%arg16 : memref<40x16xf32, #tpu.memory_space<vmem>>) target_semaphore(%arg30 : memref<!tpu.dma_semaphore, #tpu.memory_space<semaphore_mem>>)
    }
    %scan3A_80 = arith.constant 124 : i32
    %add3A_81 = arith.constant 9920 : i32
    %add3A_82 = arith.addi %mul3A_41, %add3A_81 : i32
    %add3A_83 = arith.constant 40 : i32
    %add3A_84 = arith.addi %add3A_82, %add3A_83 : i32
    %dma_wait3A_85 = tpu.memref_slice %arg6[%add3A_84] : memref<320000xi32, #tpu.memory_space<hbm>> -> memref<40xi32, #tpu.memory_space<hbm>>
    %dma_wait3A_86 = tpu.memref_slice %arg6[%add3A_84] : memref<320000xi32, #tpu.memory_space<hbm>> -> memref<40xi32, #tpu.memory_space<hbm>>
    tpu.wait_dma2 semaphore(%arg24 : memref<!tpu.dma_semaphore, #tpu.memory_space<semaphore_mem>>) src(%dma_wait3A_86 : memref<40xi32, #tpu.memory_space<hbm>>) dst(%arg10 : memref<40xi32, #tpu.memory_space<vmem>>)
    %dma_wait3A_87 = tpu.memref_slice %arg7[%add3A_84] : memref<320000xi32, #tpu.memory_space<hbm>> -> memref<40xi32, #tpu.memory_space<hbm>>
    %dma_wait3A_88 = tpu.memref_slice %arg7[%add3A_84] : memref<320000xi32, #tpu.memory_space<hbm>> -> memref<40xi32, #tpu.memory_space<hbm>>
    tpu.wait_dma2 semaphore(%arg26 : memref<!tpu.dma_semaphore, #tpu.memory_space<semaphore_mem>>) src(%dma_wait3A_88 : memref<40xi32, #tpu.memory_space<hbm>>) dst(%arg12 : memref<40xi32, #tpu.memory_space<vmem>>)
    %dma_start3A_89 = arith.constant 0 : i32
    %dma_start3A_90 = arith.constant 0 : i32
    %dma_start3A_91 = tpu.memref_slice %arg2[%dma_start3A_89, %dma_start3A_90] : memref<10000x256xbf16, #tpu.memory_space<hbm>> -> memref<10000x256xbf16, #tpu.memory_space<hbm>>
    tpu.enqueue_indirect_dma source(%dma_start3A_91 : memref<10000x256xbf16, #tpu.memory_space<hbm>>) target(%arg18 : memref<40x256xbf16, #tpu.memory_space<vmem>>) offsets(%arg12 : memref<40xi32, #tpu.memory_space<vmem>>) semaphore(%arg32 : memref<!tpu.dma_semaphore, #tpu.memory_space<semaphore_mem>>)
    %dma_start3A_92 = arith.constant 0 : i32
    %dma_start3A_93 = arith.constant 0 : i32
    %dma_start3A_94 = tpu.memref_slice %arg3[%dma_start3A_92, %dma_start3A_93] : memref<10000x256xbf16, #tpu.memory_space<hbm>> -> memref<10000x256xbf16, #tpu.memory_space<hbm>>
    tpu.enqueue_indirect_dma source(%dma_start3A_94 : memref<10000x256xbf16, #tpu.memory_space<hbm>>) target(%arg20 : memref<40x256xbf16, #tpu.memory_space<vmem>>) offsets(%arg10 : memref<40xi32, #tpu.memory_space<vmem>>) semaphore(%arg34 : memref<!tpu.dma_semaphore, #tpu.memory_space<semaphore_mem>>)
    %dma_wait3A_95 = arith.constant 0 : i32
    %dma_wait3A_96 = tpu.memref_slice %arg4[%add3A_82, %dma_wait3A_95] : memref<320000x128xbf16, #tpu.memory_space<hbm>> -> memref<40x128xbf16, #tpu.memory_space<hbm>>
    %dma_wait3A_97 = arith.constant 0 : i32
    %dma_wait3A_98 = tpu.memref_slice %arg4[%add3A_82, %dma_wait3A_97] : memref<320000x128xbf16, #tpu.memory_space<hbm>> -> memref<40x128xbf16, #tpu.memory_space<hbm>>
    tpu.wait_dma2 semaphore(%arg27 : memref<!tpu.dma_semaphore, #tpu.memory_space<semaphore_mem>>) src(%dma_wait3A_98 : memref<40x128xbf16, #tpu.memory_space<hbm>>) dst(%arg13 : memref<40x128xbf16, #tpu.memory_space<vmem>>)
    %dma_wait3A_99 = arith.constant 0 : i32
    %dma_wait3A_100 = tpu.memref_slice %arg5[%add3A_82, %dma_wait3A_99] : memref<320000x16xf32, #tpu.memory_space<hbm>> -> memref<40x16xf32, #tpu.memory_space<hbm>>
    %dma_wait3A_101 = arith.constant 0 : i32
    %dma_wait3A_102 = tpu.memref_slice %arg5[%add3A_82, %dma_wait3A_101] : memref<320000x16xf32, #tpu.memory_space<hbm>> -> memref<40x16xf32, #tpu.memory_space<hbm>>
    tpu.wait_dma2 semaphore(%arg29 : memref<!tpu.dma_semaphore, #tpu.memory_space<semaphore_mem>>) src(%dma_wait3A_102 : memref<40x16xf32, #tpu.memory_space<hbm>>) dst(%arg15 : memref<40x16xf32, #tpu.memory_space<vmem>>)
    %dma_wait3A_103 = arith.constant 0 : i32
    %dma_wait3A_104 = arith.constant 0 : i32
    %dma_wait3A_105 = tpu.memref_slice %arg2[%dma_wait3A_103, %dma_wait3A_104] : memref<10000x256xbf16, #tpu.memory_space<hbm>> -> memref<10000x256xbf16, #tpu.memory_space<hbm>>
    tpu.wait_indirect_dma semaphore(%arg31 : memref<!tpu.dma_semaphore, #tpu.memory_space<semaphore_mem>>) src(%dma_wait3A_105 : memref<10000x256xbf16, #tpu.memory_space<hbm>>) dst(%arg17 : memref<40x256xbf16, #tpu.memory_space<vmem>>)
    %dma_wait3A_106 = arith.constant 0 : i32
    %dma_wait3A_107 = arith.constant 0 : i32
    %dma_wait3A_108 = tpu.memref_slice %arg3[%dma_wait3A_106, %dma_wait3A_107] : memref<10000x256xbf16, #tpu.memory_space<hbm>> -> memref<10000x256xbf16, #tpu.memory_space<hbm>>
    tpu.wait_indirect_dma semaphore(%arg33 : memref<!tpu.dma_semaphore, #tpu.memory_space<semaphore_mem>>) src(%dma_wait3A_108 : memref<10000x256xbf16, #tpu.memory_space<hbm>>) dst(%arg19 : memref<40x256xbf16, #tpu.memory_space<vmem>>)
    %parallel_loop3A = arith.constant 0 : i32
    %parallel_loop3A_109 = arith.constant 40 : i32
    %parallel_loop3A_110 = arith.constant 1 : i32
    scf.for %parallel_loop3A_195 = %parallel_loop3A to %parallel_loop3A_109 step %parallel_loop3A_110  : i32 {
      %parallel_loop3A_196 = arith.index_cast %parallel_loop3A_195 : i32 to index
      %parallel_loop3A_197 = arith.constant 0 : index
      %parallel_loop3A_198 = tpu.vector_load %arg15[%parallel_loop3A_196, %parallel_loop3A_197] {strides = array<i32>} : memref<40x16xf32, #tpu.memory_space<vmem>>, vector<16xf32>,
      %parallel_loop3A_199 = arith.index_cast %parallel_loop3A_195 : i32 to index
      %parallel_loop3A_200 = arith.constant 0 : index
      %parallel_loop3A_201 = tpu.vector_load %arg17[%parallel_loop3A_199, %parallel_loop3A_200] {strides = array<i32>} : memref<40x256xbf16, #tpu.memory_space<vmem>>, vector<32xbf16>,
      %parallel_loop3A_202 = tpu.unpack_subelements %parallel_loop3A_201, 0 {pack_format = #tpu.pack_format<interleaved>} : vector<32xbf16> -> vector<16xf32>
      %parallel_loop3A_203 = tpu.unpack_subelements %parallel_loop3A_201, 1 {pack_format = #tpu.pack_format<interleaved>} : vector<32xbf16> -> vector<16xf32>
      %parallel_loop3A_204 = arith.index_cast %parallel_loop3A_195 : i32 to index
      %parallel_loop3A_205 = arith.constant 0 : index
      %parallel_loop3A_206 = tpu.vector_load %arg19[%parallel_loop3A_204, %parallel_loop3A_205] {strides = array<i32>} : memref<40x256xbf16, #tpu.memory_space<vmem>>, vector<32xbf16>,
      %parallel_loop3A_207 = tpu.unpack_subelements %parallel_loop3A_206, 0 {pack_format = #tpu.pack_format<interleaved>} : vector<32xbf16> -> vector<16xf32>
      %parallel_loop3A_208 = tpu.unpack_subelements %parallel_loop3A_206, 1 {pack_format = #tpu.pack_format<interleaved>} : vector<32xbf16> -> vector<16xf32>
      %parallel_loop3A_209 = arith.mulf %parallel_loop3A_202, %parallel_loop3A_207 : vector<16xf32>
      %parallel_loop3A_210 = arith.mulf %parallel_loop3A_203, %parallel_loop3A_198 : vector<16xf32>
      %parallel_loop3A_211 = arith.addf %parallel_loop3A_209, %parallel_loop3A_210 : vector<16xf32>
      %parallel_loop3A_212 = arith.constant true
      %parallel_loop3A_213 = vector.broadcast %parallel_loop3A_212 : i1 to vector<16xi1>
      %parallel_loop3A_214 = tpu.scan <sum>, %parallel_loop3A_211 masked %parallel_loop3A_213 : vector<16xf32>, vector<16xi1> -> vector<16xf32>
      %parallel_loop3A_215 = vector.extract %parallel_loop3A_214[15] : f32 from vector<16xf32>
      %parallel_loop3A_216 = arith.constant 0 : i32
      %parallel_loop3A_217 = vector.broadcast %parallel_loop3A_216 : i32 to vector<16xi32>
      %parallel_loop3A_218 = arith.cmpi eq, %iota3A, %parallel_loop3A_217 : vector<16xi32>
      %parallel_loop3A_219 = vector.broadcast %parallel_loop3A_215 : f32 to vector<16xf32>
      %parallel_loop3A_220 = arith.select %parallel_loop3A_218, %parallel_loop3A_219, %broadcast_in_dim3A_1 : vector<16xi1>, vector<16xf32>
      %parallel_loop3A_221 = arith.index_cast %parallel_loop3A_195 : i32 to index
      %parallel_loop3A_222 = arith.constant 32 : index
      %parallel_loop3A_223 = tpu.vector_load %arg17[%parallel_loop3A_221, %parallel_loop3A_222] {strides = array<i32>} : memref<40x256xbf16, #tpu.memory_space<vmem>>, vector<32xbf16>,
      %parallel_loop3A_224 = tpu.unpack_subelements %parallel_loop3A_223, 0 {pack_format = #tpu.pack_format<interleaved>} : vector<32xbf16> -> vector<16xf32>
      %parallel_loop3A_225 = tpu.unpack_subelements %parallel_loop3A_223, 1 {pack_format = #tpu.pack_format<interleaved>} : vector<32xbf16> -> vector<16xf32>
      %parallel_loop3A_226 = arith.index_cast %parallel_loop3A_195 : i32 to index
      %parallel_loop3A_227 = arith.constant 32 : index
      %parallel_loop3A_228 = tpu.vector_load %arg19[%parallel_loop3A_226, %parallel_loop3A_227] {strides = array<i32>} : memref<40x256xbf16, #tpu.memory_space<vmem>>, vector<32xbf16>,
      %parallel_loop3A_229 = tpu.unpack_subelements %parallel_loop3A_228, 0 {pack_format = #tpu.pack_format<interleaved>} : vector<32xbf16> -> vector<16xf32>
      %parallel_loop3A_230 = tpu.unpack_subelements %parallel_loop3A_228, 1 {pack_format = #tpu.pack_format<interleaved>} : vector<32xbf16> -> vector<16xf32>
      %parallel_loop3A_231 = arith.mulf %parallel_loop3A_224, %parallel_loop3A_229 : vector<16xf32>
      %parallel_loop3A_232 = arith.mulf %parallel_loop3A_225, %parallel_loop3A_198 : vector<16xf32>
      %parallel_loop3A_233 = arith.addf %parallel_loop3A_231, %parallel_loop3A_232 : vector<16xf32>
      %parallel_loop3A_234 = arith.constant true
      %parallel_loop3A_235 = vector.broadcast %parallel_loop3A_234 : i1 to vector<16xi1>
      %parallel_loop3A_236 = tpu.scan <sum>, %parallel_loop3A_233 masked %parallel_loop3A_235 : vector<16xf32>, vector<16xi1> -> vector<16xf32>
      %parallel_loop3A_237 = vector.extract %parallel_loop3A_236[15] : f32 from vector<16xf32>
      %parallel_loop3A_238 = arith.constant 1 : i32
      %parallel_loop3A_239 = vector.broadcast %parallel_loop3A_238 : i32 to vector<16xi32>
      %parallel_loop3A_240 = arith.cmpi eq, %iota3A, %parallel_loop3A_239 : vector<16xi32>
      %parallel_loop3A_241 = vector.broadcast %parallel_loop3A_237 : f32 to vector<16xf32>
      %parallel_loop3A_242 = arith.select %parallel_loop3A_240, %parallel_loop3A_241, %parallel_loop3A_220 : vector<16xi1>, vector<16xf32>
      %parallel_loop3A_243 = arith.index_cast %parallel_loop3A_195 : i32 to index
      %parallel_loop3A_244 = arith.constant 64 : index
      %parallel_loop3A_245 = tpu.vector_load %arg17[%parallel_loop3A_243, %parallel_loop3A_244] {strides = array<i32>} : memref<40x256xbf16, #tpu.memory_space<vmem>>, vector<32xbf16>,
      %parallel_loop3A_246 = tpu.unpack_subelements %parallel_loop3A_245, 0 {pack_format = #tpu.pack_format<interleaved>} : vector<32xbf16> -> vector<16xf32>
      %parallel_loop3A_247 = tpu.unpack_subelements %parallel_loop3A_245, 1 {pack_format = #tpu.pack_format<interleaved>} : vector<32xbf16> -> vector<16xf32>
      %parallel_loop3A_248 = arith.index_cast %parallel_loop3A_195 : i32 to index
      %parallel_loop3A_249 = arith.constant 64 : index
      %parallel_loop3A_250 = tpu.vector_load %arg19[%parallel_loop3A_248, %parallel_loop3A_249] {strides = array<i32>} : memref<40x256xbf16, #tpu.memory_space<vmem>>, vector<32xbf16>,
      %parallel_loop3A_251 = tpu.unpack_subelements %parallel_loop3A_250, 0 {pack_format = #tpu.pack_format<interleaved>} : vector<32xbf16> -> vector<16xf32>
      %parallel_loop3A_252 = tpu.unpack_subelements %parallel_loop3A_250, 1 {pack_format = #tpu.pack_format<interleaved>} : vector<32xbf16> -> vector<16xf32>
      %parallel_loop3A_253 = arith.mulf %parallel_loop3A_246, %parallel_loop3A_251 : vector<16xf32>
      %parallel_loop3A_254 = arith.mulf %parallel_loop3A_247, %parallel_loop3A_198 : vector<16xf32>
      %parallel_loop3A_255 = arith.addf %parallel_loop3A_253, %parallel_loop3A_254 : vector<16xf32>
      %parallel_loop3A_256 = arith.constant true
      %parallel_loop3A_257 = vector.broadcast %parallel_loop3A_256 : i1 to vector<16xi1>
      %parallel_loop3A_258 = tpu.scan <sum>, %parallel_loop3A_255 masked %parallel_loop3A_257 : vector<16xf32>, vector<16xi1> -> vector<16xf32>
      %parallel_loop3A_259 = vector.extract %parallel_loop3A_258[15] : f32 from vector<16xf32>
      %parallel_loop3A_260 = arith.constant 2 : i32
      %parallel_loop3A_261 = vector.broadcast %parallel_loop3A_260 : i32 to vector<16xi32>
      %parallel_loop3A_262 = arith.cmpi eq, %iota3A, %parallel_loop3A_261 : vector<16xi32>
      %parallel_loop3A_263 = vector.broadcast %parallel_loop3A_259 : f32 to vector<16xf32>
      %parallel_loop3A_264 = arith.select %parallel_loop3A_262, %parallel_loop3A_263, %parallel_loop3A_242 : vector<16xi1>, vector<16xf32>
      %parallel_loop3A_265 = arith.index_cast %parallel_loop3A_195 : i32 to index
      %parallel_loop3A_266 = arith.constant 96 : index
      %parallel_loop3A_267 = tpu.vector_load %arg17[%parallel_loop3A_265, %parallel_loop3A_266] {strides = array<i32>} : memref<40x256xbf16, #tpu.memory_space<vmem>>, vector<32xbf16>,
      %parallel_loop3A_268 = tpu.unpack_subelements %parallel_loop3A_267, 0 {pack_format = #tpu.pack_format<interleaved>} : vector<32xbf16> -> vector<16xf32>
      %parallel_loop3A_269 = tpu.unpack_subelements %parallel_loop3A_267, 1 {pack_format = #tpu.pack_format<interleaved>} : vector<32xbf16> -> vector<16xf32>
      %parallel_loop3A_270 = arith.index_cast %parallel_loop3A_195 : i32 to index
      %parallel_loop3A_271 = arith.constant 96 : index
      %parallel_loop3A_272 = tpu.vector_load %arg19[%parallel_loop3A_270, %parallel_loop3A_271] {strides = array<i32>} : memref<40x256xbf16, #tpu.memory_space<vmem>>, vector<32xbf16>,
      %parallel_loop3A_273 = tpu.unpack_subelements %parallel_loop3A_272, 0 {pack_format = #tpu.pack_format<interleaved>} : vector<32xbf16> -> vector<16xf32>
      %parallel_loop3A_274 = tpu.unpack_subelements %parallel_loop3A_272, 1 {pack_format = #tpu.pack_format<interleaved>} : vector<32xbf16> -> vector<16xf32>
      %parallel_loop3A_275 = arith.mulf %parallel_loop3A_268, %parallel_loop3A_273 : vector<16xf32>
      %parallel_loop3A_276 = arith.mulf %parallel_loop3A_269, %parallel_loop3A_198 : vector<16xf32>
      %parallel_loop3A_277 = arith.addf %parallel_loop3A_275, %parallel_loop3A_276 : vector<16xf32>
      %parallel_loop3A_278 = arith.constant true
      %parallel_loop3A_279 = vector.broadcast %parallel_loop3A_278 : i1 to vector<16xi1>
      %parallel_loop3A_280 = tpu.scan <sum>, %parallel_loop3A_277 masked %parallel_loop3A_279 : vector<16xf32>, vector<16xi1> -> vector<16xf32>
      %parallel_loop3A_281 = vector.extract %parallel_loop3A_280[15] : f32 from vector<16xf32>
      %parallel_loop3A_282 = arith.constant 3 : i32
      %parallel_loop3A_283 = vector.broadcast %parallel_loop3A_282 : i32 to vector<16xi32>
      %parallel_loop3A_284 = arith.cmpi eq, %iota3A, %parallel_loop3A_283 : vector<16xi32>
      %parallel_loop3A_285 = vector.broadcast %parallel_loop3A_281 : f32 to vector<16xf32>
      %parallel_loop3A_286 = arith.select %parallel_loop3A_284, %parallel_loop3A_285, %parallel_loop3A_264 : vector<16xi1>, vector<16xf32>
      %parallel_loop3A_287 = arith.index_cast %parallel_loop3A_195 : i32 to index
      %parallel_loop3A_288 = arith.constant 128 : index
      %parallel_loop3A_289 = tpu.vector_load %arg17[%parallel_loop3A_287, %parallel_loop3A_288] {strides = array<i32>} : memref<40x256xbf16, #tpu.memory_space<vmem>>, vector<32xbf16>,
      %parallel_loop3A_290 = tpu.unpack_subelements %parallel_loop3A_289, 0 {pack_format = #tpu.pack_format<interleaved>} : vector<32xbf16> -> vector<16xf32>
      %parallel_loop3A_291 = tpu.unpack_subelements %parallel_loop3A_289, 1 {pack_format = #tpu.pack_format<interleaved>} : vector<32xbf16> -> vector<16xf32>
      %parallel_loop3A_292 = arith.index_cast %parallel_loop3A_195 : i32 to index
      %parallel_loop3A_293 = arith.constant 128 : index
      %parallel_loop3A_294 = tpu.vector_load %arg19[%parallel_loop3A_292, %parallel_loop3A_293] {strides = array<i32>} : memref<40x256xbf16, #tpu.memory_space<vmem>>, vector<32xbf16>,
      %parallel_loop3A_295 = tpu.unpack_subelements %parallel_loop3A_294, 0 {pack_format = #tpu.pack_format<interleaved>} : vector<32xbf16> -> vector<16xf32>
      %parallel_loop3A_296 = tpu.unpack_subelements %parallel_loop3A_294, 1 {pack_format = #tpu.pack_format<interleaved>} : vector<32xbf16> -> vector<16xf32>
      %parallel_loop3A_297 = arith.mulf %parallel_loop3A_290, %parallel_loop3A_295 : vector<16xf32>
      %parallel_loop3A_298 = arith.mulf %parallel_loop3A_291, %parallel_loop3A_198 : vector<16xf32>
      %parallel_loop3A_299 = arith.addf %parallel_loop3A_297, %parallel_loop3A_298 : vector<16xf32>
      %parallel_loop3A_300 = arith.constant true
      %parallel_loop3A_301 = vector.broadcast %parallel_loop3A_300 : i1 to vector<16xi1>
      %parallel_loop3A_302 = tpu.scan <sum>, %parallel_loop3A_299 masked %parallel_loop3A_301 : vector<16xf32>, vector<16xi1> -> vector<16xf32>
      %parallel_loop3A_303 = vector.extract %parallel_loop3A_302[15] : f32 from vector<16xf32>
      %parallel_loop3A_304 = arith.constant 4 : i32
      %parallel_loop3A_305 = vector.broadcast %parallel_loop3A_304 : i32 to vector<16xi32>
      %parallel_loop3A_306 = arith.cmpi eq, %iota3A, %parallel_loop3A_305 : vector<16xi32>
      %parallel_loop3A_307 = vector.broadcast %parallel_loop3A_303 : f32 to vector<16xf32>
      %parallel_loop3A_308 = arith.select %parallel_loop3A_306, %parallel_loop3A_307, %parallel_loop3A_286 : vector<16xi1>, vector<16xf32>
      %parallel_loop3A_309 = arith.index_cast %parallel_loop3A_195 : i32 to index
      %parallel_loop3A_310 = arith.constant 160 : index
      %parallel_loop3A_311 = tpu.vector_load %arg17[%parallel_loop3A_309, %parallel_loop3A_310] {strides = array<i32>} : memref<40x256xbf16, #tpu.memory_space<vmem>>, vector<32xbf16>,
      %parallel_loop3A_312 = tpu.unpack_subelements %parallel_loop3A_311, 0 {pack_format = #tpu.pack_format<interleaved>} : vector<32xbf16> -> vector<16xf32>
      %parallel_loop3A_313 = tpu.unpack_subelements %parallel_loop3A_311, 1 {pack_format = #tpu.pack_format<interleaved>} : vector<32xbf16> -> vector<16xf32>
      %parallel_loop3A_314 = arith.index_cast %parallel_loop3A_195 : i32 to index
      %parallel_loop3A_315 = arith.constant 160 : index
      %parallel_loop3A_316 = tpu.vector_load %arg19[%parallel_loop3A_314, %parallel_loop3A_315] {strides = array<i32>} : memref<40x256xbf16, #tpu.memory_space<vmem>>, vector<32xbf16>,
      %parallel_loop3A_317 = tpu.unpack_subelements %parallel_loop3A_316, 0 {pack_format = #tpu.pack_format<interleaved>} : vector<32xbf16> -> vector<16xf32>
      %parallel_loop3A_318 = tpu.unpack_subelements %parallel_loop3A_316, 1 {pack_format = #tpu.pack_format<interleaved>} : vector<32xbf16> -> vector<16xf32>
      %parallel_loop3A_319 = arith.mulf %parallel_loop3A_312, %parallel_loop3A_317 : vector<16xf32>
      %parallel_loop3A_320 = arith.mulf %parallel_loop3A_313, %parallel_loop3A_198 : vector<16xf32>
      %parallel_loop3A_321 = arith.addf %parallel_loop3A_319, %parallel_loop3A_320 : vector<16xf32>
      %parallel_loop3A_322 = arith.constant true
      %parallel_loop3A_323 = vector.broadcast %parallel_loop3A_322 : i1 to vector<16xi1>
      %parallel_loop3A_324 = tpu.scan <sum>, %parallel_loop3A_321 masked %parallel_loop3A_323 : vector<16xf32>, vector<16xi1> -> vector<16xf32>
      %parallel_loop3A_325 = vector.extract %parallel_loop3A_324[15] : f32 from vector<16xf32>
      %parallel_loop3A_326 = arith.constant 5 : i32
      %parallel_loop3A_327 = vector.broadcast %parallel_loop3A_326 : i32 to vector<16xi32>
      %parallel_loop3A_328 = arith.cmpi eq, %iota3A, %parallel_loop3A_327 : vector<16xi32>
      %parallel_loop3A_329 = vector.broadcast %parallel_loop3A_325 : f32 to vector<16xf32>
      %parallel_loop3A_330 = arith.select %parallel_loop3A_328, %parallel_loop3A_329, %parallel_loop3A_308 : vector<16xi1>, vector<16xf32>
      %parallel_loop3A_331 = arith.index_cast %parallel_loop3A_195 : i32 to index
      %parallel_loop3A_332 = arith.constant 192 : index
      %parallel_loop3A_333 = tpu.vector_load %arg17[%parallel_loop3A_331, %parallel_loop3A_332] {strides = array<i32>} : memref<40x256xbf16, #tpu.memory_space<vmem>>, vector<32xbf16>,
      %parallel_loop3A_334 = tpu.unpack_subelements %parallel_loop3A_333, 0 {pack_format = #tpu.pack_format<interleaved>} : vector<32xbf16> -> vector<16xf32>
      %parallel_loop3A_335 = tpu.unpack_subelements %parallel_loop3A_333, 1 {pack_format = #tpu.pack_format<interleaved>} : vector<32xbf16> -> vector<16xf32>
      %parallel_loop3A_336 = arith.index_cast %parallel_loop3A_195 : i32 to index
      %parallel_loop3A_337 = arith.constant 192 : index
      %parallel_loop3A_338 = tpu.vector_load %arg19[%parallel_loop3A_336, %parallel_loop3A_337] {strides = array<i32>} : memref<40x256xbf16, #tpu.memory_space<vmem>>, vector<32xbf16>,
      %parallel_loop3A_339 = tpu.unpack_subelements %parallel_loop3A_338, 0 {pack_format = #tpu.pack_format<interleaved>} : vector<32xbf16> -> vector<16xf32>
      %parallel_loop3A_340 = tpu.unpack_subelements %parallel_loop3A_338, 1 {pack_format = #tpu.pack_format<interleaved>} : vector<32xbf16> -> vector<16xf32>
      %parallel_loop3A_341 = arith.mulf %parallel_loop3A_334, %parallel_loop3A_339 : vector<16xf32>
      %parallel_loop3A_342 = arith.mulf %parallel_loop3A_335, %parallel_loop3A_198 : vector<16xf32>
      %parallel_loop3A_343 = arith.addf %parallel_loop3A_341, %parallel_loop3A_342 : vector<16xf32>
      %parallel_loop3A_344 = arith.constant true
      %parallel_loop3A_345 = vector.broadcast %parallel_loop3A_344 : i1 to vector<16xi1>
      %parallel_loop3A_346 = tpu.scan <sum>, %parallel_loop3A_343 masked %parallel_loop3A_345 : vector<16xf32>, vector<16xi1> -> vector<16xf32>
      %parallel_loop3A_347 = vector.extract %parallel_loop3A_346[15] : f32 from vector<16xf32>
      %parallel_loop3A_348 = arith.constant 6 : i32
      %parallel_loop3A_349 = vector.broadcast %parallel_loop3A_348 : i32 to vector<16xi32>
      %parallel_loop3A_350 = arith.cmpi eq, %iota3A, %parallel_loop3A_349 : vector<16xi32>
      %parallel_loop3A_351 = vector.broadcast %parallel_loop3A_347 : f32 to vector<16xf32>
      %parallel_loop3A_352 = arith.select %parallel_loop3A_350, %parallel_loop3A_351, %parallel_loop3A_330 : vector<16xi1>, vector<16xf32>
      %parallel_loop3A_353 = arith.index_cast %parallel_loop3A_195 : i32 to index
      %parallel_loop3A_354 = arith.constant 224 : index
      %parallel_loop3A_355 = tpu.vector_load %arg17[%parallel_loop3A_353, %parallel_loop3A_354] {strides = array<i32>} : memref<40x256xbf16, #tpu.memory_space<vmem>>, vector<32xbf16>,
      %parallel_loop3A_356 = tpu.unpack_subelements %parallel_loop3A_355, 0 {pack_format = #tpu.pack_format<interleaved>} : vector<32xbf16> -> vector<16xf32>
      %parallel_loop3A_357 = tpu.unpack_subelements %parallel_loop3A_355, 1 {pack_format = #tpu.pack_format<interleaved>} : vector<32xbf16> -> vector<16xf32>
      %parallel_loop3A_358 = arith.index_cast %parallel_loop3A_195 : i32 to index
      %parallel_loop3A_359 = arith.constant 224 : index
      %parallel_loop3A_360 = tpu.vector_load %arg19[%parallel_loop3A_358, %parallel_loop3A_359] {strides = array<i32>} : memref<40x256xbf16, #tpu.memory_space<vmem>>, vector<32xbf16>,
      %parallel_loop3A_361 = tpu.unpack_subelements %parallel_loop3A_360, 0 {pack_format = #tpu.pack_format<interleaved>} : vector<32xbf16> -> vector<16xf32>
      %parallel_loop3A_362 = tpu.unpack_subelements %parallel_loop3A_360, 1 {pack_format = #tpu.pack_format<interleaved>} : vector<32xbf16> -> vector<16xf32>
      %parallel_loop3A_363 = arith.mulf %parallel_loop3A_356, %parallel_loop3A_361 : vector<16xf32>
      %parallel_loop3A_364 = arith.mulf %parallel_loop3A_357, %parallel_loop3A_198 : vector<16xf32>
      %parallel_loop3A_365 = arith.addf %parallel_loop3A_363, %parallel_loop3A_364 : vector<16xf32>
      %parallel_loop3A_366 = arith.constant true
      %parallel_loop3A_367 = vector.broadcast %parallel_loop3A_366 : i1 to vector<16xi1>
      %parallel_loop3A_368 = tpu.scan <sum>, %parallel_loop3A_365 masked %parallel_loop3A_367 : vector<16xf32>, vector<16xi1> -> vector<16xf32>
      %parallel_loop3A_369 = vector.extract %parallel_loop3A_368[15] : f32 from vector<16xf32>
      %parallel_loop3A_370 = arith.constant 7 : i32
      %parallel_loop3A_371 = vector.broadcast %parallel_loop3A_370 : i32 to vector<16xi32>
      %parallel_loop3A_372 = arith.cmpi eq, %iota3A, %parallel_loop3A_371 : vector<16xi32>
      %parallel_loop3A_373 = vector.broadcast %parallel_loop3A_369 : f32 to vector<16xf32>
      %parallel_loop3A_374 = arith.select %parallel_loop3A_372, %parallel_loop3A_373, %parallel_loop3A_352 : vector<16xi1>, vector<16xf32>
      %parallel_loop3A_375 = math.exp %parallel_loop3A_374 : vector<16xf32>
      %parallel_loop3A_376 = arith.index_cast %parallel_loop3A_195 : i32 to index
      %parallel_loop3A_377 = arith.constant 128 : index
      %parallel_loop3A_378 = tpu.vector_load %arg21[%parallel_loop3A_376, %parallel_loop3A_377] {strides = array<i32>} : memref<40x144xf32, #tpu.memory_space<vmem>>, vector<16xf32>,
      tpu.vector_store %arg21[%parallel_loop3A_376, %parallel_loop3A_377], %parallel_loop3A_375 {strides = array<i32>} : memref<40x144xf32, #tpu.memory_space<vmem>>, vector<16xf32>,
      %parallel_loop3A_379 = arith.index_cast %parallel_loop3A_195 : i32 to index
      %parallel_loop3A_380 = arith.constant 0 : index
      %parallel_loop3A_381 = tpu.vector_load %arg13[%parallel_loop3A_379, %parallel_loop3A_380] {strides = array<i32>} : memref<40x128xbf16, #tpu.memory_space<vmem>>, vector<32xbf16>,
      %parallel_loop3A_382 = tpu.unpack_subelements %parallel_loop3A_381, 0 {pack_format = #tpu.pack_format<interleaved>} : vector<32xbf16> -> vector<16xf32>
      %parallel_loop3A_383 = tpu.unpack_subelements %parallel_loop3A_381, 1 {pack_format = #tpu.pack_format<interleaved>} : vector<32xbf16> -> vector<16xf32>
      %parallel_loop3A_384 = arith.constant 0 : i32
      %parallel_loop3A_385 = vector.broadcast %parallel_loop3A_384 : i32 to vector<16xi32>
      %parallel_loop3A_386 = arith.constant 0 : i32
      %parallel_loop3A_387 = vector.broadcast %parallel_loop3A_386 : i32 to vector<16xi32>
      %parallel_loop3A_388 = arith.cmpi slt, %parallel_loop3A_385, %parallel_loop3A_387 : vector<16xi32>
      %parallel_loop3A_389 = arith.constant 16 : i32
      %parallel_loop3A_390 = vector.broadcast %parallel_loop3A_389 : i32 to vector<16xi32>
      %parallel_loop3A_391 = arith.addi %parallel_loop3A_385, %parallel_loop3A_390 : vector<16xi32>
      %parallel_loop3A_392 = arith.select %parallel_loop3A_388, %parallel_loop3A_391, %parallel_loop3A_385 : vector<16xi1>, vector<16xi32>
      %parallel_loop3A_393 = vector.shape_cast %parallel_loop3A_392 : vector<16xi32> to vector<16x1xi32>
      %parallel_loop3A_394 = vector.shape_cast %parallel_loop3A_393 : vector<16x1xi32> to vector<16xi32>
      %parallel_loop3A_395 = tpu.dynamic_gather %parallel_loop3A_375[%parallel_loop3A_394] in [0] : vector<16xf32>, vector<16xi32> -> vector<16xf32>
      %parallel_loop3A_396 = arith.addf %parallel_loop3A_208, %parallel_loop3A_382 : vector<16xf32>
      %parallel_loop3A_397 = arith.mulf %parallel_loop3A_395, %parallel_loop3A_396 : vector<16xf32>
      %parallel_loop3A_398 = arith.index_cast %parallel_loop3A_195 : i32 to index
      %parallel_loop3A_399 = arith.constant 0 : index
      %parallel_loop3A_400 = tpu.vector_load %arg21[%parallel_loop3A_398, %parallel_loop3A_399] {strides = array<i32>} : memref<40x144xf32, #tpu.memory_space<vmem>>, vector<16xf32>,
      tpu.vector_store %arg21[%parallel_loop3A_398, %parallel_loop3A_399], %parallel_loop3A_397 {strides = array<i32>} : memref<40x144xf32, #tpu.memory_space<vmem>>, vector<16xf32>,
      %parallel_loop3A_401 = arith.constant 1 : i32
      %parallel_loop3A_402 = vector.broadcast %parallel_loop3A_401 : i32 to vector<16xi32>
      %parallel_loop3A_403 = arith.constant 0 : i32
      %parallel_loop3A_404 = vector.broadcast %parallel_loop3A_403 : i32 to vector<16xi32>
      %parallel_loop3A_405 = arith.cmpi slt, %parallel_loop3A_402, %parallel_loop3A_404 : vector<16xi32>
      %parallel_loop3A_406 = arith.constant 16 : i32
      %parallel_loop3A_407 = vector.broadcast %parallel_loop3A_406 : i32 to vector<16xi32>
      %parallel_loop3A_408 = arith.addi %parallel_loop3A_402, %parallel_loop3A_407 : vector<16xi32>
      %parallel_loop3A_409 = arith.select %parallel_loop3A_405, %parallel_loop3A_408, %parallel_loop3A_402 : vector<16xi1>, vector<16xi32>
      %parallel_loop3A_410 = vector.shape_cast %parallel_loop3A_409 : vector<16xi32> to vector<16x1xi32>
      %parallel_loop3A_411 = vector.shape_cast %parallel_loop3A_410 : vector<16x1xi32> to vector<16xi32>
      %parallel_loop3A_412 = tpu.dynamic_gather %parallel_loop3A_375[%parallel_loop3A_411] in [0] : vector<16xf32>, vector<16xi32> -> vector<16xf32>
      %parallel_loop3A_413 = arith.addf %parallel_loop3A_230, %parallel_loop3A_383 : vector<16xf32>
      %parallel_loop3A_414 = arith.mulf %parallel_loop3A_412, %parallel_loop3A_413 : vector<16xf32>
      %parallel_loop3A_415 = arith.index_cast %parallel_loop3A_195 : i32 to index
      %parallel_loop3A_416 = arith.constant 16 : index
      %parallel_loop3A_417 = tpu.vector_load %arg21[%parallel_loop3A_415, %parallel_loop3A_416] {strides = array<i32>} : memref<40x144xf32, #tpu.memory_space<vmem>>, vector<16xf32>,
      tpu.vector_store %arg21[%parallel_loop3A_415, %parallel_loop3A_416], %parallel_loop3A_414 {strides = array<i32>} : memref<40x144xf32, #tpu.memory_space<vmem>>, vector<16xf32>,
      %parallel_loop3A_418 = arith.index_cast %parallel_loop3A_195 : i32 to index
      %parallel_loop3A_419 = arith.constant 32 : index
      %parallel_loop3A_420 = tpu.vector_load %arg13[%parallel_loop3A_418, %parallel_loop3A_419] {strides = array<i32>} : memref<40x128xbf16, #tpu.memory_space<vmem>>, vector<32xbf16>,
      %parallel_loop3A_421 = tpu.unpack_subelements %parallel_loop3A_420, 0 {pack_format = #tpu.pack_format<interleaved>} : vector<32xbf16> -> vector<16xf32>
      %parallel_loop3A_422 = tpu.unpack_subelements %parallel_loop3A_420, 1 {pack_format = #tpu.pack_format<interleaved>} : vector<32xbf16> -> vector<16xf32>
      %parallel_loop3A_423 = arith.constant 2 : i32
      %parallel_loop3A_424 = vector.broadcast %parallel_loop3A_423 : i32 to vector<16xi32>
      %parallel_loop3A_425 = arith.constant 0 : i32
      %parallel_loop3A_426 = vector.broadcast %parallel_loop3A_425 : i32 to vector<16xi32>
      %parallel_loop3A_427 = arith.cmpi slt, %parallel_loop3A_424, %parallel_loop3A_426 : vector<16xi32>
      %parallel_loop3A_428 = arith.constant 16 : i32
      %parallel_loop3A_429 = vector.broadcast %parallel_loop3A_428 : i32 to vector<16xi32>
      %parallel_loop3A_430 = arith.addi %parallel_loop3A_424, %parallel_loop3A_429 : vector<16xi32>
      %parallel_loop3A_431 = arith.select %parallel_loop3A_427, %parallel_loop3A_430, %parallel_loop3A_424 : vector<16xi1>, vector<16xi32>
      %parallel_loop3A_432 = vector.shape_cast %parallel_loop3A_431 : vector<16xi32> to vector<16x1xi32>
      %parallel_loop3A_433 = vector.shape_cast %parallel_loop3A_432 : vector<16x1xi32> to vector<16xi32>
      %parallel_loop3A_434 = tpu.dynamic_gather %parallel_loop3A_375[%parallel_loop3A_433] in [0] : vector<16xf32>, vector<16xi32> -> vector<16xf32>
      %parallel_loop3A_435 = arith.addf %parallel_loop3A_252, %parallel_loop3A_421 : vector<16xf32>
      %parallel_loop3A_436 = arith.mulf %parallel_loop3A_434, %parallel_loop3A_435 : vector<16xf32>
      %parallel_loop3A_437 = arith.index_cast %parallel_loop3A_195 : i32 to index
      %parallel_loop3A_438 = arith.constant 32 : index
      %parallel_loop3A_439 = tpu.vector_load %arg21[%parallel_loop3A_437, %parallel_loop3A_438] {strides = array<i32>} : memref<40x144xf32, #tpu.memory_space<vmem>>, vector<16xf32>,
      tpu.vector_store %arg21[%parallel_loop3A_437, %parallel_loop3A_438], %parallel_loop3A_436 {strides = array<i32>} : memref<40x144xf32, #tpu.memory_space<vmem>>, vector<16xf32>,
      %parallel_loop3A_440 = arith.constant 3 : i32
      %parallel_loop3A_441 = vector.broadcast %parallel_loop3A_440 : i32 to vector<16xi32>
      %parallel_loop3A_442 = arith.constant 0 : i32
      %parallel_loop3A_443 = vector.broadcast %parallel_loop3A_442 : i32 to vector<16xi32>
      %parallel_loop3A_444 = arith.cmpi slt, %parallel_loop3A_441, %parallel_loop3A_443 : vector<16xi32>
      %parallel_loop3A_445 = arith.constant 16 : i32
      %parallel_loop3A_446 = vector.broadcast %parallel_loop3A_445 : i32 to vector<16xi32>
      %parallel_loop3A_447 = arith.addi %parallel_loop3A_441, %parallel_loop3A_446 : vector<16xi32>
      %parallel_loop3A_448 = arith.select %parallel_loop3A_444, %parallel_loop3A_447, %parallel_loop3A_441 : vector<16xi1>, vector<16xi32>
      %parallel_loop3A_449 = vector.shape_cast %parallel_loop3A_448 : vector<16xi32> to vector<16x1xi32>
      %parallel_loop3A_450 = vector.shape_cast %parallel_loop3A_449 : vector<16x1xi32> to vector<16xi32>
      %parallel_loop3A_451 = tpu.dynamic_gather %parallel_loop3A_375[%parallel_loop3A_450] in [0] : vector<16xf32>, vector<16xi32> -> vector<16xf32>
      %parallel_loop3A_452 = arith.addf %parallel_loop3A_274, %parallel_loop3A_422 : vector<16xf32>
      %parallel_loop3A_453 = arith.mulf %parallel_loop3A_451, %parallel_loop3A_452 : vector<16xf32>
      %parallel_loop3A_454 = arith.index_cast %parallel_loop3A_195 : i32 to index
      %parallel_loop3A_455 = arith.constant 48 : index
      %parallel_loop3A_456 = tpu.vector_load %arg21[%parallel_loop3A_454, %parallel_loop3A_455] {strides = array<i32>} : memref<40x144xf32, #tpu.memory_space<vmem>>, vector<16xf32>,
      tpu.vector_store %arg21[%parallel_loop3A_454, %parallel_loop3A_455], %parallel_loop3A_453 {strides = array<i32>} : memref<40x144xf32, #tpu.memory_space<vmem>>, vector<16xf32>,
      %parallel_loop3A_457 = arith.index_cast %parallel_loop3A_195 : i32 to index
      %parallel_loop3A_458 = arith.constant 64 : index
      %parallel_loop3A_459 = tpu.vector_load %arg13[%parallel_loop3A_457, %parallel_loop3A_458] {strides = array<i32>} : memref<40x128xbf16, #tpu.memory_space<vmem>>, vector<32xbf16>,
      %parallel_loop3A_460 = tpu.unpack_subelements %parallel_loop3A_459, 0 {pack_format = #tpu.pack_format<interleaved>} : vector<32xbf16> -> vector<16xf32>
      %parallel_loop3A_461 = tpu.unpack_subelements %parallel_loop3A_459, 1 {pack_format = #tpu.pack_format<interleaved>} : vector<32xbf16> -> vector<16xf32>
      %parallel_loop3A_462 = arith.constant 4 : i32
      %parallel_loop3A_463 = vector.broadcast %parallel_loop3A_462 : i32 to vector<16xi32>
      %parallel_loop3A_464 = arith.constant 0 : i32
      %parallel_loop3A_465 = vector.broadcast %parallel_loop3A_464 : i32 to vector<16xi32>
      %parallel_loop3A_466 = arith.cmpi slt, %parallel_loop3A_463, %parallel_loop3A_465 : vector<16xi32>
      %parallel_loop3A_467 = arith.constant 16 : i32
      %parallel_loop3A_468 = vector.broadcast %parallel_loop3A_467 : i32 to vector<16xi32>
      %parallel_loop3A_469 = arith.addi %parallel_loop3A_463, %parallel_loop3A_468 : vector<16xi32>
      %parallel_loop3A_470 = arith.select %parallel_loop3A_466, %parallel_loop3A_469, %parallel_loop3A_463 : vector<16xi1>, vector<16xi32>
      %parallel_loop3A_471 = vector.shape_cast %parallel_loop3A_470 : vector<16xi32> to vector<16x1xi32>
      %parallel_loop3A_472 = vector.shape_cast %parallel_loop3A_471 : vector<16x1xi32> to vector<16xi32>
      %parallel_loop3A_473 = tpu.dynamic_gather %parallel_loop3A_375[%parallel_loop3A_472] in [0] : vector<16xf32>, vector<16xi32> -> vector<16xf32>
      %parallel_loop3A_474 = arith.addf %parallel_loop3A_296, %parallel_loop3A_460 : vector<16xf32>
      %parallel_loop3A_475 = arith.mulf %parallel_loop3A_473, %parallel_loop3A_474 : vector<16xf32>
      %parallel_loop3A_476 = arith.index_cast %parallel_loop3A_195 : i32 to index
      %parallel_loop3A_477 = arith.constant 64 : index
      %parallel_loop3A_478 = tpu.vector_load %arg21[%parallel_loop3A_476, %parallel_loop3A_477] {strides = array<i32>} : memref<40x144xf32, #tpu.memory_space<vmem>>, vector<16xf32>,
      tpu.vector_store %arg21[%parallel_loop3A_476, %parallel_loop3A_477], %parallel_loop3A_475 {strides = array<i32>} : memref<40x144xf32, #tpu.memory_space<vmem>>, vector<16xf32>,
      %parallel_loop3A_479 = arith.constant 5 : i32
      %parallel_loop3A_480 = vector.broadcast %parallel_loop3A_479 : i32 to vector<16xi32>
      %parallel_loop3A_481 = arith.constant 0 : i32
      %parallel_loop3A_482 = vector.broadcast %parallel_loop3A_481 : i32 to vector<16xi32>
      %parallel_loop3A_483 = arith.cmpi slt, %parallel_loop3A_480, %parallel_loop3A_482 : vector<16xi32>
      %parallel_loop3A_484 = arith.constant 16 : i32
      %parallel_loop3A_485 = vector.broadcast %parallel_loop3A_484 : i32 to vector<16xi32>
      %parallel_loop3A_486 = arith.addi %parallel_loop3A_480, %parallel_loop3A_485 : vector<16xi32>
      %parallel_loop3A_487 = arith.select %parallel_loop3A_483, %parallel_loop3A_486, %parallel_loop3A_480 : vector<16xi1>, vector<16xi32>
      %parallel_loop3A_488 = vector.shape_cast %parallel_loop3A_487 : vector<16xi32> to vector<16x1xi32>
      %parallel_loop3A_489 = vector.shape_cast %parallel_loop3A_488 : vector<16x1xi32> to vector<16xi32>
      %parallel_loop3A_490 = tpu.dynamic_gather %parallel_loop3A_375[%parallel_loop3A_489] in [0] : vector<16xf32>, vector<16xi32> -> vector<16xf32>
      %parallel_loop3A_491 = arith.addf %parallel_loop3A_318, %parallel_loop3A_461 : vector<16xf32>
      %parallel_loop3A_492 = arith.mulf %parallel_loop3A_490, %parallel_loop3A_491 : vector<16xf32>
      %parallel_loop3A_493 = arith.index_cast %parallel_loop3A_195 : i32 to index
      %parallel_loop3A_494 = arith.constant 80 : index
      %parallel_loop3A_495 = tpu.vector_load %arg21[%parallel_loop3A_493, %parallel_loop3A_494] {strides = array<i32>} : memref<40x144xf32, #tpu.memory_space<vmem>>, vector<16xf32>,
      tpu.vector_store %arg21[%parallel_loop3A_493, %parallel_loop3A_494], %parallel_loop3A_492 {strides = array<i32>} : memref<40x144xf32, #tpu.memory_space<vmem>>, vector<16xf32>,
      %parallel_loop3A_496 = arith.index_cast %parallel_loop3A_195 : i32 to index
      %parallel_loop3A_497 = arith.constant 96 : index
      %parallel_loop3A_498 = tpu.vector_load %arg13[%parallel_loop3A_496, %parallel_loop3A_497] {strides = array<i32>} : memref<40x128xbf16, #tpu.memory_space<vmem>>, vector<32xbf16>,
      %parallel_loop3A_499 = tpu.unpack_subelements %parallel_loop3A_498, 0 {pack_format = #tpu.pack_format<interleaved>} : vector<32xbf16> -> vector<16xf32>
      %parallel_loop3A_500 = tpu.unpack_subelements %parallel_loop3A_498, 1 {pack_format = #tpu.pack_format<interleaved>} : vector<32xbf16> -> vector<16xf32>
      %parallel_loop3A_501 = arith.constant 6 : i32
      %parallel_loop3A_502 = vector.broadcast %parallel_loop3A_501 : i32 to vector<16xi32>
      %parallel_loop3A_503 = arith.constant 0 : i32
      %parallel_loop3A_504 = vector.broadcast %parallel_loop3A_503 : i32 to vector<16xi32>
      %parallel_loop3A_505 = arith.cmpi slt, %parallel_loop3A_502, %parallel_loop3A_504 : vector<16xi32>
      %parallel_loop3A_506 = arith.constant 16 : i32
      %parallel_loop3A_507 = vector.broadcast %parallel_loop3A_506 : i32 to vector<16xi32>
      %parallel_loop3A_508 = arith.addi %parallel_loop3A_502, %parallel_loop3A_507 : vector<16xi32>
      %parallel_loop3A_509 = arith.select %parallel_loop3A_505, %parallel_loop3A_508, %parallel_loop3A_502 : vector<16xi1>, vector<16xi32>
      %parallel_loop3A_510 = vector.shape_cast %parallel_loop3A_509 : vector<16xi32> to vector<16x1xi32>
      %parallel_loop3A_511 = vector.shape_cast %parallel_loop3A_510 : vector<16x1xi32> to vector<16xi32>
      %parallel_loop3A_512 = tpu.dynamic_gather %parallel_loop3A_375[%parallel_loop3A_511] in [0] : vector<16xf32>, vector<16xi32> -> vector<16xf32>
      %parallel_loop3A_513 = arith.addf %parallel_loop3A_340, %parallel_loop3A_499 : vector<16xf32>
      %parallel_loop3A_514 = arith.mulf %parallel_loop3A_512, %parallel_loop3A_513 : vector<16xf32>
      %parallel_loop3A_515 = arith.index_cast %parallel_loop3A_195 : i32 to index
      %parallel_loop3A_516 = arith.constant 96 : index
      %parallel_loop3A_517 = tpu.vector_load %arg21[%parallel_loop3A_515, %parallel_loop3A_516] {strides = array<i32>} : memref<40x144xf32, #tpu.memory_space<vmem>>, vector<16xf32>,
      tpu.vector_store %arg21[%parallel_loop3A_515, %parallel_loop3A_516], %parallel_loop3A_514 {strides = array<i32>} : memref<40x144xf32, #tpu.memory_space<vmem>>, vector<16xf32>,
      %parallel_loop3A_518 = arith.constant 7 : i32
      %parallel_loop3A_519 = vector.broadcast %parallel_loop3A_518 : i32 to vector<16xi32>
      %parallel_loop3A_520 = arith.constant 0 : i32
      %parallel_loop3A_521 = vector.broadcast %parallel_loop3A_520 : i32 to vector<16xi32>
      %parallel_loop3A_522 = arith.cmpi slt, %parallel_loop3A_519, %parallel_loop3A_521 : vector<16xi32>
      %parallel_loop3A_523 = arith.constant 16 : i32
      %parallel_loop3A_524 = vector.broadcast %parallel_loop3A_523 : i32 to vector<16xi32>
      %parallel_loop3A_525 = arith.addi %parallel_loop3A_519, %parallel_loop3A_524 : vector<16xi32>
      %parallel_loop3A_526 = arith.select %parallel_loop3A_522, %parallel_loop3A_525, %parallel_loop3A_519 : vector<16xi1>, vector<16xi32>
      %parallel_loop3A_527 = vector.shape_cast %parallel_loop3A_526 : vector<16xi32> to vector<16x1xi32>
      %parallel_loop3A_528 = vector.shape_cast %parallel_loop3A_527 : vector<16x1xi32> to vector<16xi32>
      %parallel_loop3A_529 = tpu.dynamic_gather %parallel_loop3A_375[%parallel_loop3A_528] in [0] : vector<16xf32>, vector<16xi32> -> vector<16xf32>
      %parallel_loop3A_530 = arith.addf %parallel_loop3A_362, %parallel_loop3A_500 : vector<16xf32>
      %parallel_loop3A_531 = arith.mulf %parallel_loop3A_529, %parallel_loop3A_530 : vector<16xf32>
      %parallel_loop3A_532 = arith.index_cast %parallel_loop3A_195 : i32 to index
      %parallel_loop3A_533 = arith.constant 112 : index
      %parallel_loop3A_534 = tpu.vector_load %arg21[%parallel_loop3A_532, %parallel_loop3A_533] {strides = array<i32>} : memref<40x144xf32, #tpu.memory_space<vmem>>, vector<16xf32>,
      tpu.vector_store %arg21[%parallel_loop3A_532, %parallel_loop3A_533], %parallel_loop3A_531 {strides = array<i32>} : memref<40x144xf32, #tpu.memory_space<vmem>>, vector<16xf32>,
    } {sc.loop_unroll_factor = 1 : i64, sc.parallel_access}
    "tpu.region"() ({
      %run_scoped3A = tpu.sem_alloc : memref<!tpu.dma_semaphore, #tpu.memory_space<semaphore_mem>>
      %dma_start3A_195 = arith.constant 0 : i32
      %dma_start3A_196 = arith.constant 0 : i32
      %dma_start3A_197 = tpu.memref_slice %arg22[%dma_start3A_195, %dma_start3A_196] : memref<10000x144xf32, #tpu.memory_space<vmem_shared>> -> memref<10000x144xf32, #tpu.memory_space<vmem_shared>>
      tpu.enqueue_indirect_dma source(%arg21 : memref<40x144xf32, #tpu.memory_space<vmem>>) target(%dma_start3A_197 : memref<10000x144xf32, #tpu.memory_space<vmem_shared>>) offsets(%arg11 : memref<40xi32, #tpu.memory_space<vmem>>) semaphore(%run_scoped3A : memref<!tpu.dma_semaphore, #tpu.memory_space<semaphore_mem>>) {add = true}
      %dma_wait3A_198 = arith.constant 0 : i32
      %dma_wait3A_199 = arith.constant 0 : i32
      %dma_wait3A_200 = tpu.memref_slice %arg22[%dma_wait3A_198, %dma_wait3A_199] : memref<10000x144xf32, #tpu.memory_space<vmem_shared>> -> memref<10000x144xf32, #tpu.memory_space<vmem_shared>>
      tpu.wait_indirect_dma semaphore(%run_scoped3A : memref<!tpu.dma_semaphore, #tpu.memory_space<semaphore_mem>>) src(%arg21 : memref<40x144xf32, #tpu.memory_space<vmem>>) dst(%dma_wait3A_200 : memref<10000x144xf32, #tpu.memory_space<vmem_shared>>)
      tpu.yield
    }) : () -> ()
    %add3A_111 = arith.constant 9960 : i32
    %add3A_112 = arith.addi %mul3A_41, %add3A_111 : i32
    %dma_wait3A_113 = arith.constant 0 : i32
    %dma_wait3A_114 = tpu.memref_slice %arg4[%add3A_112, %dma_wait3A_113] : memref<320000x128xbf16, #tpu.memory_space<hbm>> -> memref<40x128xbf16, #tpu.memory_space<hbm>>
    %dma_wait3A_115 = arith.constant 0 : i32
    %dma_wait3A_116 = tpu.memref_slice %arg4[%add3A_112, %dma_wait3A_115] : memref<320000x128xbf16, #tpu.memory_space<hbm>> -> memref<40x128xbf16, #tpu.memory_space<hbm>>
    tpu.wait_dma2 semaphore(%arg28 : memref<!tpu.dma_semaphore, #tpu.memory_space<semaphore_mem>>) src(%dma_wait3A_116 : memref<40x128xbf16, #tpu.memory_space<hbm>>) dst(%arg14 : memref<40x128xbf16, #tpu.memory_space<vmem>>)
    %dma_wait3A_117 = arith.constant 0 : i32
    %dma_wait3A_118 = tpu.memref_slice %arg5[%add3A_112, %dma_wait3A_117] : memref<320000x16xf32, #tpu.memory_space<hbm>> -> memref<40x16xf32, #tpu.memory_space<hbm>>
    %dma_wait3A_119 = arith.constant 0 : i32
    %dma_wait3A_120 = tpu.memref_slice %arg5[%add3A_112, %dma_wait3A_119] : memref<320000x16xf32, #tpu.memory_space<hbm>> -> memref<40x16xf32, #tpu.memory_space<hbm>>
    tpu.wait_dma2 semaphore(%arg30 : memref<!tpu.dma_semaphore, #tpu.memory_space<semaphore_mem>>) src(%dma_wait3A_120 : memref<40x16xf32, #tpu.memory_space<hbm>>) dst(%arg16 : memref<40x16xf32, #tpu.memory_space<vmem>>)
    %dma_wait3A_121 = arith.constant 0 : i32
    %dma_wait3A_122 = arith.constant 0 : i32
    %dma_wait3A_123 = tpu.memref_slice %arg2[%dma_wait3A_121, %dma_wait3A_122] : memref<10000x256xbf16, #tpu.memory_space<hbm>> -> memref<10000x256xbf16, #tpu.memory_space<hbm>>
    tpu.wait_indirect_dma semaphore(%arg32 : memref<!tpu.dma_semaphore, #tpu.memory_space<semaphore_mem>>) src(%dma_wait3A_123 : memref<10000x256xbf16, #tpu.memory_space<hbm>>) dst(%arg18 : memref<40x256xbf16, #tpu.memory_space<vmem>>)
    %dma_wait3A_124 = arith.constant 0 : i32
    %dma_wait3A_125 = arith.constant 0 : i32
    %dma_wait3A_126 = tpu.memref_slice %arg3[%dma_wait3A_124, %dma_wait3A_125] : memref<10000x256xbf16, #tpu.memory_space<hbm>> -> memref<10000x256xbf16, #tpu.memory_space<hbm>>
    tpu.wait_indirect_dma semaphore(%arg34 : memref<!tpu.dma_semaphore, #tpu.memory_space<semaphore_mem>>) src(%dma_wait3A_126 : memref<10000x256xbf16, #tpu.memory_space<hbm>>) dst(%arg20 : memref<40x256xbf16, #tpu.memory_space<vmem>>)
    %parallel_loop3A_127 = arith.constant 0 : i32
    %parallel_loop3A_128 = arith.constant 40 : i32
    %parallel_loop3A_129 = arith.constant 1 : i32
    scf.for %parallel_loop3A_195 = %parallel_loop3A_127 to %parallel_loop3A_128 step %parallel_loop3A_129  : i32 {
      %parallel_loop3A_196 = arith.index_cast %parallel_loop3A_195 : i32 to index
      %parallel_loop3A_197 = arith.constant 0 : index
      %parallel_loop3A_198 = tpu.vector_load %arg16[%parallel_loop3A_196, %parallel_loop3A_197] {strides = array<i32>} : memref<40x16xf32, #tpu.memory_space<vmem>>, vector<16xf32>,
      %parallel_loop3A_199 = arith.index_cast %parallel_loop3A_195 : i32 to index
      %parallel_loop3A_200 = arith.constant 0 : index
      %parallel_loop3A_201 = tpu.vector_load %arg18[%parallel_loop3A_199, %parallel_loop3A_200] {strides = array<i32>} : memref<40x256xbf16, #tpu.memory_space<vmem>>, vector<32xbf16>,
      %parallel_loop3A_202 = tpu.unpack_subelements %parallel_loop3A_201, 0 {pack_format = #tpu.pack_format<interleaved>} : vector<32xbf16> -> vector<16xf32>
      %parallel_loop3A_203 = tpu.unpack_subelements %parallel_loop3A_201, 1 {pack_format = #tpu.pack_format<interleaved>} : vector<32xbf16> -> vector<16xf32>
      %parallel_loop3A_204 = arith.index_cast %parallel_loop3A_195 : i32 to index
      %parallel_loop3A_205 = arith.constant 0 : index
      %parallel_loop3A_206 = tpu.vector_load %arg20[%parallel_loop3A_204, %parallel_loop3A_205] {strides = array<i32>} : memref<40x256xbf16, #tpu.memory_space<vmem>>, vector<32xbf16>,
      %parallel_loop3A_207 = tpu.unpack_subelements %parallel_loop3A_206, 0 {pack_format = #tpu.pack_format<interleaved>} : vector<32xbf16> -> vector<16xf32>
      %parallel_loop3A_208 = tpu.unpack_subelements %parallel_loop3A_206, 1 {pack_format = #tpu.pack_format<interleaved>} : vector<32xbf16> -> vector<16xf32>
      %parallel_loop3A_209 = arith.mulf %parallel_loop3A_202, %parallel_loop3A_207 : vector<16xf32>
      %parallel_loop3A_210 = arith.mulf %parallel_loop3A_203, %parallel_loop3A_198 : vector<16xf32>
      %parallel_loop3A_211 = arith.addf %parallel_loop3A_209, %parallel_loop3A_210 : vector<16xf32>
      %parallel_loop3A_212 = arith.constant true
      %parallel_loop3A_213 = vector.broadcast %parallel_loop3A_212 : i1 to vector<16xi1>
      %parallel_loop3A_214 = tpu.scan <sum>, %parallel_loop3A_211 masked %parallel_loop3A_213 : vector<16xf32>, vector<16xi1> -> vector<16xf32>
      %parallel_loop3A_215 = vector.extract %parallel_loop3A_214[15] : f32 from vector<16xf32>
      %parallel_loop3A_216 = arith.constant 0 : i32
      %parallel_loop3A_217 = vector.broadcast %parallel_loop3A_216 : i32 to vector<16xi32>
      %parallel_loop3A_218 = arith.cmpi eq, %iota3A, %parallel_loop3A_217 : vector<16xi32>
      %parallel_loop3A_219 = vector.broadcast %parallel_loop3A_215 : f32 to vector<16xf32>
      %parallel_loop3A_220 = arith.select %parallel_loop3A_218, %parallel_loop3A_219, %broadcast_in_dim3A_1 : vector<16xi1>, vector<16xf32>
      %parallel_loop3A_221 = arith.index_cast %parallel_loop3A_195 : i32 to index
      %parallel_loop3A_222 = arith.constant 32 : index
      %parallel_loop3A_223 = tpu.vector_load %arg18[%parallel_loop3A_221, %parallel_loop3A_222] {strides = array<i32>} : memref<40x256xbf16, #tpu.memory_space<vmem>>, vector<32xbf16>,
      %parallel_loop3A_224 = tpu.unpack_subelements %parallel_loop3A_223, 0 {pack_format = #tpu.pack_format<interleaved>} : vector<32xbf16> -> vector<16xf32>
      %parallel_loop3A_225 = tpu.unpack_subelements %parallel_loop3A_223, 1 {pack_format = #tpu.pack_format<interleaved>} : vector<32xbf16> -> vector<16xf32>
      %parallel_loop3A_226 = arith.index_cast %parallel_loop3A_195 : i32 to index
      %parallel_loop3A_227 = arith.constant 32 : index
      %parallel_loop3A_228 = tpu.vector_load %arg20[%parallel_loop3A_226, %parallel_loop3A_227] {strides = array<i32>} : memref<40x256xbf16, #tpu.memory_space<vmem>>, vector<32xbf16>,
      %parallel_loop3A_229 = tpu.unpack_subelements %parallel_loop3A_228, 0 {pack_format = #tpu.pack_format<interleaved>} : vector<32xbf16> -> vector<16xf32>
      %parallel_loop3A_230 = tpu.unpack_subelements %parallel_loop3A_228, 1 {pack_format = #tpu.pack_format<interleaved>} : vector<32xbf16> -> vector<16xf32>
      %parallel_loop3A_231 = arith.mulf %parallel_loop3A_224, %parallel_loop3A_229 : vector<16xf32>
      %parallel_loop3A_232 = arith.mulf %parallel_loop3A_225, %parallel_loop3A_198 : vector<16xf32>
      %parallel_loop3A_233 = arith.addf %parallel_loop3A_231, %parallel_loop3A_232 : vector<16xf32>
      %parallel_loop3A_234 = arith.constant true
      %parallel_loop3A_235 = vector.broadcast %parallel_loop3A_234 : i1 to vector<16xi1>
      %parallel_loop3A_236 = tpu.scan <sum>, %parallel_loop3A_233 masked %parallel_loop3A_235 : vector<16xf32>, vector<16xi1> -> vector<16xf32>
      %parallel_loop3A_237 = vector.extract %parallel_loop3A_236[15] : f32 from vector<16xf32>
      %parallel_loop3A_238 = arith.constant 1 : i32
      %parallel_loop3A_239 = vector.broadcast %parallel_loop3A_238 : i32 to vector<16xi32>
      %parallel_loop3A_240 = arith.cmpi eq, %iota3A, %parallel_loop3A_239 : vector<16xi32>
      %parallel_loop3A_241 = vector.broadcast %parallel_loop3A_237 : f32 to vector<16xf32>
      %parallel_loop3A_242 = arith.select %parallel_loop3A_240, %parallel_loop3A_241, %parallel_loop3A_220 : vector<16xi1>, vector<16xf32>
      %parallel_loop3A_243 = arith.index_cast %parallel_loop3A_195 : i32 to index
      %parallel_loop3A_244 = arith.constant 64 : index
      %parallel_loop3A_245 = tpu.vector_load %arg18[%parallel_loop3A_243, %parallel_loop3A_244] {strides = array<i32>} : memref<40x256xbf16, #tpu.memory_space<vmem>>, vector<32xbf16>,
      %parallel_loop3A_246 = tpu.unpack_subelements %parallel_loop3A_245, 0 {pack_format = #tpu.pack_format<interleaved>} : vector<32xbf16> -> vector<16xf32>
      %parallel_loop3A_247 = tpu.unpack_subelements %parallel_loop3A_245, 1 {pack_format = #tpu.pack_format<interleaved>} : vector<32xbf16> -> vector<16xf32>
      %parallel_loop3A_248 = arith.index_cast %parallel_loop3A_195 : i32 to index
      %parallel_loop3A_249 = arith.constant 64 : index
      %parallel_loop3A_250 = tpu.vector_load %arg20[%parallel_loop3A_248, %parallel_loop3A_249] {strides = array<i32>} : memref<40x256xbf16, #tpu.memory_space<vmem>>, vector<32xbf16>,
      %parallel_loop3A_251 = tpu.unpack_subelements %parallel_loop3A_250, 0 {pack_format = #tpu.pack_format<interleaved>} : vector<32xbf16> -> vector<16xf32>
      %parallel_loop3A_252 = tpu.unpack_subelements %parallel_loop3A_250, 1 {pack_format = #tpu.pack_format<interleaved>} : vector<32xbf16> -> vector<16xf32>
      %parallel_loop3A_253 = arith.mulf %parallel_loop3A_246, %parallel_loop3A_251 : vector<16xf32>
      %parallel_loop3A_254 = arith.mulf %parallel_loop3A_247, %parallel_loop3A_198 : vector<16xf32>
      %parallel_loop3A_255 = arith.addf %parallel_loop3A_253, %parallel_loop3A_254 : vector<16xf32>
      %parallel_loop3A_256 = arith.constant true
      %parallel_loop3A_257 = vector.broadcast %parallel_loop3A_256 : i1 to vector<16xi1>
      %parallel_loop3A_258 = tpu.scan <sum>, %parallel_loop3A_255 masked %parallel_loop3A_257 : vector<16xf32>, vector<16xi1> -> vector<16xf32>
      %parallel_loop3A_259 = vector.extract %parallel_loop3A_258[15] : f32 from vector<16xf32>
      %parallel_loop3A_260 = arith.constant 2 : i32
      %parallel_loop3A_261 = vector.broadcast %parallel_loop3A_260 : i32 to vector<16xi32>
      %parallel_loop3A_262 = arith.cmpi eq, %iota3A, %parallel_loop3A_261 : vector<16xi32>
      %parallel_loop3A_263 = vector.broadcast %parallel_loop3A_259 : f32 to vector<16xf32>
      %parallel_loop3A_264 = arith.select %parallel_loop3A_262, %parallel_loop3A_263, %parallel_loop3A_242 : vector<16xi1>, vector<16xf32>
      %parallel_loop3A_265 = arith.index_cast %parallel_loop3A_195 : i32 to index
      %parallel_loop3A_266 = arith.constant 96 : index
      %parallel_loop3A_267 = tpu.vector_load %arg18[%parallel_loop3A_265, %parallel_loop3A_266] {strides = array<i32>} : memref<40x256xbf16, #tpu.memory_space<vmem>>, vector<32xbf16>,
      %parallel_loop3A_268 = tpu.unpack_subelements %parallel_loop3A_267, 0 {pack_format = #tpu.pack_format<interleaved>} : vector<32xbf16> -> vector<16xf32>
      %parallel_loop3A_269 = tpu.unpack_subelements %parallel_loop3A_267, 1 {pack_format = #tpu.pack_format<interleaved>} : vector<32xbf16> -> vector<16xf32>
      %parallel_loop3A_270 = arith.index_cast %parallel_loop3A_195 : i32 to index
      %parallel_loop3A_271 = arith.constant 96 : index
      %parallel_loop3A_272 = tpu.vector_load %arg20[%parallel_loop3A_270, %parallel_loop3A_271] {strides = array<i32>} : memref<40x256xbf16, #tpu.memory_space<vmem>>, vector<32xbf16>,
      %parallel_loop3A_273 = tpu.unpack_subelements %parallel_loop3A_272, 0 {pack_format = #tpu.pack_format<interleaved>} : vector<32xbf16> -> vector<16xf32>
      %parallel_loop3A_274 = tpu.unpack_subelements %parallel_loop3A_272, 1 {pack_format = #tpu.pack_format<interleaved>} : vector<32xbf16> -> vector<16xf32>
      %parallel_loop3A_275 = arith.mulf %parallel_loop3A_268, %parallel_loop3A_273 : vector<16xf32>
      %parallel_loop3A_276 = arith.mulf %parallel_loop3A_269, %parallel_loop3A_198 : vector<16xf32>
      %parallel_loop3A_277 = arith.addf %parallel_loop3A_275, %parallel_loop3A_276 : vector<16xf32>
      %parallel_loop3A_278 = arith.constant true
      %parallel_loop3A_279 = vector.broadcast %parallel_loop3A_278 : i1 to vector<16xi1>
      %parallel_loop3A_280 = tpu.scan <sum>, %parallel_loop3A_277 masked %parallel_loop3A_279 : vector<16xf32>, vector<16xi1> -> vector<16xf32>
      %parallel_loop3A_281 = vector.extract %parallel_loop3A_280[15] : f32 from vector<16xf32>
      %parallel_loop3A_282 = arith.constant 3 : i32
      %parallel_loop3A_283 = vector.broadcast %parallel_loop3A_282 : i32 to vector<16xi32>
      %parallel_loop3A_284 = arith.cmpi eq, %iota3A, %parallel_loop3A_283 : vector<16xi32>
      %parallel_loop3A_285 = vector.broadcast %parallel_loop3A_281 : f32 to vector<16xf32>
      %parallel_loop3A_286 = arith.select %parallel_loop3A_284, %parallel_loop3A_285, %parallel_loop3A_264 : vector<16xi1>, vector<16xf32>
      %parallel_loop3A_287 = arith.index_cast %parallel_loop3A_195 : i32 to index
      %parallel_loop3A_288 = arith.constant 128 : index
      %parallel_loop3A_289 = tpu.vector_load %arg18[%parallel_loop3A_287, %parallel_loop3A_288] {strides = array<i32>} : memref<40x256xbf16, #tpu.memory_space<vmem>>, vector<32xbf16>,
      %parallel_loop3A_290 = tpu.unpack_subelements %parallel_loop3A_289, 0 {pack_format = #tpu.pack_format<interleaved>} : vector<32xbf16> -> vector<16xf32>
      %parallel_loop3A_291 = tpu.unpack_subelements %parallel_loop3A_289, 1 {pack_format = #tpu.pack_format<interleaved>} : vector<32xbf16> -> vector<16xf32>
      %parallel_loop3A_292 = arith.index_cast %parallel_loop3A_195 : i32 to index
      %parallel_loop3A_293 = arith.constant 128 : index
      %parallel_loop3A_294 = tpu.vector_load %arg20[%parallel_loop3A_292, %parallel_loop3A_293] {strides = array<i32>} : memref<40x256xbf16, #tpu.memory_space<vmem>>, vector<32xbf16>,
      %parallel_loop3A_295 = tpu.unpack_subelements %parallel_loop3A_294, 0 {pack_format = #tpu.pack_format<interleaved>} : vector<32xbf16> -> vector<16xf32>
      %parallel_loop3A_296 = tpu.unpack_subelements %parallel_loop3A_294, 1 {pack_format = #tpu.pack_format<interleaved>} : vector<32xbf16> -> vector<16xf32>
      %parallel_loop3A_297 = arith.mulf %parallel_loop3A_290, %parallel_loop3A_295 : vector<16xf32>
      %parallel_loop3A_298 = arith.mulf %parallel_loop3A_291, %parallel_loop3A_198 : vector<16xf32>
      %parallel_loop3A_299 = arith.addf %parallel_loop3A_297, %parallel_loop3A_298 : vector<16xf32>
      %parallel_loop3A_300 = arith.constant true
      %parallel_loop3A_301 = vector.broadcast %parallel_loop3A_300 : i1 to vector<16xi1>
      %parallel_loop3A_302 = tpu.scan <sum>, %parallel_loop3A_299 masked %parallel_loop3A_301 : vector<16xf32>, vector<16xi1> -> vector<16xf32>
      %parallel_loop3A_303 = vector.extract %parallel_loop3A_302[15] : f32 from vector<16xf32>
      %parallel_loop3A_304 = arith.constant 4 : i32
      %parallel_loop3A_305 = vector.broadcast %parallel_loop3A_304 : i32 to vector<16xi32>
      %parallel_loop3A_306 = arith.cmpi eq, %iota3A, %parallel_loop3A_305 : vector<16xi32>
      %parallel_loop3A_307 = vector.broadcast %parallel_loop3A_303 : f32 to vector<16xf32>
      %parallel_loop3A_308 = arith.select %parallel_loop3A_306, %parallel_loop3A_307, %parallel_loop3A_286 : vector<16xi1>, vector<16xf32>
      %parallel_loop3A_309 = arith.index_cast %parallel_loop3A_195 : i32 to index
      %parallel_loop3A_310 = arith.constant 160 : index
      %parallel_loop3A_311 = tpu.vector_load %arg18[%parallel_loop3A_309, %parallel_loop3A_310] {strides = array<i32>} : memref<40x256xbf16, #tpu.memory_space<vmem>>, vector<32xbf16>,
      %parallel_loop3A_312 = tpu.unpack_subelements %parallel_loop3A_311, 0 {pack_format = #tpu.pack_format<interleaved>} : vector<32xbf16> -> vector<16xf32>
      %parallel_loop3A_313 = tpu.unpack_subelements %parallel_loop3A_311, 1 {pack_format = #tpu.pack_format<interleaved>} : vector<32xbf16> -> vector<16xf32>
      %parallel_loop3A_314 = arith.index_cast %parallel_loop3A_195 : i32 to index
      %parallel_loop3A_315 = arith.constant 160 : index
      %parallel_loop3A_316 = tpu.vector_load %arg20[%parallel_loop3A_314, %parallel_loop3A_315] {strides = array<i32>} : memref<40x256xbf16, #tpu.memory_space<vmem>>, vector<32xbf16>,
      %parallel_loop3A_317 = tpu.unpack_subelements %parallel_loop3A_316, 0 {pack_format = #tpu.pack_format<interleaved>} : vector<32xbf16> -> vector<16xf32>
      %parallel_loop3A_318 = tpu.unpack_subelements %parallel_loop3A_316, 1 {pack_format = #tpu.pack_format<interleaved>} : vector<32xbf16> -> vector<16xf32>
      %parallel_loop3A_319 = arith.mulf %parallel_loop3A_312, %parallel_loop3A_317 : vector<16xf32>
      %parallel_loop3A_320 = arith.mulf %parallel_loop3A_313, %parallel_loop3A_198 : vector<16xf32>
      %parallel_loop3A_321 = arith.addf %parallel_loop3A_319, %parallel_loop3A_320 : vector<16xf32>
      %parallel_loop3A_322 = arith.constant true
      %parallel_loop3A_323 = vector.broadcast %parallel_loop3A_322 : i1 to vector<16xi1>
      %parallel_loop3A_324 = tpu.scan <sum>, %parallel_loop3A_321 masked %parallel_loop3A_323 : vector<16xf32>, vector<16xi1> -> vector<16xf32>
      %parallel_loop3A_325 = vector.extract %parallel_loop3A_324[15] : f32 from vector<16xf32>
      %parallel_loop3A_326 = arith.constant 5 : i32
      %parallel_loop3A_327 = vector.broadcast %parallel_loop3A_326 : i32 to vector<16xi32>
      %parallel_loop3A_328 = arith.cmpi eq, %iota3A, %parallel_loop3A_327 : vector<16xi32>
      %parallel_loop3A_329 = vector.broadcast %parallel_loop3A_325 : f32 to vector<16xf32>
      %parallel_loop3A_330 = arith.select %parallel_loop3A_328, %parallel_loop3A_329, %parallel_loop3A_308 : vector<16xi1>, vector<16xf32>
      %parallel_loop3A_331 = arith.index_cast %parallel_loop3A_195 : i32 to index
      %parallel_loop3A_332 = arith.constant 192 : index
      %parallel_loop3A_333 = tpu.vector_load %arg18[%parallel_loop3A_331, %parallel_loop3A_332] {strides = array<i32>} : memref<40x256xbf16, #tpu.memory_space<vmem>>, vector<32xbf16>,
      %parallel_loop3A_334 = tpu.unpack_subelements %parallel_loop3A_333, 0 {pack_format = #tpu.pack_format<interleaved>} : vector<32xbf16> -> vector<16xf32>
      %parallel_loop3A_335 = tpu.unpack_subelements %parallel_loop3A_333, 1 {pack_format = #tpu.pack_format<interleaved>} : vector<32xbf16> -> vector<16xf32>
      %parallel_loop3A_336 = arith.index_cast %parallel_loop3A_195 : i32 to index
      %parallel_loop3A_337 = arith.constant 192 : index
      %parallel_loop3A_338 = tpu.vector_load %arg20[%parallel_loop3A_336, %parallel_loop3A_337] {strides = array<i32>} : memref<40x256xbf16, #tpu.memory_space<vmem>>, vector<32xbf16>,
      %parallel_loop3A_339 = tpu.unpack_subelements %parallel_loop3A_338, 0 {pack_format = #tpu.pack_format<interleaved>} : vector<32xbf16> -> vector<16xf32>
      %parallel_loop3A_340 = tpu.unpack_subelements %parallel_loop3A_338, 1 {pack_format = #tpu.pack_format<interleaved>} : vector<32xbf16> -> vector<16xf32>
      %parallel_loop3A_341 = arith.mulf %parallel_loop3A_334, %parallel_loop3A_339 : vector<16xf32>
      %parallel_loop3A_342 = arith.mulf %parallel_loop3A_335, %parallel_loop3A_198 : vector<16xf32>
      %parallel_loop3A_343 = arith.addf %parallel_loop3A_341, %parallel_loop3A_342 : vector<16xf32>
      %parallel_loop3A_344 = arith.constant true
      %parallel_loop3A_345 = vector.broadcast %parallel_loop3A_344 : i1 to vector<16xi1>
      %parallel_loop3A_346 = tpu.scan <sum>, %parallel_loop3A_343 masked %parallel_loop3A_345 : vector<16xf32>, vector<16xi1> -> vector<16xf32>
      %parallel_loop3A_347 = vector.extract %parallel_loop3A_346[15] : f32 from vector<16xf32>
      %parallel_loop3A_348 = arith.constant 6 : i32
      %parallel_loop3A_349 = vector.broadcast %parallel_loop3A_348 : i32 to vector<16xi32>
      %parallel_loop3A_350 = arith.cmpi eq, %iota3A, %parallel_loop3A_349 : vector<16xi32>
      %parallel_loop3A_351 = vector.broadcast %parallel_loop3A_347 : f32 to vector<16xf32>
      %parallel_loop3A_352 = arith.select %parallel_loop3A_350, %parallel_loop3A_351, %parallel_loop3A_330 : vector<16xi1>, vector<16xf32>
      %parallel_loop3A_353 = arith.index_cast %parallel_loop3A_195 : i32 to index
      %parallel_loop3A_354 = arith.constant 224 : index
      %parallel_loop3A_355 = tpu.vector_load %arg18[%parallel_loop3A_353, %parallel_loop3A_354] {strides = array<i32>} : memref<40x256xbf16, #tpu.memory_space<vmem>>, vector<32xbf16>,
      %parallel_loop3A_356 = tpu.unpack_subelements %parallel_loop3A_355, 0 {pack_format = #tpu.pack_format<interleaved>} : vector<32xbf16> -> vector<16xf32>
      %parallel_loop3A_357 = tpu.unpack_subelements %parallel_loop3A_355, 1 {pack_format = #tpu.pack_format<interleaved>} : vector<32xbf16> -> vector<16xf32>
      %parallel_loop3A_358 = arith.index_cast %parallel_loop3A_195 : i32 to index
      %parallel_loop3A_359 = arith.constant 224 : index
      %parallel_loop3A_360 = tpu.vector_load %arg20[%parallel_loop3A_358, %parallel_loop3A_359] {strides = array<i32>} : memref<40x256xbf16, #tpu.memory_space<vmem>>, vector<32xbf16>,
      %parallel_loop3A_361 = tpu.unpack_subelements %parallel_loop3A_360, 0 {pack_format = #tpu.pack_format<interleaved>} : vector<32xbf16> -> vector<16xf32>
      %parallel_loop3A_362 = tpu.unpack_subelements %parallel_loop3A_360, 1 {pack_format = #tpu.pack_format<interleaved>} : vector<32xbf16> -> vector<16xf32>
      %parallel_loop3A_363 = arith.mulf %parallel_loop3A_356, %parallel_loop3A_361 : vector<16xf32>
      %parallel_loop3A_364 = arith.mulf %parallel_loop3A_357, %parallel_loop3A_198 : vector<16xf32>
      %parallel_loop3A_365 = arith.addf %parallel_loop3A_363, %parallel_loop3A_364 : vector<16xf32>
      %parallel_loop3A_366 = arith.constant true
      %parallel_loop3A_367 = vector.broadcast %parallel_loop3A_366 : i1 to vector<16xi1>
      %parallel_loop3A_368 = tpu.scan <sum>, %parallel_loop3A_365 masked %parallel_loop3A_367 : vector<16xf32>, vector<16xi1> -> vector<16xf32>
      %parallel_loop3A_369 = vector.extract %parallel_loop3A_368[15] : f32 from vector<16xf32>
      %parallel_loop3A_370 = arith.constant 7 : i32
      %parallel_loop3A_371 = vector.broadcast %parallel_loop3A_370 : i32 to vector<16xi32>
      %parallel_loop3A_372 = arith.cmpi eq, %iota3A, %parallel_loop3A_371 : vector<16xi32>
      %parallel_loop3A_373 = vector.broadcast %parallel_loop3A_369 : f32 to vector<16xf32>
      %parallel_loop3A_374 = arith.select %parallel_loop3A_372, %parallel_loop3A_373, %parallel_loop3A_352 : vector<16xi1>, vector<16xf32>
      %parallel_loop3A_375 = math.exp %parallel_loop3A_374 : vector<16xf32>
      %parallel_loop3A_376 = arith.index_cast %parallel_loop3A_195 : i32 to index
      %parallel_loop3A_377 = arith.constant 128 : index
      %parallel_loop3A_378 = tpu.vector_load %arg21[%parallel_loop3A_376, %parallel_loop3A_377] {strides = array<i32>} : memref<40x144xf32, #tpu.memory_space<vmem>>, vector<16xf32>,
      tpu.vector_store %arg21[%parallel_loop3A_376, %parallel_loop3A_377], %parallel_loop3A_375 {strides = array<i32>} : memref<40x144xf32, #tpu.memory_space<vmem>>, vector<16xf32>,
      %parallel_loop3A_379 = arith.index_cast %parallel_loop3A_195 : i32 to index
      %parallel_loop3A_380 = arith.constant 0 : index
      %parallel_loop3A_381 = tpu.vector_load %arg14[%parallel_loop3A_379, %parallel_loop3A_380] {strides = array<i32>} : memref<40x128xbf16, #tpu.memory_space<vmem>>, vector<32xbf16>,
      %parallel_loop3A_382 = tpu.unpack_subelements %parallel_loop3A_381, 0 {pack_format = #tpu.pack_format<interleaved>} : vector<32xbf16> -> vector<16xf32>
      %parallel_loop3A_383 = tpu.unpack_subelements %parallel_loop3A_381, 1 {pack_format = #tpu.pack_format<interleaved>} : vector<32xbf16> -> vector<16xf32>
      %parallel_loop3A_384 = arith.constant 0 : i32
      %parallel_loop3A_385 = vector.broadcast %parallel_loop3A_384 : i32 to vector<16xi32>
      %parallel_loop3A_386 = arith.constant 0 : i32
      %parallel_loop3A_387 = vector.broadcast %parallel_loop3A_386 : i32 to vector<16xi32>
      %parallel_loop3A_388 = arith.cmpi slt, %parallel_loop3A_385, %parallel_loop3A_387 : vector<16xi32>
      %parallel_loop3A_389 = arith.constant 16 : i32
      %parallel_loop3A_390 = vector.broadcast %parallel_loop3A_389 : i32 to vector<16xi32>
      %parallel_loop3A_391 = arith.addi %parallel_loop3A_385, %parallel_loop3A_390 : vector<16xi32>
      %parallel_loop3A_392 = arith.select %parallel_loop3A_388, %parallel_loop3A_391, %parallel_loop3A_385 : vector<16xi1>, vector<16xi32>
      %parallel_loop3A_393 = vector.shape_cast %parallel_loop3A_392 : vector<16xi32> to vector<16x1xi32>
      %parallel_loop3A_394 = vector.shape_cast %parallel_loop3A_393 : vector<16x1xi32> to vector<16xi32>
      %parallel_loop3A_395 = tpu.dynamic_gather %parallel_loop3A_375[%parallel_loop3A_394] in [0] : vector<16xf32>, vector<16xi32> -> vector<16xf32>
      %parallel_loop3A_396 = arith.addf %parallel_loop3A_208, %parallel_loop3A_382 : vector<16xf32>
      %parallel_loop3A_397 = arith.mulf %parallel_loop3A_395, %parallel_loop3A_396 : vector<16xf32>
      %parallel_loop3A_398 = arith.index_cast %parallel_loop3A_195 : i32 to index
      %parallel_loop3A_399 = arith.constant 0 : index
      %parallel_loop3A_400 = tpu.vector_load %arg21[%parallel_loop3A_398, %parallel_loop3A_399] {strides = array<i32>} : memref<40x144xf32, #tpu.memory_space<vmem>>, vector<16xf32>,
      tpu.vector_store %arg21[%parallel_loop3A_398, %parallel_loop3A_399], %parallel_loop3A_397 {strides = array<i32>} : memref<40x144xf32, #tpu.memory_space<vmem>>, vector<16xf32>,
      %parallel_loop3A_401 = arith.constant 1 : i32
      %parallel_loop3A_402 = vector.broadcast %parallel_loop3A_401 : i32 to vector<16xi32>
      %parallel_loop3A_403 = arith.constant 0 : i32
      %parallel_loop3A_404 = vector.broadcast %parallel_loop3A_403 : i32 to vector<16xi32>
      %parallel_loop3A_405 = arith.cmpi slt, %parallel_loop3A_402, %parallel_loop3A_404 : vector<16xi32>
      %parallel_loop3A_406 = arith.constant 16 : i32
      %parallel_loop3A_407 = vector.broadcast %parallel_loop3A_406 : i32 to vector<16xi32>
      %parallel_loop3A_408 = arith.addi %parallel_loop3A_402, %parallel_loop3A_407 : vector<16xi32>
      %parallel_loop3A_409 = arith.select %parallel_loop3A_405, %parallel_loop3A_408, %parallel_loop3A_402 : vector<16xi1>, vector<16xi32>
      %parallel_loop3A_410 = vector.shape_cast %parallel_loop3A_409 : vector<16xi32> to vector<16x1xi32>
      %parallel_loop3A_411 = vector.shape_cast %parallel_loop3A_410 : vector<16x1xi32> to vector<16xi32>
      %parallel_loop3A_412 = tpu.dynamic_gather %parallel_loop3A_375[%parallel_loop3A_411] in [0] : vector<16xf32>, vector<16xi32> -> vector<16xf32>
      %parallel_loop3A_413 = arith.addf %parallel_loop3A_230, %parallel_loop3A_383 : vector<16xf32>
      %parallel_loop3A_414 = arith.mulf %parallel_loop3A_412, %parallel_loop3A_413 : vector<16xf32>
      %parallel_loop3A_415 = arith.index_cast %parallel_loop3A_195 : i32 to index
      %parallel_loop3A_416 = arith.constant 16 : index
      %parallel_loop3A_417 = tpu.vector_load %arg21[%parallel_loop3A_415, %parallel_loop3A_416] {strides = array<i32>} : memref<40x144xf32, #tpu.memory_space<vmem>>, vector<16xf32>,
      tpu.vector_store %arg21[%parallel_loop3A_415, %parallel_loop3A_416], %parallel_loop3A_414 {strides = array<i32>} : memref<40x144xf32, #tpu.memory_space<vmem>>, vector<16xf32>,
      %parallel_loop3A_418 = arith.index_cast %parallel_loop3A_195 : i32 to index
      %parallel_loop3A_419 = arith.constant 32 : index
      %parallel_loop3A_420 = tpu.vector_load %arg14[%parallel_loop3A_418, %parallel_loop3A_419] {strides = array<i32>} : memref<40x128xbf16, #tpu.memory_space<vmem>>, vector<32xbf16>,
      %parallel_loop3A_421 = tpu.unpack_subelements %parallel_loop3A_420, 0 {pack_format = #tpu.pack_format<interleaved>} : vector<32xbf16> -> vector<16xf32>
      %parallel_loop3A_422 = tpu.unpack_subelements %parallel_loop3A_420, 1 {pack_format = #tpu.pack_format<interleaved>} : vector<32xbf16> -> vector<16xf32>
      %parallel_loop3A_423 = arith.constant 2 : i32
      %parallel_loop3A_424 = vector.broadcast %parallel_loop3A_423 : i32 to vector<16xi32>
      %parallel_loop3A_425 = arith.constant 0 : i32
      %parallel_loop3A_426 = vector.broadcast %parallel_loop3A_425 : i32 to vector<16xi32>
      %parallel_loop3A_427 = arith.cmpi slt, %parallel_loop3A_424, %parallel_loop3A_426 : vector<16xi32>
      %parallel_loop3A_428 = arith.constant 16 : i32
      %parallel_loop3A_429 = vector.broadcast %parallel_loop3A_428 : i32 to vector<16xi32>
      %parallel_loop3A_430 = arith.addi %parallel_loop3A_424, %parallel_loop3A_429 : vector<16xi32>
      %parallel_loop3A_431 = arith.select %parallel_loop3A_427, %parallel_loop3A_430, %parallel_loop3A_424 : vector<16xi1>, vector<16xi32>
      %parallel_loop3A_432 = vector.shape_cast %parallel_loop3A_431 : vector<16xi32> to vector<16x1xi32>
      %parallel_loop3A_433 = vector.shape_cast %parallel_loop3A_432 : vector<16x1xi32> to vector<16xi32>
      %parallel_loop3A_434 = tpu.dynamic_gather %parallel_loop3A_375[%parallel_loop3A_433] in [0] : vector<16xf32>, vector<16xi32> -> vector<16xf32>
      %parallel_loop3A_435 = arith.addf %parallel_loop3A_252, %parallel_loop3A_421 : vector<16xf32>
      %parallel_loop3A_436 = arith.mulf %parallel_loop3A_434, %parallel_loop3A_435 : vector<16xf32>
      %parallel_loop3A_437 = arith.index_cast %parallel_loop3A_195 : i32 to index
      %parallel_loop3A_438 = arith.constant 32 : index
      %parallel_loop3A_439 = tpu.vector_load %arg21[%parallel_loop3A_437, %parallel_loop3A_438] {strides = array<i32>} : memref<40x144xf32, #tpu.memory_space<vmem>>, vector<16xf32>,
      tpu.vector_store %arg21[%parallel_loop3A_437, %parallel_loop3A_438], %parallel_loop3A_436 {strides = array<i32>} : memref<40x144xf32, #tpu.memory_space<vmem>>, vector<16xf32>,
      %parallel_loop3A_440 = arith.constant 3 : i32
      %parallel_loop3A_441 = vector.broadcast %parallel_loop3A_440 : i32 to vector<16xi32>
      %parallel_loop3A_442 = arith.constant 0 : i32
      %parallel_loop3A_443 = vector.broadcast %parallel_loop3A_442 : i32 to vector<16xi32>
      %parallel_loop3A_444 = arith.cmpi slt, %parallel_loop3A_441, %parallel_loop3A_443 : vector<16xi32>
      %parallel_loop3A_445 = arith.constant 16 : i32
      %parallel_loop3A_446 = vector.broadcast %parallel_loop3A_445 : i32 to vector<16xi32>
      %parallel_loop3A_447 = arith.addi %parallel_loop3A_441, %parallel_loop3A_446 : vector<16xi32>
      %parallel_loop3A_448 = arith.select %parallel_loop3A_444, %parallel_loop3A_447, %parallel_loop3A_441 : vector<16xi1>, vector<16xi32>
      %parallel_loop3A_449 = vector.shape_cast %parallel_loop3A_448 : vector<16xi32> to vector<16x1xi32>
      %parallel_loop3A_450 = vector.shape_cast %parallel_loop3A_449 : vector<16x1xi32> to vector<16xi32>
      %parallel_loop3A_451 = tpu.dynamic_gather %parallel_loop3A_375[%parallel_loop3A_450] in [0] : vector<16xf32>, vector<16xi32> -> vector<16xf32>
      %parallel_loop3A_452 = arith.addf %parallel_loop3A_274, %parallel_loop3A_422 : vector<16xf32>
      %parallel_loop3A_453 = arith.mulf %parallel_loop3A_451, %parallel_loop3A_452 : vector<16xf32>
      %parallel_loop3A_454 = arith.index_cast %parallel_loop3A_195 : i32 to index
      %parallel_loop3A_455 = arith.constant 48 : index
      %parallel_loop3A_456 = tpu.vector_load %arg21[%parallel_loop3A_454, %parallel_loop3A_455] {strides = array<i32>} : memref<40x144xf32, #tpu.memory_space<vmem>>, vector<16xf32>,
      tpu.vector_store %arg21[%parallel_loop3A_454, %parallel_loop3A_455], %parallel_loop3A_453 {strides = array<i32>} : memref<40x144xf32, #tpu.memory_space<vmem>>, vector<16xf32>,
      %parallel_loop3A_457 = arith.index_cast %parallel_loop3A_195 : i32 to index
      %parallel_loop3A_458 = arith.constant 64 : index
      %parallel_loop3A_459 = tpu.vector_load %arg14[%parallel_loop3A_457, %parallel_loop3A_458] {strides = array<i32>} : memref<40x128xbf16, #tpu.memory_space<vmem>>, vector<32xbf16>,
      %parallel_loop3A_460 = tpu.unpack_subelements %parallel_loop3A_459, 0 {pack_format = #tpu.pack_format<interleaved>} : vector<32xbf16> -> vector<16xf32>
      %parallel_loop3A_461 = tpu.unpack_subelements %parallel_loop3A_459, 1 {pack_format = #tpu.pack_format<interleaved>} : vector<32xbf16> -> vector<16xf32>
      %parallel_loop3A_462 = arith.constant 4 : i32
      %parallel_loop3A_463 = vector.broadcast %parallel_loop3A_462 : i32 to vector<16xi32>
      %parallel_loop3A_464 = arith.constant 0 : i32
      %parallel_loop3A_465 = vector.broadcast %parallel_loop3A_464 : i32 to vector<16xi32>
      %parallel_loop3A_466 = arith.cmpi slt, %parallel_loop3A_463, %parallel_loop3A_465 : vector<16xi32>
      %parallel_loop3A_467 = arith.constant 16 : i32
      %parallel_loop3A_468 = vector.broadcast %parallel_loop3A_467 : i32 to vector<16xi32>
      %parallel_loop3A_469 = arith.addi %parallel_loop3A_463, %parallel_loop3A_468 : vector<16xi32>
      %parallel_loop3A_470 = arith.select %parallel_loop3A_466, %parallel_loop3A_469, %parallel_loop3A_463 : vector<16xi1>, vector<16xi32>
      %parallel_loop3A_471 = vector.shape_cast %parallel_loop3A_470 : vector<16xi32> to vector<16x1xi32>
      %parallel_loop3A_472 = vector.shape_cast %parallel_loop3A_471 : vector<16x1xi32> to vector<16xi32>
      %parallel_loop3A_473 = tpu.dynamic_gather %parallel_loop3A_375[%parallel_loop3A_472] in [0] : vector<16xf32>, vector<16xi32> -> vector<16xf32>
      %parallel_loop3A_474 = arith.addf %parallel_loop3A_296, %parallel_loop3A_460 : vector<16xf32>
      %parallel_loop3A_475 = arith.mulf %parallel_loop3A_473, %parallel_loop3A_474 : vector<16xf32>
      %parallel_loop3A_476 = arith.index_cast %parallel_loop3A_195 : i32 to index
      %parallel_loop3A_477 = arith.constant 64 : index
      %parallel_loop3A_478 = tpu.vector_load %arg21[%parallel_loop3A_476, %parallel_loop3A_477] {strides = array<i32>} : memref<40x144xf32, #tpu.memory_space<vmem>>, vector<16xf32>,
      tpu.vector_store %arg21[%parallel_loop3A_476, %parallel_loop3A_477], %parallel_loop3A_475 {strides = array<i32>} : memref<40x144xf32, #tpu.memory_space<vmem>>, vector<16xf32>,
      %parallel_loop3A_479 = arith.constant 5 : i32
      %parallel_loop3A_480 = vector.broadcast %parallel_loop3A_479 : i32 to vector<16xi32>
      %parallel_loop3A_481 = arith.constant 0 : i32
      %parallel_loop3A_482 = vector.broadcast %parallel_loop3A_481 : i32 to vector<16xi32>
      %parallel_loop3A_483 = arith.cmpi slt, %parallel_loop3A_480, %parallel_loop3A_482 : vector<16xi32>
      %parallel_loop3A_484 = arith.constant 16 : i32
      %parallel_loop3A_485 = vector.broadcast %parallel_loop3A_484 : i32 to vector<16xi32>
      %parallel_loop3A_486 = arith.addi %parallel_loop3A_480, %parallel_loop3A_485 : vector<16xi32>
      %parallel_loop3A_487 = arith.select %parallel_loop3A_483, %parallel_loop3A_486, %parallel_loop3A_480 : vector<16xi1>, vector<16xi32>
      %parallel_loop3A_488 = vector.shape_cast %parallel_loop3A_487 : vector<16xi32> to vector<16x1xi32>
      %parallel_loop3A_489 = vector.shape_cast %parallel_loop3A_488 : vector<16x1xi32> to vector<16xi32>
      %parallel_loop3A_490 = tpu.dynamic_gather %parallel_loop3A_375[%parallel_loop3A_489] in [0] : vector<16xf32>, vector<16xi32> -> vector<16xf32>
      %parallel_loop3A_491 = arith.addf %parallel_loop3A_318, %parallel_loop3A_461 : vector<16xf32>
      %parallel_loop3A_492 = arith.mulf %parallel_loop3A_490, %parallel_loop3A_491 : vector<16xf32>
      %parallel_loop3A_493 = arith.index_cast %parallel_loop3A_195 : i32 to index
      %parallel_loop3A_494 = arith.constant 80 : index
      %parallel_loop3A_495 = tpu.vector_load %arg21[%parallel_loop3A_493, %parallel_loop3A_494] {strides = array<i32>} : memref<40x144xf32, #tpu.memory_space<vmem>>, vector<16xf32>,
      tpu.vector_store %arg21[%parallel_loop3A_493, %parallel_loop3A_494], %parallel_loop3A_492 {strides = array<i32>} : memref<40x144xf32, #tpu.memory_space<vmem>>, vector<16xf32>,
      %parallel_loop3A_496 = arith.index_cast %parallel_loop3A_195 : i32 to index
      %parallel_loop3A_497 = arith.constant 96 : index
      %parallel_loop3A_498 = tpu.vector_load %arg14[%parallel_loop3A_496, %parallel_loop3A_497] {strides = array<i32>} : memref<40x128xbf16, #tpu.memory_space<vmem>>, vector<32xbf16>,
      %parallel_loop3A_499 = tpu.unpack_subelements %parallel_loop3A_498, 0 {pack_format = #tpu.pack_format<interleaved>} : vector<32xbf16> -> vector<16xf32>
      %parallel_loop3A_500 = tpu.unpack_subelements %parallel_loop3A_498, 1 {pack_format = #tpu.pack_format<interleaved>} : vector<32xbf16> -> vector<16xf32>
      %parallel_loop3A_501 = arith.constant 6 : i32
      %parallel_loop3A_502 = vector.broadcast %parallel_loop3A_501 : i32 to vector<16xi32>
      %parallel_loop3A_503 = arith.constant 0 : i32
      %parallel_loop3A_504 = vector.broadcast %parallel_loop3A_503 : i32 to vector<16xi32>
      %parallel_loop3A_505 = arith.cmpi slt, %parallel_loop3A_502, %parallel_loop3A_504 : vector<16xi32>
      %parallel_loop3A_506 = arith.constant 16 : i32
      %parallel_loop3A_507 = vector.broadcast %parallel_loop3A_506 : i32 to vector<16xi32>
      %parallel_loop3A_508 = arith.addi %parallel_loop3A_502, %parallel_loop3A_507 : vector<16xi32>
      %parallel_loop3A_509 = arith.select %parallel_loop3A_505, %parallel_loop3A_508, %parallel_loop3A_502 : vector<16xi1>, vector<16xi32>
      %parallel_loop3A_510 = vector.shape_cast %parallel_loop3A_509 : vector<16xi32> to vector<16x1xi32>
      %parallel_loop3A_511 = vector.shape_cast %parallel_loop3A_510 : vector<16x1xi32> to vector<16xi32>
      %parallel_loop3A_512 = tpu.dynamic_gather %parallel_loop3A_375[%parallel_loop3A_511] in [0] : vector<16xf32>, vector<16xi32> -> vector<16xf32>
      %parallel_loop3A_513 = arith.addf %parallel_loop3A_340, %parallel_loop3A_499 : vector<16xf32>
      %parallel_loop3A_514 = arith.mulf %parallel_loop3A_512, %parallel_loop3A_513 : vector<16xf32>
      %parallel_loop3A_515 = arith.index_cast %parallel_loop3A_195 : i32 to index
      %parallel_loop3A_516 = arith.constant 96 : index
      %parallel_loop3A_517 = tpu.vector_load %arg21[%parallel_loop3A_515, %parallel_loop3A_516] {strides = array<i32>} : memref<40x144xf32, #tpu.memory_space<vmem>>, vector<16xf32>,
      tpu.vector_store %arg21[%parallel_loop3A_515, %parallel_loop3A_516], %parallel_loop3A_514 {strides = array<i32>} : memref<40x144xf32, #tpu.memory_space<vmem>>, vector<16xf32>,
      %parallel_loop3A_518 = arith.constant 7 : i32
      %parallel_loop3A_519 = vector.broadcast %parallel_loop3A_518 : i32 to vector<16xi32>
      %parallel_loop3A_520 = arith.constant 0 : i32
      %parallel_loop3A_521 = vector.broadcast %parallel_loop3A_520 : i32 to vector<16xi32>
      %parallel_loop3A_522 = arith.cmpi slt, %parallel_loop3A_519, %parallel_loop3A_521 : vector<16xi32>
      %parallel_loop3A_523 = arith.constant 16 : i32
      %parallel_loop3A_524 = vector.broadcast %parallel_loop3A_523 : i32 to vector<16xi32>
      %parallel_loop3A_525 = arith.addi %parallel_loop3A_519, %parallel_loop3A_524 : vector<16xi32>
      %parallel_loop3A_526 = arith.select %parallel_loop3A_522, %parallel_loop3A_525, %parallel_loop3A_519 : vector<16xi1>, vector<16xi32>
      %parallel_loop3A_527 = vector.shape_cast %parallel_loop3A_526 : vector<16xi32> to vector<16x1xi32>
      %parallel_loop3A_528 = vector.shape_cast %parallel_loop3A_527 : vector<16x1xi32> to vector<16xi32>
      %parallel_loop3A_529 = tpu.dynamic_gather %parallel_loop3A_375[%parallel_loop3A_528] in [0] : vector<16xf32>, vector<16xi32> -> vector<16xf32>
      %parallel_loop3A_530 = arith.addf %parallel_loop3A_362, %parallel_loop3A_500 : vector<16xf32>
      %parallel_loop3A_531 = arith.mulf %parallel_loop3A_529, %parallel_loop3A_530 : vector<16xf32>
      %parallel_loop3A_532 = arith.index_cast %parallel_loop3A_195 : i32 to index
      %parallel_loop3A_533 = arith.constant 112 : index
      %parallel_loop3A_534 = tpu.vector_load %arg21[%parallel_loop3A_532, %parallel_loop3A_533] {strides = array<i32>} : memref<40x144xf32, #tpu.memory_space<vmem>>, vector<16xf32>,
      tpu.vector_store %arg21[%parallel_loop3A_532, %parallel_loop3A_533], %parallel_loop3A_531 {strides = array<i32>} : memref<40x144xf32, #tpu.memory_space<vmem>>, vector<16xf32>,
    } {sc.loop_unroll_factor = 1 : i64, sc.parallel_access}
    "tpu.region"() ({
      %run_scoped3A = tpu.sem_alloc : memref<!tpu.dma_semaphore, #tpu.memory_space<semaphore_mem>>
      %dma_start3A_195 = arith.constant 0 : i32
      %dma_start3A_196 = arith.constant 0 : i32
      %dma_start3A_197 = tpu.memref_slice %arg22[%dma_start3A_195, %dma_start3A_196] : memref<10000x144xf32, #tpu.memory_space<vmem_shared>> -> memref<10000x144xf32, #tpu.memory_space<vmem_shared>>
      tpu.enqueue_indirect_dma source(%arg21 : memref<40x144xf32, #tpu.memory_space<vmem>>) target(%dma_start3A_197 : memref<10000x144xf32, #tpu.memory_space<vmem_shared>>) offsets(%arg12 : memref<40xi32, #tpu.memory_space<vmem>>) semaphore(%run_scoped3A : memref<!tpu.dma_semaphore, #tpu.memory_space<semaphore_mem>>) {add = true}
      %dma_wait3A_198 = arith.constant 0 : i32
      %dma_wait3A_199 = arith.constant 0 : i32
      %dma_wait3A_200 = tpu.memref_slice %arg22[%dma_wait3A_198, %dma_wait3A_199] : memref<10000x144xf32, #tpu.memory_space<vmem_shared>> -> memref<10000x144xf32, #tpu.memory_space<vmem_shared>>
      tpu.wait_indirect_dma semaphore(%run_scoped3A : memref<!tpu.dma_semaphore, #tpu.memory_space<semaphore_mem>>) src(%arg21 : memref<40x144xf32, #tpu.memory_space<vmem>>) dst(%dma_wait3A_200 : memref<10000x144xf32, #tpu.memory_space<vmem_shared>>)
      tpu.yield
    }) : () -> ()
    %barrier3A_130 = arith.constant 0 : index
    tpu.barrier barrier_id(%barrier3A_130)
    %add3A_131 = arith.constant 0 : i32
    %add3A_132 = arith.addi %mul3A_7, %add3A_131 : i32
    %add3A_133 = arith.constant 0 : i32
    %add3A_134 = arith.addi %mul3A_7, %add3A_133 : i32
    "tpu.region"() ({
      %run_scoped3A = tpu.sem_alloc : memref<!tpu.dma_semaphore, #tpu.memory_space<semaphore_mem>>
      %dma_start3A_195 = arith.constant 0 : i32
      %dma_start3A_196 = tpu.memref_slice %arg8[%arg0, %add3A_134, %dma_start3A_195] : memref<2x10000x144xf32, #tpu.memory_space<hbm>> -> memref<1x40x144xf32, #tpu.memory_space<hbm>>
      %dma_start3A_197 = tpu.memref_squeeze %dma_start3A_196 : memref<1x40x144xf32, #tpu.memory_space<hbm>> -> memref<40x144xf32, #tpu.memory_space<hbm>>
      %dma_start3A_198 = arith.constant 0 : i32
      %dma_start3A_199 = tpu.memref_slice %arg22[%add3A_132, %dma_start3A_198] : memref<10000x144xf32, #tpu.memory_space<vmem_shared>> -> memref<40x144xf32, #tpu.memory_space<vmem_shared>>
      tpu.enqueue_dma source(%dma_start3A_199 : memref<40x144xf32, #tpu.memory_space<vmem_shared>>) target(%dma_start3A_197 : memref<40x144xf32, #tpu.memory_space<hbm>>) target_semaphore(%run_scoped3A : memref<!tpu.dma_semaphore, #tpu.memory_space<semaphore_mem>>)
      %dma_wait3A_200 = arith.constant 0 : i32
      %dma_wait3A_201 = tpu.memref_slice %arg8[%arg0, %add3A_134, %dma_wait3A_200] : memref<2x10000x144xf32, #tpu.memory_space<hbm>> -> memref<1x40x144xf32, #tpu.memory_space<hbm>>
      %dma_wait3A_202 = tpu.memref_squeeze %dma_wait3A_201 : memref<1x40x144xf32, #tpu.memory_space<hbm>> -> memref<40x144xf32, #tpu.memory_space<hbm>>
      %dma_wait3A_203 = arith.constant 0 : i32
      %dma_wait3A_204 = tpu.memref_slice %arg22[%add3A_132, %dma_wait3A_203] : memref<10000x144xf32, #tpu.memory_space<vmem_shared>> -> memref<40x144xf32, #tpu.memory_space<vmem_shared>>
      tpu.wait_dma2 semaphore(%run_scoped3A : memref<!tpu.dma_semaphore, #tpu.memory_space<semaphore_mem>>) src(%dma_wait3A_204 : memref<40x144xf32, #tpu.memory_space<vmem_shared>>) dst(%dma_wait3A_202 : memref<40x144xf32, #tpu.memory_space<hbm>>)
      tpu.yield
    }) : () -> ()
    %add3A_135 = arith.constant 40 : i32
    %add3A_136 = arith.addi %mul3A_7, %add3A_135 : i32
    %add3A_137 = arith.constant 40 : i32
    %add3A_138 = arith.addi %mul3A_7, %add3A_137 : i32
    "tpu.region"() ({
      %run_scoped3A = tpu.sem_alloc : memref<!tpu.dma_semaphore, #tpu.memory_space<semaphore_mem>>
      %dma_start3A_195 = arith.constant 0 : i32
      %dma_start3A_196 = tpu.memref_slice %arg8[%arg0, %add3A_138, %dma_start3A_195] : memref<2x10000x144xf32, #tpu.memory_space<hbm>> -> memref<1x40x144xf32, #tpu.memory_space<hbm>>
      %dma_start3A_197 = tpu.memref_squeeze %dma_start3A_196 : memref<1x40x144xf32, #tpu.memory_space<hbm>> -> memref<40x144xf32, #tpu.memory_space<hbm>>
      %dma_start3A_198 = arith.constant 0 : i32
      %dma_start3A_199 = tpu.memref_slice %arg22[%add3A_136, %dma_start3A_198] : memref<10000x144xf32, #tpu.memory_space<vmem_shared>> -> memref<40x144xf32, #tpu.memory_space<vmem_shared>>
      tpu.enqueue_dma source(%dma_start3A_199 : memref<40x144xf32, #tpu.memory_space<vmem_shared>>) target(%dma_start3A_197 : memref<40x144xf32, #tpu.memory_space<hbm>>) target_semaphore(%run_scoped3A : memref<!tpu.dma_semaphore, #tpu.memory_space<semaphore_mem>>)
      %dma_wait3A_200 = arith.constant 0 : i32
      %dma_wait3A_201 = tpu.memref_slice %arg8[%arg0, %add3A_138, %dma_wait3A_200] : memref<2x10000x144xf32, #tpu.memory_space<hbm>> -> memref<1x40x144xf32, #tpu.memory_space<hbm>>
      %dma_wait3A_202 = tpu.memref_squeeze %dma_wait3A_201 : memref<1x40x144xf32, #tpu.memory_space<hbm>> -> memref<40x144xf32, #tpu.memory_space<hbm>>
      %dma_wait3A_203 = arith.constant 0 : i32
      %dma_wait3A_204 = tpu.memref_slice %arg22[%add3A_136, %dma_wait3A_203] : memref<10000x144xf32, #tpu.memory_space<vmem_shared>> -> memref<40x144xf32, #tpu.memory_space<vmem_shared>>
      tpu.wait_dma2 semaphore(%run_scoped3A : memref<!tpu.dma_semaphore, #tpu.memory_space<semaphore_mem>>) src(%dma_wait3A_204 : memref<40x144xf32, #tpu.memory_space<vmem_shared>>) dst(%dma_wait3A_202 : memref<40x144xf32, #tpu.memory_space<hbm>>)
      tpu.yield
    }) : () -> ()
    %add3A_139 = arith.constant 80 : i32
    %add3A_140 = arith.addi %mul3A_7, %add3A_139 : i32
    %add3A_141 = arith.constant 80 : i32
    %add3A_142 = arith.addi %mul3A_7, %add3A_141 : i32
    "tpu.region"() ({
      %run_scoped3A = tpu.sem_alloc : memref<!tpu.dma_semaphore, #tpu.memory_space<semaphore_mem>>
      %dma_start3A_195 = arith.constant 0 : i32
      %dma_start3A_196 = tpu.memref_slice %arg8[%arg0, %add3A_142, %dma_start3A_195] : memref<2x10000x144xf32, #tpu.memory_space<hbm>> -> memref<1x40x144xf32, #tpu.memory_space<hbm>>
      %dma_start3A_197 = tpu.memref_squeeze %dma_start3A_196 : memref<1x40x144xf32, #tpu.memory_space<hbm>> -> memref<40x144xf32, #tpu.memory_space<hbm>>
      %dma_start3A_198 = arith.constant 0 : i32
      %dma_start3A_199 = tpu.memref_slice %arg22[%add3A_140, %dma_start3A_198] : memref<10000x144xf32, #tpu.memory_space<vmem_shared>> -> memref<40x144xf32, #tpu.memory_space<vmem_shared>>
      tpu.enqueue_dma source(%dma_start3A_199 : memref<40x144xf32, #tpu.memory_space<vmem_shared>>) target(%dma_start3A_197 : memref<40x144xf32, #tpu.memory_space<hbm>>) target_semaphore(%run_scoped3A : memref<!tpu.dma_semaphore, #tpu.memory_space<semaphore_mem>>)
      %dma_wait3A_200 = arith.constant 0 : i32
      %dma_wait3A_201 = tpu.memref_slice %arg8[%arg0, %add3A_142, %dma_wait3A_200] : memref<2x10000x144xf32, #tpu.memory_space<hbm>> -> memref<1x40x144xf32, #tpu.memory_space<hbm>>
      %dma_wait3A_202 = tpu.memref_squeeze %dma_wait3A_201 : memref<1x40x144xf32, #tpu.memory_space<hbm>> -> memref<40x144xf32, #tpu.memory_space<hbm>>
      %dma_wait3A_203 = arith.constant 0 : i32
      %dma_wait3A_204 = tpu.memref_slice %arg22[%add3A_140, %dma_wait3A_203] : memref<10000x144xf32, #tpu.memory_space<vmem_shared>> -> memref<40x144xf32, #tpu.memory_space<vmem_shared>>
      tpu.wait_dma2 semaphore(%run_scoped3A : memref<!tpu.dma_semaphore, #tpu.memory_space<semaphore_mem>>) src(%dma_wait3A_204 : memref<40x144xf32, #tpu.memory_space<vmem_shared>>) dst(%dma_wait3A_202 : memref<40x144xf32, #tpu.memory_space<hbm>>)
      tpu.yield
    }) : () -> ()
    %add3A_143 = arith.constant 120 : i32
    %add3A_144 = arith.addi %mul3A_7, %add3A_143 : i32
    %add3A_145 = arith.constant 120 : i32
    %add3A_146 = arith.addi %mul3A_7, %add3A_145 : i32
    "tpu.region"() ({
      %run_scoped3A = tpu.sem_alloc : memref<!tpu.dma_semaphore, #tpu.memory_space<semaphore_mem>>
      %dma_start3A_195 = arith.constant 0 : i32
      %dma_start3A_196 = tpu.memref_slice %arg8[%arg0, %add3A_146, %dma_start3A_195] : memref<2x10000x144xf32, #tpu.memory_space<hbm>> -> memref<1x40x144xf32, #tpu.memory_space<hbm>>
      %dma_start3A_197 = tpu.memref_squeeze %dma_start3A_196 : memref<1x40x144xf32, #tpu.memory_space<hbm>> -> memref<40x144xf32, #tpu.memory_space<hbm>>
      %dma_start3A_198 = arith.constant 0 : i32
      %dma_start3A_199 = tpu.memref_slice %arg22[%add3A_144, %dma_start3A_198] : memref<10000x144xf32, #tpu.memory_space<vmem_shared>> -> memref<40x144xf32, #tpu.memory_space<vmem_shared>>
      tpu.enqueue_dma source(%dma_start3A_199 : memref<40x144xf32, #tpu.memory_space<vmem_shared>>) target(%dma_start3A_197 : memref<40x144xf32, #tpu.memory_space<hbm>>) target_semaphore(%run_scoped3A : memref<!tpu.dma_semaphore, #tpu.memory_space<semaphore_mem>>)
      %dma_wait3A_200 = arith.constant 0 : i32
      %dma_wait3A_201 = tpu.memref_slice %arg8[%arg0, %add3A_146, %dma_wait3A_200] : memref<2x10000x144xf32, #tpu.memory_space<hbm>> -> memref<1x40x144xf32, #tpu.memory_space<hbm>>
      %dma_wait3A_202 = tpu.memref_squeeze %dma_wait3A_201 : memref<1x40x144xf32, #tpu.memory_space<hbm>> -> memref<40x144xf32, #tpu.memory_space<hbm>>
      %dma_wait3A_203 = arith.constant 0 : i32
      %dma_wait3A_204 = tpu.memref_slice %arg22[%add3A_144, %dma_wait3A_203] : memref<10000x144xf32, #tpu.memory_space<vmem_shared>> -> memref<40x144xf32, #tpu.memory_space<vmem_shared>>
      tpu.wait_dma2 semaphore(%run_scoped3A : memref<!tpu.dma_semaphore, #tpu.memory_space<semaphore_mem>>) src(%dma_wait3A_204 : memref<40x144xf32, #tpu.memory_space<vmem_shared>>) dst(%dma_wait3A_202 : memref<40x144xf32, #tpu.memory_space<hbm>>)
      tpu.yield
    }) : () -> ()
    %add3A_147 = arith.constant 160 : i32
    %add3A_148 = arith.addi %mul3A_7, %add3A_147 : i32
    %add3A_149 = arith.constant 160 : i32
    %add3A_150 = arith.addi %mul3A_7, %add3A_149 : i32
    "tpu.region"() ({
      %run_scoped3A = tpu.sem_alloc : memref<!tpu.dma_semaphore, #tpu.memory_space<semaphore_mem>>
      %dma_start3A_195 = arith.constant 0 : i32
      %dma_start3A_196 = tpu.memref_slice %arg8[%arg0, %add3A_150, %dma_start3A_195] : memref<2x10000x144xf32, #tpu.memory_space<hbm>> -> memref<1x40x144xf32, #tpu.memory_space<hbm>>
      %dma_start3A_197 = tpu.memref_squeeze %dma_start3A_196 : memref<1x40x144xf32, #tpu.memory_space<hbm>> -> memref<40x144xf32, #tpu.memory_space<hbm>>
      %dma_start3A_198 = arith.constant 0 : i32
      %dma_start3A_199 = tpu.memref_slice %arg22[%add3A_148, %dma_start3A_198] : memref<10000x144xf32, #tpu.memory_space<vmem_shared>> -> memref<40x144xf32, #tpu.memory_space<vmem_shared>>
      tpu.enqueue_dma source(%dma_start3A_199 : memref<40x144xf32, #tpu.memory_space<vmem_shared>>) target(%dma_start3A_197 : memref<40x144xf32, #tpu.memory_space<hbm>>) target_semaphore(%run_scoped3A : memref<!tpu.dma_semaphore, #tpu.memory_space<semaphore_mem>>)
      %dma_wait3A_200 = arith.constant 0 : i32
      %dma_wait3A_201 = tpu.memref_slice %arg8[%arg0, %add3A_150, %dma_wait3A_200] : memref<2x10000x144xf32, #tpu.memory_space<hbm>> -> memref<1x40x144xf32, #tpu.memory_space<hbm>>
      %dma_wait3A_202 = tpu.memref_squeeze %dma_wait3A_201 : memref<1x40x144xf32, #tpu.memory_space<hbm>> -> memref<40x144xf32, #tpu.memory_space<hbm>>
      %dma_wait3A_203 = arith.constant 0 : i32
      %dma_wait3A_204 = tpu.memref_slice %arg22[%add3A_148, %dma_wait3A_203] : memref<10000x144xf32, #tpu.memory_space<vmem_shared>> -> memref<40x144xf32, #tpu.memory_space<vmem_shared>>
      tpu.wait_dma2 semaphore(%run_scoped3A : memref<!tpu.dma_semaphore, #tpu.memory_space<semaphore_mem>>) src(%dma_wait3A_204 : memref<40x144xf32, #tpu.memory_space<vmem_shared>>) dst(%dma_wait3A_202 : memref<40x144xf32, #tpu.memory_space<hbm>>)
      tpu.yield
    }) : () -> ()
    %add3A_151 = arith.constant 200 : i32
    %add3A_152 = arith.addi %mul3A_7, %add3A_151 : i32
    %add3A_153 = arith.constant 200 : i32
    %add3A_154 = arith.addi %mul3A_7, %add3A_153 : i32
    "tpu.region"() ({
      %run_scoped3A = tpu.sem_alloc : memref<!tpu.dma_semaphore, #tpu.memory_space<semaphore_mem>>
      %dma_start3A_195 = arith.constant 0 : i32
      %dma_start3A_196 = tpu.memref_slice %arg8[%arg0, %add3A_154, %dma_start3A_195] : memref<2x10000x144xf32, #tpu.memory_space<hbm>> -> memref<1x40x144xf32, #tpu.memory_space<hbm>>
      %dma_start3A_197 = tpu.memref_squeeze %dma_start3A_196 : memref<1x40x144xf32, #tpu.memory_space<hbm>> -> memref<40x144xf32, #tpu.memory_space<hbm>>
      %dma_start3A_198 = arith.constant 0 : i32
      %dma_start3A_199 = tpu.memref_slice %arg22[%add3A_152, %dma_start3A_198] : memref<10000x144xf32, #tpu.memory_space<vmem_shared>> -> memref<40x144xf32, #tpu.memory_space<vmem_shared>>
      tpu.enqueue_dma source(%dma_start3A_199 : memref<40x144xf32, #tpu.memory_space<vmem_shared>>) target(%dma_start3A_197 : memref<40x144xf32, #tpu.memory_space<hbm>>) target_semaphore(%run_scoped3A : memref<!tpu.dma_semaphore, #tpu.memory_space<semaphore_mem>>)
      %dma_wait3A_200 = arith.constant 0 : i32
      %dma_wait3A_201 = tpu.memref_slice %arg8[%arg0, %add3A_154, %dma_wait3A_200] : memref<2x10000x144xf32, #tpu.memory_space<hbm>> -> memref<1x40x144xf32, #tpu.memory_space<hbm>>
      %dma_wait3A_202 = tpu.memref_squeeze %dma_wait3A_201 : memref<1x40x144xf32, #tpu.memory_space<hbm>> -> memref<40x144xf32, #tpu.memory_space<hbm>>
      %dma_wait3A_203 = arith.constant 0 : i32
      %dma_wait3A_204 = tpu.memref_slice %arg22[%add3A_152, %dma_wait3A_203] : memref<10000x144xf32, #tpu.memory_space<vmem_shared>> -> memref<40x144xf32, #tpu.memory_space<vmem_shared>>
      tpu.wait_dma2 semaphore(%run_scoped3A : memref<!tpu.dma_semaphore, #tpu.memory_space<semaphore_mem>>) src(%dma_wait3A_204 : memref<40x144xf32, #tpu.memory_space<vmem_shared>>) dst(%dma_wait3A_202 : memref<40x144xf32, #tpu.memory_space<hbm>>)
      tpu.yield
    }) : () -> ()
    %add3A_155 = arith.constant 240 : i32
    %add3A_156 = arith.addi %mul3A_7, %add3A_155 : i32
    %add3A_157 = arith.constant 240 : i32
    %add3A_158 = arith.addi %mul3A_7, %add3A_157 : i32
    "tpu.region"() ({
      %run_scoped3A = tpu.sem_alloc : memref<!tpu.dma_semaphore, #tpu.memory_space<semaphore_mem>>
      %dma_start3A_195 = arith.constant 0 : i32
      %dma_start3A_196 = tpu.memref_slice %arg8[%arg0, %add3A_158, %dma_start3A_195] : memref<2x10000x144xf32, #tpu.memory_space<hbm>> -> memref<1x40x144xf32, #tpu.memory_space<hbm>>
      %dma_start3A_197 = tpu.memref_squeeze %dma_start3A_196 : memref<1x40x144xf32, #tpu.memory_space<hbm>> -> memref<40x144xf32, #tpu.memory_space<hbm>>
      %dma_start3A_198 = arith.constant 0 : i32
      %dma_start3A_199 = tpu.memref_slice %arg22[%add3A_156, %dma_start3A_198] : memref<10000x144xf32, #tpu.memory_space<vmem_shared>> -> memref<40x144xf32, #tpu.memory_space<vmem_shared>>
      tpu.enqueue_dma source(%dma_start3A_199 : memref<40x144xf32, #tpu.memory_space<vmem_shared>>) target(%dma_start3A_197 : memref<40x144xf32, #tpu.memory_space<hbm>>) target_semaphore(%run_scoped3A : memref<!tpu.dma_semaphore, #tpu.memory_space<semaphore_mem>>)
      %dma_wait3A_200 = arith.constant 0 : i32
      %dma_wait3A_201 = tpu.memref_slice %arg8[%arg0, %add3A_158, %dma_wait3A_200] : memref<2x10000x144xf32, #tpu.memory_space<hbm>> -> memref<1x40x144xf32, #tpu.memory_space<hbm>>
      %dma_wait3A_202 = tpu.memref_squeeze %dma_wait3A_201 : memref<1x40x144xf32, #tpu.memory_space<hbm>> -> memref<40x144xf32, #tpu.memory_space<hbm>>
      %dma_wait3A_203 = arith.constant 0 : i32
      %dma_wait3A_204 = tpu.memref_slice %arg22[%add3A_156, %dma_wait3A_203] : memref<10000x144xf32, #tpu.memory_space<vmem_shared>> -> memref<40x144xf32, #tpu.memory_space<vmem_shared>>
      tpu.wait_dma2 semaphore(%run_scoped3A : memref<!tpu.dma_semaphore, #tpu.memory_space<semaphore_mem>>) src(%dma_wait3A_204 : memref<40x144xf32, #tpu.memory_space<vmem_shared>>) dst(%dma_wait3A_202 : memref<40x144xf32, #tpu.memory_space<hbm>>)
      tpu.yield
    }) : () -> ()
    %add3A_159 = arith.constant 280 : i32
    %add3A_160 = arith.addi %mul3A_7, %add3A_159 : i32
    %add3A_161 = arith.constant 280 : i32
    %add3A_162 = arith.addi %mul3A_7, %add3A_161 : i32
    "tpu.region"() ({
      %run_scoped3A = tpu.sem_alloc : memref<!tpu.dma_semaphore, #tpu.memory_space<semaphore_mem>>
      %dma_start3A_195 = arith.constant 0 : i32
      %dma_start3A_196 = tpu.memref_slice %arg8[%arg0, %add3A_162, %dma_start3A_195] : memref<2x10000x144xf32, #tpu.memory_space<hbm>> -> memref<1x40x144xf32, #tpu.memory_space<hbm>>
      %dma_start3A_197 = tpu.memref_squeeze %dma_start3A_196 : memref<1x40x144xf32, #tpu.memory_space<hbm>> -> memref<40x144xf32, #tpu.memory_space<hbm>>
      %dma_start3A_198 = arith.constant 0 : i32
      %dma_start3A_199 = tpu.memref_slice %arg22[%add3A_160, %dma_start3A_198] : memref<10000x144xf32, #tpu.memory_space<vmem_shared>> -> memref<40x144xf32, #tpu.memory_space<vmem_shared>>
      tpu.enqueue_dma source(%dma_start3A_199 : memref<40x144xf32, #tpu.memory_space<vmem_shared>>) target(%dma_start3A_197 : memref<40x144xf32, #tpu.memory_space<hbm>>) target_semaphore(%run_scoped3A : memref<!tpu.dma_semaphore, #tpu.memory_space<semaphore_mem>>)
      %dma_wait3A_200 = arith.constant 0 : i32
      %dma_wait3A_201 = tpu.memref_slice %arg8[%arg0, %add3A_162, %dma_wait3A_200] : memref<2x10000x144xf32, #tpu.memory_space<hbm>> -> memref<1x40x144xf32, #tpu.memory_space<hbm>>
      %dma_wait3A_202 = tpu.memref_squeeze %dma_wait3A_201 : memref<1x40x144xf32, #tpu.memory_space<hbm>> -> memref<40x144xf32, #tpu.memory_space<hbm>>
      %dma_wait3A_203 = arith.constant 0 : i32
      %dma_wait3A_204 = tpu.memref_slice %arg22[%add3A_160, %dma_wait3A_203] : memref<10000x144xf32, #tpu.memory_space<vmem_shared>> -> memref<40x144xf32, #tpu.memory_space<vmem_shared>>
      tpu.wait_dma2 semaphore(%run_scoped3A : memref<!tpu.dma_semaphore, #tpu.memory_space<semaphore_mem>>) src(%dma_wait3A_204 : memref<40x144xf32, #tpu.memory_space<vmem_shared>>) dst(%dma_wait3A_202 : memref<40x144xf32, #tpu.memory_space<hbm>>)
      tpu.yield
    }) : () -> ()
    %add3A_163 = arith.constant 320 : i32
    %add3A_164 = arith.addi %mul3A_7, %add3A_163 : i32
    %add3A_165 = arith.constant 320 : i32
    %add3A_166 = arith.addi %mul3A_7, %add3A_165 : i32
    "tpu.region"() ({
      %run_scoped3A = tpu.sem_alloc : memref<!tpu.dma_semaphore, #tpu.memory_space<semaphore_mem>>
      %dma_start3A_195 = arith.constant 0 : i32
      %dma_start3A_196 = tpu.memref_slice %arg8[%arg0, %add3A_166, %dma_start3A_195] : memref<2x10000x144xf32, #tpu.memory_space<hbm>> -> memref<1x40x144xf32, #tpu.memory_space<hbm>>
      %dma_start3A_197 = tpu.memref_squeeze %dma_start3A_196 : memref<1x40x144xf32, #tpu.memory_space<hbm>> -> memref<40x144xf32, #tpu.memory_space<hbm>>
      %dma_start3A_198 = arith.constant 0 : i32
      %dma_start3A_199 = tpu.memref_slice %arg22[%add3A_164, %dma_start3A_198] : memref<10000x144xf32, #tpu.memory_space<vmem_shared>> -> memref<40x144xf32, #tpu.memory_space<vmem_shared>>
      tpu.enqueue_dma source(%dma_start3A_199 : memref<40x144xf32, #tpu.memory_space<vmem_shared>>) target(%dma_start3A_197 : memref<40x144xf32, #tpu.memory_space<hbm>>) target_semaphore(%run_scoped3A : memref<!tpu.dma_semaphore, #tpu.memory_space<semaphore_mem>>)
      %dma_wait3A_200 = arith.constant 0 : i32
      %dma_wait3A_201 = tpu.memref_slice %arg8[%arg0, %add3A_166, %dma_wait3A_200] : memref<2x10000x144xf32, #tpu.memory_space<hbm>> -> memref<1x40x144xf32, #tpu.memory_space<hbm>>
      %dma_wait3A_202 = tpu.memref_squeeze %dma_wait3A_201 : memref<1x40x144xf32, #tpu.memory_space<hbm>> -> memref<40x144xf32, #tpu.memory_space<hbm>>
      %dma_wait3A_203 = arith.constant 0 : i32
      %dma_wait3A_204 = tpu.memref_slice %arg22[%add3A_164, %dma_wait3A_203] : memref<10000x144xf32, #tpu.memory_space<vmem_shared>> -> memref<40x144xf32, #tpu.memory_space<vmem_shared>>
      tpu.wait_dma2 semaphore(%run_scoped3A : memref<!tpu.dma_semaphore, #tpu.memory_space<semaphore_mem>>) src(%dma_wait3A_204 : memref<40x144xf32, #tpu.memory_space<vmem_shared>>) dst(%dma_wait3A_202 : memref<40x144xf32, #tpu.memory_space<hbm>>)
      tpu.yield
    }) : () -> ()
    %add3A_167 = arith.constant 360 : i32
    %add3A_168 = arith.addi %mul3A_7, %add3A_167 : i32
    %add3A_169 = arith.constant 360 : i32
    %add3A_170 = arith.addi %mul3A_7, %add3A_169 : i32
    "tpu.region"() ({
      %run_scoped3A = tpu.sem_alloc : memref<!tpu.dma_semaphore, #tpu.memory_space<semaphore_mem>>
      %dma_start3A_195 = arith.constant 0 : i32
      %dma_start3A_196 = tpu.memref_slice %arg8[%arg0, %add3A_170, %dma_start3A_195] : memref<2x10000x144xf32, #tpu.memory_space<hbm>> -> memref<1x40x144xf32, #tpu.memory_space<hbm>>
      %dma_start3A_197 = tpu.memref_squeeze %dma_start3A_196 : memref<1x40x144xf32, #tpu.memory_space<hbm>> -> memref<40x144xf32, #tpu.memory_space<hbm>>
      %dma_start3A_198 = arith.constant 0 : i32
      %dma_start3A_199 = tpu.memref_slice %arg22[%add3A_168, %dma_start3A_198] : memref<10000x144xf32, #tpu.memory_space<vmem_shared>> -> memref<40x144xf32, #tpu.memory_space<vmem_shared>>
      tpu.enqueue_dma source(%dma_start3A_199 : memref<40x144xf32, #tpu.memory_space<vmem_shared>>) target(%dma_start3A_197 : memref<40x144xf32, #tpu.memory_space<hbm>>) target_semaphore(%run_scoped3A : memref<!tpu.dma_semaphore, #tpu.memory_space<semaphore_mem>>)
      %dma_wait3A_200 = arith.constant 0 : i32
      %dma_wait3A_201 = tpu.memref_slice %arg8[%arg0, %add3A_170, %dma_wait3A_200] : memref<2x10000x144xf32, #tpu.memory_space<hbm>> -> memref<1x40x144xf32, #tpu.memory_space<hbm>>
      %dma_wait3A_202 = tpu.memref_squeeze %dma_wait3A_201 : memref<1x40x144xf32, #tpu.memory_space<hbm>> -> memref<40x144xf32, #tpu.memory_space<hbm>>
      %dma_wait3A_203 = arith.constant 0 : i32
      %dma_wait3A_204 = tpu.memref_slice %arg22[%add3A_168, %dma_wait3A_203] : memref<10000x144xf32, #tpu.memory_space<vmem_shared>> -> memref<40x144xf32, #tpu.memory_space<vmem_shared>>
      tpu.wait_dma2 semaphore(%run_scoped3A : memref<!tpu.dma_semaphore, #tpu.memory_space<semaphore_mem>>) src(%dma_wait3A_204 : memref<40x144xf32, #tpu.memory_space<vmem_shared>>) dst(%dma_wait3A_202 : memref<40x144xf32, #tpu.memory_space<hbm>>)
      tpu.yield
    }) : () -> ()
    %add3A_171 = arith.constant 400 : i32
    %add3A_172 = arith.addi %mul3A_7, %add3A_171 : i32
    %add3A_173 = arith.constant 400 : i32
    %add3A_174 = arith.addi %mul3A_7, %add3A_173 : i32
    "tpu.region"() ({
      %run_scoped3A = tpu.sem_alloc : memref<!tpu.dma_semaphore, #tpu.memory_space<semaphore_mem>>
      %dma_start3A_195 = arith.constant 0 : i32
      %dma_start3A_196 = tpu.memref_slice %arg8[%arg0, %add3A_174, %dma_start3A_195] : memref<2x10000x144xf32, #tpu.memory_space<hbm>> -> memref<1x40x144xf32, #tpu.memory_space<hbm>>
      %dma_start3A_197 = tpu.memref_squeeze %dma_start3A_196 : memref<1x40x144xf32, #tpu.memory_space<hbm>> -> memref<40x144xf32, #tpu.memory_space<hbm>>
      %dma_start3A_198 = arith.constant 0 : i32
      %dma_start3A_199 = tpu.memref_slice %arg22[%add3A_172, %dma_start3A_198] : memref<10000x144xf32, #tpu.memory_space<vmem_shared>> -> memref<40x144xf32, #tpu.memory_space<vmem_shared>>
      tpu.enqueue_dma source(%dma_start3A_199 : memref<40x144xf32, #tpu.memory_space<vmem_shared>>) target(%dma_start3A_197 : memref<40x144xf32, #tpu.memory_space<hbm>>) target_semaphore(%run_scoped3A : memref<!tpu.dma_semaphore, #tpu.memory_space<semaphore_mem>>)
      %dma_wait3A_200 = arith.constant 0 : i32
      %dma_wait3A_201 = tpu.memref_slice %arg8[%arg0, %add3A_174, %dma_wait3A_200] : memref<2x10000x144xf32, #tpu.memory_space<hbm>> -> memref<1x40x144xf32, #tpu.memory_space<hbm>>
      %dma_wait3A_202 = tpu.memref_squeeze %dma_wait3A_201 : memref<1x40x144xf32, #tpu.memory_space<hbm>> -> memref<40x144xf32, #tpu.memory_space<hbm>>
      %dma_wait3A_203 = arith.constant 0 : i32
      %dma_wait3A_204 = tpu.memref_slice %arg22[%add3A_172, %dma_wait3A_203] : memref<10000x144xf32, #tpu.memory_space<vmem_shared>> -> memref<40x144xf32, #tpu.memory_space<vmem_shared>>
      tpu.wait_dma2 semaphore(%run_scoped3A : memref<!tpu.dma_semaphore, #tpu.memory_space<semaphore_mem>>) src(%dma_wait3A_204 : memref<40x144xf32, #tpu.memory_space<vmem_shared>>) dst(%dma_wait3A_202 : memref<40x144xf32, #tpu.memory_space<hbm>>)
      tpu.yield
    }) : () -> ()
    %add3A_175 = arith.constant 440 : i32
    %add3A_176 = arith.addi %mul3A_7, %add3A_175 : i32
    %add3A_177 = arith.constant 440 : i32
    %add3A_178 = arith.addi %mul3A_7, %add3A_177 : i32
    "tpu.region"() ({
      %run_scoped3A = tpu.sem_alloc : memref<!tpu.dma_semaphore, #tpu.memory_space<semaphore_mem>>
      %dma_start3A_195 = arith.constant 0 : i32
      %dma_start3A_196 = tpu.memref_slice %arg8[%arg0, %add3A_178, %dma_start3A_195] : memref<2x10000x144xf32, #tpu.memory_space<hbm>> -> memref<1x40x144xf32, #tpu.memory_space<hbm>>
      %dma_start3A_197 = tpu.memref_squeeze %dma_start3A_196 : memref<1x40x144xf32, #tpu.memory_space<hbm>> -> memref<40x144xf32, #tpu.memory_space<hbm>>
      %dma_start3A_198 = arith.constant 0 : i32
      %dma_start3A_199 = tpu.memref_slice %arg22[%add3A_176, %dma_start3A_198] : memref<10000x144xf32, #tpu.memory_space<vmem_shared>> -> memref<40x144xf32, #tpu.memory_space<vmem_shared>>
      tpu.enqueue_dma source(%dma_start3A_199 : memref<40x144xf32, #tpu.memory_space<vmem_shared>>) target(%dma_start3A_197 : memref<40x144xf32, #tpu.memory_space<hbm>>) target_semaphore(%run_scoped3A : memref<!tpu.dma_semaphore, #tpu.memory_space<semaphore_mem>>)
      %dma_wait3A_200 = arith.constant 0 : i32
      %dma_wait3A_201 = tpu.memref_slice %arg8[%arg0, %add3A_178, %dma_wait3A_200] : memref<2x10000x144xf32, #tpu.memory_space<hbm>> -> memref<1x40x144xf32, #tpu.memory_space<hbm>>
      %dma_wait3A_202 = tpu.memref_squeeze %dma_wait3A_201 : memref<1x40x144xf32, #tpu.memory_space<hbm>> -> memref<40x144xf32, #tpu.memory_space<hbm>>
      %dma_wait3A_203 = arith.constant 0 : i32
      %dma_wait3A_204 = tpu.memref_slice %arg22[%add3A_176, %dma_wait3A_203] : memref<10000x144xf32, #tpu.memory_space<vmem_shared>> -> memref<40x144xf32, #tpu.memory_space<vmem_shared>>
      tpu.wait_dma2 semaphore(%run_scoped3A : memref<!tpu.dma_semaphore, #tpu.memory_space<semaphore_mem>>) src(%dma_wait3A_204 : memref<40x144xf32, #tpu.memory_space<vmem_shared>>) dst(%dma_wait3A_202 : memref<40x144xf32, #tpu.memory_space<hbm>>)
      tpu.yield
    }) : () -> ()
    %add3A_179 = arith.constant 480 : i32
    %add3A_180 = arith.addi %mul3A_7, %add3A_179 : i32
    %add3A_181 = arith.constant 480 : i32
    %add3A_182 = arith.addi %mul3A_7, %add3A_181 : i32
    "tpu.region"() ({
      %run_scoped3A = tpu.sem_alloc : memref<!tpu.dma_semaphore, #tpu.memory_space<semaphore_mem>>
      %dma_start3A_195 = arith.constant 0 : i32
      %dma_start3A_196 = tpu.memref_slice %arg8[%arg0, %add3A_182, %dma_start3A_195] : memref<2x10000x144xf32, #tpu.memory_space<hbm>> -> memref<1x40x144xf32, #tpu.memory_space<hbm>>
      %dma_start3A_197 = tpu.memref_squeeze %dma_start3A_196 : memref<1x40x144xf32, #tpu.memory_space<hbm>> -> memref<40x144xf32, #tpu.memory_space<hbm>>
      %dma_start3A_198 = arith.constant 0 : i32
      %dma_start3A_199 = tpu.memref_slice %arg22[%add3A_180, %dma_start3A_198] : memref<10000x144xf32, #tpu.memory_space<vmem_shared>> -> memref<40x144xf32, #tpu.memory_space<vmem_shared>>
      tpu.enqueue_dma source(%dma_start3A_199 : memref<40x144xf32, #tpu.memory_space<vmem_shared>>) target(%dma_start3A_197 : memref<40x144xf32, #tpu.memory_space<hbm>>) target_semaphore(%run_scoped3A : memref<!tpu.dma_semaphore, #tpu.memory_space<semaphore_mem>>)
      %dma_wait3A_200 = arith.constant 0 : i32
      %dma_wait3A_201 = tpu.memref_slice %arg8[%arg0, %add3A_182, %dma_wait3A_200] : memref<2x10000x144xf32, #tpu.memory_space<hbm>> -> memref<1x40x144xf32, #tpu.memory_space<hbm>>
      %dma_wait3A_202 = tpu.memref_squeeze %dma_wait3A_201 : memref<1x40x144xf32, #tpu.memory_space<hbm>> -> memref<40x144xf32, #tpu.memory_space<hbm>>
      %dma_wait3A_203 = arith.constant 0 : i32
      %dma_wait3A_204 = tpu.memref_slice %arg22[%add3A_180, %dma_wait3A_203] : memref<10000x144xf32, #tpu.memory_space<vmem_shared>> -> memref<40x144xf32, #tpu.memory_space<vmem_shared>>
      tpu.wait_dma2 semaphore(%run_scoped3A : memref<!tpu.dma_semaphore, #tpu.memory_space<semaphore_mem>>) src(%dma_wait3A_204 : memref<40x144xf32, #tpu.memory_space<vmem_shared>>) dst(%dma_wait3A_202 : memref<40x144xf32, #tpu.memory_space<hbm>>)
      tpu.yield
    }) : () -> ()
    %add3A_183 = arith.constant 520 : i32
    %add3A_184 = arith.addi %mul3A_7, %add3A_183 : i32
    %add3A_185 = arith.constant 520 : i32
    %add3A_186 = arith.addi %mul3A_7, %add3A_185 : i32
    "tpu.region"() ({
      %run_scoped3A = tpu.sem_alloc : memref<!tpu.dma_semaphore, #tpu.memory_space<semaphore_mem>>
      %dma_start3A_195 = arith.constant 0 : i32
      %dma_start3A_196 = tpu.memref_slice %arg8[%arg0, %add3A_186, %dma_start3A_195] : memref<2x10000x144xf32, #tpu.memory_space<hbm>> -> memref<1x40x144xf32, #tpu.memory_space<hbm>>
      %dma_start3A_197 = tpu.memref_squeeze %dma_start3A_196 : memref<1x40x144xf32, #tpu.memory_space<hbm>> -> memref<40x144xf32, #tpu.memory_space<hbm>>
      %dma_start3A_198 = arith.constant 0 : i32
      %dma_start3A_199 = tpu.memref_slice %arg22[%add3A_184, %dma_start3A_198] : memref<10000x144xf32, #tpu.memory_space<vmem_shared>> -> memref<40x144xf32, #tpu.memory_space<vmem_shared>>
      tpu.enqueue_dma source(%dma_start3A_199 : memref<40x144xf32, #tpu.memory_space<vmem_shared>>) target(%dma_start3A_197 : memref<40x144xf32, #tpu.memory_space<hbm>>) target_semaphore(%run_scoped3A : memref<!tpu.dma_semaphore, #tpu.memory_space<semaphore_mem>>)
      %dma_wait3A_200 = arith.constant 0 : i32
      %dma_wait3A_201 = tpu.memref_slice %arg8[%arg0, %add3A_186, %dma_wait3A_200] : memref<2x10000x144xf32, #tpu.memory_space<hbm>> -> memref<1x40x144xf32, #tpu.memory_space<hbm>>
      %dma_wait3A_202 = tpu.memref_squeeze %dma_wait3A_201 : memref<1x40x144xf32, #tpu.memory_space<hbm>> -> memref<40x144xf32, #tpu.memory_space<hbm>>
      %dma_wait3A_203 = arith.constant 0 : i32
      %dma_wait3A_204 = tpu.memref_slice %arg22[%add3A_184, %dma_wait3A_203] : memref<10000x144xf32, #tpu.memory_space<vmem_shared>> -> memref<40x144xf32, #tpu.memory_space<vmem_shared>>
      tpu.wait_dma2 semaphore(%run_scoped3A : memref<!tpu.dma_semaphore, #tpu.memory_space<semaphore_mem>>) src(%dma_wait3A_204 : memref<40x144xf32, #tpu.memory_space<vmem_shared>>) dst(%dma_wait3A_202 : memref<40x144xf32, #tpu.memory_space<hbm>>)
      tpu.yield
    }) : () -> ()
    %add3A_187 = arith.constant 560 : i32
    %add3A_188 = arith.addi %mul3A_7, %add3A_187 : i32
    %add3A_189 = arith.constant 560 : i32
    %add3A_190 = arith.addi %mul3A_7, %add3A_189 : i32
    "tpu.region"() ({
      %run_scoped3A = tpu.sem_alloc : memref<!tpu.dma_semaphore, #tpu.memory_space<semaphore_mem>>
      %dma_start3A_195 = arith.constant 0 : i32
      %dma_start3A_196 = tpu.memref_slice %arg8[%arg0, %add3A_190, %dma_start3A_195] : memref<2x10000x144xf32, #tpu.memory_space<hbm>> -> memref<1x40x144xf32, #tpu.memory_space<hbm>>
      %dma_start3A_197 = tpu.memref_squeeze %dma_start3A_196 : memref<1x40x144xf32, #tpu.memory_space<hbm>> -> memref<40x144xf32, #tpu.memory_space<hbm>>
      %dma_start3A_198 = arith.constant 0 : i32
      %dma_start3A_199 = tpu.memref_slice %arg22[%add3A_188, %dma_start3A_198] : memref<10000x144xf32, #tpu.memory_space<vmem_shared>> -> memref<40x144xf32, #tpu.memory_space<vmem_shared>>
      tpu.enqueue_dma source(%dma_start3A_199 : memref<40x144xf32, #tpu.memory_space<vmem_shared>>) target(%dma_start3A_197 : memref<40x144xf32, #tpu.memory_space<hbm>>) target_semaphore(%run_scoped3A : memref<!tpu.dma_semaphore, #tpu.memory_space<semaphore_mem>>)
      %dma_wait3A_200 = arith.constant 0 : i32
      %dma_wait3A_201 = tpu.memref_slice %arg8[%arg0, %add3A_190, %dma_wait3A_200] : memref<2x10000x144xf32, #tpu.memory_space<hbm>> -> memref<1x40x144xf32, #tpu.memory_space<hbm>>
      %dma_wait3A_202 = tpu.memref_squeeze %dma_wait3A_201 : memref<1x40x144xf32, #tpu.memory_space<hbm>> -> memref<40x144xf32, #tpu.memory_space<hbm>>
      %dma_wait3A_203 = arith.constant 0 : i32
      %dma_wait3A_204 = tpu.memref_slice %arg22[%add3A_188, %dma_wait3A_203] : memref<10000x144xf32, #tpu.memory_space<vmem_shared>> -> memref<40x144xf32, #tpu.memory_space<vmem_shared>>
      tpu.wait_dma2 semaphore(%run_scoped3A : memref<!tpu.dma_semaphore, #tpu.memory_space<semaphore_mem>>) src(%dma_wait3A_204 : memref<40x144xf32, #tpu.memory_space<vmem_shared>>) dst(%dma_wait3A_202 : memref<40x144xf32, #tpu.memory_space<hbm>>)
      tpu.yield
    }) : () -> ()
    %add3A_191 = arith.constant 600 : i32
    %add3A_192 = arith.addi %mul3A_7, %add3A_191 : i32
    %add3A_193 = arith.constant 600 : i32
    %add3A_194 = arith.addi %mul3A_7, %add3A_193 : i32
    "tpu.region"() ({
      %run_scoped3A = tpu.sem_alloc : memref<!tpu.dma_semaphore, #tpu.memory_space<semaphore_mem>>
      %dma_start3A_195 = arith.constant 0 : i32
      %dma_start3A_196 = tpu.memref_slice %arg8[%arg0, %add3A_194, %dma_start3A_195] : memref<2x10000x144xf32, #tpu.memory_space<hbm>> -> memref<1x25x144xf32, #tpu.memory_space<hbm>>
      %dma_start3A_197 = tpu.memref_squeeze %dma_start3A_196 : memref<1x25x144xf32, #tpu.memory_space<hbm>> -> memref<25x144xf32, #tpu.memory_space<hbm>>
      %dma_start3A_198 = arith.constant 0 : i32
      %dma_start3A_199 = tpu.memref_slice %arg22[%add3A_192, %dma_start3A_198] : memref<10000x144xf32, #tpu.memory_space<vmem_shared>> -> memref<25x144xf32, #tpu.memory_space<vmem_shared>>
      tpu.enqueue_dma source(%dma_start3A_199 : memref<25x144xf32, #tpu.memory_space<vmem_shared>>) target(%dma_start3A_197 : memref<25x144xf32, #tpu.memory_space<hbm>>) target_semaphore(%run_scoped3A : memref<!tpu.dma_semaphore, #tpu.memory_space<semaphore_mem>>)
      %dma_wait3A_200 = arith.constant 0 : i32
      %dma_wait3A_201 = tpu.memref_slice %arg8[%arg0, %add3A_194, %dma_wait3A_200] : memref<2x10000x144xf32, #tpu.memory_space<hbm>> -> memref<1x25x144xf32, #tpu.memory_space<hbm>>
      %dma_wait3A_202 = tpu.memref_squeeze %dma_wait3A_201 : memref<1x25x144xf32, #tpu.memory_space<hbm>> -> memref<25x144xf32, #tpu.memory_space<hbm>>
      %dma_wait3A_203 = arith.constant 0 : i32
      %dma_wait3A_204 = tpu.memref_slice %arg22[%add3A_192, %dma_wait3A_203] : memref<10000x144xf32, #tpu.memory_space<vmem_shared>> -> memref<25x144xf32, #tpu.memory_space<vmem_shared>>
      tpu.wait_dma2 semaphore(%run_scoped3A : memref<!tpu.dma_semaphore, #tpu.memory_space<semaphore_mem>>) src(%dma_wait3A_204 : memref<25x144xf32, #tpu.memory_space<vmem_shared>>) dst(%dma_wait3A_202 : memref<25x144xf32, #tpu.memory_space<hbm>>)
      tpu.yield
    }) : () -> ()
    return
  }
}

module attributes {stable_mosaic.version = 14 : i64} {
  func.func @_ve_body(%arg0: i32, %arg1: memref<3200x16xf32, #tpu.memory_space<vmem>>, %arg2: memref<16x128xf32, #tpu.memory_space<vmem>>, %arg3: memref<1x128xf32, #tpu.memory_space<vmem>>, %arg4: memref<3200x128xbf16, #tpu.memory_space<vmem>>) attributes {dimension_semantics = [#tpu.dimension_semantics<arbitrary>], iteration_bounds = array<i64: 100>, scalar_prefetch = 0 : i64, scratch_operands = 0 : i64, tpu.core_type = #tpu.core_type<tc>, window_params = [{transform_indices = @transform_0, window_bounds = array<i64: 3200, 16>}, {pipeline_mode = #tpu.pipeline_mode<synchronous>, transform_indices = @transform_1, window_bounds = array<i64: 16, 128>}, {pipeline_mode = #tpu.pipeline_mode<synchronous>, transform_indices = @transform_2, window_bounds = array<i64: 1, 128>}, {transform_indices = @transform_3, window_bounds = array<i64: 3200, 128>}]} {
    %get3A = arith.constant 0 : index
    %get3A_0 = arith.constant 0 : index
    %get3A_1 = vector.load %arg1[%get3A, %get3A_0] : memref<3200x16xf32, #tpu.memory_space<vmem>>, vector<3200x16xf32>
    %get3A_2 = arith.constant 0 : index
    %get3A_3 = arith.constant 0 : index
    %get3A_4 = vector.load %arg2[%get3A_2, %get3A_3] : memref<16x128xf32, #tpu.memory_space<vmem>>, vector<16x128xf32>
    %dot_general3A = arith.constant dense<0.000000e+00> : vector<3200x128xf32>
    %dot_general3A_5 = tpu.matmul %get3A_1, %get3A_4, %dot_general3A {dimension_numbers = #tpu.dot_dimension_numbers<[1], [0], [0], [1], [0, 0, 1, 1], [], []>, transpose_lhs_hint = false} : vector<3200x16xf32>, vector<16x128xf32>, vector<3200x128xf32> -> vector<3200x128xf32>
    %get3A_6 = arith.constant 0 : index
    %get3A_7 = arith.constant 0 : index
    %get3A_8 = vector.load %arg3[%get3A_6, %get3A_7] : memref<1x128xf32, #tpu.memory_space<vmem>>, vector<1x128xf32>
    %add3A = vector.broadcast %get3A_8 : vector<1x128xf32> to vector<3200x128xf32>
    %add3A_9 = arith.addf %dot_general3A_5, %add3A : vector<3200x128xf32>
    %convert_element_type3A = arith.truncf %add3A_9 : vector<3200x128xf32> to vector<3200x128xbf16>
    %swap3A = arith.constant 0 : index
    %swap3A_10 = arith.constant 0 : index
    %swap3A_11 = vector.load %arg4[%swap3A, %swap3A_10] : memref<3200x128xbf16, #tpu.memory_space<vmem>>, vector<3200x128xbf16>
    tpu.vector_store %arg4[%swap3A, %swap3A_10], %convert_element_type3A {strides = array<i32>} : memref<3200x128xbf16, #tpu.memory_space<vmem>>, vector<3200x128xbf16>,
    return
  }
  func.func @transform_0(%arg0: i32) -> (i32, i32) {
    %c0_i32 = arith.constant 0 : i32
    %c0_i32_0 = arith.constant 0 : i32
    return %arg0, %c0_i32 : i32, i32
  }
  func.func @transform_1(%arg0: i32) -> (i32, i32) {
    %c0_i32 = arith.constant 0 : i32
    %c0_i32_0 = arith.constant 0 : i32
    %c0_i32_1 = arith.constant 0 : i32
    return %c0_i32, %c0_i32_0 : i32, i32
  }
  func.func @transform_2(%arg0: i32) -> (i32, i32) {
    %c0_i32 = arith.constant 0 : i32
    %c0_i32_0 = arith.constant 0 : i32
    %c0_i32_1 = arith.constant 0 : i32
    return %c0_i32, %c0_i32_0 : i32, i32
  }
  func.func @transform_3(%arg0: i32) -> (i32, i32) {
    %c0_i32 = arith.constant 0 : i32
    %c0_i32_0 = arith.constant 0 : i32
    return %arg0, %c0_i32 : i32, i32
  }
}

module attributes {stable_mosaic.version = 14 : i64} {
  func.func @_pre_body(%arg0: i32, %arg1: memref<400x128xf32, #tpu.memory_space<vmem>>, %arg2: memref<1x128xf32, #tpu.memory_space<vmem>>, %arg3: memref<128x256xf32, #tpu.memory_space<vmem>>, %arg4: memref<1x256xf32, #tpu.memory_space<vmem>>, %arg5: memref<128x256xf32, #tpu.memory_space<vmem>>, %arg6: memref<400x256xbf16, #tpu.memory_space<vmem>>, %arg7: memref<400x256xbf16, #tpu.memory_space<vmem>>) attributes {dimension_semantics = [#tpu.dimension_semantics<arbitrary>], iteration_bounds = array<i64: 25>, scalar_prefetch = 0 : i64, scratch_operands = 0 : i64, tpu.core_type = #tpu.core_type<tc>, window_params = [{transform_indices = @transform_0, window_bounds = array<i64: 400, 128>}, {pipeline_mode = #tpu.pipeline_mode<synchronous>, transform_indices = @transform_1, window_bounds = array<i64: 1, 128>}, {pipeline_mode = #tpu.pipeline_mode<synchronous>, transform_indices = @transform_2, window_bounds = array<i64: 128, 256>}, {pipeline_mode = #tpu.pipeline_mode<synchronous>, transform_indices = @transform_3, window_bounds = array<i64: 1, 256>}, {pipeline_mode = #tpu.pipeline_mode<synchronous>, transform_indices = @transform_4, window_bounds = array<i64: 128, 256>}, {transform_indices = @transform_5, window_bounds = array<i64: 400, 256>}, {transform_indices = @transform_6, window_bounds = array<i64: 400, 256>}]} {
    %get3A = arith.constant 0 : index
    %get3A_0 = arith.constant 0 : index
    %get3A_1 = vector.load %arg1[%get3A, %get3A_0] : memref<400x128xf32, #tpu.memory_space<vmem>>, vector<400x128xf32>
    %mul3A = arith.mulf %get3A_1, %get3A_1 : vector<400x128xf32>
    %reduce_sum3A = arith.constant dense<0.000000e+00> : vector<400xf32>
    %reduce_sum3A_2 = vector.multi_reduction <add>, %mul3A, %reduce_sum3A [1] : vector<400x128xf32> to vector<400xf32>
    %broadcast_in_dim3A = vector.shape_cast %reduce_sum3A_2 : vector<400xf32> to vector<400x1xf32>
    %sqrt3A = math.sqrt %broadcast_in_dim3A : vector<400x1xf32>
    %get3A_3 = arith.constant 0 : index
    %get3A_4 = arith.constant 0 : index
    %get3A_5 = vector.load %arg2[%get3A_3, %get3A_4] : memref<1x128xf32, #tpu.memory_space<vmem>>, vector<1x128xf32>
    %mul3A_6 = vector.broadcast %get3A_5 : vector<1x128xf32> to vector<400x128xf32>
    %mul3A_7 = arith.mulf %mul3A_6, %get3A_1 : vector<400x128xf32>
    %div3A = arith.constant 11.3137083 : f32
    %div3A_8 = vector.broadcast %div3A : f32 to vector<400x1xf32>
    %div3A_9 = arith.divf %sqrt3A, %div3A_8 : vector<400x1xf32>
    %add3A = arith.constant 9.99999993E-9 : f32
    %add3A_10 = vector.broadcast %add3A : f32 to vector<400x1xf32>
    %add3A_11 = arith.addf %div3A_9, %add3A_10 : vector<400x1xf32>
    %div3A_12 = vector.broadcast %add3A_11 : vector<400x1xf32> to vector<400x128xf32>
    %div3A_13 = arith.divf %mul3A_7, %div3A_12 : vector<400x128xf32>
    %get3A_14 = arith.constant 0 : index
    %get3A_15 = arith.constant 0 : index
    %get3A_16 = vector.load %arg3[%get3A_14, %get3A_15] : memref<128x256xf32, #tpu.memory_space<vmem>>, vector<128x256xf32>
    %dot_general3A = arith.constant dense<0.000000e+00> : vector<400x256xf32>
    %dot_general3A_17 = tpu.matmul %div3A_13, %get3A_16, %dot_general3A {dimension_numbers = #tpu.dot_dimension_numbers<[1], [0], [0], [1], [0, 0, 1, 1], [], []>, transpose_lhs_hint = false} : vector<400x128xf32>, vector<128x256xf32>, vector<400x256xf32> -> vector<400x256xf32>
    %get3A_18 = arith.constant 0 : index
    %get3A_19 = arith.constant 0 : index
    %get3A_20 = vector.load %arg4[%get3A_18, %get3A_19] : memref<1x256xf32, #tpu.memory_space<vmem>>, vector<1x256xf32>
    %add3A_21 = vector.broadcast %get3A_20 : vector<1x256xf32> to vector<400x256xf32>
    %add3A_22 = arith.addf %dot_general3A_17, %add3A_21 : vector<400x256xf32>
    %convert_element_type3A = arith.truncf %add3A_22 : vector<400x256xf32> to vector<400x256xbf16>
    %swap3A = arith.constant 0 : index
    %swap3A_23 = arith.constant 0 : index
    %swap3A_24 = vector.load %arg6[%swap3A, %swap3A_23] : memref<400x256xbf16, #tpu.memory_space<vmem>>, vector<400x256xbf16>
    tpu.vector_store %arg6[%swap3A, %swap3A_23], %convert_element_type3A {strides = array<i32>} : memref<400x256xbf16, #tpu.memory_space<vmem>>, vector<400x256xbf16>,
    %get3A_25 = arith.constant 0 : index
    %get3A_26 = arith.constant 0 : index
    %get3A_27 = vector.load %arg5[%get3A_25, %get3A_26] : memref<128x256xf32, #tpu.memory_space<vmem>>, vector<128x256xf32>
    %dot_general3A_28 = arith.constant dense<0.000000e+00> : vector<400x256xf32>
    %dot_general3A_29 = tpu.matmul %div3A_13, %get3A_27, %dot_general3A_28 {dimension_numbers = #tpu.dot_dimension_numbers<[1], [0], [0], [1], [0, 0, 1, 1], [], []>, transpose_lhs_hint = false} : vector<400x128xf32>, vector<128x256xf32>, vector<400x256xf32> -> vector<400x256xf32>
    %convert_element_type3A_30 = arith.truncf %dot_general3A_29 : vector<400x256xf32> to vector<400x256xbf16>
    %swap3A_31 = arith.constant 0 : index
    %swap3A_32 = arith.constant 0 : index
    %swap3A_33 = vector.load %arg7[%swap3A_31, %swap3A_32] : memref<400x256xbf16, #tpu.memory_space<vmem>>, vector<400x256xbf16>
    tpu.vector_store %arg7[%swap3A_31, %swap3A_32], %convert_element_type3A_30 {strides = array<i32>} : memref<400x256xbf16, #tpu.memory_space<vmem>>, vector<400x256xbf16>,
    return
  }
  func.func @transform_0(%arg0: i32) -> (i32, i32) {
    %c0_i32 = arith.constant 0 : i32
    %c0_i32_0 = arith.constant 0 : i32
    return %arg0, %c0_i32 : i32, i32
  }
  func.func @transform_1(%arg0: i32) -> (i32, i32) {
    %c0_i32 = arith.constant 0 : i32
    %c0_i32_0 = arith.constant 0 : i32
    %c0_i32_1 = arith.constant 0 : i32
    return %c0_i32, %c0_i32_0 : i32, i32
  }
  func.func @transform_2(%arg0: i32) -> (i32, i32) {
    %c0_i32 = arith.constant 0 : i32
    %c0_i32_0 = arith.constant 0 : i32
    %c0_i32_1 = arith.constant 0 : i32
    return %c0_i32, %c0_i32_0 : i32, i32
  }
  func.func @transform_3(%arg0: i32) -> (i32, i32) {
    %c0_i32 = arith.constant 0 : i32
    %c0_i32_0 = arith.constant 0 : i32
    %c0_i32_1 = arith.constant 0 : i32
    return %c0_i32, %c0_i32_0 : i32, i32
  }
  func.func @transform_4(%arg0: i32) -> (i32, i32) {
    %c0_i32 = arith.constant 0 : i32
    %c0_i32_0 = arith.constant 0 : i32
    %c0_i32_1 = arith.constant 0 : i32
    return %c0_i32, %c0_i32_0 : i32, i32
  }
  func.func @transform_5(%arg0: i32) -> (i32, i32) {
    %c0_i32 = arith.constant 0 : i32
    %c0_i32_0 = arith.constant 0 : i32
    return %arg0, %c0_i32 : i32, i32
  }
  func.func @transform_6(%arg0: i32) -> (i32, i32) {
    %c0_i32 = arith.constant 0 : i32
    %c0_i32_0 = arith.constant 0 : i32
    return %arg0, %c0_i32 : i32, i32
  }
}

module attributes {stable_mosaic.version = 14 : i64} {
  func.func @_post_body(%arg0: i32, %arg1: memref<2x400x144xf32, #tpu.memory_space<vmem>>, %arg2: memref<400x128xf32, #tpu.memory_space<vmem>>, %arg3: memref<128x128xf32, #tpu.memory_space<vmem>>, %arg4: memref<1x128xf32, #tpu.memory_space<vmem>>, %arg5: memref<144x128xf32, #tpu.memory_space<vmem>>, %arg6: memref<1x128xf32, #tpu.memory_space<vmem>>, %arg7: memref<128x512xf32, #tpu.memory_space<vmem>>, %arg8: memref<512x128xf32, #tpu.memory_space<vmem>>, %arg9: memref<400x128xf32, #tpu.memory_space<vmem>>) attributes {dimension_semantics = [#tpu.dimension_semantics<arbitrary>], iteration_bounds = array<i64: 25>, scalar_prefetch = 0 : i64, scratch_operands = 0 : i64, tpu.core_type = #tpu.core_type<tc>, window_params = [{transform_indices = @transform_0, window_bounds = array<i64: 2, 400, 144>}, {transform_indices = @transform_1, window_bounds = array<i64: 400, 128>}, {pipeline_mode = #tpu.pipeline_mode<synchronous>, transform_indices = @transform_2, window_bounds = array<i64: 128, 128>}, {pipeline_mode = #tpu.pipeline_mode<synchronous>, transform_indices = @transform_3, window_bounds = array<i64: 1, 128>}, {pipeline_mode = #tpu.pipeline_mode<synchronous>, transform_indices = @transform_4, window_bounds = array<i64: 144, 128>}, {pipeline_mode = #tpu.pipeline_mode<synchronous>, transform_indices = @transform_5, window_bounds = array<i64: 1, 128>}, {pipeline_mode = #tpu.pipeline_mode<synchronous>, transform_indices = @transform_6, window_bounds = array<i64: 128, 512>}, {pipeline_mode = #tpu.pipeline_mode<synchronous>, transform_indices = @transform_7, window_bounds = array<i64: 512, 128>}, {transform_indices = @transform_8, window_bounds = array<i64: 400, 128>}]} {
    %get3A = arith.constant 0 : index
    %get3A_0 = arith.constant 0 : index
    %get3A_1 = arith.constant 0 : index
    %get3A_2 = vector.load %arg1[%get3A, %get3A_0, %get3A_1] : memref<2x400x144xf32, #tpu.memory_space<vmem>>, vector<1x400x144xf32>
    %get3A_3 = vector.shape_cast %get3A_2 : vector<1x400x144xf32> to vector<400x144xf32>
    %get3A_4 = arith.constant 1 : index
    %get3A_5 = arith.constant 0 : index
    %get3A_6 = arith.constant 0 : index
    %get3A_7 = vector.load %arg1[%get3A_4, %get3A_5, %get3A_6] : memref<2x400x144xf32, #tpu.memory_space<vmem>>, vector<1x400x144xf32>
    %get3A_8 = vector.shape_cast %get3A_7 : vector<1x400x144xf32> to vector<400x144xf32>
    %add3A = arith.addf %get3A_3, %get3A_8 : vector<400x144xf32>
    %get3A_9 = arith.constant 0 : index
    %get3A_10 = arith.constant 0 : index
    %get3A_11 = vector.load %arg5[%get3A_9, %get3A_10] : memref<144x128xf32, #tpu.memory_space<vmem>>, vector<144x128xf32>
    %dot_general3A = arith.constant dense<0.000000e+00> : vector<400x128xf32>
    %dot_general3A_12 = tpu.matmul %add3A, %get3A_11, %dot_general3A {dimension_numbers = #tpu.dot_dimension_numbers<[1], [0], [0], [1], [0, 0, 1, 1], [], []>, transpose_lhs_hint = false} : vector<400x144xf32>, vector<144x128xf32>, vector<400x128xf32> -> vector<400x128xf32>
    %slice3A = vector.extract_strided_slice %add3A {offsets = [0, 0], sizes = [400, 128], strides = [1, 1]} : vector<400x144xf32> to vector<400x128xf32>
    %add3A_13 = arith.constant 1.000000e-16 : f32
    %add3A_14 = vector.broadcast %add3A_13 : f32 to vector<400x128xf32>
    %add3A_15 = arith.addf %dot_general3A_12, %add3A_14 : vector<400x128xf32>
    %div3A = arith.constant 1.000000e+00 : f32
    %div3A_16 = vector.broadcast %div3A : f32 to vector<400x128xf32>
    %div3A_17 = arith.divf %div3A_16, %add3A_15 : vector<400x128xf32>
    %mul3A = arith.mulf %slice3A, %div3A_17 : vector<400x128xf32>
    %get3A_18 = arith.constant 0 : index
    %get3A_19 = arith.constant 0 : index
    %get3A_20 = vector.load %arg3[%get3A_18, %get3A_19] : memref<128x128xf32, #tpu.memory_space<vmem>>, vector<128x128xf32>
    %dot_general3A_21 = arith.constant dense<0.000000e+00> : vector<400x128xf32>
    %dot_general3A_22 = tpu.matmul %mul3A, %get3A_20, %dot_general3A_21 {dimension_numbers = #tpu.dot_dimension_numbers<[1], [0], [0], [1], [0, 0, 1, 1], [], []>, transpose_lhs_hint = false} : vector<400x128xf32>, vector<128x128xf32>, vector<400x128xf32> -> vector<400x128xf32>
    %get3A_23 = arith.constant 0 : index
    %get3A_24 = arith.constant 0 : index
    %get3A_25 = vector.load %arg4[%get3A_23, %get3A_24] : memref<1x128xf32, #tpu.memory_space<vmem>>, vector<1x128xf32>
    %add3A_26 = vector.broadcast %get3A_25 : vector<1x128xf32> to vector<400x128xf32>
    %add3A_27 = arith.addf %dot_general3A_22, %add3A_26 : vector<400x128xf32>
    %get3A_28 = arith.constant 0 : index
    %get3A_29 = arith.constant 0 : index
    %get3A_30 = vector.load %arg2[%get3A_28, %get3A_29] : memref<400x128xf32, #tpu.memory_space<vmem>>, vector<400x128xf32>
    %add3A_31 = arith.addf %get3A_30, %add3A_27 : vector<400x128xf32>
    %mul3A_32 = arith.mulf %add3A_31, %add3A_31 : vector<400x128xf32>
    %reduce_sum3A = arith.constant dense<0.000000e+00> : vector<400xf32>
    %reduce_sum3A_33 = vector.multi_reduction <add>, %mul3A_32, %reduce_sum3A [1] : vector<400x128xf32> to vector<400xf32>
    %broadcast_in_dim3A = vector.shape_cast %reduce_sum3A_33 : vector<400xf32> to vector<400x1xf32>
    %sqrt3A = math.sqrt %broadcast_in_dim3A : vector<400x1xf32>
    %get3A_34 = arith.constant 0 : index
    %get3A_35 = arith.constant 0 : index
    %get3A_36 = vector.load %arg6[%get3A_34, %get3A_35] : memref<1x128xf32, #tpu.memory_space<vmem>>, vector<1x128xf32>
    %mul3A_37 = vector.broadcast %get3A_36 : vector<1x128xf32> to vector<400x128xf32>
    %mul3A_38 = arith.mulf %mul3A_37, %add3A_31 : vector<400x128xf32>
    %div3A_39 = arith.constant 11.3137083 : f32
    %div3A_40 = vector.broadcast %div3A_39 : f32 to vector<400x1xf32>
    %div3A_41 = arith.divf %sqrt3A, %div3A_40 : vector<400x1xf32>
    %add3A_42 = arith.constant 9.99999993E-9 : f32
    %add3A_43 = vector.broadcast %add3A_42 : f32 to vector<400x1xf32>
    %add3A_44 = arith.addf %div3A_41, %add3A_43 : vector<400x1xf32>
    %div3A_45 = vector.broadcast %add3A_44 : vector<400x1xf32> to vector<400x128xf32>
    %div3A_46 = arith.divf %mul3A_38, %div3A_45 : vector<400x128xf32>
    %get3A_47 = arith.constant 0 : index
    %get3A_48 = arith.constant 0 : index
    %get3A_49 = vector.load %arg7[%get3A_47, %get3A_48] : memref<128x512xf32, #tpu.memory_space<vmem>>, vector<128x512xf32>
    %dot_general3A_50 = arith.constant dense<0.000000e+00> : vector<400x512xf32>
    %dot_general3A_51 = tpu.matmul %div3A_46, %get3A_49, %dot_general3A_50 {dimension_numbers = #tpu.dot_dimension_numbers<[1], [0], [0], [1], [0, 0, 1, 1], [], []>, transpose_lhs_hint = false} : vector<400x128xf32>, vector<128x512xf32>, vector<400x512xf32> -> vector<400x512xf32>
    %integer_pow3A = arith.mulf %dot_general3A_51, %dot_general3A_51 : vector<400x512xf32>
    %integer_pow3A_52 = arith.mulf %dot_general3A_51, %integer_pow3A : vector<400x512xf32>
    %mul3A_53 = arith.constant 4.471500e-02 : f32
    %mul3A_54 = vector.broadcast %mul3A_53 : f32 to vector<400x512xf32>
    %mul3A_55 = arith.mulf %mul3A_54, %integer_pow3A_52 : vector<400x512xf32>
    %add3A_56 = arith.addf %dot_general3A_51, %mul3A_55 : vector<400x512xf32>
    %mul3A_57 = arith.constant 0.797884583 : f32
    %mul3A_58 = vector.broadcast %mul3A_57 : f32 to vector<400x512xf32>
    %mul3A_59 = arith.mulf %mul3A_58, %add3A_56 : vector<400x512xf32>
    %tanh3A = math.tanh %mul3A_59 : vector<400x512xf32>
    %add3A_60 = arith.constant 1.000000e+00 : f32
    %add3A_61 = vector.broadcast %add3A_60 : f32 to vector<400x512xf32>
    %add3A_62 = arith.addf %add3A_61, %tanh3A : vector<400x512xf32>
    %mul3A_63 = arith.constant 5.000000e-01 : f32
    %mul3A_64 = vector.broadcast %mul3A_63 : f32 to vector<400x512xf32>
    %mul3A_65 = arith.mulf %mul3A_64, %add3A_62 : vector<400x512xf32>
    %mul3A_66 = arith.mulf %dot_general3A_51, %mul3A_65 : vector<400x512xf32>
    %get3A_67 = arith.constant 0 : index
    %get3A_68 = arith.constant 0 : index
    %get3A_69 = vector.load %arg8[%get3A_67, %get3A_68] : memref<512x128xf32, #tpu.memory_space<vmem>>, vector<512x128xf32>
    %dot_general3A_70 = arith.constant dense<0.000000e+00> : vector<400x128xf32>
    %dot_general3A_71 = tpu.matmul %mul3A_66, %get3A_69, %dot_general3A_70 {dimension_numbers = #tpu.dot_dimension_numbers<[1], [0], [0], [1], [0, 0, 1, 1], [], []>, transpose_lhs_hint = false} : vector<400x512xf32>, vector<512x128xf32>, vector<400x128xf32> -> vector<400x128xf32>
    %add3A_72 = arith.addf %add3A_31, %dot_general3A_71 : vector<400x128xf32>
    %swap3A = arith.constant 0 : index
    %swap3A_73 = arith.constant 0 : index
    %swap3A_74 = vector.load %arg9[%swap3A, %swap3A_73] : memref<400x128xf32, #tpu.memory_space<vmem>>, vector<400x128xf32>
    tpu.vector_store %arg9[%swap3A, %swap3A_73], %add3A_72 {strides = array<i32>} : memref<400x128xf32, #tpu.memory_space<vmem>>, vector<400x128xf32>,
    return
  }
  func.func @transform_0(%arg0: i32) -> (i32, i32, i32) {
    %c0_i32 = arith.constant 0 : i32
    %c0_i32_0 = arith.constant 0 : i32
    %c0_i32_1 = arith.constant 0 : i32
    return %c0_i32, %arg0, %c0_i32_0 : i32, i32, i32
  }
  func.func @transform_1(%arg0: i32) -> (i32, i32) {
    %c0_i32 = arith.constant 0 : i32
    %c0_i32_0 = arith.constant 0 : i32
    return %arg0, %c0_i32 : i32, i32
  }
  func.func @transform_2(%arg0: i32) -> (i32, i32) {
    %c0_i32 = arith.constant 0 : i32
    %c0_i32_0 = arith.constant 0 : i32
    %c0_i32_1 = arith.constant 0 : i32
    return %c0_i32, %c0_i32_0 : i32, i32
  }
  func.func @transform_3(%arg0: i32) -> (i32, i32) {
    %c0_i32 = arith.constant 0 : i32
    %c0_i32_0 = arith.constant 0 : i32
    %c0_i32_1 = arith.constant 0 : i32
    return %c0_i32, %c0_i32_0 : i32, i32
  }
  func.func @transform_4(%arg0: i32) -> (i32, i32) {
    %c0_i32 = arith.constant 0 : i32
    %c0_i32_0 = arith.constant 0 : i32
    %c0_i32_1 = arith.constant 0 : i32
    return %c0_i32, %c0_i32_0 : i32, i32
  }
  func.func @transform_5(%arg0: i32) -> (i32, i32) {
    %c0_i32 = arith.constant 0 : i32
    %c0_i32_0 = arith.constant 0 : i32
    %c0_i32_1 = arith.constant 0 : i32
    return %c0_i32, %c0_i32_0 : i32, i32
  }
  func.func @transform_6(%arg0: i32) -> (i32, i32) {
    %c0_i32 = arith.constant 0 : i32
    %c0_i32_0 = arith.constant 0 : i32
    %c0_i32_1 = arith.constant 0 : i32
    return %c0_i32, %c0_i32_0 : i32, i32
  }
  func.func @transform_7(%arg0: i32) -> (i32, i32) {
    %c0_i32 = arith.constant 0 : i32
    %c0_i32_0 = arith.constant 0 : i32
    %c0_i32_1 = arith.constant 0 : i32
    return %c0_i32, %c0_i32_0 : i32, i32
  }
  func.func @transform_8(%arg0: i32) -> (i32, i32) {
    %c0_i32 = arith.constant 0 : i32
    %c0_i32_0 = arith.constant 0 : i32
    return %arg0, %c0_i32 : i32, i32
  }
}

</mosaic_0001>

<sc_bundles>
// kernel: kernel.6.cloned.1.call-start
scs
__scs_entry_jumppad:
0x0: {  	(pc) =	sbr.rel $0x88, $3  }
0x1: {  	(tag) =	ssettag $0x0;
	lr =	simm.s32 $0x1  }
0x2: {  	[smem:$0x3F93] =	sst lr;
	_ =	strace $0xD0000000  }
0x3: {  	_ = 	snop  }
0x4: {  	_ = 	snop  }
0x5: {  	_ = 	snop  }
0x6: {  	_ = 	snop  }
0x7: {  	_ = 	snop  }
__scs_overlays_trampoline_lowered:
0x8: {  	[smem:$0x3FA2] =	sst s0  }
0x9: {  	[smem:$0x3FA3] =	sst s1  }
0xa: {  	[smem:$0x3FA4] =	sst s2  }
0xb: {  	[smem:$0x3FA5] =	sst s3  }
0xc: {  	[smem:$0x3FA6] =	sst s4  }
0xd: {  	[smem:$0x3FA7] =	sst s5  }
0xe: {  	[smem:$0x3FA8] =	sst s6  }
0xf: {  	[smem:$0x3FA9] =	sst s7  }
0x10: {  	[smem:$0x3FAA] =	sst s8  }
0x11: {  	[smem:$0x3FAB] =	sst s9;
	s0 =	simm.s32 @!p0 $0x0  }
0x12: {  	s1 =	sld [smem:$0x3F91];
	s0 =	simm.s32 @p0 $0x1  }
0x13: {  	[smem:$0x3FAC] =	sst s0;
	s0 =	simm.s32 @!p1 $0x0  }
0x14: {  	s2 =	sld [smem:$0x3F90];
	s0 =	simm.s32 @p1 $0x1  }
0x15: {  	[smem:$0x3FAD] =	sst s0;
	s0 =	simm.s32 @!p2 $0x0  }
0x16: {  	s3 =	sld [smem:$0x3FDB];
	s0 =	simm.s32 @p2 $0x1  }
0x17: {  	s4 =	simm.s32 $0x1BF5;
	[smem:$0x3FAF] =	sst s0  }
0x18: {  	s0 =	sld [smem:$0x3F92];
	_ =	swait.ge [sflag:s4], $0x0  }
0x19: {  	s7 =	sld [smem:$0x3F93]  }
0x1a: {  	s8 =	sadd.s32 $0xFFFFE003, lr  }
0x1b: {  	s9 =	sadd.s32 $0xFFFFFEF7, lr;
	s5 =	simm.s32 $0xFFFFFFFF;
	p2 =	slt.u32 s8, $0xFFFFF086  }
0x1c: {  	p1 =	slt.u32 s9, $0xF7A;
	s5 =	simm.s32 @!p2 $0x0  }
0x1d: {  	s5 =	simm.s32 @p1 $0x1;
	p0 =	seq.s32 s7, s2  }
0x1e: {  	s7 =	smul.u32 @!p0 $0xF7A, s2;
	p2 =	seq.s32 @!p0 s5, $0x0  }
0x1f: {  	s9 =	smul.u32 $0xF7A, s1;
	s8 =	simm.s32 @!p0 $0x1BF5;
	p2 =	por !p2, p0  }
0x20: {  	[sflag:s8] =	ssyncset.s32 @!p0 $0xFFFFF086;
	s6 =	sadd.s32 @!p0 s3, s7;
	s7 =	simm.s32 @!p0 $0x108  }
0x21: {  	s3 =	sadd.s32 s3, s9;
	s6 =	sadd.s32 @!p0 $0x88, s6;
	s7 =	simm.s32 @p2 $0x1082  }
0x22: {  	[simem:s7], [sflag:s8] =	dma.local @!p0 [hbm:s6], $0xF7A  }
0x23: {  	s9 =	sor.u32 $0xD0000000, s2;
	s6 =	simm.s32 $0x108;
	_ =	swait.ge @!p0 [sflag:s8], $0x0  }
0x24: {  	s3 =	sadd.s32 $0x88, s3;
	s6 =	simm.s32 @!p1 $0x1082;
	[sflag:s4] =	ssyncset.s32 $0xFFFFF086  }
0x25: {  	[simem:s6], [sflag:s4] =	dma.local [hbm:s3], $0xF7A  }
0x26: {  	[smem:$0x3F93] =	sst s1;
	(tag) =	ssettag s2;
	_ =	strace s9  }
0x27: {  	s1 =	sld [smem:$0x3FA3]  }
0x28: {  	s2 =	sld [smem:$0x3FA4]  }
0x29: {  	s4 =	sld [smem:$0x3FA6]  }
0x2a: {  	p0 =	seq.s32 s5, $0x0;
	s5 =	sld [smem:$0x3FA7]  }
0x2b: {  	s6 =	sld [smem:$0x3FA8]  }
0x2c: {  	s7 =	sld [smem:$0x3FA9]  }
0x2d: {  	s3 =	simm.s32 $0x108;
	s8 =	sld [smem:$0x3FAA]  }
0x2e: {  	s3 =	simm.s32 @!p0 $0x1082;
	s9 =	sld [smem:$0x3FAB]  }
0x2f: {  	lr =	sadd.s32 s0, s3;
	s0 =	sld [smem:$0x3FA2]  }
0x30: {  	s3 =	sld [smem:$0x3FA5]  }
0x31: {  	[smem:$0x3FAE] =	sst s10  }
0x32: {  	s10 =	sld [smem:$0x3FAC];
	_ =	sdelay $0x3  }
0x33: {  	p0 =	seq.s32 s10, $0x1;
	s10 =	sld [smem:$0x3FAE];
	_ =	sdelay $0x3  }
0x34: {  	[smem:$0x3FAE] =	sst s10  }
0x35: {  	s10 =	sld [smem:$0x3FAD];
	_ =	sdelay $0x3  }
0x36: {  	p1 =	seq.s32 s10, $0x1;
	s10 =	sld [smem:$0x3FAE];
	_ =	sdelay $0x3  }
0x37: {  	[smem:$0x3FAE] =	sst s10  }
0x38: {  	s10 =	sld [smem:$0x3FAF]  }
0x39: {  	_ = 	snop;
	(pc) =	sbr.ind lr, $3  }
0x3a: {  	_ = 	snop  }
0x3b: {  	_ = 	snop  }
0x3c: {  	p2 =	seq.s32 s10, $0x1;
	s10 =	sld [smem:$0x3FAE]  }
0x3d: {  	_ =	shalt  }
0x3e: {  	_ =	shalt  }
0x3f: {  	_ =	shalt  }
0x40: {  	_ =	shalt  }
0x41: {  	_ =	shalt  }
0x42: {  	_ =	shalt  }
0x43: {  	_ =	shalt  }
0x44: {  	_ =	shalt  }
0x45: {  	_ =	shalt  }
0x46: {  	_ =	shalt  }
0x47: {  	_ =	shalt  }
0x48: {  	_ =	shalt  }
0x49: {  	_ =	shalt  }
0x4a: {  	_ =	shalt  }
0x4b: {  	_ =	shalt  }
0x4c: {  	_ =	shalt  }
0x4d: {  	_ =	shalt  }
0x4e: {  	_ =	shalt  }
0x4f: {  	_ =	shalt  }
0x50: {  	_ =	shalt  }
0x51: {  	_ =	shalt  }
0x52: {  	_ =	shalt  }
0x53: {  	_ =	shalt  }
0x54: {  	_ =	shalt  }
0x55: {  	_ =	shalt  }
0x56: {  	_ =	shalt  }
0x57: {  	_ =	shalt  }
0x58: {  	_ =	shalt  }
0x59: {  	_ =	shalt  }
0x5a: {  	_ =	shalt  }
0x5b: {  	_ =	shalt  }
0x5c: {  	_ =	shalt  }
0x5d: {  	_ =	shalt  }
0x5e: {  	_ =	shalt  }
0x5f: {  	_ =	shalt  }
0x60: {  	_ =	shalt  }
0x61: {  	_ =	shalt  }
0x62: {  	_ =	shalt  }
0x63: {  	_ =	shalt  }
0x64: {  	_ =	shalt  }
0x65: {  	_ =	shalt  }
0x66: {  	_ =	shalt  }
0x67: {  	_ =	shalt  }
0x68: {  	_ =	shalt  }
0x69: {  	_ =	shalt  }
0x6a: {  	_ =	shalt  }
0x6b: {  	_ =	shalt  }
0x6c: {  	_ =	shalt  }
0x6d: {  	_ =	shalt  }
0x6e: {  	_ =	shalt  }
0x6f: {  	_ =	shalt  }
0x70: {  	_ =	shalt  }
0x71: {  	_ =	shalt  }
0x72: {  	_ =	shalt  }
0x73: {  	_ =	shalt  }
0x74: {  	_ =	shalt  }
0x75: {  	_ =	shalt  }
0x76: {  	_ =	shalt  }
0x77: {  	_ =	shalt  }
0x78: {  	_ =	shalt  }
0x79: {  	_ =	shalt  }
0x7a: {  	_ =	shalt  }
0x7b: {  	_ =	shalt  }
0x7c: {  	_ =	shalt  }
0x7d: {  	_ =	shalt  }
0x7e: {  	_ =	shalt  }
0x7f: {  	_ =	shalt  }
0x80: {  	_ =	shalt  }
0x81: {  	_ =	shalt  }
0x82: {  	_ =	shalt  }
0x83: {  	_ =	shalt  }
0x84: {  	_ =	shalt  }
0x85: {  	_ =	shalt  }
0x86: {  	_ =	shalt  }
0x87: {  	_ =	shalt  }
.Lfunc_end0:
.L_simem_size_0:
called_computation.1_lowered:
.L_overlay_start_0:
0x88: {  	s2 =	sld [smem:$0x3FD9]  }
0x89: {  	s3 =	sld [smem:$0x3FFE];
	_ =	sdelay $0x1  }
0x8a: {  	s1 =	srdreg.scid  }
0x8b: {  	s0 =	sand.u32 $0x1, s1  }
0x8c: {  	s17 =	sshll.u32 s0, $0xA;
	s2 =	sadd.s32 s3, s2  }
0x8d: {  	s2 =	sadd.s32 s2, s17  }
0x8e: {  	[smem:$0x3FBA] =	sst s2  }
0x8f: {  	_ = 	snop  }
0x90: {  	s2 =	sld [smem:$0x3FD0];
	(tm) =	ssettm $0x1  }
0x91: {  	s18 =	sld [smem:$0x3FFB];
	_ =	sdelay $0x3  }
0x92: {  	_ =	strace s18  }
0x93: {  	s3 =	sld [smem:$0x3FFC];
	_ =	sdelay $0x3  }
0x94: {  	_ =	strace s3  }
0x95: {  	s3 =	sld [smem:$0x3FFD];
	_ =	sdelay $0x3  }
0x96: {  	_ =	strace s3  }
0x97: {  	_ =	strace $0x8FFFFFFF  }
0x98: {  	s19 =	sld [smem:$0x3FDB];
	_ =	sdelay $0x1  }
0x99: {  	s4 =	simm.s32 $_scs_section_size  }
0x9a: {  	s5 =	simm.s32 $_size__tile_overlayer_lowered;
	s6 =	simm.s32 $_tile_overlayer_lowered  }
0x9b: {  	s22 =	simm.s32 $0x1BFF;
	s21 =	sshll.u32 s6, $0x1;
	s3 =	sadd.s32 s4, s19  }
0x9c: {  	s7 =	simm.s32 $0x0;
	s20 =	sshll.u32 s5, $0x1;
	s5 =	sadd.s32 s21, s3  }
0x9d: {  	[timem:s7], [sflag:s22] =	dma.local [hbm:s5], s20  }
0x9e: {  	_ =	swait.ge [sflag:s22], s20  }
0x9f: {  	s4 =	ssub.s32 $0x0, s20;
	[sflag:s22] =	ssyncset.done $0x0  }
0xa0: {  	[sflag:s22] =	ssyncadd.s32 s4;
	_ =	sdelay $0x1  }
0xa1: {  	s23 =	simm.s32 $0x1B8B  }
0xa2: {  	_ =	swait.ge [sflag:s23], $0x1  }
0xa3: {  	[sflag:s23] =	ssyncset.done $0x0  }
0xa4: {  	s25 =	simm.s32 $0x1B8E;
	s24 =	sld [smem:$0x3FFE];
	[sflag:s23] =	ssyncadd.s32 $0xFFFFFFFF  }
0xa5: {  	s26 =	simm.s32 $execute0_lowered;
	[smem:$0x3FD2] =	sst s25  }
0xa6: {  	s5 =	sshll.u32 s26, $0x1;
	_ =	strace $0x80000049;
	[dreg:$0x1] =	wrdreg $0xFFFFFFFF  }
0xa7: {  	s28 =	simm.s32 $_size_execute0_lowered;
	s3 =	sadd.s32 s3, s5;
	[dreg:$0x0] =	wrdreg $0x0  }
0xa8: {  	s5 =	sshll.u32 s28, $0x1;
	[dreg:$0x2] =	wrdreg s3  }
0xa9: {  	[dreg:$0x3] =	wrdreg s5  }
0xaa: {  	[dreg:$0x4] =	wrdreg $0xC0  }
0xab: {  	_ =	task [dreg:s7], $0x5FFFF  }
0xac: {  	[dreg:$0x1] =	wrdreg $0xFFFFFFFF  }
0xad: {  	[dreg:$0x0] =	wrdreg $0x60  }
0xae: {  	[dreg:$0x2] =	wrdreg s2  }
0xaf: {  	[dreg:$0x3] =	wrdreg s24  }
0xb0: {  	[dreg:$0x4] =	wrdreg $0x80200  }
0xb1: {  	[dreg:$0x5] =	wrdreg $0x9  }
0xb2: {  	_ =	task.clear_ibuf [dreg:s7], $0x6FFFF;
	_ =	strace $0x90000049  }
0xb3: {  	s29 =	simm.s32 $0x9;
	_ =	strace $0x8000004B  }
0xb4: {  	_ =	swait.ge [sflag:s29], $0x1  }
0xb5: {  	[sflag:s29] =	ssyncadd.s32 $0xFFFFFFFF  }
0xb6: {  	_ =	strace $0x9000004B  }
0xb7: {  	_ =	sfence  }
0xb8: {  	s30 =	sld [smem:$0x0];
	_ =	sdelay $0x2  }
0xb9: {  	s31 =	sshll.u32 s1, $0xD;
	s1 =	sshrl.u32 s1, $0x2  }
0xba: {  	s3 =	sand.u32 $0x4000, s31;
	s1 =	sadd.s32 s1, s30  }
0xbb: {  	s0 =	sor.u32 s3, s0;
	s1 =	sshll.u32 s1, $0x11  }
0xbc: {  	s0 =	sor.u32 s1, s0  }
0xbd: {  	s0 =	sadd.s32 $0x8F2B, s0  }
0xbe: {  	[sflag:s0] =	ssyncadd.remote.s32 $0x1  }
0xbf: {  	_ =	sfence.sel $0xFFFF  }
0xc0: {  	[dreg:$0x0] =	wrdreg $0xFFFFFFFF;
	(pc) =	sbr.abs _section_cstart, $3  }
0xc1: {  	[dreg:$0x1] =	wrdreg $0xFFFFFFFF  }
0xc2: {  	_ =	task.clear_ibuf [dreg:s7], $0x2FFFF;
	_ =	strace $0x9FFFFFFF  }
0xc3: {  	(tm) =	ssettm $0x7FFFFFFF  }
tec
execute0_lowered:
.L_overlay_start_1:
0x0: {  	(tag) =	ssettag $0x1  }
0x1: {  	s0 =	srdreg.scid;
	s2 =	rddreg [dreg:$0x1]  }
0x2: {  	s28 =	stileid.u32;
	s1 =	simm.s32 $0x0;
	s29 =	rddreg [dreg:$0x0]  }
0x3: {  	s30 =	rddreg [dreg:$0x2];
	s4 =	sand.u32 $0x1, s0;
	s3 =	smul.u32 $0x15F90, s28  }
0x4: {  	[smem:$0x7FF] =	sst s1;
	s15 =	sadd.s32 $0x3DC00, s2;
	s0 =	ssub.s32 $0x2, s4  }
0x5: {  	s16 =	smul.u32 $0x15F900, s4;
	s4 =	sshll.u32 s4, $0x4;
	s5 =	sshrl.u32 s0, $0x1  }
0x6: {  	s6 =	sadd.s32 $0x2D00, s3;
	s7 =	sadd.s32 $0x4380, s3;
	s8 =	sadd.s32 $0x5A00, s3  }
0x7: {  	s9 =	sadd.s32 $0x7080, s3;
	s10 =	sadd.s32 $0x8700, s3;
	s11 =	sadd.s32 $0x9D80, s3  }
0x8: {  	s12 =	sadd.s32 $0xB400, s3;
	s13 =	sadd.s32 $0xCA80, s3;
	s0 =	ssub.s32 s0, s5  }
0x9: {  	s5 =	sadd.s32 $0x1680, s3;
	s14 =	sadd.s32 s3, s16;
	s19 =	sadd.s32 s16, s7  }
0xa: {  	s22 =	sadd.s32 s16, s9;
	s23 =	sadd.s32 s16, s10;
	s24 =	sadd.s32 s16, s11  }
0xb: {  	s17 =	sshrl.u32 s14, $0x3;
	s18 =	sadd.s32 s16, s5;
	s14 =	sadd.s32 $0xE100, s3  }
0xc: {  	s17 =	sadd.s32 s15, s17;
	s26 =	sshrl.u32 s18, $0x3;
	s18 =	sadd.s32 s16, s6  }
0xd: {  	[dreg:$0x4] =	wrdreg s17;
	s17 =	sadd.s32 s15, s26;
	s26 =	sshrl.u32 s24, $0x3  }
0xe: {  	[dreg:$0x5] =	wrdreg s17;
	s17 =	sshrl.u32 s18, $0x3;
	s18 =	sshrl.u32 s19, $0x3  }
0xf: {  	s19 =	sadd.s32 s16, s8;
	s17 =	sadd.s32 s15, s17;
	s20 =	sadd.s32 s15, s18  }
0x10: {  	s21 =	sshrl.u32 s19, $0x3;
	s18 =	sshrl.u32 s23, $0x3;
	[dreg:$0x6] =	wrdreg s17  }
0x11: {  	s19 =	sadd.s32 s16, s13;
	[dreg:$0x7] =	wrdreg s20;
	s17 =	sadd.s32 s15, s21  }
0x12: {  	s25 =	sadd.s32 s15, s18;
	[dreg:$0x8] =	wrdreg s17;
	s17 =	sshrl.u32 s22, $0x3  }
0x13: {  	s18 =	sadd.s32 s16, s12;
	[dreg:$0xa] =	wrdreg s25;
	s17 =	sadd.s32 s15, s17  }
0x14: {  	s20 =	sadd.s32 s16, s14;
	[dreg:$0x9] =	wrdreg s17;
	s17 =	sadd.s32 s15, s26  }
0x15: {  	s22 =	sshrl.u32 s20, $0x3;
	[dreg:$0xb] =	wrdreg s17;
	s17 =	sshrl.u32 s18, $0x3  }
0x16: {  	s26 =	sadd.s32 $0x15180, s3;
	s18 =	sshrl.u32 s19, $0x3;
	s17 =	sadd.s32 s15, s17  }
0x17: {  	s19 =	sadd.s32 $0x12480, s3;
	[dreg:$0xc] =	wrdreg s17;
	s17 =	sadd.s32 s15, s22  }
0x18: {  	s21 =	sadd.s32 s15, s18;
	[dreg:$0xe] =	wrdreg s17;
	s17 =	sadd.s32 $0xF780, s3  }
0x19: {  	s18 =	sadd.s32 $0x10E00, s3;
	[dreg:$0xd] =	wrdreg s21;
	s20 =	sadd.s32 s16, s17  }
0x1a: {  	s21 =	sadd.s32 s16, s18;
	s22 =	sadd.s32 s16, s19;
	s20 =	sshrl.u32 s20, $0x3  }
0x1b: {  	s21 =	sshrl.u32 s21, $0x3;
	s24 =	sshrl.u32 s22, $0x3;
	s20 =	sadd.s32 s15, s20  }
0x1c: {  	s22 =	sadd.s32 $0x2E00, s2;
	[dreg:$0xf] =	wrdreg s20;
	s20 =	sadd.s32 s15, s24  }
0x1d: {  	s23 =	sadd.s32 s15, s21;
	[dreg:$0x11] =	wrdreg s20;
	s20 =	sadd.s32 $0x13B00, s3  }
0x1e: {  	[dreg:$0x10] =	wrdreg s23;
	s23 =	sadd.s32 $0x9C6E00, s2;
	s25 =	sadd.s32 s16, s20  }
0x1f: {  	s24 =	sadd.s32 $0x33E00, s2;
	s16 =	sadd.s32 s16, s26;
	s21 =	sshrl.u32 s25, $0x3  }
0x20: {  	s16 =	sshrl.u32 s16, $0x3;
	s25 =	sadd.s32 $0x2A000, s2;
	s21 =	sadd.s32 s15, s21  }
0x21: {  	s15 =	sadd.s32 s15, s16;
	s16 =	sadd.s32 s6, s30;
	[dreg:$0x12] =	wrdreg s21  }
0x22: {  	[dreg:$0x13] =	wrdreg s15;
	s21 =	sadd.s32 $0x755E00, s2;
	s2 =	sor.u32 s28, s4  }
0x23: {  	s4 =	sadd.s32 s7, s30;
	_ =	strace $0x8000004A;
	[dreg:$0x16] =	wrdreg s16  }
0x24: {  	s28 =	sadd.s32 s5, s30;
	s5 =	sadd.s32 s8, s30;
	[dreg:$0x17] =	wrdreg s4  }
0x25: {  	s6 =	sadd.s32 s9, s30;
	[dreg:$0x18] =	wrdreg s5  }
0x26: {  	s7 =	sadd.s32 s10, s30;
	[dreg:$0x19] =	wrdreg s6  }
0x27: {  	s8 =	sadd.s32 s11, s30;
	[dreg:$0x1a] =	wrdreg s7  }
0x28: {  	s9 =	sadd.s32 s14, s30;
	[dreg:$0x1b] =	wrdreg s8  }
0x29: {  	s10 =	sadd.s32 s19, s30;
	[dreg:$0x1e] =	wrdreg s9  }
0x2a: {  	s11 =	sadd.s32 s26, s30;
	[smem:$0x7EF] =	sst s10  }
0x2b: {  	s0 =	smax.u32 s0, $0x1;
	[smem:$0x7F0] =	sst s11  }
0x2c: {  	s15 =	sadd.s32 s3, s30;
	[smem:$0x7FB] =	sst s0  }
0x2d: {  	[dreg:$0x14] =	wrdreg s15  }
0x2e: {  	s31 =	simm.s32 $0xC;
	s12 =	sadd.s32 s12, s30;
	[dreg:$0x15] =	wrdreg s28  }
0x2f: {  	s13 =	sadd.s32 s13, s30;
	s18 =	sadd.s32 s18, s30;
	[dreg:$0x1c] =	wrdreg s12  }
0x30: {  	s17 =	sadd.s32 s17, s30;
	s20 =	sadd.s32 s20, s30;
	[dreg:$0x1d] =	wrdreg s13  }
0x31: {  	s26 =	smov.u32 s29;
	s3 =	smul.u32 $0x2710, s2;
	[dreg:$0x1f] =	wrdreg s17  }
0x32: {  	s29 =	simm.s32 $0x28;
	s16 =	smul.u32 $0x13880, s2;
	[smem:$0x7FC] =	sst s18  }
0x33: {  	s30 =	simm.s32 $0xA;
	s2 =	smul.u32 $0x4E20, s2;
	[smem:$0x7FD] =	sst s20  }
0x34: {  	s14 =	sshrl.u32 s3, $0x3;
	s7 =	sadd.s32 $0x28, s3;
	s8 =	sadd.s32 s21, s16  }
0x35: {  	s2 =	sadd.s32 s23, s2;
	s16 =	sadd.s32 $0x50, s3;
	[smem:$0x7F3] =	sst s8  }
0x36: {  	s19 =	sadd.s32 s24, s14;
	s4 =	sadd.s32 s25, s14;
	[smem:$0x7F4] =	sst s2  }
0x37: {  	s9 =	sshrl.u32 s7, $0x3;
	s11 =	sshll.u32 s7, $0x3;
	[smem:$0x7F9] =	sst s16  }
0x38: {  	s14 =	sshll.u32 s7, $0x1;
	s16 =	simm.s32 $0x78;
	[smem:$0x7F1] =	sst s19  }
0x39: {  	s7 =	simm.s32 $0x5;
	[smem:$0x7F2] =	sst s4;
	s10 =	sadd.s32 s24, s9  }
0x3a: {  	v0 =	vimm.f32 $0.0e+00;
	vm0 =	vmmov $0x1;
	s8 =	simm.s32 $0x7;
	s4 =	sadd.s32 s25, s9;
	[smem:$0x7F5] =	sst s10  }
0x3b: {  	vm1 =	vcmask $0x320;
	vm2 =	vcmask $0x720;
	vm3 =	vcmask $0xB20;
	s2 =	sadd.s32 s21, s11;
	s19 =	sadd.s32 $0x78, s3;
	[smem:$0x7F6] =	sst s4  }
0x3c: {  	vm4 =	vcmask $0xF20;
	vm5 =	vcmask $0x1320;
	vm6 =	vcmask $0x1720;
	s3 =	simm.s32 $0x2;
	s9 =	simm.s32 $0x9;
	[smem:$0x7F7] =	sst s2  }
0x3d: {  	vm7 =	vcmask $0x1B20;
	v1 =	vimm.s32 $0x0;
	v2 =	vimm.s32 $0x1;
	s11 =	simm.s32 $0x6;
	s2 =	sadd.s32 s23, s14;
	[smem:$0x7FA] =	sst s19  }
0x3e: {  	v3 =	vimm.s32 $0x2;
	v4 =	vimm.s32 $0x3;
	v5 =	vimm.s32 $0x4;
	s19 =	simm.s32 $0xD;
	s4 =	simm.s32 $0x4;
	s10 =	simm.s32 $0xB  }
0x3f: {  	v6 =	vimm.s32 $0x5;
	v7 =	vimm.s32 $0x6;
	v8 =	vimm.s32 $0x7;
	s14 =	simm.s32 $0x8;
	[smem:$0x7F8] =	sst s2;
	s2 =	simm.s32 $0x0  }
.LBB2_1:
0x40: {  	[smem:$0x7EE] =	sst s2;
	s0 =	simm.s32 $0x0;
	s2 =	simm.s32 $0x240  }
.LBB2_2:
0x41: {  	p0 =	sne.s32 s2, $0x57C0;
	[tilespmem:s0+$0x6A20] =	vst v0  }
0x42: {  	[tilespmem:s0+$0x69A0] =	vst v0  }
0x43: {  	[tilespmem:s0+$0x69B0] =	vst v0  }
0x44: {  	[tilespmem:s0+$0x69C0] =	vst v0  }
.Ltmp0:
0x45: {  	[tilespmem:s0+$0x69D0] =	vst v0;
	(pc) =	sbr.rel @p0 .LBB2_2-.Ltmp0, $4  }
0x46: {  	[tilespmem:s0+$0x69E0] =	vst v0  }
0x47: {  	[tilespmem:s0+$0x69F0] =	vst v0  }
0x48: {  	[tilespmem:s0+$0x6A00] =	vst v0  }
0x49: {  	[tilespmem:s0+$0x6A10] =	vst v0;
	s0 =	sshra.s32 s2, $0x2;
	s2 =	sadd.s32 $0x240, s2  }
0x4a: {  	[tilespmem:s0+$0x6A20] =	vst v0  }
0x4b: {  	[tilespmem:s0+$0x69A0] =	vst v0  }
0x4c: {  	[tilespmem:s0+$0x69B0] =	vst v0  }
0x4d: {  	[tilespmem:s0+$0x69C0] =	vst v0  }
0x4e: {  	[tilespmem:s0+$0x69D0] =	vst v0  }
0x4f: {  	[tilespmem:s0+$0x69E0] =	vst v0  }
0x50: {  	[tilespmem:s0+$0x69F0] =	vst v0  }
0x51: {  	[tilespmem:s0+$0x6A00] =	vst v0  }
0x52: {  	[tilespmem:s0+$0x6A10] =	vst v0;
	s2 =	simm.s32 $0x69A0  }
0x53: {  	[spmem:s15] =	stream.linear.scatter [tilespmem:s2], [sflag:$0xD], $0x1680, $0x38;
	[tilespmem:$0x1DFB0] =	vst v63  }
0x54: {  	_ =	swait.ge [sflag:s19], $0x1680  }
0x55: {  	[sflag:s19] =	ssyncset.done $0x0  }
0x56: {  	[sflag:s19] =	ssyncadd.s32 $0xFFFFE980  }
0x57: {  	[spmem:s28] =	stream.linear.scatter [tilespmem:s2], [sflag:$0xD], $0x1680, $0x38;
	[tilespmem:$0x1DFB0] =	vst v63  }
0x58: {  	_ =	swait.ge [sflag:s19], $0x1680  }
0x59: {  	[sflag:s19] =	ssyncset.done $0x0  }
0x5a: {  	s6 =	rddreg [dreg:$0x16];
	[sflag:s19] =	ssyncadd.s32 $0xFFFFE980  }
0x5b: {  	[spmem:s6] =	stream.linear.scatter [tilespmem:s2], [sflag:$0xD], $0x1680, $0x38;
	[tilespmem:$0x1DFB0] =	vst v63  }
0x5c: {  	_ =	swait.ge [sflag:s19], $0x1680  }
0x5d: {  	[sflag:s19] =	ssyncset.done $0x0  }
0x5e: {  	s15 =	rddreg [dreg:$0x17];
	[sflag:s19] =	ssyncadd.s32 $0xFFFFE980  }
0x5f: {  	[spmem:s15] =	stream.linear.scatter [tilespmem:s2], [sflag:$0xD], $0x1680, $0x38;
	[tilespmem:$0x1DFB0] =	vst v63  }
0x60: {  	_ =	swait.ge [sflag:s19], $0x1680  }
0x61: {  	[sflag:s19] =	ssyncset.done $0x0  }
0x62: {  	s28 =	rddreg [dreg:$0x18];
	[sflag:s19] =	ssyncadd.s32 $0xFFFFE980  }
0x63: {  	[spmem:s28] =	stream.linear.scatter [tilespmem:s2], [sflag:$0xD], $0x1680, $0x38;
	[tilespmem:$0x1DFB0] =	vst v63  }
0x64: {  	_ =	swait.ge [sflag:s19], $0x1680  }
0x65: {  	[sflag:s19] =	ssyncset.done $0x0  }
0x66: {  	s5 =	rddreg [dreg:$0x19];
	[sflag:s19] =	ssyncadd.s32 $0xFFFFE980  }
0x67: {  	[spmem:s5] =	stream.linear.scatter [tilespmem:s2], [sflag:$0xD], $0x1680, $0x38;
	[tilespmem:$0x1DFB0] =	vst v63  }
0x68: {  	_ =	swait.ge [sflag:s19], $0x1680  }
0x69: {  	[sflag:s19] =	ssyncset.done $0x0  }
0x6a: {  	s6 =	rddreg [dreg:$0x1a];
	[sflag:s19] =	ssyncadd.s32 $0xFFFFE980  }
0x6b: {  	[spmem:s6] =	stream.linear.scatter [tilespmem:s2], [sflag:$0xD], $0x1680, $0x38;
	[tilespmem:$0x1DFB0] =	vst v63  }
0x6c: {  	_ =	swait.ge [sflag:s19], $0x1680  }
0x6d: {  	[sflag:s19] =	ssyncset.done $0x0  }
0x6e: {  	s15 =	rddreg [dreg:$0x1b];
	[sflag:s19] =	ssyncadd.s32 $0xFFFFE980  }
0x6f: {  	[spmem:s15] =	stream.linear.scatter [tilespmem:s2], [sflag:$0xD], $0x1680, $0x38;
	[tilespmem:$0x1DFB0] =	vst v63  }
0x70: {  	_ =	swait.ge [sflag:s19], $0x1680  }
0x71: {  	[sflag:s19] =	ssyncset.done $0x0  }
0x72: {  	[sflag:s19] =	ssyncadd.s32 $0xFFFFE980  }
0x73: {  	[spmem:s12] =	stream.linear.scatter [tilespmem:s2], [sflag:$0xD], $0x1680, $0x38;
	[tilespmem:$0x1DFB0] =	vst v63  }
0x74: {  	_ =	swait.ge [sflag:s19], $0x1680  }
0x75: {  	[sflag:s19] =	ssyncset.done $0x0  }
0x76: {  	[sflag:s19] =	ssyncadd.s32 $0xFFFFE980  }
0x77: {  	[spmem:s13] =	stream.linear.scatter [tilespmem:s2], [sflag:$0xD], $0x1680, $0x38;
	[tilespmem:$0x1DFB0] =	vst v63  }
0x78: {  	_ =	swait.ge [sflag:s19], $0x1680  }
0x79: {  	[sflag:s19] =	ssyncset.done $0x0  }
0x7a: {  	s28 =	rddreg [dreg:$0x1e];
	[sflag:s19] =	ssyncadd.s32 $0xFFFFE980  }
0x7b: {  	[spmem:s28] =	stream.linear.scatter [tilespmem:s2], [sflag:$0xD], $0x1680, $0x38;
	[tilespmem:$0x1DFB0] =	vst v63  }
0x7c: {  	_ =	swait.ge [sflag:s19], $0x1680  }
0x7d: {  	[sflag:s19] =	ssyncset.done $0x0  }
0x7e: {  	[sflag:s19] =	ssyncadd.s32 $0xFFFFE980  }
0x7f: {  	[spmem:s17] =	stream.linear.scatter [tilespmem:s2], [sflag:$0xD], $0x1680, $0x38;
	[tilespmem:$0x1DFB0] =	vst v63  }
0x80: {  	_ =	swait.ge [sflag:s19], $0x1680  }
0x81: {  	[sflag:s19] =	ssyncset.done $0x0  }
0x82: {  	[sflag:s19] =	ssyncadd.s32 $0xFFFFE980  }
0x83: {  	[spmem:s18] =	stream.linear.scatter [tilespmem:s2], [sflag:$0xD], $0x1680, $0x38;
	[tilespmem:$0x1DFB0] =	vst v63  }
0x84: {  	_ =	swait.ge [sflag:s19], $0x1680  }
0x85: {  	s5 =	sld [smem:$0x7EF]  }
0x86: {  	[sflag:s19] =	ssyncset.done $0x0  }
0x87: {  	[sflag:s19] =	ssyncadd.s32 $0xFFFFE980  }
0x88: {  	[spmem:s5] =	stream.linear.scatter [tilespmem:s2], [sflag:$0xD], $0x1680, $0x38;
	[tilespmem:$0x1DFB0] =	vst v63  }
0x89: {  	_ =	swait.ge [sflag:s19], $0x1680  }
0x8a: {  	[sflag:s19] =	ssyncset.done $0x0  }
0x8b: {  	[sflag:s19] =	ssyncadd.s32 $0xFFFFE980  }
0x8c: {  	[spmem:s20] =	stream.linear.scatter [tilespmem:s2], [sflag:$0xD], $0x1680, $0x38;
	[tilespmem:$0x1DFB0] =	vst v63  }
0x8d: {  	_ =	swait.ge [sflag:s19], $0x1680  }
0x8e: {  	s6 =	sld [smem:$0x7F0]  }
0x8f: {  	[sflag:s19] =	ssyncset.done $0x0  }
0x90: {  	[sflag:s19] =	ssyncadd.s32 $0xFFFFE980  }
0x91: {  	[spmem:s6] =	stream.linear.scatter [tilespmem:s2], [sflag:$0xD], $0xE10, $0x38;
	[tilespmem:$0x1DFB0] =	vst v63  }
0x92: {  	_ =	swait.ge [sflag:s19], $0xE10  }
0x93: {  	[sflag:s19] =	ssyncset.done $0x0  }
0x94: {  	[sflag:s19] =	ssyncadd.s32 $0xFFFFF1F0  }
0x95: {  	[bflag:$0x0] =	sbarrier.arrive $0xFFFF  }
0x96: {  	s12 =	sld [smem:$0x7F1];
	_ =	sdelay $0x1  }
0x97: {  	s0 =	simm.s32 $0x0;
	s13 =	sld [smem:$0x7F2]  }
0x98: {  	[tilespmem:s0], [sflag:$0x1] =	stream.linear.gather [hbm4b:s12+s0], $0x28, $0x38;
	[tilespmem:$0x1DFB0] =	vst v63  }
0x99: {  	s5 =	simm.s32 $0x50;
	s15 =	sld [smem:$0x7F3]  }
0x9a: {  	[tilespmem:s5], [sflag:$0x3] =	stream.linear.gather [hbm4b:s13+s0], $0x28, $0x38;
	[tilespmem:$0x1DFB0] =	vst v63  }
0x9b: {  	s6 =	simm.s32 $0xA0;
	s17 =	sld [smem:$0x7F4]  }
0x9c: {  	[tilespmem:s6], [sflag:$0x5] =	stream.linear.gather [hbm4b:s15+s0], $0xA00, $0x38;
	[tilespmem:$0x1DFB0] =	vst v63  }
0x9d: {  	s18 =	simm.s32 $0x14A0;
	s20 =	simm.s32 $0x1  }
0x9e: {  	[tilespmem:s18], [sflag:$0x7] =	stream.linear.gather [hbm4b:s17+s0], $0x280, $0x38;
	[tilespmem:$0x1DFB0] =	vst v63  }
0x9f: {  	_ =	swait.ge [sflag:s20], $0x28  }
0xa0: {  	[sflag:s20] =	ssyncset.done $0x0  }
0xa1: {  	s28 =	simm.s32 $0x3;
	[sflag:s20] =	ssyncadd.s32 $0xFFFFFFD8  }
0xa2: {  	_ =	swait.ge [sflag:s28], $0x28  }
0xa3: {  	[sflag:s28] =	ssyncset.done $0x0  }
0xa4: {  	s6 =	simm.s32 $0x19A0;
	[sflag:s28] =	ssyncadd.s32 $0xFFFFFFD8  }
0xa5: {  	[tilespmem:s6], [sflag:$0x9] =	stream.indirect.gather [hbm4b:s26+s29], $0x80, s5, s29, $0xb8;
	[tilespmem:$0x1DFB0] =	vst v63  }
0xa6: {  	s12 =	simm.s32 $0x41A0;
	s13 =	sld [smem:$0x7F5]  }
0xa7: {  	[tilespmem:s12], [sflag:$0xB] =	stream.indirect.gather [hbm4b:s22+s29], $0x80, s0, s29, $0xb8;
	[tilespmem:$0x1DFB0] =	vst v63  }
0xa8: {  	s15 =	sld [smem:$0x7F6]  }
0xa9: {  	[tilespmem:s29], [sflag:$0x2] =	stream.linear.gather [hbm4b:s13+s0], $0x28, $0x38;
	[tilespmem:$0x1DFB0] =	vst v63  }
0xaa: {  	s17 =	sld [smem:$0x7F7]  }
0xab: {  	[tilespmem:s16], [sflag:$0x4] =	stream.linear.gather [hbm4b:s15+s0], $0x28, $0x38;
	[tilespmem:$0x1DFB0] =	vst v63  }
0xac: {  	s18 =	simm.s32 $0xAA0;
	s20 =	sld [smem:$0x7F8]  }
0xad: {  	[tilespmem:s18], [sflag:$0x6] =	stream.linear.gather [hbm4b:s17+s0], $0xA00, $0x38;
	[tilespmem:$0x1DFB0] =	vst v63  }
0xae: {  	s28 =	simm.s32 $0x1720  }
0xaf: {  	[tilespmem:s28], [sflag:$0x8] =	stream.linear.gather [hbm4b:s20+s0], $0x280, $0x38;
	[tilespmem:$0x1DFB0] =	vst v63  }
.LBB2_4:
0xb0: {  	_ =	swait.ge [sflag:s3], $0x28  }
0xb1: {  	[sflag:s3] =	ssyncset.done $0x0  }
0xb2: {  	[sflag:s3] =	ssyncadd.s32 $0xFFFFFFD8  }
0xb3: {  	_ =	swait.ge [sflag:s4], $0x28  }
0xb4: {  	[sflag:s4] =	ssyncset.done $0x0  }
0xb5: {  	s2 =	simm.s32 $0x2DA0;
	[sflag:s4] =	ssyncadd.s32 $0xFFFFFFD8  }
0xb6: {  	[tilespmem:s2], [sflag:$0xA] =	stream.indirect.gather [hbm4b:s26+s29], $0x80, s16, s29, $0xb8;
	[tilespmem:$0x1DFB0] =	vst v63  }
0xb7: {  	s12 =	simm.s32 $0x55A0  }
0xb8: {  	[tilespmem:s12], [sflag:$0xC] =	stream.indirect.gather [hbm4b:s22+s29], $0x80, s29, s29, $0xb8;
	[tilespmem:$0x1DFB0] =	vst v63  }
0xb9: {  	_ =	swait.ge [sflag:s7], $0xA00  }
0xba: {  	[sflag:s7] =	ssyncset.done $0x0  }
0xbb: {  	[sflag:s7] =	ssyncadd.s32 $0xFFFFF600  }
0xbc: {  	_ =	swait.ge [sflag:s8], $0x280  }
0xbd: {  	[sflag:s8] =	ssyncset.done $0x0  }
0xbe: {  	[sflag:s8] =	ssyncadd.s32 $0xFFFFFD80  }
0xbf: {  	_ =	swait.ge [sflag:s9], $0x1400  }
0xc0: {  	[sflag:s9] =	ssyncset.done $0x0  }
0xc1: {  	[sflag:s9] =	ssyncadd.s32 $0xFFFFEC00  }
0xc2: {  	_ =	swait.ge [sflag:s10], $0x1400  }
0xc3: {  	[sflag:s10] =	ssyncset.done $0x0  }
0xc4: {  	s13 =	simm.s32 $0x70;
	[sflag:s10] =	ssyncadd.s32 $0xFFFFEC00  }
0xc5: {  	v9 =	vld [tilespmem:s13+$0x19A0]  }
0xc6: {  	v11 =	vld [tilespmem:s13+$0x41A0]  }
0xc7: {  	v12 =	vld [tilespmem:s13+$0x1980]  }
0xc8: {  	s5 =	simm.s32 $0x14A0;
	v10 =	vld [tilespmem:s13+$0x4180]  }
0xc9: {  	v14 =	vld [tilespmem:s5+$0x0]  }
0xca: {  	v15 =	vld [tilespmem:s13+$0x1970]  }
0xcb: {  	v13 =	vld [tilespmem:s13+$0x4170]  }
0xcc: {  	v17 =	vld [tilespmem:s13+$0x1950];
	v16 =	vunpack.i.u.bf16.f32 v9;
	v9 =	vunpack.i.l.bf16.f32 v9  }
0xcd: {  	v22 =	vld [tilespmem:s13+$0x4150];
	v18 =	vunpack.i.u.bf16.f32 v12;
	v19 =	vunpack.i.l.bf16.f32 v11;
	v12 =	vunpack.i.l.bf16.f32 v12  }
0xce: {  	v24 =	vld [tilespmem:s13+$0x4140];
	v20 =	vunpack.i.l.bf16.f32 v10;
	v9 =	vmul.f32 v19, v9;
	v16 =	vmul.f32 v16, v14  }
0xcf: {  	v21 =	vunpack.i.u.bf16.f32 v15;
	v19 =	vld [tilespmem:s13+$0x1940];
	v12 =	vmul.f32 v20, v12;
	v18 =	vmul.f32 v18, v14  }
0xd0: {  	v15 =	vunpack.i.l.bf16.f32 v15;
	v20 =	vld [tilespmem:s13+$0x1930];
	v9 =	vadd.f32 v9, v16;
	v16 =	vunpack.i.l.bf16.f32 v13  }
0xd1: {  	v26 =	vld [tilespmem:s13+$0x4130];
	v12 =	vadd.f32 v12, v18;
	v15 =	vmul.f32 v16, v15;
	v16 =	vmul.f32 v21, v14  }
0xd2: {  	v23 =	vld [tilespmem:s13+$0x1960];
	v18 =	vunpack.i.u.bf16.f32 v17;
	v17 =	vunpack.i.l.bf16.f32 v17;
	v21 =	vunpack.i.l.bf16.f32 v22  }
0xd3: {  	v25 =	vld [tilespmem:s13+$0x4160];
	v15 =	vadd.f32 v15, v16;
	v16 =	vmul.f32 v21, v17;
	v17 =	vmul.f32 v18, v14  }
0xd4: {  	(xrf2) =	vadd.scan.msk.f32 $0xffff, v9;
	v18 =	vunpack.i.u.bf16.f32 v19;
	v19 =	vunpack.i.l.bf16.f32 v19;
	v21 =	vunpack.i.l.bf16.f32 v24  }
0xd5: {  	v9 =	vunpack.i.u.bf16.f32 v20;
	(xrf2) =	vadd.scan.msk.f32 $0xffff, v12;
	v12 =	vld [tilespmem:s13+$0x4190];
	v19 =	vmul.f32 v21, v19;
	v18 =	vmul.f32 v18, v14  }
0xd6: {  	v21 =	vld [tilespmem:s13+$0x1990];
	v16 =	vadd.f32 v16, v17;
	v17 =	vunpack.i.l.bf16.f32 v20;
	v20 =	vunpack.i.l.bf16.f32 v26  }
0xd7: {  	v9 =	vmul.f32 v9, v14;
	(xrf2) =	vadd.scan.msk.f32 $0xffff, v15;
	v15 =	vunpack.i.u.bf16.f32 v23;
	v17 =	vmul.f32 v20, v17  }
0xd8: {  	v18 =	vadd.f32 v19, v18;
	v19 =	vunpack.i.l.bf16.f32 v23;
	v20 =	vunpack.i.l.bf16.f32 v25  }
0xd9: {  	v15 =	vmul.f32 v15, v14;
	(xrf2) =	vadd.scan.msk.f32 $0xffff, v16;
	v16 =	vmul.f32 v20, v19;
	v9 =	vadd.f32 v17, v9  }
0xda: {  	(xrf2) =	vadd.scan.msk.f32 $0xffff, v18;
	v17 =	vunpack.i.l.bf16.f32 v12  }
0xdb: {  	(xrf2) =	vadd.scan.msk.f32 $0xffff, v9;
	v9 =	vadd.f32 v16, v15;
	v15 =	vunpack.i.u.bf16.f32 v21;
	v16 =	vunpack.i.l.bf16.f32 v21  }
0xdc: {  	v16 =	vmul.f32 v17, v16;
	v14 =	vmul.f32 v15, v14;
	_ =	sdelay $0x1  }
0xdd: {  	(xrf2) =	vadd.scan.msk.f32 $0xffff, v9;
	v9 =	vadd.f32 v16, v14;
	_ =	sdelay $0x1  }
0xde: {  	v14, _, _ =	vpop (xrf2)  }
0xdf: {  	v17, _, _ =	vpop (xrf2)  }
0xe0: {  	(xrf2) =	vadd.scan.msk.f32 $0xffff, v9;
	v9, _, _ =	vpop (xrf2)  }
0xe1: {  	s15 =	simm.s32 $0xF0;
	v16, _, _ =	vpop (xrf2)  }
0xe2: {  	v18 =	vld [tilespmem:s15+$0x19A0];
	v15, _, _ =	vpop (xrf2)  }
0xe3: {  	v21 =	vld [tilespmem:s15+$0x41A0];
	v19, _, _ =	vpop (xrf2)  }
0xe4: {  	v19 =	vbroadcast v19, $0xF  }
0xe5: {  	v28 =	vld [tilespmem:s15+$0x1970];
	v23 =	vbroadcast v15, $0xF  }
0xe6: {  	v20 =	vld [tilespmem:s15+$0x1980];
	v27, _, _ =	vpop (xrf2);
	v19 =	vnsel vm0, $0x0, v19  }
0xe7: {  	v29 =	vunpack.i.u.bf16.f32 v18;
	v19 =	vsel vm1, v19, v23;
	v23 =	vbroadcast v27, $0xF  }
0xe8: {  	v18 =	vunpack.i.l.bf16.f32 v18;
	v31 =	vunpack.i.l.bf16.f32 v21;
	v16 =	vbroadcast v16, $0xF;
	v15 =	vld [tilespmem:s15+$0x4180]  }
0xe9: {  	s17 =	simm.s32 $0x14B0;
	v18 =	vmul.f32 v31, v18;
	v31 =	vld [tilespmem:s15+$0x1930]  }
0xea: {  	v33 =	vunpack.i.l.bf16.f32 v28;
	v9 =	vbroadcast v9, $0xF;
	v27 =	vld [tilespmem:s17+$0x0];
	v19 =	vsel vm2, v19, v16  }
0xeb: {  	v32 =	vld [tilespmem:s15+$0x1950];
	v30 =	vunpack.i.u.bf16.f32 v20;
	v17 =	vbroadcast v17, $0xF;
	v19 =	vsel vm3, v19, v23;
	v23, _, _ =	vpop (xrf2)  }
0xec: {  	v20 =	vunpack.i.l.bf16.f32 v20;
	v16 =	vld [tilespmem:s15+$0x4170];
	v9 =	vsel vm4, v19, v9;
	v19 =	vbroadcast v23, $0xF  }
0xed: {  	v9 =	vsel vm5, v9, v17;
	v17 =	vunpack.i.l.bf16.f32 v15;
	v23 =	vbroadcast v14, $0xF;
	v14 =	vld [tilespmem:s15+$0x4150]  }
0xee: {  	v28 =	vunpack.i.u.bf16.f32 v28;
	v20 =	vmul.f32 v17, v20;
	v17 =	vld [tilespmem:s15+$0x4140];
	v9 =	vsel vm6, v9, v19  }
0xef: {  	v46 =	vunpack.i.u.bf16.f32 v31;
	v19 =	vmul.f32 v29, v27;
	v9 =	vsel vm7, v9, v23  }
0xf0: {  	v31 =	vunpack.i.l.bf16.f32 v31;
	v30 =	vmul.f32 v30, v27;
	v29 =	vld [tilespmem:s15+$0x1940];
	v9 =	vmul.f32 $1.442695020e+00, v9  }
0xf1: {  	v28 =	vmul.f32 v28, v27;
	v23 =	vunpack.i.l.bf16.f32 v16;
	v43 =	vadd.f32 v18, v19;
	v18 =	vld [tilespmem:s15+$0x4130]  }
0xf2: {  	v20 =	vadd.f32 v20, v30;
	v23 =	vmul.f32 v23, v33;
	(erf) = vpow2.f32 v9  }
0xf3: {  	v45 =	vld [tilespmem:s15+$0x1960];
	v19 =	vunpack.i.l.bf16.f32 v32;
	v44 =	vunpack.i.l.bf16.f32 v14;
	v35 =	vunpack.i.l.bf16.f32 v17  }
0xf4: {  	v9 =	vunpack.i.u.bf16.f32 v32;
	v30 =	vmul.f32 v44, v19;
	v19 =	vld [tilespmem:s15+$0x4160];
	v23 =	vadd.f32 v23, v28  }
0xf5: {  	(xrf2) =	vadd.scan.msk.f32 $0xffff, v43;
	v9 =	vmul.f32 v9, v27;
	v34 =	vunpack.i.u.bf16.f32 v29;
	v29 =	vunpack.i.l.bf16.f32 v29  }
0xf6: {  	(xrf2) =	vadd.scan.msk.f32 $0xffff, v20;
	v28 =	vmul.f32 v35, v29;
	v29 =	vmul.f32 v34, v27;
	v47 =	vunpack.i.l.bf16.f32 v18  }
0xf7: {  	(xrf2) =	vadd.scan.msk.f32 $0xffff, v23;
	v23 =	vld [tilespmem:s15+$0x4190];
	v9 =	vadd.f32 v30, v9;
	v20 =	vmul.f32 v47, v31  }
0xf8: {  	v30 =	vmul.f32 v46, v27;
	v31 =	vld [tilespmem:s15+$0x1990];
	v28 =	vadd.f32 v28, v29  }
0xf9: {  	v29 =	vunpack.i.u.bf16.f32 v45;
	(xrf2) =	vadd.scan.msk.f32 $0xffff, v9;
	v9 =	vunpack.i.l.bf16.f32 v45;
	v48 =	vunpack.i.l.bf16.f32 v19  }
0xfa: {  	v30 =	vadd.f32 v20, v30;
	(xrf2) =	vadd.scan.msk.f32 $0xffff, v28;
	v9 =	vmul.f32 v48, v9;
	v28 =	vmul.f32 v29, v27  }
0xfb: {  	s18 =	simm.s32 $0x170;
	s2 =	simm.s32 $0x69E0;
	v20 =	vpop (erf)  }
0xfc: {  	s6 =	simm.s32 $0xC0;
	v49 =	vld [tilespmem:s18+$0x19A0];
	(xrf2) =	vadd.scan.msk.f32 $0xffff, v30;
	v9 =	vadd.f32 v9, v28;
	[tilespmem:s2+$0x40] =	vst v20  }
0xfd: {  	v28 =	vunpack.i.u.bf16.f32 v31;
	v29 =	vunpack.i.l.bf16.f32 v31;
	v31 =	vunpack.i.l.bf16.f32 v23;
	v30 =	vld [tilespmem:s6+$0xFFFFFFE0]  }
0xfe: {  	v53 =	vld [tilespmem:s18+$0x1970];
	v29 =	vmul.f32 v31, v29;
	v27 =	vmul.f32 v28, v27;
	_ =	sdelay $0x1  }
0xff: {  	v27 =	vadd.f32 v29, v27  }
0x100: {  	v54 =	vunpack.i.u.bf16.f32 v49;
	(xrf2) =	vadd.scan.msk.f32 $0xffff, v9;
	v31 =	vld [tilespmem:s18+$0x1980];
	v28, _, _ =	vpop (xrf2)  }
0x101: {  	v26 =	vunpack.i.u.bf16.f32 v26;
	v50, _, _ =	vpop (xrf2);
	(xrf2) =	vadd.scan.msk.f32 $0xffff, v27;
	v51 =	vunpack.i.l.bf16.f32 v30;
	v27 =	vunpack.i.u.bf16.f32 v30  }
0x102: {  	s12 =	simm.s32 $0x14C0;
	v41 =	vunpack.i.u.bf16.f32 v53;
	v36 =	vperm.xlane v20, v1;
	v52, _, _ =	vpop (xrf2);
	v26 =	vadd.f32 v51, v26  }
0x103: {  	v38 =	vld [tilespmem:s12+$0x0];
	v10 =	vunpack.i.u.bf16.f32 v10;
	v13 =	vunpack.i.u.bf16.f32 v13;
	v24 =	vunpack.i.u.bf16.f32 v24;
	v30, _, _ =	vpop (xrf2)  }
0x104: {  	v43 =	vld [tilespmem:s18+$0x1930];
	v37 =	vperm.xlane v20, v2;
	v24 =	vadd.f32 v27, v24;
	v27, _, _ =	vpop (xrf2);
	v26 =	vmul.f32 v26, v36  }
0x105: {  	v22 =	vunpack.i.u.bf16.f32 v22;
	v25 =	vunpack.i.u.bf16.f32 v25;
	v39 =	vunpack.i.u.bf16.f32 v31;
	v40, _, _ =	vpop (xrf2)  }
0x106: {  	v24 =	vmul.f32 v37, v24;
	[tilespmem:s2+$0xFFFFFFC0] =	vst v26;
	v26 =	vunpack.i.l.bf16.f32 v31;
	v31 =	vbroadcast v40, $0xF  }
0x107: {  	v15 =	vunpack.i.u.bf16.f32 v15;
	v16 =	vunpack.i.u.bf16.f32 v16;
	v17 =	vunpack.i.u.bf16.f32 v17  }
0x108: {  	v32 =	vunpack.i.l.bf16.f32 v49;
	v44 =	vmul.f32 v41, v38;
	v34 =	vunpack.i.l.bf16.f32 v53;
	v9 =	vld [tilespmem:s18+$0x41A0];
	[tilespmem:s2+$0xFFFFFFD0] =	vst v24  }
0x109: {  	v18 =	vunpack.i.u.bf16.f32 v18;
	v47 =	vunpack.i.u.bf16.f32 v43;
	v27 =	vbroadcast v27, $0xF;
	v42 =	vld [tilespmem:s6+$0xFFFFFFF0]  }
0x10a: {  	v61 =	vperm.xlane v20, v3;
	v30 =	vbroadcast v30, $0xF;
	v24 =	vnsel vm0, $0x0, v31;
	v31, _, _ =	vpop (xrf2)  }
0x10b: {  	v62 =	vperm.xlane v20, v4;
	v24 =	vsel vm1, v24, v27;
	v27 =	vbroadcast v31, $0xF  }
0x10c: {  	v29 =	vld [tilespmem:s18+$0x4180];
	v28 =	vbroadcast v28, $0xF;
	v35 =	vbroadcast v52, $0xF;
	v24 =	vsel vm2, v24, v30  }
0x10d: {  	v55 =	vunpack.i.l.bf16.f32 v9;
	v24 =	vsel vm3, v24, v27;
	v27 =	vbroadcast v50, $0xF  }
0x10e: {  	v32 =	vmul.f32 v55, v32;
	v30 =	vld [tilespmem:s18+$0x4170];
	v58, _, _ =	vpop (xrf2);
	v60 =	vunpack.i.u.bf16.f32 v42;
	v24 =	vsel vm4, v24, v35  }
0x10f: {  	v59 =	vld [tilespmem:s18+$0x1950];
	v35 =	vbroadcast v58, $0xF;
	v27 =	vsel vm5, v24, v27;
	v24 =	vunpack.i.l.bf16.f32 v42  }
0x110: {  	v31 =	vmul.f32 v54, v38;
	v25 =	vadd.f32 v60, v25;
	v22 =	vadd.f32 v24, v22;
	v24 =	vld [tilespmem:s18+$0x4150]  }
0x111: {  	v57 =	vmul.f32 v39, v38;
	v56 =	vunpack.i.l.bf16.f32 v29;
	v27 =	vsel vm6, v27, v35  }
0x112: {  	v63 =	vadd.f32 v32, v31;
	v42 =	vld [tilespmem:s18+$0x1940];
	v25 =	vmul.f32 v62, v25;
	v27 =	vsel vm7, v27, v28  }
0x113: {  	v31 =	vunpack.i.l.bf16.f32 v30;
	v28 =	vld [tilespmem:s18+$0x4140];
	v22 =	vmul.f32 v22, v61;
	v27 =	vmul.f32 $1.442695020e+00, v27  }
0x114: {  	v26 =	vmul.f32 v56, v26;
	v34 =	vmul.f32 v31, v34;
	[tilespmem:s2+$0xFFFFFFF0] =	vst v25;
	v25 =	vunpack.i.l.bf16.f32 v59  }
0x115: {  	v31 =	vld [tilespmem:s18+$0x4130];
	[tilespmem:s2+$0xFFFFFFE0] =	vst v22;
	v22 =	vunpack.i.u.bf16.f32 v59;
	(erf) = vpow2.f32 v27;
	v27 =	vunpack.i.l.bf16.f32 v24  }
0x116: {  	v33 =	vunpack.i.l.bf16.f32 v43;
	v45 =	vld [tilespmem:s6+$0x0];
	v22 =	vmul.f32 v22, v38;
	v25 =	vmul.f32 v27, v25  }
0x117: {  	v52 =	vperm.xlane v20, v6;
	v26 =	vadd.f32 v26, v57;
	v57 =	vunpack.i.u.bf16.f32 v14  }
0x118: {  	v32 =	vunpack.i.l.bf16.f32 v42;
	v46 =	vunpack.i.l.bf16.f32 v28;
	v25 =	vadd.f32 v25, v22;
	v22 =	vld [tilespmem:s18+$0x1960]  }
0x119: {  	v50 =	vperm.xlane v20, v5;
	v27 =	vunpack.i.u.bf16.f32 v42;
	v36 =	vmul.f32 v46, v32;
	v32 =	vld [tilespmem:s18+$0x4160]  }
0x11a: {  	s20 =	simm.s32 $0x1F0;
	(xrf2) =	vadd.scan.msk.f32 $0xffff, v63;
	v34 =	vadd.f32 v34, v44;
	v48 =	vunpack.i.l.bf16.f32 v31;
	v27 =	vmul.f32 v27, v38  }
0x11b: {  	v14 =	vld [tilespmem:s20+$0x1980];
	(xrf2) =	vadd.scan.msk.f32 $0xffff, v26;
	v26 =	vmul.f32 v47, v38;
	v40 =	vmul.f32 v48, v33;
	v49 =	vunpack.i.l.bf16.f32 v45  }
0x11c: {  	v51 =	vld [tilespmem:s18+$0x1990];
	(xrf2) =	vadd.scan.msk.f32 $0xffff, v34;
	v27 =	vadd.f32 v36, v27;
	v35 =	vunpack.i.u.bf16.f32 v45;
	v13 =	vadd.f32 v49, v13  }
0x11d: {  	(xrf2) =	vadd.scan.msk.f32 $0xffff, v25;
	v25 =	vadd.f32 v40, v26;
	v53 =	vunpack.i.u.bf16.f32 v22;
	v54 =	vunpack.i.l.bf16.f32 v22;
	v22 =	vld [tilespmem:s18+$0x4190]  }
0x11e: {  	s5 =	simm.s32 $0x6A70;
	v10 =	vadd.f32 v35, v10;
	v26 =	vunpack.i.l.bf16.f32 v32;
	v13 =	vmul.f32 v13, v50;
	v33 =	vpop (erf)  }
0x11f: {  	s13 =	simm.s32 $0x100;
	(xrf2) =	vadd.scan.msk.f32 $0xffff, v27;
	[tilespmem:s5+$0x40] =	vst v33;
	v26 =	vmul.f32 v26, v54;
	v27 =	vmul.f32 v53, v38  }
0x120: {  	v19 =	vunpack.i.u.bf16.f32 v19;
	v56 =	vunpack.i.u.bf16.f32 v11;
	v44 =	vunpack.i.u.bf16.f32 v14;
	(xrf2) =	vadd.scan.msk.f32 $0xffff, v25;
	v25 =	vld [tilespmem:s13+$0xFFFFFFE0]  }
0x121: {  	v62 =	vld [tilespmem:s20+$0x1970];
	v14 =	vunpack.i.l.bf16.f32 v14;
	v10 =	vmul.f32 v52, v10;
	[tilespmem:s2+$0x0] =	vst v13;
	v13 =	vadd.f32 v26, v27  }
0x122: {  	v26 =	vunpack.i.u.bf16.f32 v51;
	v27 =	vunpack.i.l.bf16.f32 v51;
	v55 =	vunpack.i.l.bf16.f32 v22  }
0x123: {  	v11 =	vld [tilespmem:s20+$0x41A0];
	v34 =	vunpack.i.u.bf16.f32 v12;
	v26 =	vmul.f32 v26, v38;
	v27 =	vmul.f32 v55, v27  }
0x124: {  	v12 =	vperm.xlane v20, v7;
	[tilespmem:s2+$0x10] =	vst v10;
	v10 =	vunpack.i.u.bf16.f32 v23;
	v23 =	vld [tilespmem:s20+$0x19A0];
	(xrf2) =	vadd.scan.msk.f32 $0xffff, v13  }
0x125: {  	s28 =	simm.s32 $0x14D0;
	v20 =	vperm.xlane v20, v8;
	v35 =	vld [tilespmem:s6+$0x10];
	v26 =	vadd.f32 v27, v26;
	v27 =	vunpack.i.l.bf16.f32 v25  }
0x126: {  	v31 =	vunpack.i.u.bf16.f32 v31;
	v42 =	vunpack.i.l.bf16.f32 v62;
	v28 =	vunpack.i.u.bf16.f32 v28;
	v58, _, _ =	vpop (xrf2);
	v40 =	vld [tilespmem:s28+$0x0]  }
0x127: {  	v59, _, _ =	vpop (xrf2);
	v60 =	vperm.xlane v33, v1;
	v25 =	vunpack.i.u.bf16.f32 v25;
	v18 =	vadd.f32 v27, v18  }
0x128: {  	v45 =	vunpack.i.l.bf16.f32 v11;
	v63 =	vperm.xlane v33, v2;
	v53 =	vld [tilespmem:s20+$0x1950];
	v17 =	vadd.f32 v25, v17;
	v27, _, _ =	vpop (xrf2);
	(xrf2) =	vadd.scan.msk.f32 $0xffff, v26  }
0x129: {  	v49 =	vunpack.i.u.bf16.f32 v62;
	v55 =	vperm.xlane v33, v3;
	v18 =	vmul.f32 v18, v60;
	v26, _, _ =	vpop (xrf2)  }
0x12a: {  	v43 =	vunpack.i.u.bf16.f32 v23;
	v61 =	vunpack.i.u.bf16.f32 v35;
	v17 =	vmul.f32 v63, v17;
	v25, _, _ =	vpop (xrf2)  }
0x12b: {  	v13 =	vld [tilespmem:s20+$0x4180];
	v43 =	vmul.f32 v43, v40;
	v36 =	vadd.f32 v61, v56;
	v56 =	vperm.xlane v33, v4;
	[tilespmem:s5+$0xFFFFFFC0] =	vst v18;
	v46, _, _ =	vpop (xrf2)  }
0x12c: {  	v23 =	vunpack.i.l.bf16.f32 v23;
	v60 =	vmul.f32 v49, v40;
	[tilespmem:s5+$0xFFFFFFD0] =	vst v17;
	v48 =	vbroadcast v46, $0xF  }
0x12d: {  	v61 =	vunpack.i.u.bf16.f32 v53;
	v36 =	vmul.f32 v20, v36;
	v25 =	vbroadcast v25, $0xF;
	v51 =	vld [tilespmem:s13+$0xFFFFFFF0]  }
0x12e: {  	v17 =	vmul.f32 v45, v23;
	v26 =	vbroadcast v26, $0xF;
	v50, _, _ =	vpop (xrf2);
	v23 =	vnsel vm0, $0x0, v48  }
0x12f: {  	v20 =	vunpack.i.l.bf16.f32 v35;
	v23 =	vsel vm1, v23, v25;
	v25 =	vbroadcast v50, $0xF  }
0x130: {  	v18 =	vunpack.i.l.bf16.f32 v13;
	v23 =	vsel vm2, v23, v26;
	v26 =	vbroadcast v27, $0xF  }
0x131: {  	v18 =	vmul.f32 v18, v14;
	v14 =	vld [tilespmem:s20+$0x4170];
	v23 =	vsel vm3, v23, v25;
	v25 =	vbroadcast v59, $0xF  }
0x132: {  	v17 =	vadd.f32 v17, v43;
	v54 =	vunpack.i.u.bf16.f32 v51;
	v23 =	vsel vm4, v23, v26;
	v52, _, _ =	vpop (xrf2)  }
0x133: {  	v25 =	vsel vm5, v23, v25;
	v38 =	vbroadcast v52, $0xF;
	v23 =	vunpack.i.l.bf16.f32 v51  }
0x134: {  	v19 =	vadd.f32 v54, v19;
	v26 =	vbroadcast v58, $0xF;
	v37 =	vadd.f32 v23, v57;
	v23 =	vld [tilespmem:s20+$0x4150]  }
0x135: {  	v48 =	vld [tilespmem:s20+$0x1960];
	v27 =	vmul.f32 v44, v40;
	v54 =	vperm.xlane v33, v6;
	v25 =	vsel vm6, v25, v38  }
0x136: {  	v59 =	vld [tilespmem:s20+$0x1930];
	v58 =	vunpack.i.l.bf16.f32 v14;
	v19 =	vmul.f32 v56, v19;
	v26 =	vsel vm7, v25, v26  }
0x137: {  	v20 =	vadd.f32 v20, v34;
	v42 =	vmul.f32 v58, v42;
	v57 =	vld [tilespmem:s20+$0x1940];
	v26 =	vmul.f32 $1.442695020e+00, v26  }
0x138: {  	(xrf2) =	vadd.scan.msk.f32 $0xffff, v17;
	v18 =	vadd.f32 v18, v27;
	v52 =	vperm.xlane v33, v5;
	v37 =	vmul.f32 v37, v55;
	v25 =	vld [tilespmem:s20+$0x4140]  }
0x139: {  	v27 =	vld [tilespmem:s20+$0x4130];
	[tilespmem:s5+$0xFFFFFFF0] =	vst v19;
	v19 =	vunpack.i.l.bf16.f32 v53;
	(erf) = vpow2.f32 v26;
	v26 =	vunpack.i.l.bf16.f32 v23  }
0x13a: {  	(xrf2) =	vadd.scan.msk.f32 $0xffff, v18;
	v18 =	vld [tilespmem:s20+$0x4190];
	[tilespmem:s5+$0xFFFFFFE0] =	vst v37;
	v19 =	vmul.f32 v26, v19;
	v26 =	vmul.f32 v61, v40  }
0x13b: {  	v62 =	vadd.f32 v42, v60;
	v49 =	vunpack.i.l.bf16.f32 v59;
	v38 =	vunpack.i.u.bf16.f32 v59;
	v63 =	vld [tilespmem:s13+$0x0]  }
0x13c: {  	v55 =	vunpack.i.u.bf16.f32 v48;
	v38 =	vmul.f32 v38, v40;
	v19 =	vadd.f32 v19, v26;
	v26 =	vld [tilespmem:s20+$0x4160]  }
0x13d: {  	v46 =	vunpack.i.l.bf16.f32 v57;
	v41 =	vunpack.i.u.bf16.f32 v57;
	v47 =	vunpack.i.l.bf16.f32 v25  }
0x13e: {  	v53 =	vld [tilespmem:s20+$0x1990];
	v50 =	vunpack.i.l.bf16.f32 v27;
	v41 =	vmul.f32 v41, v40;
	v37 =	vmul.f32 v47, v46  }
0x13f: {  	(xrf2) =	vadd.scan.msk.f32 $0xffff, v62;
	v62 =	vunpack.i.u.bf16.f32 v21;
	v44 =	vmul.f32 v50, v49;
	v59 =	vunpack.i.l.bf16.f32 v18  }
0x140: {  	s18 =	simm.s32 $0x270;
	v37 =	vadd.f32 v37, v41;
	v17 =	vunpack.i.l.bf16.f32 v63;
	v51 =	vunpack.i.u.bf16.f32 v63  }
0x141: {  	v61 =	vld [tilespmem:s18+$0x19A0];
	(xrf2) =	vadd.scan.msk.f32 $0xffff, v19;
	v19 =	vunpack.i.l.bf16.f32 v48;
	v16 =	vadd.f32 v17, v16;
	v56 =	vunpack.i.l.bf16.f32 v26  }
0x142: {  	v41 =	vmul.f32 v55, v40;
	v15 =	vadd.f32 v51, v15;
	(xrf2) =	vadd.scan.msk.f32 $0xffff, v37;
	v37 =	vmul.f32 v56, v19  }
0x143: {  	s6 =	simm.s32 $0x6B00;
	v21 =	vld [tilespmem:s18+$0x41A0];
	v38 =	vadd.f32 v44, v38;
	v58 =	vunpack.i.u.bf16.f32 v53;
	v16 =	vmul.f32 v16, v52;
	v17 =	vpop (erf)  }
0x144: {  	s12 =	simm.s32 $0x140;
	v39 =	vunpack.i.l.bf16.f32 v53;
	v63 =	vld [tilespmem:s18+$0x1980];
	v15 =	vmul.f32 v54, v15;
	[tilespmem:s6+$0x40] =	vst v17;
	v37 =	vadd.f32 v37, v41  }
0x145: {  	s15 =	simm.s32 $0x14E0;
	v60 =	vmul.f32 v59, v39;
	(xrf2) =	vadd.scan.msk.f32 $0xffff, v38;
	v38 =	vmul.f32 v58, v40;
	[tilespmem:s5+$0x0] =	vst v16;
	v57 =	vld [tilespmem:s12+$0xFFFFFFE0]  }
0x146: {  	v40 =	vunpack.i.u.bf16.f32 v32;
	v58 =	vunpack.i.u.bf16.f32 v61;
	v32 =	vld [tilespmem:s15+$0x0];
	v19 =	vperm.xlane v33, v7;
	[tilespmem:s5+$0x10] =	vst v15  }
0x147: {  	v33 =	vperm.xlane v33, v8;
	v16 =	vunpack.i.u.bf16.f32 v22;
	v34 =	vadd.f32 v60, v38;
	v22 =	vld [tilespmem:s13+$0x10]  }
0x148: {  	v51 =	vperm.xlane v17, v1;
	v47 =	vperm.xlane v17, v2;
	v60 =	vunpack.i.l.bf16.f32 v61;
	(xrf2) =	vadd.scan.msk.f32 $0xffff, v37;
	v37, _, _ =	vpop (xrf2)  }
0x149: {  	v39 =	vunpack.i.u.bf16.f32 v63;
	v61 =	vunpack.i.l.bf16.f32 v21;
	v43 =	vunpack.i.l.bf16.f32 v63;
	v42, _, _ =	vpop (xrf2)  }
0x14a: {  	v41 =	vunpack.i.u.bf16.f32 v24;
	v63 =	vmul.f32 v61, v60;
	v24 =	vunpack.i.l.bf16.f32 v57;
	v38, _, _ =	vpop (xrf2)  }
0x14b: {  	v61 =	vperm.xlane v17, v3;
	v54 =	vunpack.i.u.bf16.f32 v57;
	v31 =	vadd.f32 v24, v31;
	v53, _, _ =	vpop (xrf2);
	(xrf2) =	vadd.scan.msk.f32 $0xffff, v34  }
0x14c: {  	v44 =	vmul.f32 v58, v32;
	v52 =	vunpack.i.u.bf16.f32 v22;
	v57 =	vld [tilespmem:s18+$0x1970];
	v28 =	vadd.f32 v54, v28  }
0x14d: {  	v39 =	vmul.f32 v39, v32;
	v24 =	vld [tilespmem:s18+$0x4180];
	v55 =	vadd.f32 v52, v62;
	v31 =	vmul.f32 v31, v51  }
0x14e: {  	v42 =	vbroadcast v42, $0xF;
	v56, _, _ =	vpop (xrf2);
	v28 =	vmul.f32 v47, v28  }
0x14f: {  	v48 =	vmul.f32 v33, v55;
	v52 =	vbroadcast v53, $0xF;
	v59, _, _ =	vpop (xrf2);
	[tilespmem:s6+$0xFFFFFFC0] =	vst v31  }
0x150: {  	v55 =	vbroadcast v38, $0xF;
	v33 =	vbroadcast v59, $0xF;
	[tilespmem:s6+$0xFFFFFFD0] =	vst v28  }
0x151: {  	v31 =	vbroadcast v56, $0xF;
	v49 =	vunpack.i.u.bf16.f32 v57;
	v34 =	vunpack.i.l.bf16.f32 v57;
	v54 =	vld [tilespmem:s12+$0xFFFFFFF0]  }
0x152: {  	v57 =	vbroadcast v37, $0xF;
	v62 =	vunpack.i.l.bf16.f32 v24;
	v28 =	vnsel vm0, $0x0, v33;
	v53, _, _ =	vpop (xrf2)  }
0x153: {  	v56 =	vmul.f32 v62, v43;
	v28 =	vsel vm1, v28, v31;
	v31 =	vbroadcast v53, $0xF  }
0x154: {  	v59 =	vld [tilespmem:s18+$0x1950];
	v33 =	vadd.f32 v63, v44;
	v62 =	vperm.xlane v17, v4;
	v28 =	vsel vm2, v28, v52  }
0x155: {  	v53 =	vunpack.i.u.bf16.f32 v30;
	v38 =	vadd.f32 v56, v39;
	v31 =	vsel vm3, v28, v31;
	v28 =	vld [tilespmem:s18+$0x4170];
	v58, _, _ =	vpop (xrf2)  }
0x156: {  	v63 =	vld [tilespmem:s18+$0x1940];
	v31 =	vsel vm4, v31, v55;
	v60 =	vunpack.i.u.bf16.f32 v54;
	v37 =	vbroadcast v58, $0xF  }
0x157: {  	v42 =	vsel vm5, v31, v42;
	v31 =	vunpack.i.l.bf16.f32 v54;
	v40 =	vadd.f32 v60, v40;
	(xrf2) =	vadd.scan.msk.f32 $0xffff, v33;
	v33 =	vld [tilespmem:s18+$0x4140]  }
0x158: {  	v52 =	vmul.f32 v49, v32;
	v41 =	vadd.f32 v31, v41;
	v31 =	vld [tilespmem:s18+$0x4150];
	v37 =	vsel vm6, v42, v37  }
0x159: {  	v55 =	vunpack.i.l.bf16.f32 v59;
	v40 =	vmul.f32 v62, v40;
	v35 =	vsel vm7, v37, v57  }
0x15a: {  	v47 =	vmul.f32 v41, v61;
	v50 =	vunpack.i.l.bf16.f32 v28;
	v35 =	vmul.f32 $1.442695020e+00, v35  }
0x15b: {  	v51 =	vld [tilespmem:s18+$0x1930];
	v54 =	vunpack.i.u.bf16.f32 v59;
	v58 =	vunpack.i.l.bf16.f32 v63;
	v34 =	vmul.f32 v50, v34;
	[tilespmem:s6+$0xFFFFFFF0] =	vst v40  }
0x15c: {  	v30 =	vld [tilespmem:s18+$0x4130];
	(xrf2) =	vadd.scan.msk.f32 $0xffff, v38;
	v37 =	vmul.f32 v54, v32;
	[tilespmem:s6+$0xFFFFFFE0] =	vst v47;
	(erf) = vpow2.f32 v35  }
0x15d: {  	v59 =	vunpack.i.l.bf16.f32 v33;
	v56 =	vunpack.i.l.bf16.f32 v31;
	v34 =	vadd.f32 v34, v52;
	v57 =	vld [tilespmem:s12+$0x0]  }
0x15e: {  	v40 =	vmul.f32 v56, v55;
	v35 =	vunpack.i.u.bf16.f32 v29;
	v29 =	vunpack.i.u.bf16.f32 v63  }
0x15f: {  	v60 =	vmul.f32 v59, v58;
	v29 =	vmul.f32 v29, v32;
	(xrf2) =	vadd.scan.msk.f32 $0xffff, v34  }
0x160: {  	v15 =	vperm.xlane v17, v7;
	v41 =	vld [tilespmem:s18+$0x1960];
	v37 =	vadd.f32 v40, v37  }
0x161: {  	[tilespmem:s2+$0x30] =	vst v36;
	v62 =	vunpack.i.l.bf16.f32 v30;
	v61 =	vunpack.i.l.bf16.f32 v51;
	v42 =	vadd.f32 v60, v29;
	v29 =	vld [tilespmem:s18+$0x4160]  }
0x162: {  	v36 =	vunpack.i.u.bf16.f32 v51;
	v40 =	vmul.f32 v62, v61;
	v63 =	vunpack.i.l.bf16.f32 v57;
	(xrf2) =	vadd.scan.msk.f32 $0xffff, v37  }
0x163: {  	s17 =	simm.s32 $0x140;
	s20 =	simm.s32 $0xBC0;
	s13 =	simm.s32 $0x6B00;
	[tilespmem:s5+$0x30] =	vst v48;
	v34, _, _ =	vpop (xrf2);
	v39 =	vunpack.i.u.bf16.f32 v57;
	v37 =	vperm.xlane v17, v5;
	v38 =	vadd.f32 v63, v53  }
.LBB2_5:
0x164: {  	p0 =	sne.s32 s20, $0x4FC0;
	v36 =	vmul.f32 v36, v32;
	v43 =	vld [tilespmem:s18+$0x1990];
	v44 =	vperm.xlane v17, v6;
	v35 =	vadd.f32 v39, v35  }
0x165: {  	s6 =	sadd.s32 $0x90, s6;
	v39 =	vunpack.i.u.bf16.f32 v41;
	v41 =	vunpack.i.l.bf16.f32 v41;
	v45 =	vld [tilespmem:s18+$0x4190];
	(xrf2) =	vadd.scan.msk.f32 $0xffff, v42;
	v42 =	vpop (erf);
	v37 =	vmul.f32 v38, v37  }
0x166: {  	v36 =	vadd.f32 v40, v36;
	v38 =	vunpack.i.l.bf16.f32 v29;
	v40, _, _ =	vpop (xrf2);
	[tilespmem:s6+$0x40] =	vst v42;
	v35 =	vmul.f32 v44, v35  }
0x167: {  	s12 =	sadd.s32 $0x40, s12;
	v22 =	vunpack.i.l.bf16.f32 v22;
	v39 =	vmul.f32 v39, v32;
	v41 =	vmul.f32 v38, v41;
	[tilespmem:s13+$0x0] =	vst v37  }
0x168: {  	(xrf2) =	vadd.scan.msk.f32 $0xffff, v36;
	v36 =	vld [tilespmem:s12+$0xFFFFFFE0];
	[tilespmem:s13+$0x10] =	vst v35;
	v35 =	vadd.f32 v22, v10;
	v10 =	vmovc v16;
	v16 =	vunpack.i.u.bf16.f32 v18  }
0x169: {  	v37 =	vadd.f32 v41, v39;
	v38, _, _ =	vpop (xrf2);
	v39 =	vperm.xlane v42, v7;
	v22 =	vld [tilespmem:s17+$0x10];
	v41 =	vmul.f32 v20, v12;
	s17 =	smov.u32 s12  }
0x16a: {  	s18 =	sshra.s32 s20, $0x2;
	v46 =	vunpack.i.u.bf16.f32 v43;
	v43 =	vunpack.i.l.bf16.f32 v43;
	v44 =	vunpack.i.l.bf16.f32 v45;
	v18 =	vmovc v45;
	v20 =	vmovc v35  }
0x16b: {  	v12 =	vmovc v19;
	v32 =	vmul.f32 v46, v32;
	v35 =	vld [tilespmem:s18+$0x19A0];
	v43 =	vmul.f32 v44, v43;
	(xrf2) =	vadd.scan.msk.f32 $0xffff, v37;
	v37 =	vunpack.i.u.bf16.f32 v9  }
0x16c: {  	v48 =	vunpack.i.u.bf16.f32 v27;
	v47 =	vunpack.i.u.bf16.f32 v26;
	v46 =	vunpack.i.u.bf16.f32 v23;
	v44 =	vld [tilespmem:s18+$0x41A0];
	v45, _, _ =	vpop (xrf2);
	[tilespmem:s2+$0x20] =	vst v41;
	s2 =	smov.u32 s5;
	s5 =	smov.u32 s13;
	s13 =	smov.u32 s6  }
0x16d: {  	v25 =	vunpack.i.u.bf16.f32 v25;
	v19 =	vmovc v15;
	v15 =	vmovc v39;
	v26 =	vld [tilespmem:s18+$0x1980];
	v23 =	vadd.f32 v43, v32;
	v27 =	vunpack.i.l.bf16.f32 v36  }
0x16e: {  	v9 =	vmovc v11;
	v11 =	vmovc v21;
	v32 =	vperm.xlane v42, v1;
	v39 =	vld [tilespmem:s18+$0x4180];
	v27 =	vadd.f32 v27, v48;
	v41 =	vunpack.i.u.bf16.f32 v22  }
0x16f: {  	v50 =	vperm.xlane v17, v8;
	v49 =	vunpack.i.u.bf16.f32 v36;
	v43 =	vld [tilespmem:s18+$0x1970];
	v48, _, _ =	vpop (xrf2);
	(xrf2) =	vadd.scan.msk.f32 $0xffff, v23;
	v36 =	vadd.f32 v41, v37  }
0x170: {  	s15 =	sadd.s32 $0x10, s15;
	v17 =	vmovc v42;
	v51 =	vadd.f32 v49, v25;
	v37 =	vperm.xlane v42, v2;
	v52 =	vmul.f32 v27, v32  }
0x171: {  	v41 =	vunpack.i.u.bf16.f32 v35;
	v35 =	vunpack.i.l.bf16.f32 v35;
	v32 =	vld [tilespmem:s15+$0x0];
	v36 =	vmul.f32 v50, v36;
	v21 =	vmovc v44;
	v23 =	vmovc v31  }
0x172: {  	v37 =	vmul.f32 v37, v51;
	v31 =	vunpack.i.u.bf16.f32 v26;
	v42 =	vunpack.i.l.bf16.f32 v21;
	v44, _, _ =	vpop (xrf2);
	[tilespmem:s6+$0xFFFFFFC0] =	vst v52  }
0x173: {  	v25 =	vmovc v33;
	v49 =	vunpack.i.l.bf16.f32 v26;
	v27 =	vmovc v30;
	v50 =	vunpack.i.l.bf16.f32 v39;
	v44 =	vbroadcast v44, $0xF;
	[tilespmem:s5+$0x30] =	vst v36  }
0x174: {  	v33 =	vbroadcast v48, $0xF;
	v26 =	vmovc v29;
	v30 =	vunpack.i.u.bf16.f32 v43;
	v36 =	vunpack.i.l.bf16.f32 v43;
	[tilespmem:s6+$0xFFFFFFD0] =	vst v37  }
0x175: {  	v29 =	vmul.f32 v42, v35;
	v37 =	vbroadcast v45, $0xF;
	v35 =	vnsel vm0, $0x0, v44;
	v42, _, _ =	vpop (xrf2);
	v43 =	vld [tilespmem:s12+$0xFFFFFFF0]  }
0x176: {  	v41 =	vmul.f32 v41, v32;
	v33 =	vsel vm1, v35, v33;
	v45 =	vbroadcast v42, $0xF  }
0x177: {  	v42 =	vmul.f32 v50, v49;
	v33 =	vsel vm2, v33, v37;
	v37 =	vbroadcast v38, $0xF  }
0x178: {  	v44 =	vmul.f32 v31, v32;
	v38 =	vld [tilespmem:s18+$0x4170];
	v31 =	vsel vm3, v33, v45;
	v33 =	vbroadcast v40, $0xF  }
0x179: {  	v34 =	vbroadcast v34, $0xF;
	v29 =	vadd.f32 v29, v41;
	v31 =	vsel vm4, v31, v37;
	v35, _, _ =	vpop (xrf2)  }
0x17a: {  	v33 =	vsel vm5, v31, v33;
	v35 =	vbroadcast v35, $0xF;
	v31 =	vunpack.i.l.bf16.f32 v43  }
0x17b: {  	v41 =	vperm.xlane v17, v3;
	v40 =	vunpack.i.u.bf16.f32 v43;
	v37 =	vld [tilespmem:s18+$0x1950];
	v43 =	vadd.f32 v31, v46  }
0x17c: {  	v40 =	vadd.f32 v40, v47;
	v31 =	vld [tilespmem:s18+$0x4150];
	v33 =	vsel vm6, v33, v35;
	v35 =	vperm.xlane v17, v4  }
0x17d: {  	v45 =	vld [tilespmem:s18+$0x1940];
	v46 =	vunpack.i.l.bf16.f32 v38;
	(xrf2) =	vadd.scan.msk.f32 $0xffff, v29;
	v29 =	vsel vm7, v33, v34;
	v34 =	vmul.f32 v43, v41  }
0x17e: {  	v41 =	vadd.f32 v42, v44;
	v33 =	vld [tilespmem:s18+$0x4140];
	v29 =	vmul.f32 $1.442695020e+00, v29;
	v35 =	vmul.f32 v35, v40  }
0x17f: {  	v42 =	vmul.f32 v30, v32;
	v43 =	vunpack.i.u.bf16.f32 v14;
	v14 =	vmovc v28;
	v36 =	vmul.f32 v46, v36;
	v40 =	vld [tilespmem:s18+$0x1930];
	[tilespmem:s6+$0xFFFFFFE0] =	vst v34  }
0x180: {  	v28 =	vmovc v38;
	v30 =	vld [tilespmem:s18+$0x4130];
	v34 =	vunpack.i.u.bf16.f32 v37;
	(xrf2) =	vadd.scan.msk.f32 $0xffff, v41;
	(erf) = vpow2.f32 v29;
	[tilespmem:s6+$0xFFFFFFF0] =	vst v35  }
0x181: {  	v29 =	vunpack.i.l.bf16.f32 v37;
	v36 =	vadd.f32 v36, v42;
	v35 =	vunpack.i.l.bf16.f32 v31;
	v37 =	vld [tilespmem:s12+$0x0]  }
0x182: {  	v34 =	vmul.f32 v34, v32;
	v29 =	vmul.f32 v35, v29;
	v35 =	vunpack.i.u.bf16.f32 v13;
	v13 =	vmovc v24;
	v24 =	vmovc v39  }
.Ltmp1:
0x183: {  	v38 =	vunpack.i.u.bf16.f32 v45;
	v39 =	vunpack.i.l.bf16.f32 v45;
	v41 =	vunpack.i.l.bf16.f32 v33;
	(xrf2) =	vadd.scan.msk.f32 $0xffff, v36;
	(pc) =	sbr.rel @p0 .LBB2_5-.Ltmp1, $4  }
0x184: {  	v38 =	vmul.f32 v38, v32;
	v39 =	vmul.f32 v41, v39;
	v44 =	vadd.f32 v29, v34;
	v41 =	vld [tilespmem:s18+$0x1960]  }
0x185: {  	v36 =	vunpack.i.u.bf16.f32 v40;
	v40 =	vunpack.i.l.bf16.f32 v40;
	v42 =	vunpack.i.l.bf16.f32 v30;
	v29 =	vld [tilespmem:s18+$0x4160]  }
0x186: {  	v40 =	vmul.f32 v42, v40;
	v42 =	vadd.f32 v39, v38;
	(xrf2) =	vadd.scan.msk.f32 $0xffff, v44;
	v38 =	vunpack.i.l.bf16.f32 v37  }
0x187: {  	s20 =	sadd.s32 $0x200, s20;
	v39 =	vunpack.i.u.bf16.f32 v37;
	v37 =	vperm.xlane v17, v5;
	v34, _, _ =	vpop (xrf2);
	v38 =	vadd.f32 v38, v43  }
0x188: {  	v43 =	vld [tilespmem:s18+$0x1990]  }
0x189: {  	v44 =	vmul.f32 v36, v32;
	v36 =	vld [tilespmem:s18+$0x4190]  }
0x18a: {  	v45 =	vunpack.i.u.bf16.f32 v41;
	v61 =	vunpack.i.l.bf16.f32 v41;
	v46 =	vunpack.i.l.bf16.f32 v29  }
0x18b: {  	v40 =	vadd.f32 v40, v44;
	v62 =	vmul.f32 v45, v32;
	v41 =	vmul.f32 v46, v61  }
0x18c: {  	(xrf2) =	vadd.scan.msk.f32 $0xffff, v42  }
0x18d: {  	(xrf2) =	vadd.scan.msk.f32 $0xffff, v40;
	v63 =	vadd.f32 v41, v62  }
0x18e: {  	v45 =	vunpack.i.u.bf16.f32 v43;
	v46 =	vunpack.i.l.bf16.f32 v43;
	v47 =	vunpack.i.l.bf16.f32 v36  }
0x18f: {  	v42 =	vmul.f32 v47, v46;
	v48 =	vmul.f32 v45, v32  }
0x190: {  	(xrf2) =	vadd.scan.msk.f32 $0xffff, v63  }
0x191: {  	v32 =	vadd.f32 v42, v48;
	_ =	sdelay $0x1  }
0x192: {  	v49, _, _ =	vpop (xrf2);
	(xrf2) =	vadd.scan.msk.f32 $0xffff, v32  }
0x193: {  	v50, _, _ =	vpop (xrf2)  }
0x194: {  	v51, _, _ =	vpop (xrf2)  }
0x195: {  	v52, _, _ =	vpop (xrf2)  }
0x196: {  	v53, _, _ =	vpop (xrf2)  }
0x197: {  	v43 =	vbroadcast v53, $0xF  }
0x198: {  	v42 =	vbroadcast v52, $0xF  }
0x199: {  	v41 =	vbroadcast v51, $0xF;
	v43 =	vnsel vm0, $0x0, v43;
	v54, _, _ =	vpop (xrf2)  }
0x19a: {  	v42 =	vsel vm1, v43, v42;
	v55 =	vbroadcast v54, $0xF  }
0x19b: {  	v32 =	vbroadcast v50, $0xF;
	v41 =	vsel vm2, v42, v41  }
0x19c: {  	v40 =	vbroadcast v49, $0xF;
	v41 =	vsel vm3, v41, v55;
	v56, _, _ =	vpop (xrf2)  }
0x19d: {  	v32 =	vsel vm4, v41, v32;
	v57 =	vbroadcast v56, $0xF  }
0x19e: {  	v34 =	vbroadcast v34, $0xF;
	v32 =	vsel vm5, v32, v40  }
0x19f: {  	v32 =	vsel vm6, v32, v57  }
0x1a0: {  	v32 =	vsel vm7, v32, v34  }
0x1a1: {  	v32 =	vmul.f32 $1.442695020e+00, v32;
	_ =	sdelay $0x1  }
0x1a2: {  	(erf) = vpow2.f32 v32;
	_ =	sdelay $0x4  }
0x1a3: {  	s6 =	sadd.s32 $0x90, s6;
	v58 =	vpop (erf)  }
0x1a4: {  	s12 =	sadd.s32 $0x40, s12;
	[tilespmem:s6+$0x40] =	vst v58  }
0x1a5: {  	v59 =	vld [tilespmem:s12+$0xFFFFFFE0];
	_ =	sdelay $0x1  }
0x1a6: {  	s20 =	sadd.s32 $0x90, s6;
	v60 =	vpop (erf)  }
0x1a7: {  	s15 =	sadd.s32 $0x40, s12;
	[tilespmem:s20+$0x40] =	vst v60  }
0x1a8: {  	v61 =	vld [tilespmem:s15+$0xFFFFFFE0]  }
0x1a9: {  	v27 =	vunpack.i.u.bf16.f32 v27;
	v25 =	vunpack.i.u.bf16.f32 v25;
	v62 =	vunpack.i.l.bf16.f32 v59  }
0x1aa: {  	v63 =	vperm.xlane v58, v1;
	v27 =	vadd.f32 v62, v27;
	v34 =	vunpack.i.u.bf16.f32 v59  }
0x1ab: {  	v45 =	vperm.xlane v58, v2;
	v25 =	vadd.f32 v34, v25  }
0x1ac: {  	v30 =	vunpack.i.u.bf16.f32 v30;
	v27 =	vmul.f32 v27, v63  }
0x1ad: {  	v33 =	vunpack.i.u.bf16.f32 v33;
	v25 =	vmul.f32 v45, v25;
	v46 =	vunpack.i.l.bf16.f32 v61  }
0x1ae: {  	[tilespmem:s6+$0xFFFFFFC0] =	vst v27;
	v27 =	vperm.xlane v60, v1;
	v47 =	vunpack.i.u.bf16.f32 v61;
	v30 =	vadd.f32 v46, v30  }
0x1af: {  	[tilespmem:s6+$0xFFFFFFD0] =	vst v25;
	v25 =	vperm.xlane v60, v2;
	v33 =	vadd.f32 v47, v33  }
0x1b0: {  	v48 =	vld [tilespmem:s12+$0xFFFFFFF0];
	v27 =	vmul.f32 v30, v27  }
0x1b1: {  	v25 =	vmul.f32 v25, v33  }
0x1b2: {  	[tilespmem:s20+$0xFFFFFFC0] =	vst v27  }
0x1b3: {  	[tilespmem:s20+$0xFFFFFFD0] =	vst v25  }
0x1b4: {  	v25 =	vunpack.i.u.bf16.f32 v26;
	v26 =	vld [tilespmem:s15+$0xFFFFFFF0]  }
0x1b5: {  	v23 =	vunpack.i.u.bf16.f32 v23;
	v27 =	vunpack.i.l.bf16.f32 v48  }
0x1b6: {  	v49 =	vperm.xlane v58, v3;
	v30 =	vunpack.i.u.bf16.f32 v48;
	v23 =	vadd.f32 v27, v23  }
0x1b7: {  	v27 =	vperm.xlane v58, v4;
	v25 =	vadd.f32 v30, v25  }
0x1b8: {  	v29 =	vunpack.i.u.bf16.f32 v29;
	v23 =	vmul.f32 v23, v49  }
0x1b9: {  	v25 =	vmul.f32 v27, v25;
	v27 =	vunpack.i.u.bf16.f32 v31;
	v30 =	vunpack.i.l.bf16.f32 v26  }
0x1ba: {  	[tilespmem:s6+$0xFFFFFFE0] =	vst v23;
	v23 =	vunpack.i.u.bf16.f32 v26;
	v26 =	vperm.xlane v60, v3;
	v27 =	vadd.f32 v30, v27  }
0x1bb: {  	[tilespmem:s6+$0xFFFFFFF0] =	vst v25;
	v25 =	vperm.xlane v60, v4;
	v23 =	vadd.f32 v23, v29  }
0x1bc: {  	v26 =	vmul.f32 v27, v26  }
0x1bd: {  	v29 =	vld [tilespmem:s12+$0x0];
	v23 =	vmul.f32 v25, v23  }
0x1be: {  	[tilespmem:s20+$0xFFFFFFE0] =	vst v26  }
0x1bf: {  	[tilespmem:s20+$0xFFFFFFF0] =	vst v23  }
0x1c0: {  	v14 =	vunpack.i.u.bf16.f32 v14;
	v13 =	vunpack.i.u.bf16.f32 v13;
	v27 =	vld [tilespmem:s15+$0x0]  }
0x1c1: {  	v24 =	vunpack.i.u.bf16.f32 v24;
	v25 =	vperm.xlane v17, v6;
	v26 =	vadd.f32 v39, v35  }
0x1c2: {  	v31 =	vperm.xlane v58, v5;
	v23 =	vmul.f32 v38, v37;
	v30 =	vunpack.i.l.bf16.f32 v29  }
0x1c3: {  	v29 =	vunpack.i.u.bf16.f32 v29;
	v14 =	vadd.f32 v30, v14;
	v25 =	vmul.f32 v25, v26  }
0x1c4: {  	v30 =	vperm.xlane v58, v6;
	v13 =	vadd.f32 v29, v13;
	[tilespmem:s13+$0x0] =	vst v23;
	v23 =	vunpack.i.u.bf16.f32 v28  }
0x1c5: {  	v28 =	vperm.xlane v60, v5;
	v14 =	vmul.f32 v14, v31;
	[tilespmem:s13+$0x10] =	vst v25;
	v25 =	vunpack.i.l.bf16.f32 v27  }
0x1c6: {  	v13 =	vmul.f32 v30, v13;
	v27 =	vunpack.i.u.bf16.f32 v27;
	v23 =	vadd.f32 v25, v23  }
0x1c7: {  	v12 =	vmul.f32 v20, v12;
	v26 =	vld [tilespmem:s17+$0x10];
	[tilespmem:s6+$0x0] =	vst v14;
	v14 =	vperm.xlane v60, v6;
	v24 =	vadd.f32 v27, v24  }
0x1c8: {  	[tilespmem:s6+$0x10] =	vst v13;
	v13 =	vmul.f32 v23, v28  }
0x1c9: {  	[tilespmem:s2+$0x20] =	vst v12;
	v14 =	vmul.f32 v14, v24  }
0x1ca: {  	v23 =	vld [tilespmem:s12+$0x10];
	[tilespmem:s20+$0x0] =	vst v13  }
0x1cb: {  	v9 =	vunpack.i.u.bf16.f32 v9;
	v11 =	vunpack.i.u.bf16.f32 v11;
	v12 =	vunpack.i.u.bf16.f32 v21;
	[tilespmem:s20+$0x10] =	vst v14  }
0x1cc: {  	v13 =	vunpack.i.l.bf16.f32 v22;
	v22 =	vunpack.i.u.bf16.f32 v26;
	v14 =	vunpack.i.u.bf16.f32 v18;
	v18 =	vld [tilespmem:s15+$0x10]  }
0x1cd: {  	v17 =	vperm.xlane v17, v8;
	v20 =	vunpack.i.l.bf16.f32 v26;
	v9 =	vadd.f32 v22, v9  }
0x1ce: {  	v16 =	vadd.f32 v20, v16;
	v20 =	vperm.xlane v60, v8;
	v10 =	vadd.f32 v13, v10  }
0x1cf: {  	v13 =	vperm.xlane v58, v7;
	v9 =	vmul.f32 v17, v9;
	v17 =	vunpack.i.u.bf16.f32 v23  }
0x1d0: {  	v22 =	vperm.xlane v58, v8;
	v10 =	vmul.f32 v10, v19;
	v11 =	vadd.f32 v17, v11  }
0x1d1: {  	v17 =	vunpack.i.u.bf16.f32 v36;
	[tilespmem:s13+$0x30] =	vst v9;
	v9 =	vunpack.i.l.bf16.f32 v23;
	v19 =	vunpack.i.u.bf16.f32 v18  }
0x1d2: {  	v11 =	vmul.f32 v22, v11;
	v9 =	vadd.f32 v9, v14;
	v12 =	vadd.f32 v19, v12  }
0x1d3: {  	[tilespmem:s5+$0x20] =	vst v10;
	v10 =	vmul.f32 v16, v15;
	v15 =	vperm.xlane v60, v7;
	v14 =	vunpack.i.l.bf16.f32 v18  }
0x1d4: {  	[tilespmem:s6+$0x30] =	vst v11;
	v9 =	vmul.f32 v9, v13;
	v11 =	vmul.f32 v20, v12;
	v12 =	vadd.f32 v14, v17  }
0x1d5: {  	[tilespmem:s13+$0x20] =	vst v10  }
0x1d6: {  	[tilespmem:s6+$0x20] =	vst v9;
	v10 =	vmul.f32 v12, v15  }
0x1d7: {  	[tilespmem:s20+$0x30] =	vst v11  }
0x1d8: {  	s12 =	rddreg [dreg:$0x2];
	s15 =	simm.s32 $0x69A0;
	s13 =	simm.s32 $0x50;
	[tilespmem:s20+$0x20] =	vst v10  }
0x1d9: {  	[spmem:s12] =	stream.indirect.scatter.add.f32 [tilespmem:s15], [sflag:$0xD], $0x90, s13, s29, $0xb8;
	[tilespmem:$0x1DFB0] =	vst v63  }
0x1da: {  	_ =	swait.ge [sflag:s19], $0x1680  }
0x1db: {  	s17 =	sld [smem:$0x7F9]  }
0x1dc: {  	s2 =	smul.u32 $0x50, s0;
	_ =	sdelay $0x1  }
0x1dd: {  	s5 =	sadd.s32 s2, s17  }
0x1de: {  	[sflag:s19] =	ssyncset.done $0x0;
	s18 =	sshrl.u32 s5, $0x3  }
0x1df: {  	[sflag:s19] =	ssyncadd.s32 $0xFFFFE980;
	s20 =	sadd.s32 s24, s18  }
0x1e0: {  	[tilespmem:s1], [sflag:$0x1] =	stream.linear.gather [hbm4b:s20+s1], $0x28, $0x38;
	[tilespmem:$0x1DFB0] =	vst v63  }
0x1e1: {  	s15 =	sshll.u32 s5, $0x3;
	s6 =	sadd.s32 s25, s18  }
0x1e2: {  	[tilespmem:s13], [sflag:$0x3] =	stream.linear.gather [hbm4b:s6+s1], $0x28, $0x38;
	[tilespmem:$0x1DFB0] =	vst v63  }
0x1e3: {  	s5 =	sshll.u32 s5, $0x1;
	s6 =	sand.u32 $0xFFFFF80, s15  }
0x1e4: {  	s17 =	simm.s32 $0xA0;
	s5 =	sand.u32 $0x1FFFFFE0, s5;
	s6 =	sadd.s32 s21, s6  }
0x1e5: {  	[tilespmem:s17], [sflag:$0x5] =	stream.linear.gather [hbm4b:s6+s1], $0xA00, $0x38;
	[tilespmem:$0x1DFB0] =	vst v63  }
0x1e6: {  	s18 =	simm.s32 $0x14A0;
	s5 =	sadd.s32 s23, s5;
	s20 =	simm.s32 $0x1  }
0x1e7: {  	[tilespmem:s18], [sflag:$0x7] =	stream.linear.gather [hbm4b:s5+s1], $0x280, $0x38;
	[tilespmem:$0x1DFB0] =	vst v63  }
0x1e8: {  	_ =	swait.ge [sflag:s20], $0x28  }
0x1e9: {  	[sflag:s20] =	ssyncset.done $0x0  }
0x1ea: {  	s6 =	simm.s32 $0x3;
	[sflag:s20] =	ssyncadd.s32 $0xFFFFFFD8  }
0x1eb: {  	_ =	swait.ge [sflag:s6], $0x28  }
0x1ec: {  	[sflag:s6] =	ssyncset.done $0x0  }
0x1ed: {  	s12 =	simm.s32 $0x19A0;
	[sflag:s6] =	ssyncadd.s32 $0xFFFFFFD8  }
0x1ee: {  	[tilespmem:s12], [sflag:$0x9] =	stream.indirect.gather [hbm4b:s26+s29], $0x80, s13, s29, $0xb8;
	[tilespmem:$0x1DFB0] =	vst v63  }
0x1ef: {  	s13 =	simm.s32 $0x41A0  }
0x1f0: {  	[tilespmem:s13], [sflag:$0xB] =	stream.indirect.gather [hbm4b:s22+s29], $0x80, s1, s29, $0xb8;
	[tilespmem:$0x1DFB0] =	vst v63  }
0x1f1: {  	_ =	swait.ge [sflag:s11], $0xA00  }
0x1f2: {  	[sflag:s11] =	ssyncset.done $0x0  }
0x1f3: {  	[sflag:s11] =	ssyncadd.s32 $0xFFFFF600  }
0x1f4: {  	_ =	swait.ge [sflag:s14], $0x280  }
0x1f5: {  	[sflag:s14] =	ssyncset.done $0x0  }
0x1f6: {  	[sflag:s14] =	ssyncadd.s32 $0xFFFFFD80  }
0x1f7: {  	_ =	swait.ge [sflag:s30], $0x1400  }
0x1f8: {  	[sflag:s30] =	ssyncset.done $0x0  }
0x1f9: {  	[sflag:s30] =	ssyncadd.s32 $0xFFFFEC00  }
0x1fa: {  	_ =	swait.ge [sflag:s31], $0x1400  }
0x1fb: {  	[sflag:s31] =	ssyncset.done $0x0  }
0x1fc: {  	s15 =	simm.s32 $0x70;
	[sflag:s31] =	ssyncadd.s32 $0xFFFFEC00  }
0x1fd: {  	v9 =	vld [tilespmem:s15+$0x2DA0]  }
0x1fe: {  	v11 =	vld [tilespmem:s15+$0x55A0]  }
0x1ff: {  	v12 =	vld [tilespmem:s15+$0x2D80]  }
0x200: {  	s17 =	simm.s32 $0x1720;
	v10 =	vld [tilespmem:s15+$0x5580]  }
0x201: {  	v14 =	vld [tilespmem:s17+$0x0]  }
0x202: {  	v15 =	vld [tilespmem:s15+$0x2D70]  }
0x203: {  	v13 =	vld [tilespmem:s15+$0x5570]  }
0x204: {  	v17 =	vld [tilespmem:s15+$0x2D50];
	v16 =	vunpack.i.u.bf16.f32 v9;
	v9 =	vunpack.i.l.bf16.f32 v9  }
0x205: {  	v22 =	vld [tilespmem:s15+$0x5550];
	v18 =	vunpack.i.u.bf16.f32 v12;
	v19 =	vunpack.i.l.bf16.f32 v11;
	v12 =	vunpack.i.l.bf16.f32 v12  }
0x206: {  	v24 =	vld [tilespmem:s15+$0x5540];
	v20 =	vunpack.i.l.bf16.f32 v10;
	v9 =	vmul.f32 v19, v9;
	v16 =	vmul.f32 v16, v14  }
0x207: {  	v21 =	vunpack.i.u.bf16.f32 v15;
	v19 =	vld [tilespmem:s15+$0x2D40];
	v12 =	vmul.f32 v20, v12;
	v18 =	vmul.f32 v18, v14  }
0x208: {  	v15 =	vunpack.i.l.bf16.f32 v15;
	v20 =	vld [tilespmem:s15+$0x2D30];
	v9 =	vadd.f32 v9, v16;
	v16 =	vunpack.i.l.bf16.f32 v13  }
0x209: {  	v26 =	vld [tilespmem:s15+$0x5530];
	v12 =	vadd.f32 v12, v18;
	v15 =	vmul.f32 v16, v15;
	v16 =	vmul.f32 v21, v14  }
0x20a: {  	v23 =	vld [tilespmem:s15+$0x2D60];
	v18 =	vunpack.i.u.bf16.f32 v17;
	v17 =	vunpack.i.l.bf16.f32 v17;
	v21 =	vunpack.i.l.bf16.f32 v22  }
0x20b: {  	v25 =	vld [tilespmem:s15+$0x5560];
	v15 =	vadd.f32 v15, v16;
	v16 =	vmul.f32 v21, v17;
	v17 =	vmul.f32 v18, v14  }
0x20c: {  	(xrf2) =	vadd.scan.msk.f32 $0xffff, v9;
	v18 =	vunpack.i.u.bf16.f32 v19;
	v19 =	vunpack.i.l.bf16.f32 v19;
	v21 =	vunpack.i.l.bf16.f32 v24  }
0x20d: {  	v9 =	vunpack.i.u.bf16.f32 v20;
	(xrf2) =	vadd.scan.msk.f32 $0xffff, v12;
	v12 =	vld [tilespmem:s15+$0x5590];
	v19 =	vmul.f32 v21, v19;
	v18 =	vmul.f32 v18, v14  }
0x20e: {  	v21 =	vld [tilespmem:s15+$0x2D90];
	v16 =	vadd.f32 v16, v17;
	v17 =	vunpack.i.l.bf16.f32 v20;
	v20 =	vunpack.i.l.bf16.f32 v26  }
0x20f: {  	v9 =	vmul.f32 v9, v14;
	(xrf2) =	vadd.scan.msk.f32 $0xffff, v15;
	v15 =	vunpack.i.u.bf16.f32 v23;
	v17 =	vmul.f32 v20, v17  }
0x210: {  	v18 =	vadd.f32 v19, v18;
	v19 =	vunpack.i.l.bf16.f32 v23;
	v20 =	vunpack.i.l.bf16.f32 v25  }
0x211: {  	v15 =	vmul.f32 v15, v14;
	(xrf2) =	vadd.scan.msk.f32 $0xffff, v16;
	v16 =	vmul.f32 v20, v19;
	v9 =	vadd.f32 v17, v9  }
0x212: {  	(xrf2) =	vadd.scan.msk.f32 $0xffff, v18;
	v17 =	vunpack.i.l.bf16.f32 v12  }
0x213: {  	(xrf2) =	vadd.scan.msk.f32 $0xffff, v9;
	v9 =	vadd.f32 v16, v15;
	v15 =	vunpack.i.u.bf16.f32 v21;
	v16 =	vunpack.i.l.bf16.f32 v21  }
0x214: {  	v16 =	vmul.f32 v17, v16;
	v14 =	vmul.f32 v15, v14;
	_ =	sdelay $0x1  }
0x215: {  	(xrf2) =	vadd.scan.msk.f32 $0xffff, v9;
	v9 =	vadd.f32 v16, v14;
	_ =	sdelay $0x1  }
0x216: {  	v14, _, _ =	vpop (xrf2)  }
0x217: {  	v17, _, _ =	vpop (xrf2)  }
0x218: {  	(xrf2) =	vadd.scan.msk.f32 $0xffff, v9;
	v9, _, _ =	vpop (xrf2)  }
0x219: {  	s18 =	simm.s32 $0xF0;
	v16, _, _ =	vpop (xrf2)  }
0x21a: {  	v18 =	vld [tilespmem:s18+$0x2DA0];
	v15, _, _ =	vpop (xrf2)  }
0x21b: {  	v21 =	vld [tilespmem:s18+$0x55A0];
	v19, _, _ =	vpop (xrf2)  }
0x21c: {  	v19 =	vbroadcast v19, $0xF  }
0x21d: {  	v28 =	vld [tilespmem:s18+$0x2D70];
	v23 =	vbroadcast v15, $0xF  }
0x21e: {  	v20 =	vld [tilespmem:s18+$0x2D80];
	v27, _, _ =	vpop (xrf2);
	v19 =	vnsel vm0, $0x0, v19  }
0x21f: {  	v29 =	vunpack.i.u.bf16.f32 v18;
	v19 =	vsel vm1, v19, v23;
	v23 =	vbroadcast v27, $0xF  }
0x220: {  	v18 =	vunpack.i.l.bf16.f32 v18;
	v31 =	vunpack.i.l.bf16.f32 v21;
	v16 =	vbroadcast v16, $0xF;
	v15 =	vld [tilespmem:s18+$0x5580]  }
0x221: {  	s20 =	simm.s32 $0x1730;
	v18 =	vmul.f32 v31, v18;
	v31 =	vld [tilespmem:s18+$0x2D30]  }
0x222: {  	v51 =	vunpack.i.l.bf16.f32 v28;
	v9 =	vbroadcast v9, $0xF;
	v27 =	vld [tilespmem:s20+$0x0];
	v19 =	vsel vm2, v19, v16  }
0x223: {  	v50 =	vld [tilespmem:s18+$0x2D50];
	v30 =	vunpack.i.u.bf16.f32 v20;
	v17 =	vbroadcast v17, $0xF;
	v19 =	vsel vm3, v19, v23;
	v23, _, _ =	vpop (xrf2)  }
0x224: {  	v20 =	vunpack.i.l.bf16.f32 v20;
	v16 =	vld [tilespmem:s18+$0x5570];
	v9 =	vsel vm4, v19, v9;
	v19 =	vbroadcast v23, $0xF  }
0x225: {  	v9 =	vsel vm5, v9, v17;
	v17 =	vunpack.i.l.bf16.f32 v15;
	v23 =	vbroadcast v14, $0xF;
	v14 =	vld [tilespmem:s18+$0x5550]  }
0x226: {  	v28 =	vunpack.i.u.bf16.f32 v28;
	v20 =	vmul.f32 v17, v20;
	v17 =	vld [tilespmem:s18+$0x5540];
	v9 =	vsel vm6, v9, v19  }
0x227: {  	v57 =	vunpack.i.u.bf16.f32 v31;
	v19 =	vmul.f32 v29, v27;
	v9 =	vsel vm7, v9, v23  }
0x228: {  	v31 =	vunpack.i.l.bf16.f32 v31;
	v30 =	vmul.f32 v30, v27;
	v29 =	vld [tilespmem:s18+$0x2D40];
	v9 =	vmul.f32 $1.442695020e+00, v9  }
0x229: {  	v28 =	vmul.f32 v28, v27;
	v23 =	vunpack.i.l.bf16.f32 v16;
	v52 =	vadd.f32 v18, v19;
	v18 =	vld [tilespmem:s18+$0x5530]  }
0x22a: {  	v20 =	vadd.f32 v20, v30;
	v23 =	vmul.f32 v23, v51;
	(erf) = vpow2.f32 v9  }
0x22b: {  	v54 =	vld [tilespmem:s18+$0x2D60];
	v19 =	vunpack.i.l.bf16.f32 v50;
	v53 =	vunpack.i.l.bf16.f32 v14;
	v56 =	vunpack.i.l.bf16.f32 v17  }
0x22c: {  	v9 =	vunpack.i.u.bf16.f32 v50;
	v30 =	vmul.f32 v53, v19;
	v19 =	vld [tilespmem:s18+$0x5560];
	v23 =	vadd.f32 v23, v28  }
0x22d: {  	(xrf2) =	vadd.scan.msk.f32 $0xffff, v52;
	v9 =	vmul.f32 v9, v27;
	v55 =	vunpack.i.u.bf16.f32 v29;
	v29 =	vunpack.i.l.bf16.f32 v29  }
0x22e: {  	(xrf2) =	vadd.scan.msk.f32 $0xffff, v20;
	v28 =	vmul.f32 v56, v29;
	v29 =	vmul.f32 v55, v27;
	v58 =	vunpack.i.l.bf16.f32 v18  }
0x22f: {  	(xrf2) =	vadd.scan.msk.f32 $0xffff, v23;
	v23 =	vld [tilespmem:s18+$0x5590];
	v9 =	vadd.f32 v30, v9;
	v20 =	vmul.f32 v58, v31  }
0x230: {  	v30 =	vmul.f32 v57, v27;
	v31 =	vld [tilespmem:s18+$0x2D90];
	v28 =	vadd.f32 v28, v29  }
0x231: {  	v29 =	vunpack.i.u.bf16.f32 v54;
	(xrf2) =	vadd.scan.msk.f32 $0xffff, v9;
	v9 =	vunpack.i.l.bf16.f32 v54;
	v59 =	vunpack.i.l.bf16.f32 v19  }
0x232: {  	v30 =	vadd.f32 v20, v30;
	(xrf2) =	vadd.scan.msk.f32 $0xffff, v28;
	v9 =	vmul.f32 v59, v9;
	v28 =	vmul.f32 v29, v27  }
0x233: {  	s5 =	simm.s32 $0x69E0;
	v20 =	vpop (erf)  }
0x234: {  	s28 =	smov.u32 s26;
	s26 =	simm.s32 $0xAC0;
	(xrf2) =	vadd.scan.msk.f32 $0xffff, v30;
	v9 =	vadd.f32 v9, v28;
	[tilespmem:s5+$0x40] =	vst v20  }
0x235: {  	v28 =	vunpack.i.u.bf16.f32 v31;
	v29 =	vunpack.i.l.bf16.f32 v31;
	v31 =	vunpack.i.l.bf16.f32 v23;
	v30 =	vld [tilespmem:s26+$0xFFFFFFE0]  }
0x236: {  	v29 =	vmul.f32 v31, v29;
	v27 =	vmul.f32 v28, v27  }
0x237: {  	s15 =	simm.s32 $0x170  }
0x238: {  	v60 =	vld [tilespmem:s15+$0x2DA0];
	v27 =	vadd.f32 v29, v27  }
0x239: {  	(xrf2) =	vadd.scan.msk.f32 $0xffff, v9;
	v31 =	vld [tilespmem:s15+$0x2D80];
	v28, _, _ =	vpop (xrf2)  }
0x23a: {  	v26 =	vunpack.i.u.bf16.f32 v26;
	v61, _, _ =	vpop (xrf2);
	(xrf2) =	vadd.scan.msk.f32 $0xffff, v27;
	v62 =	vunpack.i.l.bf16.f32 v30;
	v27 =	vunpack.i.u.bf16.f32 v30  }
0x23b: {  	v10 =	vunpack.i.u.bf16.f32 v10;
	v44 =	vld [tilespmem:s15+$0x2D70];
	v43 =	vperm.xlane v20, v1;
	v63, _, _ =	vpop (xrf2);
	v26 =	vadd.f32 v62, v26  }
0x23c: {  	v13 =	vunpack.i.u.bf16.f32 v13;
	v22 =	vunpack.i.u.bf16.f32 v22;
	v24 =	vunpack.i.u.bf16.f32 v24;
	v30, _, _ =	vpop (xrf2)  }
0x23d: {  	v45 =	vperm.xlane v20, v2;
	v24 =	vadd.f32 v27, v24;
	v27, _, _ =	vpop (xrf2);
	v26 =	vmul.f32 v26, v43  }
0x23e: {  	v25 =	vunpack.i.u.bf16.f32 v25;
	v46 =	vunpack.i.u.bf16.f32 v60;
	v9 =	vld [tilespmem:s15+$0x55A0];
	v47 =	vunpack.i.u.bf16.f32 v31;
	v48, _, _ =	vpop (xrf2)  }
0x23f: {  	s17 =	simm.s32 $0x1740;
	v24 =	vmul.f32 v45, v24;
	[tilespmem:s5+$0xFFFFFFC0] =	vst v26;
	v26 =	vunpack.i.l.bf16.f32 v31;
	v31 =	vbroadcast v48, $0xF  }
0x240: {  	v38 =	vld [tilespmem:s17+$0x0];
	v32 =	vunpack.i.l.bf16.f32 v60;
	v34 =	vunpack.i.l.bf16.f32 v44;
	v15 =	vunpack.i.u.bf16.f32 v15  }
0x241: {  	v16 =	vunpack.i.u.bf16.f32 v16;
	v57 =	vperm.xlane v20, v3;
	v58 =	vperm.xlane v20, v4;
	[tilespmem:s5+$0xFFFFFFD0] =	vst v24  }
0x242: {  	v51 =	vunpack.i.u.bf16.f32 v44;
	v28 =	vbroadcast v28, $0xF;
	v27 =	vbroadcast v27, $0xF;
	v52 =	vld [tilespmem:s26+$0xFFFFFFF0]  }
0x243: {  	v49 =	vunpack.i.l.bf16.f32 v9;
	v30 =	vbroadcast v30, $0xF;
	v24 =	vnsel vm0, $0x0, v31;
	v31, _, _ =	vpop (xrf2)  }
0x244: {  	v35 =	vbroadcast v63, $0xF;
	v24 =	vsel vm1, v24, v27;
	v27 =	vbroadcast v31, $0xF  }
0x245: {  	v29 =	vld [tilespmem:s15+$0x5580];
	v32 =	vmul.f32 v49, v32;
	v53 =	vmul.f32 v47, v38;
	v24 =	vsel vm2, v24, v30  }
0x246: {  	v47 =	vperm.xlane v20, v5;
	v24 =	vsel vm3, v24, v27;
	v27 =	vbroadcast v61, $0xF  }
0x247: {  	v49 =	vperm.xlane v20, v6;
	v30 =	vld [tilespmem:s15+$0x5570];
	v54, _, _ =	vpop (xrf2);
	v56 =	vunpack.i.u.bf16.f32 v52;
	v24 =	vsel vm4, v24, v35  }
0x248: {  	v55 =	vld [tilespmem:s15+$0x2D50];
	v35 =	vbroadcast v54, $0xF;
	v27 =	vsel vm5, v24, v27;
	v24 =	vunpack.i.l.bf16.f32 v52  }
0x249: {  	v31 =	vmul.f32 v46, v38;
	v25 =	vadd.f32 v56, v25;
	v22 =	vadd.f32 v24, v22;
	v24 =	vld [tilespmem:s15+$0x5550]  }
0x24a: {  	v50 =	vunpack.i.l.bf16.f32 v29;
	v62 =	vmul.f32 v51, v38;
	v27 =	vsel vm6, v27, v35  }
0x24b: {  	v60 =	vld [tilespmem:s15+$0x2D40];
	v59 =	vadd.f32 v32, v31;
	v25 =	vmul.f32 v58, v25;
	v27 =	vsel vm7, v27, v28  }
0x24c: {  	v31 =	vunpack.i.l.bf16.f32 v30;
	v28 =	vld [tilespmem:s15+$0x5540];
	v22 =	vmul.f32 v22, v57;
	v27 =	vmul.f32 $1.442695020e+00, v27  }
0x24d: {  	v26 =	vmul.f32 v50, v26;
	v61 =	vld [tilespmem:s15+$0x2D30];
	v34 =	vmul.f32 v31, v34;
	[tilespmem:s5+$0xFFFFFFF0] =	vst v25;
	v25 =	vunpack.i.l.bf16.f32 v55  }
0x24e: {  	v31 =	vld [tilespmem:s15+$0x5530];
	[tilespmem:s5+$0xFFFFFFE0] =	vst v22;
	v22 =	vunpack.i.u.bf16.f32 v55;
	(erf) = vpow2.f32 v27;
	v27 =	vunpack.i.l.bf16.f32 v24  }
0x24f: {  	v37 =	vunpack.i.u.bf16.f32 v14;
	v63 =	vld [tilespmem:s26+$0x0];
	v22 =	vmul.f32 v22, v38;
	v25 =	vmul.f32 v27, v25  }
0x250: {  	v26 =	vadd.f32 v26, v53;
	v53 =	vunpack.i.u.bf16.f32 v11;
	v32 =	vunpack.i.l.bf16.f32 v60  }
0x251: {  	v34 =	vadd.f32 v34, v62;
	v43 =	vunpack.i.l.bf16.f32 v28;
	v25 =	vadd.f32 v25, v22;
	v22 =	vld [tilespmem:s15+$0x2D60]  }
0x252: {  	v44 =	vunpack.i.u.bf16.f32 v61;
	v27 =	vunpack.i.u.bf16.f32 v60;
	v36 =	vmul.f32 v43, v32;
	v32 =	vld [tilespmem:s15+$0x5560]  }
0x253: {  	s20 =	simm.s32 $0x1F0;
	(xrf2) =	vadd.scan.msk.f32 $0xffff, v59;
	v33 =	vunpack.i.l.bf16.f32 v61;
	v45 =	vunpack.i.l.bf16.f32 v31;
	v27 =	vmul.f32 v27, v38  }
0x254: {  	v14 =	vld [tilespmem:s20+$0x2D80];
	(xrf2) =	vadd.scan.msk.f32 $0xffff, v26;
	v26 =	vmul.f32 v44, v38;
	v40 =	vmul.f32 v45, v33;
	v46 =	vunpack.i.l.bf16.f32 v63  }
0x255: {  	v48 =	vld [tilespmem:s15+$0x2D90];
	(xrf2) =	vadd.scan.msk.f32 $0xffff, v34;
	v27 =	vadd.f32 v36, v27;
	v35 =	vunpack.i.u.bf16.f32 v63;
	v13 =	vadd.f32 v46, v13  }
0x256: {  	(xrf2) =	vadd.scan.msk.f32 $0xffff, v25;
	v25 =	vadd.f32 v40, v26;
	v50 =	vunpack.i.u.bf16.f32 v22;
	v51 =	vunpack.i.l.bf16.f32 v22;
	v22 =	vld [tilespmem:s15+$0x5590]  }
0x257: {  	s6 =	simm.s32 $0x6A70;
	v10 =	vadd.f32 v35, v10;
	v26 =	vunpack.i.l.bf16.f32 v32;
	v13 =	vmul.f32 v13, v47;
	v33 =	vpop (erf)  }
0x258: {  	s18 =	simm.s32 $0xB00;
	v11 =	vld [tilespmem:s20+$0x55A0];
	(xrf2) =	vadd.scan.msk.f32 $0xffff, v27;
	[tilespmem:s6+$0x40] =	vst v33;
	v26 =	vmul.f32 v26, v51;
	v27 =	vmul.f32 v50, v38  }
0x259: {  	v17 =	vunpack.i.u.bf16.f32 v17;
	v18 =	vunpack.i.u.bf16.f32 v18;
	v19 =	vunpack.i.u.bf16.f32 v19;
	(xrf2) =	vadd.scan.msk.f32 $0xffff, v25;
	v25 =	vld [tilespmem:s18+$0xFFFFFFE0]  }
0x25a: {  	v58 =	vld [tilespmem:s20+$0x2D70];
	v61 =	vunpack.i.u.bf16.f32 v14;
	v10 =	vmul.f32 v49, v10;
	[tilespmem:s5+$0x0] =	vst v13;
	v13 =	vadd.f32 v26, v27  }
0x25b: {  	v26 =	vunpack.i.u.bf16.f32 v48;
	v27 =	vunpack.i.l.bf16.f32 v48;
	v52 =	vunpack.i.l.bf16.f32 v22  }
0x25c: {  	[tilespmem:s5+$0x10] =	vst v10;
	v10 =	vunpack.i.u.bf16.f32 v23;
	v23 =	vld [tilespmem:s20+$0x2DA0];
	v26 =	vmul.f32 v26, v38;
	v27 =	vmul.f32 v52, v27  }
0x25d: {  	v62 =	vunpack.i.l.bf16.f32 v11;
	v14 =	vunpack.i.l.bf16.f32 v14;
	v34 =	vunpack.i.u.bf16.f32 v12;
	v35 =	vld [tilespmem:s26+$0x10];
	s26 =	simm.s32 $0x1750;
	(xrf2) =	vadd.scan.msk.f32 $0xffff, v13  }
0x25e: {  	v12 =	vperm.xlane v20, v7;
	v40 =	vld [tilespmem:s26+$0x0];
	v26 =	vadd.f32 v27, v26;
	v27 =	vunpack.i.l.bf16.f32 v25  }
0x25f: {  	v20 =	vperm.xlane v20, v8;
	v42 =	vunpack.i.l.bf16.f32 v58;
	v31 =	vunpack.i.u.bf16.f32 v31;
	v54, _, _ =	vpop (xrf2)  }
0x260: {  	v28 =	vunpack.i.u.bf16.f32 v28;
	v55, _, _ =	vpop (xrf2);
	v49 =	vunpack.i.u.bf16.f32 v58;
	v25 =	vunpack.i.u.bf16.f32 v25  }
0x261: {  	v56 =	vperm.xlane v33, v1;
	v59 =	vperm.xlane v33, v2;
	v18 =	vadd.f32 v27, v18;
	v27, _, _ =	vpop (xrf2);
	(xrf2) =	vadd.scan.msk.f32 $0xffff, v26  }
0x262: {  	v60 =	vunpack.i.u.bf16.f32 v23;
	v57 =	vunpack.i.u.bf16.f32 v35;
	v17 =	vadd.f32 v25, v17;
	v26, _, _ =	vpop (xrf2)  }
0x263: {  	v13 =	vld [tilespmem:s20+$0x5580];
	v36 =	vadd.f32 v57, v53;
	v43 =	vmul.f32 v60, v40;
	v18 =	vmul.f32 v18, v56;
	v25, _, _ =	vpop (xrf2)  }
0x264: {  	v23 =	vunpack.i.l.bf16.f32 v23;
	v60 =	vmul.f32 v49, v40;
	v17 =	vmul.f32 v59, v17;
	v63, _, _ =	vpop (xrf2)  }
0x265: {  	v57 =	vld [tilespmem:s20+$0x2D40];
	v36 =	vmul.f32 v20, v36;
	v20 =	vunpack.i.l.bf16.f32 v35;
	[tilespmem:s6+$0xFFFFFFC0] =	vst v18;
	v48 =	vbroadcast v63, $0xF  }
0x266: {  	v56 =	vperm.xlane v33, v4;
	v20 =	vadd.f32 v20, v34;
	[tilespmem:s6+$0xFFFFFFD0] =	vst v17;
	v25 =	vbroadcast v25, $0xF  }
0x267: {  	v17 =	vmul.f32 v62, v23;
	v26 =	vbroadcast v26, $0xF;
	v51 =	vld [tilespmem:s18+$0xFFFFFFF0];
	v50, _, _ =	vpop (xrf2);
	v23 =	vnsel vm0, $0x0, v48  }
0x268: {  	v18 =	vunpack.i.l.bf16.f32 v13;
	v23 =	vsel vm1, v23, v25;
	v25 =	vbroadcast v50, $0xF  }
0x269: {  	v18 =	vmul.f32 v18, v14;
	v23 =	vsel vm2, v23, v26;
	v26 =	vbroadcast v27, $0xF  }
0x26a: {  	v14 =	vld [tilespmem:s20+$0x5570];
	v46 =	vunpack.i.l.bf16.f32 v57;
	v23 =	vsel vm3, v23, v25;
	v25 =	vbroadcast v55, $0xF  }
0x26b: {  	v53 =	vld [tilespmem:s20+$0x2D50];
	v41 =	vunpack.i.u.bf16.f32 v57;
	v17 =	vadd.f32 v17, v43;
	v23 =	vsel vm4, v23, v26;
	v52, _, _ =	vpop (xrf2)  }
0x26c: {  	v25 =	vsel vm5, v23, v25;
	v38 =	vbroadcast v52, $0xF;
	v23 =	vunpack.i.l.bf16.f32 v51  }
0x26d: {  	v26 =	vbroadcast v54, $0xF;
	v54 =	vunpack.i.u.bf16.f32 v51;
	v37 =	vadd.f32 v23, v37;
	v23 =	vld [tilespmem:s20+$0x5550]  }
0x26e: {  	v27 =	vmul.f32 v61, v40;
	v19 =	vadd.f32 v54, v19;
	v25 =	vsel vm6, v25, v38  }
0x26f: {  	v59 =	vld [tilespmem:s20+$0x2D30];
	v58 =	vunpack.i.l.bf16.f32 v14;
	v55 =	vperm.xlane v33, v3;
	v26 =	vsel vm7, v25, v26  }
0x270: {  	v48 =	vld [tilespmem:s20+$0x2D60];
	v61 =	vunpack.i.u.bf16.f32 v53;
	v19 =	vmul.f32 v56, v19;
	v26 =	vmul.f32 $1.442695020e+00, v26  }
0x271: {  	(xrf2) =	vadd.scan.msk.f32 $0xffff, v17;
	v42 =	vmul.f32 v58, v42;
	v18 =	vadd.f32 v18, v27;
	v37 =	vmul.f32 v37, v55;
	v25 =	vld [tilespmem:s20+$0x5540]  }
0x272: {  	v27 =	vld [tilespmem:s20+$0x5530];
	[tilespmem:s6+$0xFFFFFFF0] =	vst v19;
	v19 =	vunpack.i.l.bf16.f32 v53;
	(erf) = vpow2.f32 v26;
	v26 =	vunpack.i.l.bf16.f32 v23  }
0x273: {  	(xrf2) =	vadd.scan.msk.f32 $0xffff, v18;
	v18 =	vld [tilespmem:s20+$0x5590];
	[tilespmem:s6+$0xFFFFFFE0] =	vst v37;
	v19 =	vmul.f32 v26, v19;
	v26 =	vmul.f32 v61, v40  }
0x274: {  	v41 =	vmul.f32 v41, v40;
	v49 =	vunpack.i.l.bf16.f32 v59;
	v62 =	vadd.f32 v42, v60;
	v63 =	vld [tilespmem:s18+$0x0]  }
0x275: {  	v52 =	vperm.xlane v33, v5;
	v54 =	vperm.xlane v33, v6;
	v19 =	vadd.f32 v19, v26;
	v26 =	vld [tilespmem:s20+$0x5560]  }
0x276: {  	v38 =	vunpack.i.u.bf16.f32 v59;
	(xrf2) =	vadd.scan.msk.f32 $0xffff, v62;
	v62 =	vunpack.i.u.bf16.f32 v21;
	v47 =	vunpack.i.l.bf16.f32 v25  }
0x277: {  	v38 =	vmul.f32 v38, v40;
	v50 =	vunpack.i.l.bf16.f32 v27;
	v53 =	vld [tilespmem:s20+$0x2D90];
	v37 =	vmul.f32 v47, v46  }
0x278: {  	v55 =	vunpack.i.u.bf16.f32 v48;
	v44 =	vmul.f32 v50, v49;
	v59 =	vunpack.i.l.bf16.f32 v18  }
0x279: {  	s15 =	simm.s32 $0x270;
	v37 =	vadd.f32 v37, v41;
	v17 =	vunpack.i.l.bf16.f32 v63;
	v51 =	vunpack.i.u.bf16.f32 v63  }
0x27a: {  	v61 =	vld [tilespmem:s15+$0x2DA0];
	(xrf2) =	vadd.scan.msk.f32 $0xffff, v19;
	v19 =	vunpack.i.l.bf16.f32 v48;
	v16 =	vadd.f32 v17, v16;
	v56 =	vunpack.i.l.bf16.f32 v26  }
0x27b: {  	v41 =	vmul.f32 v55, v40;
	v15 =	vadd.f32 v51, v15;
	(xrf2) =	vadd.scan.msk.f32 $0xffff, v37;
	v37 =	vmul.f32 v56, v19  }
0x27c: {  	s12 =	simm.s32 $0x6B00;
	v21 =	vld [tilespmem:s15+$0x55A0];
	v38 =	vadd.f32 v44, v38;
	v58 =	vunpack.i.u.bf16.f32 v53;
	v16 =	vmul.f32 v16, v52;
	v17 =	vpop (erf)  }
0x27d: {  	s13 =	simm.s32 $0xB40;
	v39 =	vunpack.i.l.bf16.f32 v53;
	v63 =	vld [tilespmem:s15+$0x2D80];
	v15 =	vmul.f32 v54, v15;
	[tilespmem:s12+$0x40] =	vst v17;
	v37 =	vadd.f32 v37, v41  }
0x27e: {  	s20 =	simm.s32 $0x1760;
	v60 =	vmul.f32 v59, v39;
	(xrf2) =	vadd.scan.msk.f32 $0xffff, v38;
	v38 =	vmul.f32 v58, v40;
	[tilespmem:s6+$0x0] =	vst v16;
	v57 =	vld [tilespmem:s13+$0xFFFFFFE0]  }
0x27f: {  	v40 =	vunpack.i.u.bf16.f32 v32;
	v58 =	vunpack.i.u.bf16.f32 v61;
	v32 =	vld [tilespmem:s20+$0x0];
	v19 =	vperm.xlane v33, v7;
	[tilespmem:s6+$0x10] =	vst v15  }
0x280: {  	v33 =	vperm.xlane v33, v8;
	v16 =	vunpack.i.u.bf16.f32 v22;
	v34 =	vadd.f32 v60, v38;
	v22 =	vld [tilespmem:s18+$0x10]  }
0x281: {  	v51 =	vperm.xlane v17, v1;
	v47 =	vperm.xlane v17, v2;
	v60 =	vunpack.i.l.bf16.f32 v61;
	(xrf2) =	vadd.scan.msk.f32 $0xffff, v37;
	v37, _, _ =	vpop (xrf2)  }
0x282: {  	v39 =	vunpack.i.u.bf16.f32 v63;
	v61 =	vunpack.i.l.bf16.f32 v21;
	v43 =	vunpack.i.l.bf16.f32 v63;
	v42, _, _ =	vpop (xrf2)  }
0x283: {  	v41 =	vunpack.i.u.bf16.f32 v24;
	v63 =	vmul.f32 v61, v60;
	v24 =	vunpack.i.l.bf16.f32 v57;
	v38, _, _ =	vpop (xrf2)  }
0x284: {  	v61 =	vperm.xlane v17, v3;
	v54 =	vunpack.i.u.bf16.f32 v57;
	v31 =	vadd.f32 v24, v31;
	v53, _, _ =	vpop (xrf2);
	(xrf2) =	vadd.scan.msk.f32 $0xffff, v34  }
0x285: {  	v44 =	vmul.f32 v58, v32;
	v52 =	vunpack.i.u.bf16.f32 v22;
	v57 =	vld [tilespmem:s15+$0x2D70];
	v28 =	vadd.f32 v54, v28  }
0x286: {  	v39 =	vmul.f32 v39, v32;
	v24 =	vld [tilespmem:s15+$0x5580];
	v55 =	vadd.f32 v52, v62;
	v31 =	vmul.f32 v31, v51  }
0x287: {  	v42 =	vbroadcast v42, $0xF;
	v56, _, _ =	vpop (xrf2);
	v28 =	vmul.f32 v47, v28  }
0x288: {  	v48 =	vmul.f32 v33, v55;
	v52 =	vbroadcast v53, $0xF;
	v59, _, _ =	vpop (xrf2);
	[tilespmem:s12+$0xFFFFFFC0] =	vst v31  }
0x289: {  	v55 =	vbroadcast v38, $0xF;
	v33 =	vbroadcast v59, $0xF;
	[tilespmem:s12+$0xFFFFFFD0] =	vst v28  }
0x28a: {  	v31 =	vbroadcast v56, $0xF;
	v49 =	vunpack.i.u.bf16.f32 v57;
	v34 =	vunpack.i.l.bf16.f32 v57;
	v54 =	vld [tilespmem:s13+$0xFFFFFFF0]  }
0x28b: {  	v57 =	vbroadcast v37, $0xF;
	v62 =	vunpack.i.l.bf16.f32 v24;
	v28 =	vnsel vm0, $0x0, v33;
	v53, _, _ =	vpop (xrf2)  }
0x28c: {  	v56 =	vmul.f32 v62, v43;
	v28 =	vsel vm1, v28, v31;
	v31 =	vbroadcast v53, $0xF  }
0x28d: {  	v59 =	vld [tilespmem:s15+$0x2D50];
	v33 =	vadd.f32 v63, v44;
	v62 =	vperm.xlane v17, v4;
	v28 =	vsel vm2, v28, v52  }
0x28e: {  	v53 =	vunpack.i.u.bf16.f32 v30;
	v38 =	vadd.f32 v56, v39;
	v31 =	vsel vm3, v28, v31;
	v28 =	vld [tilespmem:s15+$0x5570];
	v58, _, _ =	vpop (xrf2)  }
0x28f: {  	v63 =	vld [tilespmem:s15+$0x2D40];
	v31 =	vsel vm4, v31, v55;
	v60 =	vunpack.i.u.bf16.f32 v54;
	v37 =	vbroadcast v58, $0xF  }
0x290: {  	v42 =	vsel vm5, v31, v42;
	v31 =	vunpack.i.l.bf16.f32 v54;
	v40 =	vadd.f32 v60, v40;
	(xrf2) =	vadd.scan.msk.f32 $0xffff, v33;
	v33 =	vld [tilespmem:s15+$0x5540]  }
0x291: {  	v52 =	vmul.f32 v49, v32;
	v41 =	vadd.f32 v31, v41;
	v31 =	vld [tilespmem:s15+$0x5550];
	v37 =	vsel vm6, v42, v37  }
0x292: {  	v55 =	vunpack.i.l.bf16.f32 v59;
	v40 =	vmul.f32 v62, v40;
	v35 =	vsel vm7, v37, v57  }
0x293: {  	v47 =	vmul.f32 v41, v61;
	v50 =	vunpack.i.l.bf16.f32 v28;
	v35 =	vmul.f32 $1.442695020e+00, v35  }
0x294: {  	v51 =	vld [tilespmem:s15+$0x2D30];
	v54 =	vunpack.i.u.bf16.f32 v59;
	v58 =	vunpack.i.l.bf16.f32 v63;
	v34 =	vmul.f32 v50, v34;
	[tilespmem:s12+$0xFFFFFFF0] =	vst v40  }
0x295: {  	v30 =	vld [tilespmem:s15+$0x5530];
	(xrf2) =	vadd.scan.msk.f32 $0xffff, v38;
	v37 =	vmul.f32 v54, v32;
	[tilespmem:s12+$0xFFFFFFE0] =	vst v47;
	(erf) = vpow2.f32 v35  }
0x296: {  	v59 =	vunpack.i.l.bf16.f32 v33;
	v56 =	vunpack.i.l.bf16.f32 v31;
	v34 =	vadd.f32 v34, v52;
	v57 =	vld [tilespmem:s13+$0x0]  }
0x297: {  	v40 =	vmul.f32 v56, v55;
	v35 =	vunpack.i.u.bf16.f32 v29;
	v29 =	vunpack.i.u.bf16.f32 v63  }
0x298: {  	v60 =	vmul.f32 v59, v58;
	v29 =	vmul.f32 v29, v32;
	(xrf2) =	vadd.scan.msk.f32 $0xffff, v34  }
0x299: {  	v15 =	vperm.xlane v17, v7;
	v41 =	vld [tilespmem:s15+$0x2D60];
	v37 =	vadd.f32 v40, v37  }
0x29a: {  	[tilespmem:s5+$0x30] =	vst v36;
	v62 =	vunpack.i.l.bf16.f32 v30;
	v61 =	vunpack.i.l.bf16.f32 v51;
	v42 =	vadd.f32 v60, v29;
	v29 =	vld [tilespmem:s15+$0x5560]  }
0x29b: {  	v36 =	vunpack.i.u.bf16.f32 v51;
	v40 =	vmul.f32 v62, v61;
	v63 =	vunpack.i.l.bf16.f32 v57;
	(xrf2) =	vadd.scan.msk.f32 $0xffff, v37  }
0x29c: {  	s17 =	simm.s32 $0x6B00;
	s26 =	simm.s32 $0xBC0;
	s18 =	simm.s32 $0xB40;
	[tilespmem:s6+$0x30] =	vst v48;
	v34, _, _ =	vpop (xrf2);
	v39 =	vunpack.i.u.bf16.f32 v57;
	v37 =	vperm.xlane v17, v5;
	v38 =	vadd.f32 v63, v53  }
.LBB2_7:
0x29d: {  	p0 =	sne.s32 s26, $0x4FC0;
	v36 =	vmul.f32 v36, v32;
	v43 =	vld [tilespmem:s15+$0x2D90];
	v44 =	vperm.xlane v17, v6;
	v35 =	vadd.f32 v39, v35  }
0x29e: {  	s12 =	sadd.s32 $0x90, s12;
	v39 =	vunpack.i.u.bf16.f32 v41;
	v41 =	vunpack.i.l.bf16.f32 v41;
	v45 =	vld [tilespmem:s15+$0x5590];
	(xrf2) =	vadd.scan.msk.f32 $0xffff, v42;
	v42 =	vpop (erf);
	v37 =	vmul.f32 v38, v37  }
0x29f: {  	v36 =	vadd.f32 v40, v36;
	v38 =	vunpack.i.l.bf16.f32 v29;
	v40, _, _ =	vpop (xrf2);
	[tilespmem:s12+$0x40] =	vst v42;
	v35 =	vmul.f32 v44, v35  }
0x2a0: {  	s13 =	sadd.s32 $0x40, s13;
	v22 =	vunpack.i.l.bf16.f32 v22;
	v39 =	vmul.f32 v39, v32;
	v41 =	vmul.f32 v38, v41;
	[tilespmem:s17+$0x0] =	vst v37  }
0x2a1: {  	(xrf2) =	vadd.scan.msk.f32 $0xffff, v36;
	v36 =	vld [tilespmem:s13+$0xFFFFFFE0];
	[tilespmem:s17+$0x10] =	vst v35;
	v35 =	vadd.f32 v22, v10;
	v10 =	vmovc v16;
	v16 =	vunpack.i.u.bf16.f32 v18  }
0x2a2: {  	v37 =	vadd.f32 v41, v39;
	v38, _, _ =	vpop (xrf2);
	v39 =	vperm.xlane v42, v7;
	v22 =	vld [tilespmem:s18+$0x10];
	v41 =	vmul.f32 v20, v12;
	s18 =	smov.u32 s13  }
0x2a3: {  	s15 =	sshra.s32 s26, $0x2;
	v46 =	vunpack.i.u.bf16.f32 v43;
	v43 =	vunpack.i.l.bf16.f32 v43;
	v44 =	vunpack.i.l.bf16.f32 v45;
	v18 =	vmovc v45;
	v20 =	vmovc v35  }
0x2a4: {  	v12 =	vmovc v19;
	v32 =	vmul.f32 v46, v32;
	v35 =	vld [tilespmem:s15+$0x2DA0];
	v43 =	vmul.f32 v44, v43;
	(xrf2) =	vadd.scan.msk.f32 $0xffff, v37;
	v37 =	vunpack.i.u.bf16.f32 v9  }
0x2a5: {  	v48 =	vunpack.i.u.bf16.f32 v27;
	v47 =	vunpack.i.u.bf16.f32 v26;
	v46 =	vunpack.i.u.bf16.f32 v23;
	v44 =	vld [tilespmem:s15+$0x55A0];
	v45, _, _ =	vpop (xrf2);
	[tilespmem:s5+$0x20] =	vst v41;
	s5 =	smov.u32 s6;
	s6 =	smov.u32 s17;
	s17 =	smov.u32 s12  }
0x2a6: {  	v25 =	vunpack.i.u.bf16.f32 v25;
	v19 =	vmovc v15;
	v15 =	vmovc v39;
	v26 =	vld [tilespmem:s15+$0x2D80];
	v23 =	vadd.f32 v43, v32;
	v27 =	vunpack.i.l.bf16.f32 v36  }
0x2a7: {  	v9 =	vmovc v11;
	v11 =	vmovc v21;
	v32 =	vperm.xlane v42, v1;
	v39 =	vld [tilespmem:s15+$0x5580];
	v27 =	vadd.f32 v27, v48;
	v41 =	vunpack.i.u.bf16.f32 v22  }
0x2a8: {  	v50 =	vperm.xlane v17, v8;
	v49 =	vunpack.i.u.bf16.f32 v36;
	v43 =	vld [tilespmem:s15+$0x2D70];
	v48, _, _ =	vpop (xrf2);
	(xrf2) =	vadd.scan.msk.f32 $0xffff, v23;
	v36 =	vadd.f32 v41, v37  }
0x2a9: {  	s20 =	sadd.s32 $0x10, s20;
	v17 =	vmovc v42;
	v51 =	vadd.f32 v49, v25;
	v37 =	vperm.xlane v42, v2;
	v52 =	vmul.f32 v27, v32  }
0x2aa: {  	v41 =	vunpack.i.u.bf16.f32 v35;
	v35 =	vunpack.i.l.bf16.f32 v35;
	v32 =	vld [tilespmem:s20+$0x0];
	v36 =	vmul.f32 v50, v36;
	v21 =	vmovc v44;
	v23 =	vmovc v31  }
0x2ab: {  	v37 =	vmul.f32 v37, v51;
	v31 =	vunpack.i.u.bf16.f32 v26;
	v42 =	vunpack.i.l.bf16.f32 v21;
	v44, _, _ =	vpop (xrf2);
	[tilespmem:s12+$0xFFFFFFC0] =	vst v52  }
0x2ac: {  	v25 =	vmovc v33;
	v49 =	vunpack.i.l.bf16.f32 v26;
	v27 =	vmovc v30;
	v50 =	vunpack.i.l.bf16.f32 v39;
	v44 =	vbroadcast v44, $0xF;
	[tilespmem:s6+$0x30] =	vst v36  }
0x2ad: {  	v33 =	vbroadcast v48, $0xF;
	v26 =	vmovc v29;
	v30 =	vunpack.i.u.bf16.f32 v43;
	v36 =	vunpack.i.l.bf16.f32 v43;
	[tilespmem:s12+$0xFFFFFFD0] =	vst v37  }
0x2ae: {  	v29 =	vmul.f32 v42, v35;
	v37 =	vbroadcast v45, $0xF;
	v35 =	vnsel vm0, $0x0, v44;
	v42, _, _ =	vpop (xrf2);
	v43 =	vld [tilespmem:s13+$0xFFFFFFF0]  }
0x2af: {  	v41 =	vmul.f32 v41, v32;
	v33 =	vsel vm1, v35, v33;
	v45 =	vbroadcast v42, $0xF  }
0x2b0: {  	v42 =	vmul.f32 v50, v49;
	v33 =	vsel vm2, v33, v37;
	v37 =	vbroadcast v38, $0xF  }
0x2b1: {  	v44 =	vmul.f32 v31, v32;
	v38 =	vld [tilespmem:s15+$0x5570];
	v31 =	vsel vm3, v33, v45;
	v33 =	vbroadcast v40, $0xF  }
0x2b2: {  	v34 =	vbroadcast v34, $0xF;
	v29 =	vadd.f32 v29, v41;
	v31 =	vsel vm4, v31, v37;
	v35, _, _ =	vpop (xrf2)  }
0x2b3: {  	v33 =	vsel vm5, v31, v33;
	v35 =	vbroadcast v35, $0xF;
	v31 =	vunpack.i.l.bf16.f32 v43  }
0x2b4: {  	v41 =	vperm.xlane v17, v3;
	v40 =	vunpack.i.u.bf16.f32 v43;
	v37 =	vld [tilespmem:s15+$0x2D50];
	v43 =	vadd.f32 v31, v46  }
0x2b5: {  	v40 =	vadd.f32 v40, v47;
	v31 =	vld [tilespmem:s15+$0x5550];
	v33 =	vsel vm6, v33, v35;
	v35 =	vperm.xlane v17, v4  }
0x2b6: {  	v45 =	vld [tilespmem:s15+$0x2D40];
	v46 =	vunpack.i.l.bf16.f32 v38;
	(xrf2) =	vadd.scan.msk.f32 $0xffff, v29;
	v29 =	vsel vm7, v33, v34;
	v34 =	vmul.f32 v43, v41  }
0x2b7: {  	v41 =	vadd.f32 v42, v44;
	v33 =	vld [tilespmem:s15+$0x5540];
	v29 =	vmul.f32 $1.442695020e+00, v29;
	v35 =	vmul.f32 v35, v40  }
0x2b8: {  	v42 =	vmul.f32 v30, v32;
	v43 =	vunpack.i.u.bf16.f32 v14;
	v14 =	vmovc v28;
	v36 =	vmul.f32 v46, v36;
	v40 =	vld [tilespmem:s15+$0x2D30];
	[tilespmem:s12+$0xFFFFFFE0] =	vst v34  }
0x2b9: {  	v28 =	vmovc v38;
	v30 =	vld [tilespmem:s15+$0x5530];
	v34 =	vunpack.i.u.bf16.f32 v37;
	(xrf2) =	vadd.scan.msk.f32 $0xffff, v41;
	(erf) = vpow2.f32 v29;
	[tilespmem:s12+$0xFFFFFFF0] =	vst v35  }
0x2ba: {  	v29 =	vunpack.i.l.bf16.f32 v37;
	v36 =	vadd.f32 v36, v42;
	v35 =	vunpack.i.l.bf16.f32 v31;
	v37 =	vld [tilespmem:s13+$0x0]  }
0x2bb: {  	v34 =	vmul.f32 v34, v32;
	v29 =	vmul.f32 v35, v29;
	v35 =	vunpack.i.u.bf16.f32 v13;
	v13 =	vmovc v24;
	v24 =	vmovc v39  }
.Ltmp2:
0x2bc: {  	v38 =	vunpack.i.u.bf16.f32 v45;
	v39 =	vunpack.i.l.bf16.f32 v45;
	v41 =	vunpack.i.l.bf16.f32 v33;
	(xrf2) =	vadd.scan.msk.f32 $0xffff, v36;
	(pc) =	sbr.rel @p0 .LBB2_7-.Ltmp2, $4  }
0x2bd: {  	v38 =	vmul.f32 v38, v32;
	v39 =	vmul.f32 v41, v39;
	v44 =	vadd.f32 v29, v34;
	v41 =	vld [tilespmem:s15+$0x2D60]  }
0x2be: {  	v36 =	vunpack.i.u.bf16.f32 v40;
	v40 =	vunpack.i.l.bf16.f32 v40;
	v42 =	vunpack.i.l.bf16.f32 v30;
	v29 =	vld [tilespmem:s15+$0x5560]  }
0x2bf: {  	v40 =	vmul.f32 v42, v40;
	v42 =	vadd.f32 v39, v38;
	(xrf2) =	vadd.scan.msk.f32 $0xffff, v44;
	v38 =	vunpack.i.l.bf16.f32 v37  }
0x2c0: {  	s26 =	sadd.s32 $0x200, s26;
	v39 =	vunpack.i.u.bf16.f32 v37;
	v37 =	vperm.xlane v17, v5;
	v34, _, _ =	vpop (xrf2);
	v38 =	vadd.f32 v38, v43  }
0x2c1: {  	v43 =	vld [tilespmem:s15+$0x2D90]  }
0x2c2: {  	v44 =	vmul.f32 v36, v32;
	v36 =	vld [tilespmem:s15+$0x5590]  }
0x2c3: {  	v45 =	vunpack.i.u.bf16.f32 v41;
	v62 =	vunpack.i.l.bf16.f32 v41;
	v46 =	vunpack.i.l.bf16.f32 v29  }
0x2c4: {  	v40 =	vadd.f32 v40, v44;
	v63 =	vmul.f32 v45, v32;
	v41 =	vmul.f32 v46, v62  }
0x2c5: {  	(xrf2) =	vadd.scan.msk.f32 $0xffff, v42  }
0x2c6: {  	(xrf2) =	vadd.scan.msk.f32 $0xffff, v40;
	v45 =	vadd.f32 v41, v63  }
0x2c7: {  	v46 =	vunpack.i.u.bf16.f32 v43;
	v47 =	vunpack.i.l.bf16.f32 v43;
	v48 =	vunpack.i.l.bf16.f32 v36  }
0x2c8: {  	v42 =	vmul.f32 v48, v47;
	v49 =	vmul.f32 v46, v32  }
0x2c9: {  	(xrf2) =	vadd.scan.msk.f32 $0xffff, v45  }
0x2ca: {  	v32 =	vadd.f32 v42, v49;
	_ =	sdelay $0x1  }
0x2cb: {  	v50, _, _ =	vpop (xrf2);
	(xrf2) =	vadd.scan.msk.f32 $0xffff, v32  }
0x2cc: {  	v51, _, _ =	vpop (xrf2)  }
0x2cd: {  	v52, _, _ =	vpop (xrf2)  }
0x2ce: {  	v53, _, _ =	vpop (xrf2)  }
0x2cf: {  	v54, _, _ =	vpop (xrf2)  }
0x2d0: {  	v43 =	vbroadcast v54, $0xF  }
0x2d1: {  	v42 =	vbroadcast v53, $0xF  }
0x2d2: {  	v41 =	vbroadcast v52, $0xF;
	v43 =	vnsel vm0, $0x0, v43;
	v55, _, _ =	vpop (xrf2)  }
0x2d3: {  	v42 =	vsel vm1, v43, v42;
	v56 =	vbroadcast v55, $0xF  }
0x2d4: {  	v32 =	vbroadcast v51, $0xF;
	v41 =	vsel vm2, v42, v41  }
0x2d5: {  	v40 =	vbroadcast v50, $0xF;
	v41 =	vsel vm3, v41, v56;
	v57, _, _ =	vpop (xrf2)  }
0x2d6: {  	v32 =	vsel vm4, v41, v32;
	v58 =	vbroadcast v57, $0xF  }
0x2d7: {  	v34 =	vbroadcast v34, $0xF;
	v32 =	vsel vm5, v32, v40  }
0x2d8: {  	v32 =	vsel vm6, v32, v58  }
0x2d9: {  	v32 =	vsel vm7, v32, v34  }
0x2da: {  	v32 =	vmul.f32 $1.442695020e+00, v32;
	_ =	sdelay $0x1  }
0x2db: {  	(erf) = vpow2.f32 v32;
	_ =	sdelay $0x5  }
0x2dc: {  	s12 =	sadd.s32 $0x90, s12;
	v32 =	vpop (erf)  }
0x2dd: {  	s20 =	sadd.s32 $0x40, s13;
	[tilespmem:s12+$0x40] =	vst v32  }
0x2de: {  	v59 =	vld [tilespmem:s20+$0xFFFFFFE0]  }
0x2df: {  	s13 =	sadd.s32 $0x90, s12;
	v40 =	vpop (erf)  }
0x2e0: {  	s26 =	sadd.s32 $0x40, s20;
	[tilespmem:s13+$0x40] =	vst v40  }
0x2e1: {  	v60 =	vld [tilespmem:s26+$0xFFFFFFE0]  }
0x2e2: {  	v27 =	vunpack.i.u.bf16.f32 v27  }
0x2e3: {  	v25 =	vunpack.i.u.bf16.f32 v25;
	v30 =	vunpack.i.u.bf16.f32 v30;
	v61 =	vunpack.i.l.bf16.f32 v59  }
0x2e4: {  	v62 =	vperm.xlane v32, v1;
	v34 =	vunpack.i.u.bf16.f32 v59;
	v27 =	vadd.f32 v61, v27  }
0x2e5: {  	v33 =	vunpack.i.u.bf16.f32 v33;
	v63 =	vperm.xlane v32, v2;
	v25 =	vadd.f32 v34, v25  }
0x2e6: {  	v46 =	vperm.xlane v40, v1;
	v27 =	vmul.f32 v27, v62;
	v45 =	vunpack.i.l.bf16.f32 v60  }
0x2e7: {  	v25 =	vmul.f32 v63, v25;
	v47 =	vunpack.i.u.bf16.f32 v60;
	v30 =	vadd.f32 v45, v30  }
0x2e8: {  	v48 =	vperm.xlane v40, v2;
	[tilespmem:s12+$0xFFFFFFC0] =	vst v27;
	v33 =	vadd.f32 v47, v33  }
0x2e9: {  	[tilespmem:s12+$0xFFFFFFD0] =	vst v25;
	v27 =	vmul.f32 v30, v46  }
0x2ea: {  	v49 =	vld [tilespmem:s20+$0xFFFFFFF0];
	v25 =	vmul.f32 v48, v33  }
0x2eb: {  	[tilespmem:s13+$0xFFFFFFC0] =	vst v27  }
0x2ec: {  	[tilespmem:s13+$0xFFFFFFD0] =	vst v25  }
0x2ed: {  	v51 =	vld [tilespmem:s26+$0xFFFFFFF0];
	_ =	sdelay $0x1  }
0x2ee: {  	v23 =	vunpack.i.u.bf16.f32 v23;
	v50 =	vunpack.i.u.bf16.f32 v26;
	v52 =	vunpack.i.l.bf16.f32 v49  }
0x2ef: {  	v56 =	vunpack.i.u.bf16.f32 v31;
	v54 =	vperm.xlane v32, v3;
	v23 =	vadd.f32 v52, v23  }
0x2f0: {  	v57 =	vunpack.i.u.bf16.f32 v29;
	v55 =	vperm.xlane v32, v4;
	v53 =	vunpack.i.u.bf16.f32 v49  }
0x2f1: {  	v25 =	vadd.f32 v53, v50;
	v23 =	vmul.f32 v23, v54;
	v58 =	vunpack.i.l.bf16.f32 v51  }
0x2f2: {  	v60 =	vperm.xlane v40, v3;
	v59 =	vunpack.i.u.bf16.f32 v51;
	v27 =	vadd.f32 v58, v56  }
0x2f3: {  	v61 =	vperm.xlane v40, v4;
	v25 =	vmul.f32 v55, v25;
	[tilespmem:s12+$0xFFFFFFE0] =	vst v23;
	v23 =	vadd.f32 v59, v57  }
0x2f4: {  	v26 =	vmul.f32 v27, v60  }
0x2f5: {  	[tilespmem:s12+$0xFFFFFFF0] =	vst v25;
	v23 =	vmul.f32 v61, v23  }
0x2f6: {  	v62 =	vld [tilespmem:s20+$0x0];
	[tilespmem:s13+$0xFFFFFFE0] =	vst v26  }
0x2f7: {  	[tilespmem:s13+$0xFFFFFFF0] =	vst v23  }
0x2f8: {  	v33 =	vadd.f32 v39, v35;
	v35 =	vld [tilespmem:s26+$0x0]  }
0x2f9: {  	v14 =	vunpack.i.u.bf16.f32 v14;
	v13 =	vunpack.i.u.bf16.f32 v13;
	v63 =	vperm.xlane v17, v6  }
0x2fa: {  	v24 =	vunpack.i.u.bf16.f32 v24;
	v41 =	vunpack.i.u.bf16.f32 v28;
	v34 =	vmul.f32 v38, v37  }
0x2fb: {  	v38 =	vperm.xlane v32, v5;
	v25 =	vmul.f32 v63, v33;
	v37 =	vunpack.i.l.bf16.f32 v62  }
0x2fc: {  	v44 =	vperm.xlane v40, v5;
	[tilespmem:s17+$0x0] =	vst v34;
	v29 =	vunpack.i.u.bf16.f32 v62;
	v14 =	vadd.f32 v37, v14  }
0x2fd: {  	v39 =	vperm.xlane v32, v6;
	[tilespmem:s17+$0x10] =	vst v25;
	v13 =	vadd.f32 v29, v13;
	v42 =	vunpack.i.l.bf16.f32 v35  }
0x2fe: {  	v43 =	vld [tilespmem:s18+$0x10];
	v14 =	vmul.f32 v14, v38;
	v27 =	vunpack.i.u.bf16.f32 v35;
	v23 =	vadd.f32 v42, v41  }
0x2ff: {  	v45 =	vperm.xlane v40, v6;
	v13 =	vmul.f32 v39, v13;
	v24 =	vadd.f32 v27, v24  }
0x300: {  	[tilespmem:s12+$0x0] =	vst v14;
	v46 =	vmul.f32 v23, v44  }
0x301: {  	[tilespmem:s12+$0x10] =	vst v13;
	v14 =	vmul.f32 v45, v24  }
0x302: {  	v9 =	vunpack.i.u.bf16.f32 v9;
	v12 =	vmul.f32 v20, v12;
	v48 =	vunpack.i.l.bf16.f32 v22;
	v47 =	vld [tilespmem:s20+$0x10];
	[tilespmem:s13+$0x0] =	vst v46  }
0x303: {  	v11 =	vunpack.i.u.bf16.f32 v11;
	v10 =	vadd.f32 v48, v10;
	v49 =	vunpack.i.u.bf16.f32 v43;
	[tilespmem:s13+$0x10] =	vst v14  }
0x304: {  	v53 =	vperm.xlane v32, v7;
	v51 =	vperm.xlane v17, v8;
	v9 =	vadd.f32 v49, v9;
	v52 =	vld [tilespmem:s26+$0x10]  }
0x305: {  	v50 =	vunpack.i.u.bf16.f32 v18;
	v10 =	vmul.f32 v10, v19;
	v56 =	vperm.xlane v32, v8  }
0x306: {  	v57 =	vunpack.i.u.bf16.f32 v36;
	v55 =	vunpack.i.l.bf16.f32 v43;
	v9 =	vmul.f32 v51, v9  }
0x307: {  	v58 =	vunpack.i.u.bf16.f32 v21;
	v16 =	vadd.f32 v55, v16;
	v54 =	vunpack.i.u.bf16.f32 v47  }
0x308: {  	v60 =	vperm.xlane v40, v8;
	[tilespmem:s17+$0x30] =	vst v9;
	v9 =	vunpack.i.l.bf16.f32 v47;
	v11 =	vadd.f32 v54, v11  }
0x309: {  	[tilespmem:s6+$0x20] =	vst v10;
	v10 =	vmul.f32 v16, v15;
	v9 =	vadd.f32 v9, v50;
	v59 =	vunpack.i.u.bf16.f32 v52  }
0x30a: {  	[tilespmem:s5+$0x20] =	vst v12;
	v11 =	vmul.f32 v56, v11;
	v61 =	vunpack.i.l.bf16.f32 v52;
	v12 =	vadd.f32 v59, v58  }
0x30b: {  	v62 =	vperm.xlane v40, v7;
	[tilespmem:s17+$0x20] =	vst v10;
	v9 =	vmul.f32 v9, v53;
	v63 =	vadd.f32 v61, v57  }
0x30c: {  	[tilespmem:s12+$0x30] =	vst v11;
	v11 =	vmul.f32 v60, v12  }
0x30d: {  	[tilespmem:s12+$0x20] =	vst v9;
	v10 =	vmul.f32 v63, v62  }
0x30e: {  	[tilespmem:s13+$0x30] =	vst v11  }
0x30f: {  	s12 =	rddreg [dreg:$0x2];
	[tilespmem:s13+$0x20] =	vst v10;
	s13 =	simm.s32 $0x69A0  }
0x310: {  	[spmem:s12] =	stream.indirect.scatter.add.f32 [tilespmem:s13], [sflag:$0xD], $0x90, s16, s29, $0xb8;
	[tilespmem:$0x1DFB0] =	vst v63  }
0x311: {  	_ =	swait.ge [sflag:s19], $0x1680  }
0x312: {  	s15 =	sld [smem:$0x7FA];
	_ =	sdelay $0x2  }
0x313: {  	s2 =	sadd.s32 s2, s15  }
0x314: {  	[sflag:s19] =	ssyncset.done $0x0;
	s5 =	sshrl.u32 s2, $0x3  }
0x315: {  	s0 =	sadd.s32 $0x1, s0;
	[sflag:s19] =	ssyncadd.s32 $0xFFFFE980;
	s17 =	sadd.s32 s24, s5  }
0x316: {  	[tilespmem:s29], [sflag:$0x2] =	stream.linear.gather [hbm4b:s17+s1], $0x28, $0x38;
	[tilespmem:$0x1DFB0] =	vst v63  }
0x317: {  	p0 =	sne.s32 s0, $0x7C;
	s18 =	sshll.u32 s2, $0x3;
	s5 =	sadd.s32 s25, s5  }
0x318: {  	[tilespmem:s16], [sflag:$0x4] =	stream.linear.gather [hbm4b:s5+s1], $0x28, $0x38;
	[tilespmem:$0x1DFB0] =	vst v63  }
0x319: {  	s20 =	simm.s32 $0xAA0;
	s2 =	sshll.u32 s2, $0x1;
	s5 =	sand.u32 $0xFFFFFC0, s18  }
.Ltmp3:
0x31a: {  	s2 =	sand.u32 $0x1FFFFFF0, s2;
	s5 =	sadd.s32 s21, s5;
	(pc) =	sbr.rel @p0 .LBB2_4-.Ltmp3, $4  }
0x31b: {  	[tilespmem:s20], [sflag:$0x6] =	stream.linear.gather [hbm4b:s5+s1], $0xA00, $0x38;
	[tilespmem:$0x1DFB0] =	vst v63  }
0x31c: {  	s26 =	simm.s32 $0x1720;
	s2 =	sadd.s32 s23, s2  }
0x31d: {  	[tilespmem:s26], [sflag:$0x8] =	stream.linear.gather [hbm4b:s2+s1], $0x280, $0x38;
	[tilespmem:$0x1DFB0] =	vst v63  }
0x31e: {  	s26 =	smov.u32 s28  }
0x31f: {  	_ =	swait.ge [sflag:s3], $0x28  }
0x320: {  	[sflag:s3] =	ssyncset.done $0x0  }
0x321: {  	[sflag:s3] =	ssyncadd.s32 $0xFFFFFFD8  }
0x322: {  	_ =	swait.ge [sflag:s4], $0x28  }
0x323: {  	[sflag:s4] =	ssyncset.done $0x0  }
0x324: {  	s0 =	simm.s32 $0x2DA0;
	[sflag:s4] =	ssyncadd.s32 $0xFFFFFFD8  }
0x325: {  	[tilespmem:s0], [sflag:$0xA] =	stream.indirect.gather [hbm4b:s26+s29], $0x80, s16, s29, $0xb8;
	[tilespmem:$0x1DFB0] =	vst v63  }
0x326: {  	s12 =	simm.s32 $0x55A0  }
0x327: {  	[tilespmem:s12], [sflag:$0xC] =	stream.indirect.gather [hbm4b:s22+s29], $0x80, s29, s29, $0xb8;
	[tilespmem:$0x1DFB0] =	vst v63  }
0x328: {  	_ =	swait.ge [sflag:s7], $0xA00  }
0x329: {  	[sflag:s7] =	ssyncset.done $0x0  }
0x32a: {  	[sflag:s7] =	ssyncadd.s32 $0xFFFFF600  }
0x32b: {  	_ =	swait.ge [sflag:s8], $0x280  }
0x32c: {  	[sflag:s8] =	ssyncset.done $0x0  }
0x32d: {  	[sflag:s8] =	ssyncadd.s32 $0xFFFFFD80  }
0x32e: {  	_ =	swait.ge [sflag:s9], $0x1400  }
0x32f: {  	[sflag:s9] =	ssyncset.done $0x0  }
0x330: {  	[sflag:s9] =	ssyncadd.s32 $0xFFFFEC00  }
0x331: {  	_ =	swait.ge [sflag:s10], $0x1400  }
0x332: {  	[sflag:s10] =	ssyncset.done $0x0  }
0x333: {  	s13 =	simm.s32 $0x70;
	[sflag:s10] =	ssyncadd.s32 $0xFFFFEC00  }
0x334: {  	v9 =	vld [tilespmem:s13+$0x19A0]  }
0x335: {  	v11 =	vld [tilespmem:s13+$0x41A0]  }
0x336: {  	v12 =	vld [tilespmem:s13+$0x1980]  }
0x337: {  	s2 =	simm.s32 $0x14A0;
	v10 =	vld [tilespmem:s13+$0x4180]  }
0x338: {  	v14 =	vld [tilespmem:s2+$0x0]  }
0x339: {  	v15 =	vld [tilespmem:s13+$0x1970]  }
0x33a: {  	v13 =	vld [tilespmem:s13+$0x4170]  }
0x33b: {  	v17 =	vld [tilespmem:s13+$0x1950];
	v16 =	vunpack.i.u.bf16.f32 v9;
	v9 =	vunpack.i.l.bf16.f32 v9  }
0x33c: {  	v22 =	vld [tilespmem:s13+$0x4150];
	v18 =	vunpack.i.u.bf16.f32 v12;
	v19 =	vunpack.i.l.bf16.f32 v11;
	v12 =	vunpack.i.l.bf16.f32 v12  }
0x33d: {  	v24 =	vld [tilespmem:s13+$0x4140];
	v20 =	vunpack.i.l.bf16.f32 v10;
	v9 =	vmul.f32 v19, v9;
	v16 =	vmul.f32 v16, v14  }
0x33e: {  	v21 =	vunpack.i.u.bf16.f32 v15;
	v19 =	vld [tilespmem:s13+$0x1940];
	v12 =	vmul.f32 v20, v12;
	v18 =	vmul.f32 v18, v14  }
0x33f: {  	v15 =	vunpack.i.l.bf16.f32 v15;
	v20 =	vld [tilespmem:s13+$0x1930];
	v9 =	vadd.f32 v9, v16;
	v16 =	vunpack.i.l.bf16.f32 v13  }
0x340: {  	v26 =	vld [tilespmem:s13+$0x4130];
	v12 =	vadd.f32 v12, v18;
	v15 =	vmul.f32 v16, v15;
	v16 =	vmul.f32 v21, v14  }
0x341: {  	v23 =	vld [tilespmem:s13+$0x1960];
	v18 =	vunpack.i.u.bf16.f32 v17;
	v17 =	vunpack.i.l.bf16.f32 v17;
	v21 =	vunpack.i.l.bf16.f32 v22  }
0x342: {  	v25 =	vld [tilespmem:s13+$0x4160];
	v15 =	vadd.f32 v15, v16;
	v16 =	vmul.f32 v21, v17;
	v17 =	vmul.f32 v18, v14  }
0x343: {  	(xrf2) =	vadd.scan.msk.f32 $0xffff, v9;
	v18 =	vunpack.i.u.bf16.f32 v19;
	v19 =	vunpack.i.l.bf16.f32 v19;
	v21 =	vunpack.i.l.bf16.f32 v24  }
0x344: {  	v9 =	vunpack.i.u.bf16.f32 v20;
	(xrf2) =	vadd.scan.msk.f32 $0xffff, v12;
	v12 =	vld [tilespmem:s13+$0x4190];
	v19 =	vmul.f32 v21, v19;
	v18 =	vmul.f32 v18, v14  }
0x345: {  	v21 =	vld [tilespmem:s13+$0x1990];
	v16 =	vadd.f32 v16, v17;
	v17 =	vunpack.i.l.bf16.f32 v20;
	v20 =	vunpack.i.l.bf16.f32 v26  }
0x346: {  	v9 =	vmul.f32 v9, v14;
	(xrf2) =	vadd.scan.msk.f32 $0xffff, v15;
	v15 =	vunpack.i.u.bf16.f32 v23;
	v17 =	vmul.f32 v20, v17  }
0x347: {  	v18 =	vadd.f32 v19, v18;
	v19 =	vunpack.i.l.bf16.f32 v23;
	v20 =	vunpack.i.l.bf16.f32 v25  }
0x348: {  	v15 =	vmul.f32 v15, v14;
	(xrf2) =	vadd.scan.msk.f32 $0xffff, v16;
	v16 =	vmul.f32 v20, v19;
	v9 =	vadd.f32 v17, v9  }
0x349: {  	(xrf2) =	vadd.scan.msk.f32 $0xffff, v18;
	v17 =	vunpack.i.l.bf16.f32 v12  }
0x34a: {  	(xrf2) =	vadd.scan.msk.f32 $0xffff, v9;
	v9 =	vadd.f32 v16, v15;
	v15 =	vunpack.i.u.bf16.f32 v21;
	v16 =	vunpack.i.l.bf16.f32 v21  }
0x34b: {  	v16 =	vmul.f32 v17, v16;
	v14 =	vmul.f32 v15, v14;
	_ =	sdelay $0x1  }
0x34c: {  	(xrf2) =	vadd.scan.msk.f32 $0xffff, v9;
	v9 =	vadd.f32 v16, v14;
	_ =	sdelay $0x1  }
0x34d: {  	v14, _, _ =	vpop (xrf2)  }
0x34e: {  	v17, _, _ =	vpop (xrf2)  }
0x34f: {  	(xrf2) =	vadd.scan.msk.f32 $0xffff, v9;
	v9, _, _ =	vpop (xrf2)  }
0x350: {  	s15 =	simm.s32 $0xF0;
	v16, _, _ =	vpop (xrf2)  }
0x351: {  	v18 =	vld [tilespmem:s15+$0x19A0];
	v15, _, _ =	vpop (xrf2)  }
0x352: {  	v21 =	vld [tilespmem:s15+$0x41A0];
	v19, _, _ =	vpop (xrf2)  }
0x353: {  	v19 =	vbroadcast v19, $0xF  }
0x354: {  	v28 =	vld [tilespmem:s15+$0x1970];
	v23 =	vbroadcast v15, $0xF  }
0x355: {  	v20 =	vld [tilespmem:s15+$0x1980];
	v27, _, _ =	vpop (xrf2);
	v19 =	vnsel vm0, $0x0, v19  }
0x356: {  	v29 =	vunpack.i.u.bf16.f32 v18;
	v19 =	vsel vm1, v19, v23;
	v23 =	vbroadcast v27, $0xF  }
0x357: {  	v18 =	vunpack.i.l.bf16.f32 v18;
	v31 =	vunpack.i.l.bf16.f32 v21;
	v16 =	vbroadcast v16, $0xF;
	v15 =	vld [tilespmem:s15+$0x4180]  }
0x358: {  	s17 =	simm.s32 $0x14B0;
	v18 =	vmul.f32 v31, v18;
	v31 =	vld [tilespmem:s15+$0x1930]  }
0x359: {  	v33 =	vunpack.i.l.bf16.f32 v28;
	v9 =	vbroadcast v9, $0xF;
	v27 =	vld [tilespmem:s17+$0x0];
	v19 =	vsel vm2, v19, v16  }
0x35a: {  	v32 =	vld [tilespmem:s15+$0x1950];
	v30 =	vunpack.i.u.bf16.f32 v20;
	v17 =	vbroadcast v17, $0xF;
	v19 =	vsel vm3, v19, v23;
	v23, _, _ =	vpop (xrf2)  }
0x35b: {  	v20 =	vunpack.i.l.bf16.f32 v20;
	v16 =	vld [tilespmem:s15+$0x4170];
	v9 =	vsel vm4, v19, v9;
	v19 =	vbroadcast v23, $0xF  }
0x35c: {  	v9 =	vsel vm5, v9, v17;
	v17 =	vunpack.i.l.bf16.f32 v15;
	v23 =	vbroadcast v14, $0xF;
	v14 =	vld [tilespmem:s15+$0x4150]  }
0x35d: {  	v28 =	vunpack.i.u.bf16.f32 v28;
	v20 =	vmul.f32 v17, v20;
	v17 =	vld [tilespmem:s15+$0x4140];
	v9 =	vsel vm6, v9, v19  }
0x35e: {  	v46 =	vunpack.i.u.bf16.f32 v31;
	v19 =	vmul.f32 v29, v27;
	v9 =	vsel vm7, v9, v23  }
0x35f: {  	v31 =	vunpack.i.l.bf16.f32 v31;
	v30 =	vmul.f32 v30, v27;
	v29 =	vld [tilespmem:s15+$0x1940];
	v9 =	vmul.f32 $1.442695020e+00, v9  }
0x360: {  	v28 =	vmul.f32 v28, v27;
	v23 =	vunpack.i.l.bf16.f32 v16;
	v43 =	vadd.f32 v18, v19;
	v18 =	vld [tilespmem:s15+$0x4130]  }
0x361: {  	v20 =	vadd.f32 v20, v30;
	v23 =	vmul.f32 v23, v33;
	(erf) = vpow2.f32 v9  }
0x362: {  	v45 =	vld [tilespmem:s15+$0x1960];
	v19 =	vunpack.i.l.bf16.f32 v32;
	v44 =	vunpack.i.l.bf16.f32 v14;
	v35 =	vunpack.i.l.bf16.f32 v17  }
0x363: {  	v9 =	vunpack.i.u.bf16.f32 v32;
	v30 =	vmul.f32 v44, v19;
	v19 =	vld [tilespmem:s15+$0x4160];
	v23 =	vadd.f32 v23, v28  }
0x364: {  	(xrf2) =	vadd.scan.msk.f32 $0xffff, v43;
	v9 =	vmul.f32 v9, v27;
	v34 =	vunpack.i.u.bf16.f32 v29;
	v29 =	vunpack.i.l.bf16.f32 v29  }
0x365: {  	(xrf2) =	vadd.scan.msk.f32 $0xffff, v20;
	v28 =	vmul.f32 v35, v29;
	v29 =	vmul.f32 v34, v27;
	v47 =	vunpack.i.l.bf16.f32 v18  }
0x366: {  	(xrf2) =	vadd.scan.msk.f32 $0xffff, v23;
	v23 =	vld [tilespmem:s15+$0x4190];
	v9 =	vadd.f32 v30, v9;
	v20 =	vmul.f32 v47, v31  }
0x367: {  	v30 =	vmul.f32 v46, v27;
	v31 =	vld [tilespmem:s15+$0x1990];
	v28 =	vadd.f32 v28, v29  }
0x368: {  	v29 =	vunpack.i.u.bf16.f32 v45;
	(xrf2) =	vadd.scan.msk.f32 $0xffff, v9;
	v9 =	vunpack.i.l.bf16.f32 v45;
	v48 =	vunpack.i.l.bf16.f32 v19  }
0x369: {  	v30 =	vadd.f32 v20, v30;
	(xrf2) =	vadd.scan.msk.f32 $0xffff, v28;
	v9 =	vmul.f32 v48, v9;
	v28 =	vmul.f32 v29, v27  }
0x36a: {  	s18 =	simm.s32 $0x170;
	s0 =	simm.s32 $0x69E0;
	v20 =	vpop (erf)  }
0x36b: {  	s5 =	simm.s32 $0xC0;
	v49 =	vld [tilespmem:s18+$0x19A0];
	(xrf2) =	vadd.scan.msk.f32 $0xffff, v30;
	v9 =	vadd.f32 v9, v28;
	[tilespmem:s0+$0x40] =	vst v20  }
0x36c: {  	v28 =	vunpack.i.u.bf16.f32 v31;
	v29 =	vunpack.i.l.bf16.f32 v31;
	v31 =	vunpack.i.l.bf16.f32 v23;
	v30 =	vld [tilespmem:s5+$0xFFFFFFE0]  }
0x36d: {  	v53 =	vld [tilespmem:s18+$0x1970];
	v29 =	vmul.f32 v31, v29;
	v27 =	vmul.f32 v28, v27;
	_ =	sdelay $0x1  }
0x36e: {  	v27 =	vadd.f32 v29, v27  }
0x36f: {  	v54 =	vunpack.i.u.bf16.f32 v49;
	(xrf2) =	vadd.scan.msk.f32 $0xffff, v9;
	v31 =	vld [tilespmem:s18+$0x1980];
	v28, _, _ =	vpop (xrf2)  }
0x370: {  	v26 =	vunpack.i.u.bf16.f32 v26;
	v50, _, _ =	vpop (xrf2);
	(xrf2) =	vadd.scan.msk.f32 $0xffff, v27;
	v51 =	vunpack.i.l.bf16.f32 v30;
	v27 =	vunpack.i.u.bf16.f32 v30  }
0x371: {  	s6 =	simm.s32 $0x14C0;
	v41 =	vunpack.i.u.bf16.f32 v53;
	v36 =	vperm.xlane v20, v1;
	v52, _, _ =	vpop (xrf2);
	v26 =	vadd.f32 v51, v26  }
0x372: {  	v38 =	vld [tilespmem:s6+$0x0];
	v10 =	vunpack.i.u.bf16.f32 v10;
	v13 =	vunpack.i.u.bf16.f32 v13;
	v24 =	vunpack.i.u.bf16.f32 v24;
	v30, _, _ =	vpop (xrf2)  }
0x373: {  	v43 =	vld [tilespmem:s18+$0x1930];
	v37 =	vperm.xlane v20, v2;
	v24 =	vadd.f32 v27, v24;
	v27, _, _ =	vpop (xrf2);
	v26 =	vmul.f32 v26, v36  }
0x374: {  	v22 =	vunpack.i.u.bf16.f32 v22;
	v25 =	vunpack.i.u.bf16.f32 v25;
	v39 =	vunpack.i.u.bf16.f32 v31;
	v40, _, _ =	vpop (xrf2)  }
0x375: {  	v24 =	vmul.f32 v37, v24;
	[tilespmem:s0+$0xFFFFFFC0] =	vst v26;
	v26 =	vunpack.i.l.bf16.f32 v31;
	v31 =	vbroadcast v40, $0xF  }
0x376: {  	v15 =	vunpack.i.u.bf16.f32 v15;
	v16 =	vunpack.i.u.bf16.f32 v16;
	v17 =	vunpack.i.u.bf16.f32 v17  }
0x377: {  	v32 =	vunpack.i.l.bf16.f32 v49;
	v44 =	vmul.f32 v41, v38;
	v34 =	vunpack.i.l.bf16.f32 v53;
	v9 =	vld [tilespmem:s18+$0x41A0];
	[tilespmem:s0+$0xFFFFFFD0] =	vst v24  }
0x378: {  	v18 =	vunpack.i.u.bf16.f32 v18;
	v47 =	vunpack.i.u.bf16.f32 v43;
	v27 =	vbroadcast v27, $0xF;
	v42 =	vld [tilespmem:s5+$0xFFFFFFF0]  }
0x379: {  	v61 =	vperm.xlane v20, v3;
	v30 =	vbroadcast v30, $0xF;
	v24 =	vnsel vm0, $0x0, v31;
	v31, _, _ =	vpop (xrf2)  }
0x37a: {  	v62 =	vperm.xlane v20, v4;
	v24 =	vsel vm1, v24, v27;
	v27 =	vbroadcast v31, $0xF  }
0x37b: {  	v29 =	vld [tilespmem:s18+$0x4180];
	v28 =	vbroadcast v28, $0xF;
	v35 =	vbroadcast v52, $0xF;
	v24 =	vsel vm2, v24, v30  }
0x37c: {  	v55 =	vunpack.i.l.bf16.f32 v9;
	v24 =	vsel vm3, v24, v27;
	v27 =	vbroadcast v50, $0xF  }
0x37d: {  	v32 =	vmul.f32 v55, v32;
	v30 =	vld [tilespmem:s18+$0x4170];
	v58, _, _ =	vpop (xrf2);
	v60 =	vunpack.i.u.bf16.f32 v42;
	v24 =	vsel vm4, v24, v35  }
0x37e: {  	v59 =	vld [tilespmem:s18+$0x1950];
	v35 =	vbroadcast v58, $0xF;
	v27 =	vsel vm5, v24, v27;
	v24 =	vunpack.i.l.bf16.f32 v42  }
0x37f: {  	v31 =	vmul.f32 v54, v38;
	v25 =	vadd.f32 v60, v25;
	v22 =	vadd.f32 v24, v22;
	v24 =	vld [tilespmem:s18+$0x4150]  }
0x380: {  	v57 =	vmul.f32 v39, v38;
	v56 =	vunpack.i.l.bf16.f32 v29;
	v27 =	vsel vm6, v27, v35  }
0x381: {  	v63 =	vadd.f32 v32, v31;
	v42 =	vld [tilespmem:s18+$0x1940];
	v25 =	vmul.f32 v62, v25;
	v27 =	vsel vm7, v27, v28  }
0x382: {  	v31 =	vunpack.i.l.bf16.f32 v30;
	v28 =	vld [tilespmem:s18+$0x4140];
	v22 =	vmul.f32 v22, v61;
	v27 =	vmul.f32 $1.442695020e+00, v27  }
0x383: {  	v26 =	vmul.f32 v56, v26;
	v34 =	vmul.f32 v31, v34;
	[tilespmem:s0+$0xFFFFFFF0] =	vst v25;
	v25 =	vunpack.i.l.bf16.f32 v59  }
0x384: {  	v31 =	vld [tilespmem:s18+$0x4130];
	[tilespmem:s0+$0xFFFFFFE0] =	vst v22;
	v22 =	vunpack.i.u.bf16.f32 v59;
	(erf) = vpow2.f32 v27;
	v27 =	vunpack.i.l.bf16.f32 v24  }
0x385: {  	v33 =	vunpack.i.l.bf16.f32 v43;
	v45 =	vld [tilespmem:s5+$0x0];
	v22 =	vmul.f32 v22, v38;
	v25 =	vmul.f32 v27, v25  }
0x386: {  	v52 =	vperm.xlane v20, v6;
	v26 =	vadd.f32 v26, v57;
	v57 =	vunpack.i.u.bf16.f32 v14  }
0x387: {  	v32 =	vunpack.i.l.bf16.f32 v42;
	v46 =	vunpack.i.l.bf16.f32 v28;
	v25 =	vadd.f32 v25, v22;
	v22 =	vld [tilespmem:s18+$0x1960]  }
0x388: {  	v50 =	vperm.xlane v20, v5;
	v27 =	vunpack.i.u.bf16.f32 v42;
	v36 =	vmul.f32 v46, v32;
	v32 =	vld [tilespmem:s18+$0x4160]  }
0x389: {  	s20 =	simm.s32 $0x1F0;
	(xrf2) =	vadd.scan.msk.f32 $0xffff, v63;
	v34 =	vadd.f32 v34, v44;
	v48 =	vunpack.i.l.bf16.f32 v31;
	v27 =	vmul.f32 v27, v38  }
0x38a: {  	v14 =	vld [tilespmem:s20+$0x1980];
	(xrf2) =	vadd.scan.msk.f32 $0xffff, v26;
	v26 =	vmul.f32 v47, v38;
	v40 =	vmul.f32 v48, v33;
	v49 =	vunpack.i.l.bf16.f32 v45  }
0x38b: {  	v51 =	vld [tilespmem:s18+$0x1990];
	(xrf2) =	vadd.scan.msk.f32 $0xffff, v34;
	v27 =	vadd.f32 v36, v27;
	v35 =	vunpack.i.u.bf16.f32 v45;
	v13 =	vadd.f32 v49, v13  }
0x38c: {  	(xrf2) =	vadd.scan.msk.f32 $0xffff, v25;
	v25 =	vadd.f32 v40, v26;
	v53 =	vunpack.i.u.bf16.f32 v22;
	v54 =	vunpack.i.l.bf16.f32 v22;
	v22 =	vld [tilespmem:s18+$0x4190]  }
0x38d: {  	s2 =	simm.s32 $0x6A70;
	v10 =	vadd.f32 v35, v10;
	v26 =	vunpack.i.l.bf16.f32 v32;
	v13 =	vmul.f32 v13, v50;
	v33 =	vpop (erf)  }
0x38e: {  	s12 =	simm.s32 $0x100;
	(xrf2) =	vadd.scan.msk.f32 $0xffff, v27;
	[tilespmem:s2+$0x40] =	vst v33;
	v26 =	vmul.f32 v26, v54;
	v27 =	vmul.f32 v53, v38  }
0x38f: {  	v19 =	vunpack.i.u.bf16.f32 v19;
	v56 =	vunpack.i.u.bf16.f32 v11;
	v44 =	vunpack.i.u.bf16.f32 v14;
	(xrf2) =	vadd.scan.msk.f32 $0xffff, v25;
	v25 =	vld [tilespmem:s12+$0xFFFFFFE0]  }
0x390: {  	v62 =	vld [tilespmem:s20+$0x1970];
	v14 =	vunpack.i.l.bf16.f32 v14;
	v10 =	vmul.f32 v52, v10;
	[tilespmem:s0+$0x0] =	vst v13;
	v13 =	vadd.f32 v26, v27  }
0x391: {  	v26 =	vunpack.i.u.bf16.f32 v51;
	v27 =	vunpack.i.l.bf16.f32 v51;
	v55 =	vunpack.i.l.bf16.f32 v22  }
0x392: {  	v11 =	vld [tilespmem:s20+$0x41A0];
	v34 =	vunpack.i.u.bf16.f32 v12;
	v26 =	vmul.f32 v26, v38;
	v27 =	vmul.f32 v55, v27  }
0x393: {  	v12 =	vperm.xlane v20, v7;
	[tilespmem:s0+$0x10] =	vst v10;
	v10 =	vunpack.i.u.bf16.f32 v23;
	v23 =	vld [tilespmem:s20+$0x19A0];
	(xrf2) =	vadd.scan.msk.f32 $0xffff, v13  }
0x394: {  	s28 =	simm.s32 $0x14D0;
	v20 =	vperm.xlane v20, v8;
	v35 =	vld [tilespmem:s5+$0x10];
	v26 =	vadd.f32 v27, v26;
	v27 =	vunpack.i.l.bf16.f32 v25  }
0x395: {  	v31 =	vunpack.i.u.bf16.f32 v31;
	v42 =	vunpack.i.l.bf16.f32 v62;
	v28 =	vunpack.i.u.bf16.f32 v28;
	v58, _, _ =	vpop (xrf2);
	v40 =	vld [tilespmem:s28+$0x0]  }
0x396: {  	v59, _, _ =	vpop (xrf2);
	v60 =	vperm.xlane v33, v1;
	v25 =	vunpack.i.u.bf16.f32 v25;
	v18 =	vadd.f32 v27, v18  }
0x397: {  	v45 =	vunpack.i.l.bf16.f32 v11;
	v63 =	vperm.xlane v33, v2;
	v53 =	vld [tilespmem:s20+$0x1950];
	v17 =	vadd.f32 v25, v17;
	v27, _, _ =	vpop (xrf2);
	(xrf2) =	vadd.scan.msk.f32 $0xffff, v26  }
0x398: {  	v49 =	vunpack.i.u.bf16.f32 v62;
	v55 =	vperm.xlane v33, v3;
	v18 =	vmul.f32 v18, v60;
	v26, _, _ =	vpop (xrf2)  }
0x399: {  	v43 =	vunpack.i.u.bf16.f32 v23;
	v61 =	vunpack.i.u.bf16.f32 v35;
	v17 =	vmul.f32 v63, v17;
	v25, _, _ =	vpop (xrf2)  }
0x39a: {  	v13 =	vld [tilespmem:s20+$0x4180];
	v43 =	vmul.f32 v43, v40;
	v36 =	vadd.f32 v61, v56;
	v56 =	vperm.xlane v33, v4;
	[tilespmem:s2+$0xFFFFFFC0] =	vst v18;
	v46, _, _ =	vpop (xrf2)  }
0x39b: {  	v23 =	vunpack.i.l.bf16.f32 v23;
	v60 =	vmul.f32 v49, v40;
	[tilespmem:s2+$0xFFFFFFD0] =	vst v17;
	v48 =	vbroadcast v46, $0xF  }
0x39c: {  	v61 =	vunpack.i.u.bf16.f32 v53;
	v36 =	vmul.f32 v20, v36;
	v25 =	vbroadcast v25, $0xF;
	v51 =	vld [tilespmem:s12+$0xFFFFFFF0]  }
0x39d: {  	v17 =	vmul.f32 v45, v23;
	v26 =	vbroadcast v26, $0xF;
	v50, _, _ =	vpop (xrf2);
	v23 =	vnsel vm0, $0x0, v48  }
0x39e: {  	v20 =	vunpack.i.l.bf16.f32 v35;
	v23 =	vsel vm1, v23, v25;
	v25 =	vbroadcast v50, $0xF  }
0x39f: {  	v18 =	vunpack.i.l.bf16.f32 v13;
	v23 =	vsel vm2, v23, v26;
	v26 =	vbroadcast v27, $0xF  }
0x3a0: {  	v18 =	vmul.f32 v18, v14;
	v14 =	vld [tilespmem:s20+$0x4170];
	v23 =	vsel vm3, v23, v25;
	v25 =	vbroadcast v59, $0xF  }
0x3a1: {  	v17 =	vadd.f32 v17, v43;
	v54 =	vunpack.i.u.bf16.f32 v51;
	v23 =	vsel vm4, v23, v26;
	v52, _, _ =	vpop (xrf2)  }
0x3a2: {  	v25 =	vsel vm5, v23, v25;
	v38 =	vbroadcast v52, $0xF;
	v23 =	vunpack.i.l.bf16.f32 v51  }
0x3a3: {  	v19 =	vadd.f32 v54, v19;
	v26 =	vbroadcast v58, $0xF;
	v37 =	vadd.f32 v23, v57;
	v23 =	vld [tilespmem:s20+$0x4150]  }
0x3a4: {  	v48 =	vld [tilespmem:s20+$0x1960];
	v27 =	vmul.f32 v44, v40;
	v54 =	vperm.xlane v33, v6;
	v25 =	vsel vm6, v25, v38  }
0x3a5: {  	v59 =	vld [tilespmem:s20+$0x1930];
	v58 =	vunpack.i.l.bf16.f32 v14;
	v19 =	vmul.f32 v56, v19;
	v26 =	vsel vm7, v25, v26  }
0x3a6: {  	v20 =	vadd.f32 v20, v34;
	v42 =	vmul.f32 v58, v42;
	v57 =	vld [tilespmem:s20+$0x1940];
	v26 =	vmul.f32 $1.442695020e+00, v26  }
0x3a7: {  	(xrf2) =	vadd.scan.msk.f32 $0xffff, v17;
	v18 =	vadd.f32 v18, v27;
	v52 =	vperm.xlane v33, v5;
	v37 =	vmul.f32 v37, v55;
	v25 =	vld [tilespmem:s20+$0x4140]  }
0x3a8: {  	v27 =	vld [tilespmem:s20+$0x4130];
	[tilespmem:s2+$0xFFFFFFF0] =	vst v19;
	v19 =	vunpack.i.l.bf16.f32 v53;
	(erf) = vpow2.f32 v26;
	v26 =	vunpack.i.l.bf16.f32 v23  }
0x3a9: {  	(xrf2) =	vadd.scan.msk.f32 $0xffff, v18;
	v18 =	vld [tilespmem:s20+$0x4190];
	[tilespmem:s2+$0xFFFFFFE0] =	vst v37;
	v19 =	vmul.f32 v26, v19;
	v26 =	vmul.f32 v61, v40  }
0x3aa: {  	v62 =	vadd.f32 v42, v60;
	v49 =	vunpack.i.l.bf16.f32 v59;
	v38 =	vunpack.i.u.bf16.f32 v59;
	v63 =	vld [tilespmem:s12+$0x0]  }
0x3ab: {  	v55 =	vunpack.i.u.bf16.f32 v48;
	v38 =	vmul.f32 v38, v40;
	v19 =	vadd.f32 v19, v26;
	v26 =	vld [tilespmem:s20+$0x4160]  }
0x3ac: {  	v46 =	vunpack.i.l.bf16.f32 v57;
	v41 =	vunpack.i.u.bf16.f32 v57;
	v47 =	vunpack.i.l.bf16.f32 v25  }
0x3ad: {  	v53 =	vld [tilespmem:s20+$0x1990];
	v50 =	vunpack.i.l.bf16.f32 v27;
	v41 =	vmul.f32 v41, v40;
	v37 =	vmul.f32 v47, v46  }
0x3ae: {  	(xrf2) =	vadd.scan.msk.f32 $0xffff, v62;
	v62 =	vunpack.i.u.bf16.f32 v21;
	v44 =	vmul.f32 v50, v49;
	v59 =	vunpack.i.l.bf16.f32 v18  }
0x3af: {  	s15 =	simm.s32 $0x270;
	v37 =	vadd.f32 v37, v41;
	v17 =	vunpack.i.l.bf16.f32 v63;
	v51 =	vunpack.i.u.bf16.f32 v63  }
0x3b0: {  	v61 =	vld [tilespmem:s15+$0x19A0];
	(xrf2) =	vadd.scan.msk.f32 $0xffff, v19;
	v19 =	vunpack.i.l.bf16.f32 v48;
	v16 =	vadd.f32 v17, v16;
	v56 =	vunpack.i.l.bf16.f32 v26  }
0x3b1: {  	v41 =	vmul.f32 v55, v40;
	v15 =	vadd.f32 v51, v15;
	(xrf2) =	vadd.scan.msk.f32 $0xffff, v37;
	v37 =	vmul.f32 v56, v19  }
0x3b2: {  	s5 =	simm.s32 $0x6B00;
	v21 =	vld [tilespmem:s15+$0x41A0];
	v38 =	vadd.f32 v44, v38;
	v58 =	vunpack.i.u.bf16.f32 v53;
	v16 =	vmul.f32 v16, v52;
	v17 =	vpop (erf)  }
0x3b3: {  	s6 =	simm.s32 $0x140;
	v39 =	vunpack.i.l.bf16.f32 v53;
	v63 =	vld [tilespmem:s15+$0x1980];
	v15 =	vmul.f32 v54, v15;
	[tilespmem:s5+$0x40] =	vst v17;
	v37 =	vadd.f32 v37, v41  }
0x3b4: {  	s17 =	simm.s32 $0x14E0;
	v60 =	vmul.f32 v59, v39;
	(xrf2) =	vadd.scan.msk.f32 $0xffff, v38;
	v38 =	vmul.f32 v58, v40;
	[tilespmem:s2+$0x0] =	vst v16;
	v57 =	vld [tilespmem:s6+$0xFFFFFFE0]  }
0x3b5: {  	v40 =	vunpack.i.u.bf16.f32 v32;
	v58 =	vunpack.i.u.bf16.f32 v61;
	v32 =	vld [tilespmem:s17+$0x0];
	v19 =	vperm.xlane v33, v7;
	[tilespmem:s2+$0x10] =	vst v15  }
0x3b6: {  	v33 =	vperm.xlane v33, v8;
	v16 =	vunpack.i.u.bf16.f32 v22;
	v34 =	vadd.f32 v60, v38;
	v22 =	vld [tilespmem:s12+$0x10]  }
0x3b7: {  	v51 =	vperm.xlane v17, v1;
	v47 =	vperm.xlane v17, v2;
	v60 =	vunpack.i.l.bf16.f32 v61;
	(xrf2) =	vadd.scan.msk.f32 $0xffff, v37;
	v37, _, _ =	vpop (xrf2)  }
0x3b8: {  	v39 =	vunpack.i.u.bf16.f32 v63;
	v61 =	vunpack.i.l.bf16.f32 v21;
	v43 =	vunpack.i.l.bf16.f32 v63;
	v42, _, _ =	vpop (xrf2)  }
0x3b9: {  	v41 =	vunpack.i.u.bf16.f32 v24;
	v63 =	vmul.f32 v61, v60;
	v24 =	vunpack.i.l.bf16.f32 v57;
	v38, _, _ =	vpop (xrf2)  }
0x3ba: {  	v61 =	vperm.xlane v17, v3;
	v54 =	vunpack.i.u.bf16.f32 v57;
	v31 =	vadd.f32 v24, v31;
	v53, _, _ =	vpop (xrf2);
	(xrf2) =	vadd.scan.msk.f32 $0xffff, v34  }
0x3bb: {  	v44 =	vmul.f32 v58, v32;
	v52 =	vunpack.i.u.bf16.f32 v22;
	v57 =	vld [tilespmem:s15+$0x1970];
	v28 =	vadd.f32 v54, v28  }
0x3bc: {  	v39 =	vmul.f32 v39, v32;
	v24 =	vld [tilespmem:s15+$0x4180];
	v55 =	vadd.f32 v52, v62;
	v31 =	vmul.f32 v31, v51  }
0x3bd: {  	v42 =	vbroadcast v42, $0xF;
	v56, _, _ =	vpop (xrf2);
	v28 =	vmul.f32 v47, v28  }
0x3be: {  	v48 =	vmul.f32 v33, v55;
	v52 =	vbroadcast v53, $0xF;
	v59, _, _ =	vpop (xrf2);
	[tilespmem:s5+$0xFFFFFFC0] =	vst v31  }
0x3bf: {  	v55 =	vbroadcast v38, $0xF;
	v33 =	vbroadcast v59, $0xF;
	[tilespmem:s5+$0xFFFFFFD0] =	vst v28  }
0x3c0: {  	v31 =	vbroadcast v56, $0xF;
	v49 =	vunpack.i.u.bf16.f32 v57;
	v34 =	vunpack.i.l.bf16.f32 v57;
	v54 =	vld [tilespmem:s6+$0xFFFFFFF0]  }
0x3c1: {  	v57 =	vbroadcast v37, $0xF;
	v62 =	vunpack.i.l.bf16.f32 v24;
	v28 =	vnsel vm0, $0x0, v33;
	v53, _, _ =	vpop (xrf2)  }
0x3c2: {  	v56 =	vmul.f32 v62, v43;
	v28 =	vsel vm1, v28, v31;
	v31 =	vbroadcast v53, $0xF  }
0x3c3: {  	v59 =	vld [tilespmem:s15+$0x1950];
	v33 =	vadd.f32 v63, v44;
	v62 =	vperm.xlane v17, v4;
	v28 =	vsel vm2, v28, v52  }
0x3c4: {  	v53 =	vunpack.i.u.bf16.f32 v30;
	v38 =	vadd.f32 v56, v39;
	v31 =	vsel vm3, v28, v31;
	v28 =	vld [tilespmem:s15+$0x4170];
	v58, _, _ =	vpop (xrf2)  }
0x3c5: {  	v63 =	vld [tilespmem:s15+$0x1940];
	v31 =	vsel vm4, v31, v55;
	v60 =	vunpack.i.u.bf16.f32 v54;
	v37 =	vbroadcast v58, $0xF  }
0x3c6: {  	v42 =	vsel vm5, v31, v42;
	v31 =	vunpack.i.l.bf16.f32 v54;
	v40 =	vadd.f32 v60, v40;
	(xrf2) =	vadd.scan.msk.f32 $0xffff, v33;
	v33 =	vld [tilespmem:s15+$0x4140]  }
0x3c7: {  	v52 =	vmul.f32 v49, v32;
	v41 =	vadd.f32 v31, v41;
	v31 =	vld [tilespmem:s15+$0x4150];
	v37 =	vsel vm6, v42, v37  }
0x3c8: {  	v55 =	vunpack.i.l.bf16.f32 v59;
	v40 =	vmul.f32 v62, v40;
	v35 =	vsel vm7, v37, v57  }
0x3c9: {  	v47 =	vmul.f32 v41, v61;
	v50 =	vunpack.i.l.bf16.f32 v28;
	v35 =	vmul.f32 $1.442695020e+00, v35  }
0x3ca: {  	v51 =	vld [tilespmem:s15+$0x1930];
	v54 =	vunpack.i.u.bf16.f32 v59;
	v58 =	vunpack.i.l.bf16.f32 v63;
	v34 =	vmul.f32 v50, v34;
	[tilespmem:s5+$0xFFFFFFF0] =	vst v40  }
0x3cb: {  	v30 =	vld [tilespmem:s15+$0x4130];
	(xrf2) =	vadd.scan.msk.f32 $0xffff, v38;
	v37 =	vmul.f32 v54, v32;
	[tilespmem:s5+$0xFFFFFFE0] =	vst v47;
	(erf) = vpow2.f32 v35  }
0x3cc: {  	v59 =	vunpack.i.l.bf16.f32 v33;
	v56 =	vunpack.i.l.bf16.f32 v31;
	v34 =	vadd.f32 v34, v52;
	v57 =	vld [tilespmem:s6+$0x0]  }
0x3cd: {  	v40 =	vmul.f32 v56, v55;
	v35 =	vunpack.i.u.bf16.f32 v29;
	v29 =	vunpack.i.u.bf16.f32 v63  }
0x3ce: {  	v60 =	vmul.f32 v59, v58;
	v29 =	vmul.f32 v29, v32;
	(xrf2) =	vadd.scan.msk.f32 $0xffff, v34  }
0x3cf: {  	v15 =	vperm.xlane v17, v7;
	v41 =	vld [tilespmem:s15+$0x1960];
	v37 =	vadd.f32 v40, v37  }
0x3d0: {  	[tilespmem:s0+$0x30] =	vst v36;
	v62 =	vunpack.i.l.bf16.f32 v30;
	v61 =	vunpack.i.l.bf16.f32 v51;
	v42 =	vadd.f32 v60, v29;
	v29 =	vld [tilespmem:s15+$0x4160]  }
0x3d1: {  	v36 =	vunpack.i.u.bf16.f32 v51;
	v40 =	vmul.f32 v62, v61;
	v63 =	vunpack.i.l.bf16.f32 v57;
	(xrf2) =	vadd.scan.msk.f32 $0xffff, v37  }
0x3d2: {  	s13 =	simm.s32 $0x140;
	s18 =	simm.s32 $0xBC0;
	s12 =	simm.s32 $0x6B00;
	[tilespmem:s2+$0x30] =	vst v48;
	v34, _, _ =	vpop (xrf2);
	v39 =	vunpack.i.u.bf16.f32 v57;
	v37 =	vperm.xlane v17, v5;
	v38 =	vadd.f32 v63, v53  }
.LBB2_10:
0x3d3: {  	p0 =	sne.s32 s18, $0x4FC0;
	v36 =	vmul.f32 v36, v32;
	v43 =	vld [tilespmem:s15+$0x1990];
	v44 =	vperm.xlane v17, v6;
	v35 =	vadd.f32 v39, v35  }
0x3d4: {  	s5 =	sadd.s32 $0x90, s5;
	v39 =	vunpack.i.u.bf16.f32 v41;
	v41 =	vunpack.i.l.bf16.f32 v41;
	v45 =	vld [tilespmem:s15+$0x4190];
	(xrf2) =	vadd.scan.msk.f32 $0xffff, v42;
	v42 =	vpop (erf);
	v37 =	vmul.f32 v38, v37  }
0x3d5: {  	v36 =	vadd.f32 v40, v36;
	v38 =	vunpack.i.l.bf16.f32 v29;
	v40, _, _ =	vpop (xrf2);
	[tilespmem:s5+$0x40] =	vst v42;
	v35 =	vmul.f32 v44, v35  }
0x3d6: {  	s6 =	sadd.s32 $0x40, s6;
	v22 =	vunpack.i.l.bf16.f32 v22;
	v39 =	vmul.f32 v39, v32;
	v41 =	vmul.f32 v38, v41;
	[tilespmem:s12+$0x0] =	vst v37  }
0x3d7: {  	(xrf2) =	vadd.scan.msk.f32 $0xffff, v36;
	v36 =	vld [tilespmem:s6+$0xFFFFFFE0];
	[tilespmem:s12+$0x10] =	vst v35;
	v35 =	vadd.f32 v22, v10;
	v10 =	vmovc v16;
	v16 =	vunpack.i.u.bf16.f32 v18  }
0x3d8: {  	v37 =	vadd.f32 v41, v39;
	v38, _, _ =	vpop (xrf2);
	v39 =	vperm.xlane v42, v7;
	v22 =	vld [tilespmem:s13+$0x10];
	v41 =	vmul.f32 v20, v12;
	s13 =	smov.u32 s6  }
0x3d9: {  	s15 =	sshra.s32 s18, $0x2;
	v46 =	vunpack.i.u.bf16.f32 v43;
	v43 =	vunpack.i.l.bf16.f32 v43;
	v44 =	vunpack.i.l.bf16.f32 v45;
	v18 =	vmovc v45;
	v20 =	vmovc v35  }
0x3da: {  	v12 =	vmovc v19;
	v32 =	vmul.f32 v46, v32;
	v35 =	vld [tilespmem:s15+$0x19A0];
	v43 =	vmul.f32 v44, v43;
	(xrf2) =	vadd.scan.msk.f32 $0xffff, v37;
	v37 =	vunpack.i.u.bf16.f32 v9  }
0x3db: {  	v48 =	vunpack.i.u.bf16.f32 v27;
	v47 =	vunpack.i.u.bf16.f32 v26;
	v46 =	vunpack.i.u.bf16.f32 v23;
	v44 =	vld [tilespmem:s15+$0x41A0];
	v45, _, _ =	vpop (xrf2);
	[tilespmem:s0+$0x20] =	vst v41;
	s0 =	smov.u32 s2;
	s2 =	smov.u32 s12;
	s12 =	smov.u32 s5  }
0x3dc: {  	v25 =	vunpack.i.u.bf16.f32 v25;
	v19 =	vmovc v15;
	v15 =	vmovc v39;
	v26 =	vld [tilespmem:s15+$0x1980];
	v23 =	vadd.f32 v43, v32;
	v27 =	vunpack.i.l.bf16.f32 v36  }
0x3dd: {  	v9 =	vmovc v11;
	v11 =	vmovc v21;
	v32 =	vperm.xlane v42, v1;
	v39 =	vld [tilespmem:s15+$0x4180];
	v27 =	vadd.f32 v27, v48;
	v41 =	vunpack.i.u.bf16.f32 v22  }
0x3de: {  	v50 =	vperm.xlane v17, v8;
	v49 =	vunpack.i.u.bf16.f32 v36;
	v43 =	vld [tilespmem:s15+$0x1970];
	v48, _, _ =	vpop (xrf2);
	(xrf2) =	vadd.scan.msk.f32 $0xffff, v23;
	v36 =	vadd.f32 v41, v37  }
0x3df: {  	s17 =	sadd.s32 $0x10, s17;
	v17 =	vmovc v42;
	v51 =	vadd.f32 v49, v25;
	v37 =	vperm.xlane v42, v2;
	v52 =	vmul.f32 v27, v32  }
0x3e0: {  	v41 =	vunpack.i.u.bf16.f32 v35;
	v35 =	vunpack.i.l.bf16.f32 v35;
	v32 =	vld [tilespmem:s17+$0x0];
	v36 =	vmul.f32 v50, v36;
	v21 =	vmovc v44;
	v23 =	vmovc v31  }
0x3e1: {  	v37 =	vmul.f32 v37, v51;
	v31 =	vunpack.i.u.bf16.f32 v26;
	v42 =	vunpack.i.l.bf16.f32 v21;
	v44, _, _ =	vpop (xrf2);
	[tilespmem:s5+$0xFFFFFFC0] =	vst v52  }
0x3e2: {  	v25 =	vmovc v33;
	v49 =	vunpack.i.l.bf16.f32 v26;
	v27 =	vmovc v30;
	v50 =	vunpack.i.l.bf16.f32 v39;
	v44 =	vbroadcast v44, $0xF;
	[tilespmem:s2+$0x30] =	vst v36  }
0x3e3: {  	v33 =	vbroadcast v48, $0xF;
	v26 =	vmovc v29;
	v30 =	vunpack.i.u.bf16.f32 v43;
	v36 =	vunpack.i.l.bf16.f32 v43;
	[tilespmem:s5+$0xFFFFFFD0] =	vst v37  }
0x3e4: {  	v29 =	vmul.f32 v42, v35;
	v37 =	vbroadcast v45, $0xF;
	v35 =	vnsel vm0, $0x0, v44;
	v42, _, _ =	vpop (xrf2);
	v43 =	vld [tilespmem:s6+$0xFFFFFFF0]  }
0x3e5: {  	v41 =	vmul.f32 v41, v32;
	v33 =	vsel vm1, v35, v33;
	v45 =	vbroadcast v42, $0xF  }
0x3e6: {  	v42 =	vmul.f32 v50, v49;
	v33 =	vsel vm2, v33, v37;
	v37 =	vbroadcast v38, $0xF  }
0x3e7: {  	v44 =	vmul.f32 v31, v32;
	v38 =	vld [tilespmem:s15+$0x4170];
	v31 =	vsel vm3, v33, v45;
	v33 =	vbroadcast v40, $0xF  }
0x3e8: {  	v34 =	vbroadcast v34, $0xF;
	v29 =	vadd.f32 v29, v41;
	v31 =	vsel vm4, v31, v37;
	v35, _, _ =	vpop (xrf2)  }
0x3e9: {  	v33 =	vsel vm5, v31, v33;
	v35 =	vbroadcast v35, $0xF;
	v31 =	vunpack.i.l.bf16.f32 v43  }
0x3ea: {  	v41 =	vperm.xlane v17, v3;
	v40 =	vunpack.i.u.bf16.f32 v43;
	v37 =	vld [tilespmem:s15+$0x1950];
	v43 =	vadd.f32 v31, v46  }
0x3eb: {  	v40 =	vadd.f32 v40, v47;
	v31 =	vld [tilespmem:s15+$0x4150];
	v33 =	vsel vm6, v33, v35;
	v35 =	vperm.xlane v17, v4  }
0x3ec: {  	v45 =	vld [tilespmem:s15+$0x1940];
	v46 =	vunpack.i.l.bf16.f32 v38;
	(xrf2) =	vadd.scan.msk.f32 $0xffff, v29;
	v29 =	vsel vm7, v33, v34;
	v34 =	vmul.f32 v43, v41  }
0x3ed: {  	v41 =	vadd.f32 v42, v44;
	v33 =	vld [tilespmem:s15+$0x4140];
	v29 =	vmul.f32 $1.442695020e+00, v29;
	v35 =	vmul.f32 v35, v40  }
0x3ee: {  	v42 =	vmul.f32 v30, v32;
	v43 =	vunpack.i.u.bf16.f32 v14;
	v14 =	vmovc v28;
	v36 =	vmul.f32 v46, v36;
	v40 =	vld [tilespmem:s15+$0x1930];
	[tilespmem:s5+$0xFFFFFFE0] =	vst v34  }
0x3ef: {  	v28 =	vmovc v38;
	v30 =	vld [tilespmem:s15+$0x4130];
	v34 =	vunpack.i.u.bf16.f32 v37;
	(xrf2) =	vadd.scan.msk.f32 $0xffff, v41;
	(erf) = vpow2.f32 v29;
	[tilespmem:s5+$0xFFFFFFF0] =	vst v35  }
0x3f0: {  	v29 =	vunpack.i.l.bf16.f32 v37;
	v36 =	vadd.f32 v36, v42;
	v35 =	vunpack.i.l.bf16.f32 v31;
	v37 =	vld [tilespmem:s6+$0x0]  }
0x3f1: {  	v34 =	vmul.f32 v34, v32;
	v29 =	vmul.f32 v35, v29;
	v35 =	vunpack.i.u.bf16.f32 v13;
	v13 =	vmovc v24;
	v24 =	vmovc v39  }
.Ltmp4:
0x3f2: {  	v38 =	vunpack.i.u.bf16.f32 v45;
	v39 =	vunpack.i.l.bf16.f32 v45;
	v41 =	vunpack.i.l.bf16.f32 v33;
	(xrf2) =	vadd.scan.msk.f32 $0xffff, v36;
	(pc) =	sbr.rel @p0 .LBB2_10-.Ltmp4, $4  }
0x3f3: {  	v38 =	vmul.f32 v38, v32;
	v39 =	vmul.f32 v41, v39;
	v44 =	vadd.f32 v29, v34;
	v41 =	vld [tilespmem:s15+$0x1960]  }
0x3f4: {  	v36 =	vunpack.i.u.bf16.f32 v40;
	v40 =	vunpack.i.l.bf16.f32 v40;
	v42 =	vunpack.i.l.bf16.f32 v30;
	v29 =	vld [tilespmem:s15+$0x4160]  }
0x3f5: {  	v40 =	vmul.f32 v42, v40;
	v42 =	vadd.f32 v39, v38;
	(xrf2) =	vadd.scan.msk.f32 $0xffff, v44;
	v38 =	vunpack.i.l.bf16.f32 v37  }
0x3f6: {  	s18 =	sadd.s32 $0x200, s18;
	v39 =	vunpack.i.u.bf16.f32 v37;
	v37 =	vperm.xlane v17, v5;
	v34, _, _ =	vpop (xrf2);
	v38 =	vadd.f32 v38, v43  }
0x3f7: {  	v43 =	vld [tilespmem:s15+$0x1990]  }
0x3f8: {  	v44 =	vmul.f32 v36, v32;
	v36 =	vld [tilespmem:s15+$0x4190]  }
0x3f9: {  	v45 =	vunpack.i.u.bf16.f32 v41;
	v56 =	vunpack.i.l.bf16.f32 v41;
	v46 =	vunpack.i.l.bf16.f32 v29  }
0x3fa: {  	v40 =	vadd.f32 v40, v44;
	v57 =	vmul.f32 v45, v32;
	v41 =	vmul.f32 v46, v56  }
0x3fb: {  	(xrf2) =	vadd.scan.msk.f32 $0xffff, v42  }
0x3fc: {  	(xrf2) =	vadd.scan.msk.f32 $0xffff, v40;
	v58 =	vadd.f32 v41, v57  }
0x3fd: {  	v59 =	vunpack.i.u.bf16.f32 v43;
	v60 =	vunpack.i.l.bf16.f32 v43;
	v61 =	vunpack.i.l.bf16.f32 v36  }
0x3fe: {  	v42 =	vmul.f32 v61, v60;
	v62 =	vmul.f32 v59, v32  }
0x3ff: {  	(xrf2) =	vadd.scan.msk.f32 $0xffff, v58  }
0x400: {  	v32 =	vadd.f32 v42, v62;
	_ =	sdelay $0x1  }
0x401: {  	v63, _, _ =	vpop (xrf2);
	(xrf2) =	vadd.scan.msk.f32 $0xffff, v32  }
0x402: {  	v48, _, _ =	vpop (xrf2)  }
0x403: {  	v49, _, _ =	vpop (xrf2)  }
0x404: {  	v50, _, _ =	vpop (xrf2)  }
0x405: {  	v51, _, _ =	vpop (xrf2)  }
0x406: {  	v43 =	vbroadcast v51, $0xF  }
0x407: {  	v42 =	vbroadcast v50, $0xF  }
0x408: {  	v41 =	vbroadcast v49, $0xF;
	v43 =	vnsel vm0, $0x0, v43;
	v52, _, _ =	vpop (xrf2)  }
0x409: {  	v42 =	vsel vm1, v43, v42;
	v53 =	vbroadcast v52, $0xF  }
0x40a: {  	v32 =	vbroadcast v48, $0xF;
	v41 =	vsel vm2, v42, v41  }
0x40b: {  	v40 =	vbroadcast v63, $0xF;
	v41 =	vsel vm3, v41, v53;
	v54, _, _ =	vpop (xrf2)  }
0x40c: {  	v32 =	vsel vm4, v41, v32;
	v55 =	vbroadcast v54, $0xF  }
0x40d: {  	v34 =	vbroadcast v34, $0xF;
	v32 =	vsel vm5, v32, v40  }
0x40e: {  	v32 =	vsel vm6, v32, v55  }
0x40f: {  	v32 =	vsel vm7, v32, v34  }
0x410: {  	v32 =	vmul.f32 $1.442695020e+00, v32;
	_ =	sdelay $0x1  }
0x411: {  	(erf) = vpow2.f32 v32;
	_ =	sdelay $0x4  }
0x412: {  	s5 =	sadd.s32 $0x90, s5;
	v56 =	vpop (erf)  }
0x413: {  	s17 =	sadd.s32 $0x40, s6;
	[tilespmem:s5+$0x40] =	vst v56  }
0x414: {  	v57 =	vld [tilespmem:s17+$0xFFFFFFE0];
	_ =	sdelay $0x1  }
0x415: {  	s18 =	sadd.s32 $0x90, s5;
	v58 =	vpop (erf)  }
0x416: {  	s20 =	sadd.s32 $0x40, s17;
	[tilespmem:s18+$0x40] =	vst v58  }
0x417: {  	v59 =	vld [tilespmem:s20+$0xFFFFFFE0]  }
0x418: {  	v27 =	vunpack.i.u.bf16.f32 v27;
	v25 =	vunpack.i.u.bf16.f32 v25;
	v60 =	vunpack.i.l.bf16.f32 v57  }
0x419: {  	v61 =	vperm.xlane v56, v1;
	v27 =	vadd.f32 v60, v27;
	v34 =	vunpack.i.u.bf16.f32 v57  }
0x41a: {  	v62 =	vperm.xlane v56, v2;
	v25 =	vadd.f32 v34, v25  }
0x41b: {  	v30 =	vunpack.i.u.bf16.f32 v30;
	v27 =	vmul.f32 v27, v61  }
0x41c: {  	v33 =	vunpack.i.u.bf16.f32 v33;
	v25 =	vmul.f32 v62, v25;
	v63 =	vunpack.i.l.bf16.f32 v59  }
0x41d: {  	[tilespmem:s5+$0xFFFFFFC0] =	vst v27;
	v27 =	vperm.xlane v58, v1;
	v42 =	vunpack.i.u.bf16.f32 v59;
	v30 =	vadd.f32 v63, v30  }
0x41e: {  	[tilespmem:s5+$0xFFFFFFD0] =	vst v25;
	v25 =	vperm.xlane v58, v2;
	v33 =	vadd.f32 v42, v33  }
0x41f: {  	v43 =	vld [tilespmem:s17+$0xFFFFFFF0];
	v27 =	vmul.f32 v30, v27  }
0x420: {  	v25 =	vmul.f32 v25, v33  }
0x421: {  	[tilespmem:s18+$0xFFFFFFC0] =	vst v27  }
0x422: {  	[tilespmem:s18+$0xFFFFFFD0] =	vst v25  }
0x423: {  	v25 =	vunpack.i.u.bf16.f32 v26;
	v26 =	vld [tilespmem:s20+$0xFFFFFFF0]  }
0x424: {  	v23 =	vunpack.i.u.bf16.f32 v23;
	v27 =	vunpack.i.l.bf16.f32 v43  }
0x425: {  	v44 =	vperm.xlane v56, v3;
	v30 =	vunpack.i.u.bf16.f32 v43;
	v23 =	vadd.f32 v27, v23  }
0x426: {  	v27 =	vperm.xlane v56, v4;
	v25 =	vadd.f32 v30, v25  }
0x427: {  	v29 =	vunpack.i.u.bf16.f32 v29;
	v23 =	vmul.f32 v23, v44  }
0x428: {  	v25 =	vmul.f32 v27, v25;
	v27 =	vunpack.i.u.bf16.f32 v31;
	v30 =	vunpack.i.l.bf16.f32 v26  }
0x429: {  	[tilespmem:s5+$0xFFFFFFE0] =	vst v23;
	v23 =	vunpack.i.u.bf16.f32 v26;
	v26 =	vperm.xlane v58, v3;
	v27 =	vadd.f32 v30, v27  }
0x42a: {  	[tilespmem:s5+$0xFFFFFFF0] =	vst v25;
	v25 =	vperm.xlane v58, v4;
	v23 =	vadd.f32 v23, v29  }
0x42b: {  	v26 =	vmul.f32 v27, v26  }
0x42c: {  	v29 =	vld [tilespmem:s17+$0x0];
	v23 =	vmul.f32 v25, v23  }
0x42d: {  	[tilespmem:s18+$0xFFFFFFE0] =	vst v26  }
0x42e: {  	[tilespmem:s18+$0xFFFFFFF0] =	vst v23  }
0x42f: {  	v14 =	vunpack.i.u.bf16.f32 v14;
	v13 =	vunpack.i.u.bf16.f32 v13;
	v27 =	vld [tilespmem:s20+$0x0]  }
0x430: {  	v24 =	vunpack.i.u.bf16.f32 v24;
	v25 =	vperm.xlane v17, v6;
	v26 =	vadd.f32 v39, v35  }
0x431: {  	v31 =	vperm.xlane v56, v5;
	v23 =	vmul.f32 v38, v37;
	v30 =	vunpack.i.l.bf16.f32 v29  }
0x432: {  	v29 =	vunpack.i.u.bf16.f32 v29;
	v14 =	vadd.f32 v30, v14;
	v25 =	vmul.f32 v25, v26  }
0x433: {  	v30 =	vperm.xlane v56, v6;
	v13 =	vadd.f32 v29, v13;
	[tilespmem:s12+$0x0] =	vst v23;
	v23 =	vunpack.i.u.bf16.f32 v28  }
0x434: {  	v28 =	vperm.xlane v58, v5;
	v14 =	vmul.f32 v14, v31;
	[tilespmem:s12+$0x10] =	vst v25;
	v25 =	vunpack.i.l.bf16.f32 v27  }
0x435: {  	v13 =	vmul.f32 v30, v13;
	v27 =	vunpack.i.u.bf16.f32 v27;
	v23 =	vadd.f32 v25, v23  }
0x436: {  	v12 =	vmul.f32 v20, v12;
	v26 =	vld [tilespmem:s13+$0x10];
	[tilespmem:s5+$0x0] =	vst v14;
	v14 =	vperm.xlane v58, v6;
	v24 =	vadd.f32 v27, v24  }
0x437: {  	[tilespmem:s5+$0x10] =	vst v13;
	v13 =	vmul.f32 v23, v28  }
0x438: {  	[tilespmem:s0+$0x20] =	vst v12;
	v14 =	vmul.f32 v14, v24  }
0x439: {  	v23 =	vld [tilespmem:s17+$0x10];
	[tilespmem:s18+$0x0] =	vst v13  }
0x43a: {  	v9 =	vunpack.i.u.bf16.f32 v9;
	v11 =	vunpack.i.u.bf16.f32 v11;
	v12 =	vunpack.i.u.bf16.f32 v21;
	[tilespmem:s18+$0x10] =	vst v14  }
0x43b: {  	v13 =	vunpack.i.l.bf16.f32 v22;
	v22 =	vunpack.i.u.bf16.f32 v26;
	v14 =	vunpack.i.u.bf16.f32 v18;
	v18 =	vld [tilespmem:s20+$0x10]  }
0x43c: {  	v17 =	vperm.xlane v17, v8;
	v20 =	vunpack.i.l.bf16.f32 v26;
	v9 =	vadd.f32 v22, v9  }
0x43d: {  	v16 =	vadd.f32 v20, v16;
	v20 =	vperm.xlane v58, v8;
	v10 =	vadd.f32 v13, v10  }
0x43e: {  	v13 =	vperm.xlane v56, v7;
	v9 =	vmul.f32 v17, v9;
	v17 =	vunpack.i.u.bf16.f32 v23  }
0x43f: {  	v22 =	vperm.xlane v56, v8;
	v10 =	vmul.f32 v10, v19;
	v11 =	vadd.f32 v17, v11  }
0x440: {  	v17 =	vunpack.i.u.bf16.f32 v36;
	[tilespmem:s12+$0x30] =	vst v9;
	v9 =	vunpack.i.l.bf16.f32 v23;
	v19 =	vunpack.i.u.bf16.f32 v18  }
0x441: {  	v11 =	vmul.f32 v22, v11;
	v9 =	vadd.f32 v9, v14;
	v12 =	vadd.f32 v19, v12  }
0x442: {  	[tilespmem:s2+$0x20] =	vst v10;
	v10 =	vmul.f32 v16, v15;
	v15 =	vperm.xlane v58, v7;
	v14 =	vunpack.i.l.bf16.f32 v18  }
0x443: {  	[tilespmem:s5+$0x30] =	vst v11;
	v9 =	vmul.f32 v9, v13;
	v11 =	vmul.f32 v20, v12;
	v12 =	vadd.f32 v14, v17  }
0x444: {  	[tilespmem:s12+$0x20] =	vst v10  }
0x445: {  	[tilespmem:s5+$0x20] =	vst v9;
	v10 =	vmul.f32 v12, v15  }
0x446: {  	[tilespmem:s18+$0x30] =	vst v11  }
0x447: {  	s15 =	simm.s32 $0x69A0;
	s13 =	rddreg [dreg:$0x2];
	s17 =	simm.s32 $0x50;
	[tilespmem:s18+$0x20] =	vst v10  }
0x448: {  	[spmem:s13] =	stream.indirect.scatter.add.f32 [tilespmem:s15], [sflag:$0xD], $0x90, s17, s29, $0xb8;
	[tilespmem:$0x1DFB0] =	vst v63  }
0x449: {  	_ =	swait.ge [sflag:s19], $0x1680  }
0x44a: {  	[sflag:s19] =	ssyncset.done $0x0  }
0x44b: {  	[sflag:s19] =	ssyncadd.s32 $0xFFFFE980  }
0x44c: {  	_ =	swait.ge [sflag:s11], $0xA00  }
0x44d: {  	[sflag:s11] =	ssyncset.done $0x0  }
0x44e: {  	[sflag:s11] =	ssyncadd.s32 $0xFFFFF600  }
0x44f: {  	_ =	swait.ge [sflag:s14], $0x280  }
0x450: {  	[sflag:s14] =	ssyncset.done $0x0  }
0x451: {  	[sflag:s14] =	ssyncadd.s32 $0xFFFFFD80  }
0x452: {  	_ =	swait.ge [sflag:s30], $0x1400  }
0x453: {  	[sflag:s30] =	ssyncset.done $0x0  }
0x454: {  	[sflag:s30] =	ssyncadd.s32 $0xFFFFEC00  }
0x455: {  	_ =	swait.ge [sflag:s31], $0x1400  }
0x456: {  	[sflag:s31] =	ssyncset.done $0x0  }
0x457: {  	s18 =	simm.s32 $0x70;
	[sflag:s31] =	ssyncadd.s32 $0xFFFFEC00  }
0x458: {  	v9 =	vld [tilespmem:s18+$0x2DA0]  }
0x459: {  	v10 =	vld [tilespmem:s18+$0x55A0]  }
0x45a: {  	v12 =	vld [tilespmem:s18+$0x2D80]  }
0x45b: {  	s20 =	simm.s32 $0x1720;
	v11 =	vld [tilespmem:s18+$0x5580]  }
0x45c: {  	v14 =	vld [tilespmem:s20+$0x0]  }
0x45d: {  	v15 =	vld [tilespmem:s18+$0x2D70]  }
0x45e: {  	v13 =	vld [tilespmem:s18+$0x5570]  }
0x45f: {  	v17 =	vld [tilespmem:s18+$0x2D50];
	v16 =	vunpack.i.u.bf16.f32 v9;
	v9 =	vunpack.i.l.bf16.f32 v9  }
0x460: {  	v22 =	vld [tilespmem:s18+$0x5550];
	v18 =	vunpack.i.u.bf16.f32 v12;
	v19 =	vunpack.i.l.bf16.f32 v10;
	v12 =	vunpack.i.l.bf16.f32 v12  }
0x461: {  	v24 =	vld [tilespmem:s18+$0x5540];
	v20 =	vunpack.i.l.bf16.f32 v11;
	v9 =	vmul.f32 v19, v9;
	v16 =	vmul.f32 v16, v14  }
0x462: {  	v21 =	vunpack.i.u.bf16.f32 v15;
	v19 =	vld [tilespmem:s18+$0x2D40];
	v12 =	vmul.f32 v20, v12;
	v18 =	vmul.f32 v18, v14  }
0x463: {  	v15 =	vunpack.i.l.bf16.f32 v15;
	v20 =	vld [tilespmem:s18+$0x2D30];
	v9 =	vadd.f32 v9, v16;
	v16 =	vunpack.i.l.bf16.f32 v13  }
0x464: {  	v26 =	vld [tilespmem:s18+$0x5530];
	v12 =	vadd.f32 v12, v18;
	v15 =	vmul.f32 v16, v15;
	v16 =	vmul.f32 v21, v14  }
0x465: {  	v23 =	vld [tilespmem:s18+$0x2D60];
	v18 =	vunpack.i.u.bf16.f32 v17;
	v17 =	vunpack.i.l.bf16.f32 v17;
	v21 =	vunpack.i.l.bf16.f32 v22  }
0x466: {  	v25 =	vld [tilespmem:s18+$0x5560];
	v15 =	vadd.f32 v15, v16;
	v16 =	vmul.f32 v21, v17;
	v17 =	vmul.f32 v18, v14  }
0x467: {  	(xrf2) =	vadd.scan.msk.f32 $0xffff, v9;
	v18 =	vunpack.i.u.bf16.f32 v19;
	v19 =	vunpack.i.l.bf16.f32 v19;
	v21 =	vunpack.i.l.bf16.f32 v24  }
0x468: {  	v9 =	vunpack.i.u.bf16.f32 v20;
	(xrf2) =	vadd.scan.msk.f32 $0xffff, v12;
	v12 =	vld [tilespmem:s18+$0x5590];
	v19 =	vmul.f32 v21, v19;
	v18 =	vmul.f32 v18, v14  }
0x469: {  	v21 =	vld [tilespmem:s18+$0x2D90];
	v16 =	vadd.f32 v16, v17;
	v17 =	vunpack.i.l.bf16.f32 v20;
	v20 =	vunpack.i.l.bf16.f32 v26  }
0x46a: {  	v9 =	vmul.f32 v9, v14;
	(xrf2) =	vadd.scan.msk.f32 $0xffff, v15;
	v15 =	vunpack.i.u.bf16.f32 v23;
	v17 =	vmul.f32 v20, v17  }
0x46b: {  	v18 =	vadd.f32 v19, v18;
	v19 =	vunpack.i.l.bf16.f32 v23;
	v20 =	vunpack.i.l.bf16.f32 v25  }
0x46c: {  	v15 =	vmul.f32 v15, v14;
	(xrf2) =	vadd.scan.msk.f32 $0xffff, v16;
	v16 =	vmul.f32 v20, v19;
	v9 =	vadd.f32 v17, v9  }
0x46d: {  	(xrf2) =	vadd.scan.msk.f32 $0xffff, v18;
	v17 =	vunpack.i.l.bf16.f32 v12  }
0x46e: {  	(xrf2) =	vadd.scan.msk.f32 $0xffff, v9;
	v9 =	vadd.f32 v16, v15;
	v15 =	vunpack.i.u.bf16.f32 v21;
	v16 =	vunpack.i.l.bf16.f32 v21  }
0x46f: {  	v16 =	vmul.f32 v17, v16;
	v14 =	vmul.f32 v15, v14;
	_ =	sdelay $0x1  }
0x470: {  	(xrf2) =	vadd.scan.msk.f32 $0xffff, v9;
	v9 =	vadd.f32 v16, v14;
	_ =	sdelay $0x1  }
0x471: {  	v14, _, _ =	vpop (xrf2)  }
0x472: {  	v17, _, _ =	vpop (xrf2)  }
0x473: {  	(xrf2) =	vadd.scan.msk.f32 $0xffff, v9;
	v9, _, _ =	vpop (xrf2)  }
0x474: {  	s5 =	simm.s32 $0xF0;
	v16, _, _ =	vpop (xrf2)  }
0x475: {  	v18 =	vld [tilespmem:s5+$0x2DA0];
	v15, _, _ =	vpop (xrf2)  }
0x476: {  	v21 =	vld [tilespmem:s5+$0x55A0];
	v19, _, _ =	vpop (xrf2)  }
0x477: {  	v19 =	vbroadcast v19, $0xF  }
0x478: {  	v28 =	vld [tilespmem:s5+$0x2D70];
	v23 =	vbroadcast v15, $0xF  }
0x479: {  	v20 =	vld [tilespmem:s5+$0x2D80];
	v27, _, _ =	vpop (xrf2);
	v19 =	vnsel vm0, $0x0, v19  }
0x47a: {  	v29 =	vunpack.i.u.bf16.f32 v18;
	v19 =	vsel vm1, v19, v23;
	v23 =	vbroadcast v27, $0xF  }
0x47b: {  	v18 =	vunpack.i.l.bf16.f32 v18;
	v31 =	vunpack.i.l.bf16.f32 v21;
	v16 =	vbroadcast v16, $0xF;
	v15 =	vld [tilespmem:s5+$0x5580]  }
0x47c: {  	s6 =	simm.s32 $0x1730;
	v18 =	vmul.f32 v31, v18;
	v31 =	vld [tilespmem:s5+$0x2D30]  }
0x47d: {  	v46 =	vunpack.i.l.bf16.f32 v28;
	v9 =	vbroadcast v9, $0xF;
	v27 =	vld [tilespmem:s6+$0x0];
	v19 =	vsel vm2, v19, v16  }
0x47e: {  	v45 =	vld [tilespmem:s5+$0x2D50];
	v30 =	vunpack.i.u.bf16.f32 v20;
	v17 =	vbroadcast v17, $0xF;
	v19 =	vsel vm3, v19, v23;
	v23, _, _ =	vpop (xrf2)  }
0x47f: {  	v20 =	vunpack.i.l.bf16.f32 v20;
	v16 =	vld [tilespmem:s5+$0x5570];
	v9 =	vsel vm4, v19, v9;
	v19 =	vbroadcast v23, $0xF  }
0x480: {  	v9 =	vsel vm5, v9, v17;
	v17 =	vunpack.i.l.bf16.f32 v15;
	v23 =	vbroadcast v14, $0xF;
	v14 =	vld [tilespmem:s5+$0x5550]  }
0x481: {  	v28 =	vunpack.i.u.bf16.f32 v28;
	v20 =	vmul.f32 v17, v20;
	v17 =	vld [tilespmem:s5+$0x5540];
	v9 =	vsel vm6, v9, v19  }
0x482: {  	v52 =	vunpack.i.u.bf16.f32 v31;
	v19 =	vmul.f32 v29, v27;
	v9 =	vsel vm7, v9, v23  }
0x483: {  	v31 =	vunpack.i.l.bf16.f32 v31;
	v30 =	vmul.f32 v30, v27;
	v29 =	vld [tilespmem:s5+$0x2D40];
	v9 =	vmul.f32 $1.442695020e+00, v9  }
0x484: {  	v28 =	vmul.f32 v28, v27;
	v23 =	vunpack.i.l.bf16.f32 v16;
	v47 =	vadd.f32 v18, v19;
	v18 =	vld [tilespmem:s5+$0x5530]  }
0x485: {  	v20 =	vadd.f32 v20, v30;
	v23 =	vmul.f32 v23, v46;
	(erf) = vpow2.f32 v9  }
0x486: {  	v49 =	vld [tilespmem:s5+$0x2D60];
	v19 =	vunpack.i.l.bf16.f32 v45;
	v48 =	vunpack.i.l.bf16.f32 v14;
	v51 =	vunpack.i.l.bf16.f32 v17  }
0x487: {  	v9 =	vunpack.i.u.bf16.f32 v45;
	v30 =	vmul.f32 v48, v19;
	v19 =	vld [tilespmem:s5+$0x5560];
	v23 =	vadd.f32 v23, v28  }
0x488: {  	(xrf2) =	vadd.scan.msk.f32 $0xffff, v47;
	v9 =	vmul.f32 v9, v27;
	v50 =	vunpack.i.u.bf16.f32 v29;
	v29 =	vunpack.i.l.bf16.f32 v29  }
0x489: {  	(xrf2) =	vadd.scan.msk.f32 $0xffff, v20;
	v28 =	vmul.f32 v51, v29;
	v29 =	vmul.f32 v50, v27;
	v53 =	vunpack.i.l.bf16.f32 v18  }
0x48a: {  	(xrf2) =	vadd.scan.msk.f32 $0xffff, v23;
	v23 =	vld [tilespmem:s5+$0x5590];
	v9 =	vadd.f32 v30, v9;
	v20 =	vmul.f32 v53, v31  }
0x48b: {  	v30 =	vmul.f32 v52, v27;
	v31 =	vld [tilespmem:s5+$0x2D90];
	v28 =	vadd.f32 v28, v29  }
0x48c: {  	v29 =	vunpack.i.u.bf16.f32 v49;
	(xrf2) =	vadd.scan.msk.f32 $0xffff, v9;
	v9 =	vunpack.i.l.bf16.f32 v49;
	v54 =	vunpack.i.l.bf16.f32 v19  }
0x48d: {  	v30 =	vadd.f32 v20, v30;
	(xrf2) =	vadd.scan.msk.f32 $0xffff, v28;
	v9 =	vmul.f32 v54, v9;
	v28 =	vmul.f32 v29, v27  }
0x48e: {  	s0 =	simm.s32 $0x69E0;
	v20 =	vpop (erf)  }
0x48f: {  	s12 =	simm.s32 $0xAC0;
	(xrf2) =	vadd.scan.msk.f32 $0xffff, v30;
	v9 =	vadd.f32 v9, v28;
	[tilespmem:s0+$0x40] =	vst v20  }
0x490: {  	v28 =	vunpack.i.u.bf16.f32 v31;
	v29 =	vunpack.i.l.bf16.f32 v31;
	v31 =	vunpack.i.l.bf16.f32 v23;
	v30 =	vld [tilespmem:s12+$0xFFFFFFE0]  }
0x491: {  	s13 =	simm.s32 $0x170;
	v29 =	vmul.f32 v31, v29;
	v27 =	vmul.f32 v28, v27  }
0x492: {  	v55 =	vld [tilespmem:s13+$0x2DA0]  }
0x493: {  	v60 =	vld [tilespmem:s13+$0x2D70];
	v27 =	vadd.f32 v29, v27  }
0x494: {  	(xrf2) =	vadd.scan.msk.f32 $0xffff, v9;
	v31 =	vld [tilespmem:s13+$0x2D80];
	v28, _, _ =	vpop (xrf2)  }
0x495: {  	v26 =	vunpack.i.u.bf16.f32 v26;
	v56, _, _ =	vpop (xrf2);
	(xrf2) =	vadd.scan.msk.f32 $0xffff, v27;
	v57 =	vunpack.i.l.bf16.f32 v30;
	v27 =	vunpack.i.u.bf16.f32 v30  }
0x496: {  	v59 =	vperm.xlane v20, v1;
	v58, _, _ =	vpop (xrf2);
	v26 =	vadd.f32 v57, v26  }
0x497: {  	v62 =	vunpack.i.u.bf16.f32 v55;
	v32 =	vunpack.i.l.bf16.f32 v55;
	v24 =	vunpack.i.u.bf16.f32 v24;
	v30, _, _ =	vpop (xrf2)  }
0x498: {  	v61 =	vperm.xlane v20, v2;
	v24 =	vadd.f32 v27, v24;
	v27, _, _ =	vpop (xrf2);
	v26 =	vmul.f32 v26, v59  }
0x499: {  	v34 =	vunpack.i.l.bf16.f32 v60;
	v11 =	vunpack.i.u.bf16.f32 v11;
	v63 =	vunpack.i.u.bf16.f32 v31;
	v45, _, _ =	vpop (xrf2)  }
0x49a: {  	v24 =	vmul.f32 v61, v24;
	[tilespmem:s0+$0xFFFFFFC0] =	vst v26;
	v26 =	vunpack.i.l.bf16.f32 v31;
	v31 =	vbroadcast v45, $0xF  }
0x49b: {  	s15 =	simm.s32 $0x1740;
	v13 =	vunpack.i.u.bf16.f32 v13;
	v22 =	vunpack.i.u.bf16.f32 v22;
	v25 =	vunpack.i.u.bf16.f32 v25;
	v9 =	vld [tilespmem:s13+$0x55A0]  }
0x49c: {  	v38 =	vld [tilespmem:s15+$0x0];
	v15 =	vunpack.i.u.bf16.f32 v15;
	v16 =	vunpack.i.u.bf16.f32 v16;
	v54 =	vperm.xlane v20, v3;
	[tilespmem:s0+$0xFFFFFFD0] =	vst v24  }
0x49d: {  	v48 =	vunpack.i.u.bf16.f32 v60;
	v55 =	vperm.xlane v20, v4;
	v27 =	vbroadcast v27, $0xF;
	v49 =	vld [tilespmem:s12+$0xFFFFFFF0]  }
0x49e: {  	v43 =	vperm.xlane v20, v5;
	v30 =	vbroadcast v30, $0xF;
	v24 =	vnsel vm0, $0x0, v31;
	v31, _, _ =	vpop (xrf2)  }
0x49f: {  	v28 =	vbroadcast v28, $0xF;
	v24 =	vsel vm1, v24, v27;
	v27 =	vbroadcast v31, $0xF  }
0x4a0: {  	v29 =	vld [tilespmem:s13+$0x5580];
	v46 =	vunpack.i.l.bf16.f32 v9;
	v35 =	vbroadcast v58, $0xF;
	v24 =	vsel vm2, v24, v30  }
0x4a1: {  	v32 =	vmul.f32 v46, v32;
	v24 =	vsel vm3, v24, v27;
	v27 =	vbroadcast v56, $0xF  }
0x4a2: {  	v50 =	vmul.f32 v63, v38;
	v30 =	vld [tilespmem:s13+$0x5570];
	v51, _, _ =	vpop (xrf2);
	v53 =	vunpack.i.u.bf16.f32 v49;
	v24 =	vsel vm4, v24, v35  }
0x4a3: {  	v52 =	vld [tilespmem:s13+$0x2D50];
	v35 =	vbroadcast v51, $0xF;
	v27 =	vsel vm5, v24, v27;
	v24 =	vunpack.i.l.bf16.f32 v49  }
0x4a4: {  	v31 =	vmul.f32 v62, v38;
	v25 =	vadd.f32 v53, v25;
	v22 =	vadd.f32 v24, v22;
	v24 =	vld [tilespmem:s13+$0x5550]  }
0x4a5: {  	v58 =	vld [tilespmem:s13+$0x2D30];
	v47 =	vunpack.i.l.bf16.f32 v29;
	v59 =	vmul.f32 v48, v38;
	v27 =	vsel vm6, v27, v35  }
0x4a6: {  	v57 =	vld [tilespmem:s13+$0x2D40];
	v56 =	vadd.f32 v32, v31;
	v25 =	vmul.f32 v55, v25;
	v27 =	vsel vm7, v27, v28  }
0x4a7: {  	v31 =	vunpack.i.l.bf16.f32 v30;
	v28 =	vld [tilespmem:s13+$0x5540];
	v22 =	vmul.f32 v22, v54;
	v27 =	vmul.f32 $1.442695020e+00, v27  }
0x4a8: {  	v26 =	vmul.f32 v47, v26;
	v34 =	vmul.f32 v31, v34;
	[tilespmem:s0+$0xFFFFFFF0] =	vst v25;
	v25 =	vunpack.i.l.bf16.f32 v52  }
0x4a9: {  	v31 =	vld [tilespmem:s13+$0x5530];
	[tilespmem:s0+$0xFFFFFFE0] =	vst v22;
	v22 =	vunpack.i.u.bf16.f32 v52;
	(erf) = vpow2.f32 v27;
	v27 =	vunpack.i.l.bf16.f32 v24  }
0x4aa: {  	v33 =	vunpack.i.l.bf16.f32 v58;
	v60 =	vld [tilespmem:s12+$0x0];
	v22 =	vmul.f32 v22, v38;
	v25 =	vmul.f32 v27, v25  }
0x4ab: {  	v45 =	vperm.xlane v20, v6;
	v26 =	vadd.f32 v26, v50;
	v62 =	vunpack.i.u.bf16.f32 v58  }
0x4ac: {  	v32 =	vunpack.i.l.bf16.f32 v57;
	v61 =	vunpack.i.l.bf16.f32 v28;
	v25 =	vadd.f32 v25, v22;
	v22 =	vld [tilespmem:s13+$0x2D60]  }
0x4ad: {  	v49 =	vunpack.i.u.bf16.f32 v10;
	v27 =	vunpack.i.u.bf16.f32 v57;
	v36 =	vmul.f32 v61, v32;
	v32 =	vld [tilespmem:s13+$0x5560]  }
0x4ae: {  	(xrf2) =	vadd.scan.msk.f32 $0xffff, v56;
	v34 =	vadd.f32 v34, v59;
	v63 =	vunpack.i.l.bf16.f32 v31;
	v27 =	vmul.f32 v27, v38  }
0x4af: {  	(xrf2) =	vadd.scan.msk.f32 $0xffff, v26;
	v26 =	vmul.f32 v62, v38;
	v40 =	vmul.f32 v63, v33;
	v42 =	vunpack.i.l.bf16.f32 v60  }
0x4b0: {  	v44 =	vld [tilespmem:s13+$0x2D90];
	(xrf2) =	vadd.scan.msk.f32 $0xffff, v34;
	v27 =	vadd.f32 v36, v27;
	v35 =	vunpack.i.u.bf16.f32 v60;
	v13 =	vadd.f32 v42, v13  }
0x4b1: {  	(xrf2) =	vadd.scan.msk.f32 $0xffff, v25;
	v25 =	vadd.f32 v40, v26;
	v46 =	vunpack.i.u.bf16.f32 v22;
	v47 =	vunpack.i.l.bf16.f32 v22;
	v22 =	vld [tilespmem:s13+$0x5590]  }
0x4b2: {  	s2 =	simm.s32 $0x6A70;
	s18 =	simm.s32 $0x1F0;
	v11 =	vadd.f32 v35, v11;
	v26 =	vunpack.i.l.bf16.f32 v32;
	v13 =	vmul.f32 v13, v43;
	v33 =	vpop (erf)  }
0x4b3: {  	s17 =	simm.s32 $0xB00;
	v10 =	vld [tilespmem:s18+$0x55A0];
	(xrf2) =	vadd.scan.msk.f32 $0xffff, v27;
	[tilespmem:s2+$0x40] =	vst v33;
	v26 =	vmul.f32 v26, v47;
	v27 =	vmul.f32 v46, v38  }
0x4b4: {  	v37 =	vunpack.i.u.bf16.f32 v14;
	v17 =	vunpack.i.u.bf16.f32 v17;
	v18 =	vunpack.i.u.bf16.f32 v18;
	(xrf2) =	vadd.scan.msk.f32 $0xffff, v25;
	v25 =	vld [tilespmem:s17+$0xFFFFFFE0]  }
0x4b5: {  	v14 =	vld [tilespmem:s18+$0x2D80];
	v19 =	vunpack.i.u.bf16.f32 v19;
	v11 =	vmul.f32 v45, v11;
	[tilespmem:s0+$0x0] =	vst v13;
	v13 =	vadd.f32 v26, v27  }
0x4b6: {  	v54 =	vld [tilespmem:s18+$0x2D70];
	v26 =	vunpack.i.u.bf16.f32 v44;
	v27 =	vunpack.i.l.bf16.f32 v44;
	v48 =	vunpack.i.l.bf16.f32 v22  }
0x4b7: {  	[tilespmem:s0+$0x10] =	vst v11;
	v11 =	vunpack.i.u.bf16.f32 v23;
	v23 =	vld [tilespmem:s18+$0x2DA0];
	v26 =	vmul.f32 v26, v38;
	v27 =	vmul.f32 v48, v27  }
0x4b8: {  	s20 =	simm.s32 $0x1750;
	v34 =	vunpack.i.u.bf16.f32 v12;
	v12 =	vperm.xlane v20, v7;
	v20 =	vperm.xlane v20, v8;
	v35 =	vld [tilespmem:s12+$0x10]  }
0x4b9: {  	v58 =	vunpack.i.l.bf16.f32 v10;
	v40 =	vld [tilespmem:s20+$0x0];
	(xrf2) =	vadd.scan.msk.f32 $0xffff, v13;
	v26 =	vadd.f32 v27, v26;
	v27 =	vunpack.i.l.bf16.f32 v25  }
0x4ba: {  	v31 =	vunpack.i.u.bf16.f32 v31;
	v57 =	vunpack.i.u.bf16.f32 v14;
	v14 =	vunpack.i.l.bf16.f32 v14;
	v50, _, _ =	vpop (xrf2)  }
0x4bb: {  	v28 =	vunpack.i.u.bf16.f32 v28;
	v61 =	vunpack.i.u.bf16.f32 v54;
	v51, _, _ =	vpop (xrf2);
	v42 =	vunpack.i.l.bf16.f32 v54  }
0x4bc: {  	v52 =	vperm.xlane v33, v1;
	v25 =	vunpack.i.u.bf16.f32 v25;
	v18 =	vadd.f32 v27, v18;
	v27, _, _ =	vpop (xrf2);
	(xrf2) =	vadd.scan.msk.f32 $0xffff, v26  }
0x4bd: {  	v55 =	vperm.xlane v33, v2;
	v13 =	vld [tilespmem:s18+$0x5580];
	v56 =	vunpack.i.u.bf16.f32 v23;
	v53 =	vunpack.i.u.bf16.f32 v35  }
0x4be: {  	v43 =	vmul.f32 v56, v40;
	v36 =	vadd.f32 v53, v49;
	v17 =	vadd.f32 v25, v17;
	v26, _, _ =	vpop (xrf2)  }
0x4bf: {  	v23 =	vunpack.i.l.bf16.f32 v23;
	v56 =	vmul.f32 v61, v40;
	v53 =	vld [tilespmem:s18+$0x2D40];
	v18 =	vmul.f32 v18, v52;
	v25, _, _ =	vpop (xrf2)  }
0x4c0: {  	v17 =	vmul.f32 v55, v17;
	v36 =	vmul.f32 v20, v36;
	v20 =	vunpack.i.l.bf16.f32 v35;
	v59, _, _ =	vpop (xrf2)  }
0x4c1: {  	v52 =	vperm.xlane v33, v4;
	v20 =	vadd.f32 v20, v34;
	[tilespmem:s2+$0xFFFFFFC0] =	vst v18;
	v60 =	vbroadcast v59, $0xF  }
0x4c2: {  	v18 =	vunpack.i.l.bf16.f32 v13;
	[tilespmem:s2+$0xFFFFFFD0] =	vst v17;
	v17 =	vmul.f32 v58, v23;
	v25 =	vbroadcast v25, $0xF  }
0x4c3: {  	v26 =	vbroadcast v26, $0xF;
	v63 =	vld [tilespmem:s17+$0xFFFFFFF0];
	v18 =	vmul.f32 v18, v14;
	v62, _, _ =	vpop (xrf2);
	v23 =	vnsel vm0, $0x0, v60  }
0x4c4: {  	v41 =	vunpack.i.u.bf16.f32 v53;
	v23 =	vsel vm1, v23, v25;
	v25 =	vbroadcast v62, $0xF  }
0x4c5: {  	v14 =	vld [tilespmem:s18+$0x5570];
	v41 =	vmul.f32 v41, v40;
	v23 =	vsel vm2, v23, v26;
	v26 =	vbroadcast v27, $0xF  }
0x4c6: {  	v27 =	vmul.f32 v57, v40;
	v23 =	vsel vm3, v23, v25;
	v25 =	vbroadcast v51, $0xF;
	v48, _, _ =	vpop (xrf2)  }
0x4c7: {  	v23 =	vsel vm4, v23, v26;
	v26 =	vbroadcast v50, $0xF;
	v38 =	vbroadcast v48, $0xF  }
0x4c8: {  	v49 =	vld [tilespmem:s18+$0x2D50];
	v50 =	vunpack.i.u.bf16.f32 v63;
	v25 =	vsel vm5, v23, v25;
	v23 =	vunpack.i.l.bf16.f32 v63  }
0x4c9: {  	v19 =	vadd.f32 v50, v19;
	v37 =	vadd.f32 v23, v37;
	v23 =	vld [tilespmem:s18+$0x5550];
	v25 =	vsel vm6, v25, v38  }
0x4ca: {  	v55 =	vld [tilespmem:s18+$0x2D30];
	v54 =	vunpack.i.l.bf16.f32 v14;
	v51 =	vperm.xlane v33, v3;
	v26 =	vsel vm7, v25, v26  }
0x4cb: {  	v18 =	vadd.f32 v18, v27;
	v27 =	vld [tilespmem:s18+$0x5530];
	v19 =	vmul.f32 v52, v19;
	v26 =	vmul.f32 $1.442695020e+00, v26  }
0x4cc: {  	v17 =	vadd.f32 v17, v43;
	v42 =	vmul.f32 v54, v42;
	v37 =	vmul.f32 v37, v51;
	v25 =	vld [tilespmem:s18+$0x5540]  }
0x4cd: {  	v60 =	vunpack.i.l.bf16.f32 v53;
	v62 =	vld [tilespmem:s18+$0x2D60];
	v57 =	vunpack.i.u.bf16.f32 v49;
	[tilespmem:s2+$0xFFFFFFF0] =	vst v19;
	(erf) = vpow2.f32 v26  }
0x4ce: {  	v58 =	vadd.f32 v42, v56;
	v52 =	vld [tilespmem:s18+$0x2D90];
	v19 =	vunpack.i.l.bf16.f32 v49;
	[tilespmem:s2+$0xFFFFFFE0] =	vst v37;
	v26 =	vunpack.i.l.bf16.f32 v23  }
0x4cf: {  	v38 =	vunpack.i.u.bf16.f32 v55;
	v59 =	vld [tilespmem:s17+$0x0];
	v19 =	vmul.f32 v26, v19;
	v26 =	vmul.f32 v57, v40  }
0x4d0: {  	v63 =	vunpack.i.l.bf16.f32 v55;
	v38 =	vmul.f32 v38, v40;
	v48 =	vunpack.i.l.bf16.f32 v27  }
0x4d1: {  	s15 =	simm.s32 $0x270;
	(xrf2) =	vadd.scan.msk.f32 $0xffff, v17;
	v44 =	vmul.f32 v48, v63;
	v61 =	vunpack.i.l.bf16.f32 v25;
	v19 =	vadd.f32 v19, v26;
	v26 =	vld [tilespmem:s18+$0x5560]  }
0x4d2: {  	v53 =	vperm.xlane v33, v6;
	(xrf2) =	vadd.scan.msk.f32 $0xffff, v18;
	v54 =	vunpack.i.u.bf16.f32 v62;
	v63 =	vld [tilespmem:s15+$0x2D80];
	v37 =	vmul.f32 v61, v60  }
0x4d3: {  	v18 =	vld [tilespmem:s18+$0x5590];
	(xrf2) =	vadd.scan.msk.f32 $0xffff, v58;
	v51 =	vperm.xlane v33, v5;
	v38 =	vadd.f32 v44, v38;
	v58 =	vunpack.i.u.bf16.f32 v52  }
0x4d4: {  	v39 =	vunpack.i.l.bf16.f32 v52;
	v17 =	vadd.f32 v37, v41;
	v49 =	vunpack.i.l.bf16.f32 v59;
	(xrf2) =	vadd.scan.msk.f32 $0xffff, v19  }
0x4d5: {  	v61 =	vld [tilespmem:s15+$0x2DA0];
	v50 =	vunpack.i.u.bf16.f32 v59;
	v19 =	vunpack.i.l.bf16.f32 v62;
	v37 =	vadd.f32 v49, v16  }
0x4d6: {  	s5 =	simm.s32 $0x6B00;
	v41 =	vmul.f32 v54, v40;
	v15 =	vadd.f32 v50, v15;
	(xrf2) =	vadd.scan.msk.f32 $0xffff, v17;
	v17 =	vunpack.i.l.bf16.f32 v26;
	v16 =	vpop (erf)  }
0x4d7: {  	s6 =	simm.s32 $0xB40;
	v43 =	vunpack.i.l.bf16.f32 v63;
	v37 =	vmul.f32 v37, v51;
	v55 =	vmul.f32 v17, v19;
	[tilespmem:s5+$0x40] =	vst v16  }
0x4d8: {  	v59 =	vunpack.i.l.bf16.f32 v18;
	v62 =	vunpack.i.u.bf16.f32 v21;
	v15 =	vmul.f32 v53, v15;
	(xrf2) =	vadd.scan.msk.f32 $0xffff, v38;
	v56 =	vld [tilespmem:s6+$0xFFFFFFE0]  }
0x4d9: {  	v21 =	vld [tilespmem:s15+$0x55A0];
	v60 =	vmul.f32 v59, v39;
	v38 =	vmul.f32 v58, v40;
	[tilespmem:s2+$0x0] =	vst v37;
	v57 =	vadd.f32 v55, v41  }
0x4da: {  	v39 =	vunpack.i.u.bf16.f32 v63;
	v40 =	vunpack.i.u.bf16.f32 v32;
	v58 =	vunpack.i.u.bf16.f32 v61;
	[tilespmem:s2+$0x10] =	vst v15  }
0x4db: {  	v19 =	vperm.xlane v33, v7;
	v17 =	vunpack.i.u.bf16.f32 v22;
	v33 =	vperm.xlane v33, v8;
	v22 =	vld [tilespmem:s17+$0x10];
	v37, _, _ =	vpop (xrf2);
	(xrf2) =	vadd.scan.msk.f32 $0xffff, v57  }
0x4dc: {  	v34 =	vadd.f32 v60, v38;
	v51 =	vperm.xlane v16, v1;
	v47 =	vperm.xlane v16, v2;
	s17 =	simm.s32 $0x1760;
	v42, _, _ =	vpop (xrf2)  }
0x4dd: {  	v60 =	vunpack.i.l.bf16.f32 v61;
	v41 =	vunpack.i.u.bf16.f32 v24;
	v32 =	vld [tilespmem:s17+$0x0];
	v38, _, _ =	vpop (xrf2);
	v24 =	vunpack.i.l.bf16.f32 v56  }
0x4de: {  	v61 =	vunpack.i.l.bf16.f32 v21;
	v57 =	vld [tilespmem:s15+$0x2D70];
	v53, _, _ =	vpop (xrf2);
	(xrf2) =	vadd.scan.msk.f32 $0xffff, v34;
	v54 =	vunpack.i.u.bf16.f32 v56;
	v31 =	vadd.f32 v24, v31  }
0x4df: {  	v63 =	vmul.f32 v61, v60;
	v61 =	vperm.xlane v16, v3;
	v28 =	vadd.f32 v54, v28  }
0x4e0: {  	v42 =	vbroadcast v42, $0xF;
	v52 =	vunpack.i.u.bf16.f32 v22;
	v31 =	vmul.f32 v31, v51  }
0x4e1: {  	v24 =	vld [tilespmem:s15+$0x5580];
	v55 =	vadd.f32 v52, v62;
	v56, _, _ =	vpop (xrf2);
	v52 =	vbroadcast v53, $0xF;
	v28 =	vmul.f32 v47, v28  }
0x4e2: {  	v44 =	vmul.f32 v58, v32;
	v39 =	vmul.f32 v39, v32;
	v59, _, _ =	vpop (xrf2);
	[tilespmem:s5+$0xFFFFFFC0] =	vst v31  }
0x4e3: {  	v49 =	vunpack.i.u.bf16.f32 v57;
	v48 =	vmul.f32 v33, v55;
	v33 =	vbroadcast v59, $0xF;
	[tilespmem:s5+$0xFFFFFFD0] =	vst v28  }
0x4e4: {  	v34 =	vunpack.i.l.bf16.f32 v57;
	v57 =	vbroadcast v37, $0xF;
	v31 =	vbroadcast v56, $0xF;
	v54 =	vld [tilespmem:s6+$0xFFFFFFF0]  }
0x4e5: {  	v55 =	vbroadcast v38, $0xF;
	v28 =	vnsel vm0, $0x0, v33;
	v33 =	vadd.f32 v63, v44;
	v53, _, _ =	vpop (xrf2)  }
0x4e6: {  	v62 =	vunpack.i.l.bf16.f32 v24;
	v28 =	vsel vm1, v28, v31;
	v31 =	vbroadcast v53, $0xF  }
0x4e7: {  	v63 =	vld [tilespmem:s15+$0x2D40];
	v56 =	vmul.f32 v62, v43;
	v62 =	vperm.xlane v16, v4;
	v28 =	vsel vm2, v28, v52  }
0x4e8: {  	v52 =	vmul.f32 v49, v32;
	v53 =	vunpack.i.u.bf16.f32 v30;
	v58, _, _ =	vpop (xrf2);
	v31 =	vsel vm3, v28, v31;
	v28 =	vld [tilespmem:s15+$0x5570]  }
0x4e9: {  	v59 =	vld [tilespmem:s15+$0x2D50];
	v37 =	vbroadcast v58, $0xF;
	v31 =	vsel vm4, v31, v55;
	v60 =	vunpack.i.u.bf16.f32 v54  }
0x4ea: {  	(xrf2) =	vadd.scan.msk.f32 $0xffff, v33;
	v33 =	vld [tilespmem:s15+$0x5540];
	v42 =	vsel vm5, v31, v42;
	v31 =	vunpack.i.l.bf16.f32 v54;
	v40 =	vadd.f32 v60, v40  }
0x4eb: {  	v38 =	vadd.f32 v56, v39;
	v41 =	vadd.f32 v31, v41;
	v31 =	vld [tilespmem:s15+$0x5550];
	v37 =	vsel vm6, v42, v37  }
0x4ec: {  	v58 =	vunpack.i.l.bf16.f32 v63;
	v35 =	vsel vm7, v37, v57;
	v40 =	vmul.f32 v62, v40  }
0x4ed: {  	v47 =	vmul.f32 v41, v61;
	v50 =	vunpack.i.l.bf16.f32 v28;
	v35 =	vmul.f32 $1.442695020e+00, v35  }
0x4ee: {  	v51 =	vld [tilespmem:s15+$0x2D30];
	v55 =	vunpack.i.l.bf16.f32 v59;
	v54 =	vunpack.i.u.bf16.f32 v59;
	v34 =	vmul.f32 v50, v34;
	[tilespmem:s5+$0xFFFFFFF0] =	vst v40  }
0x4ef: {  	v30 =	vld [tilespmem:s15+$0x5530];
	(xrf2) =	vadd.scan.msk.f32 $0xffff, v38;
	v37 =	vmul.f32 v54, v32;
	[tilespmem:s5+$0xFFFFFFE0] =	vst v47;
	(erf) = vpow2.f32 v35  }
0x4f0: {  	v59 =	vunpack.i.l.bf16.f32 v33;
	v56 =	vunpack.i.l.bf16.f32 v31;
	v34 =	vadd.f32 v34, v52;
	v57 =	vld [tilespmem:s6+$0x0]  }
0x4f1: {  	v35 =	vunpack.i.u.bf16.f32 v29;
	v29 =	vunpack.i.u.bf16.f32 v63;
	v40 =	vmul.f32 v56, v55  }
0x4f2: {  	v60 =	vmul.f32 v59, v58;
	v29 =	vmul.f32 v29, v32;
	(xrf2) =	vadd.scan.msk.f32 $0xffff, v34  }
0x4f3: {  	[tilespmem:s0+$0x30] =	vst v36;
	v15 =	vperm.xlane v16, v7;
	v41 =	vld [tilespmem:s15+$0x2D60];
	v37 =	vadd.f32 v40, v37  }
0x4f4: {  	[tilespmem:s2+$0x30] =	vst v48;
	v62 =	vunpack.i.l.bf16.f32 v30;
	v61 =	vunpack.i.l.bf16.f32 v51;
	v42 =	vadd.f32 v60, v29;
	v29 =	vld [tilespmem:s15+$0x5560]  }
0x4f5: {  	s13 =	simm.s32 $0xB40;
	v36 =	vunpack.i.u.bf16.f32 v51;
	s28 =	rddreg [dreg:$0x15];
	v40 =	vmul.f32 v62, v61;
	v63 =	vunpack.i.l.bf16.f32 v57;
	(xrf2) =	vadd.scan.msk.f32 $0xffff, v37  }
0x4f6: {  	s12 =	simm.s32 $0x6B00;
	s18 =	simm.s32 $0xBC0;
	s20 =	sld [smem:$0x7FD];
	v34, _, _ =	vpop (xrf2);
	v39 =	vunpack.i.u.bf16.f32 v57;
	v37 =	vperm.xlane v16, v5;
	v38 =	vadd.f32 v63, v53  }
.LBB2_12:
0x4f7: {  	p0 =	sne.s32 s18, $0x4FC0;
	v36 =	vmul.f32 v36, v32;
	v43 =	vld [tilespmem:s15+$0x2D90];
	v44 =	vperm.xlane v16, v6;
	v35 =	vadd.f32 v39, v35  }
0x4f8: {  	s5 =	sadd.s32 $0x90, s5;
	v39 =	vunpack.i.u.bf16.f32 v41;
	v41 =	vunpack.i.l.bf16.f32 v41;
	v45 =	vld [tilespmem:s15+$0x5590];
	(xrf2) =	vadd.scan.msk.f32 $0xffff, v42;
	v42 =	vpop (erf);
	v37 =	vmul.f32 v38, v37  }
0x4f9: {  	v36 =	vadd.f32 v40, v36;
	v38 =	vunpack.i.l.bf16.f32 v29;
	v40, _, _ =	vpop (xrf2);
	[tilespmem:s5+$0x40] =	vst v42;
	v35 =	vmul.f32 v44, v35  }
0x4fa: {  	s6 =	sadd.s32 $0x40, s6;
	v22 =	vunpack.i.l.bf16.f32 v22;
	v39 =	vmul.f32 v39, v32;
	v41 =	vmul.f32 v38, v41;
	[tilespmem:s12+$0x0] =	vst v37  }
0x4fb: {  	(xrf2) =	vadd.scan.msk.f32 $0xffff, v36;
	v36 =	vld [tilespmem:s6+$0xFFFFFFE0];
	[tilespmem:s12+$0x10] =	vst v35;
	v35 =	vadd.f32 v22, v11;
	v11 =	vmovc v17;
	v17 =	vunpack.i.u.bf16.f32 v18  }
0x4fc: {  	v37 =	vadd.f32 v41, v39;
	v38, _, _ =	vpop (xrf2);
	v39 =	vperm.xlane v42, v7;
	v22 =	vld [tilespmem:s13+$0x10];
	v41 =	vmul.f32 v20, v12;
	s13 =	smov.u32 s6  }
0x4fd: {  	s15 =	sshra.s32 s18, $0x2;
	v46 =	vunpack.i.u.bf16.f32 v43;
	v43 =	vunpack.i.l.bf16.f32 v43;
	v44 =	vunpack.i.l.bf16.f32 v45;
	v18 =	vmovc v45;
	v20 =	vmovc v35  }
0x4fe: {  	v12 =	vmovc v19;
	v32 =	vmul.f32 v46, v32;
	v35 =	vld [tilespmem:s15+$0x2DA0];
	v43 =	vmul.f32 v44, v43;
	(xrf2) =	vadd.scan.msk.f32 $0xffff, v37;
	v37 =	vunpack.i.u.bf16.f32 v9  }
0x4ff: {  	v48 =	vunpack.i.u.bf16.f32 v27;
	v47 =	vunpack.i.u.bf16.f32 v26;
	v46 =	vunpack.i.u.bf16.f32 v23;
	v44 =	vld [tilespmem:s15+$0x55A0];
	v45, _, _ =	vpop (xrf2);
	[tilespmem:s0+$0x20] =	vst v41;
	s0 =	smov.u32 s2;
	s2 =	smov.u32 s12;
	s12 =	smov.u32 s5  }
0x500: {  	v25 =	vunpack.i.u.bf16.f32 v25;
	v19 =	vmovc v15;
	v15 =	vmovc v39;
	v26 =	vld [tilespmem:s15+$0x2D80];
	v23 =	vadd.f32 v43, v32;
	v27 =	vunpack.i.l.bf16.f32 v36  }
0x501: {  	v9 =	vmovc v10;
	v10 =	vmovc v21;
	v32 =	vperm.xlane v42, v1;
	v39 =	vld [tilespmem:s15+$0x5580];
	v27 =	vadd.f32 v27, v48;
	v41 =	vunpack.i.u.bf16.f32 v22  }
0x502: {  	v50 =	vperm.xlane v16, v8;
	v49 =	vunpack.i.u.bf16.f32 v36;
	v43 =	vld [tilespmem:s15+$0x2D70];
	v48, _, _ =	vpop (xrf2);
	(xrf2) =	vadd.scan.msk.f32 $0xffff, v23;
	v36 =	vadd.f32 v41, v37  }
0x503: {  	s17 =	sadd.s32 $0x10, s17;
	v16 =	vmovc v42;
	v51 =	vadd.f32 v49, v25;
	v37 =	vperm.xlane v42, v2;
	v52 =	vmul.f32 v27, v32  }
0x504: {  	v41 =	vunpack.i.u.bf16.f32 v35;
	v35 =	vunpack.i.l.bf16.f32 v35;
	v32 =	vld [tilespmem:s17+$0x0];
	v36 =	vmul.f32 v50, v36;
	v21 =	vmovc v44;
	v23 =	vmovc v31  }
0x505: {  	v37 =	vmul.f32 v37, v51;
	v31 =	vunpack.i.u.bf16.f32 v26;
	v42 =	vunpack.i.l.bf16.f32 v21;
	v44, _, _ =	vpop (xrf2);
	[tilespmem:s5+$0xFFFFFFC0] =	vst v52  }
0x506: {  	v25 =	vmovc v33;
	v49 =	vunpack.i.l.bf16.f32 v26;
	v27 =	vmovc v30;
	v50 =	vunpack.i.l.bf16.f32 v39;
	v44 =	vbroadcast v44, $0xF;
	[tilespmem:s2+$0x30] =	vst v36  }
0x507: {  	v33 =	vbroadcast v48, $0xF;
	v26 =	vmovc v29;
	v30 =	vunpack.i.u.bf16.f32 v43;
	v36 =	vunpack.i.l.bf16.f32 v43;
	[tilespmem:s5+$0xFFFFFFD0] =	vst v37  }
0x508: {  	v29 =	vmul.f32 v42, v35;
	v37 =	vbroadcast v45, $0xF;
	v35 =	vnsel vm0, $0x0, v44;
	v42, _, _ =	vpop (xrf2);
	v43 =	vld [tilespmem:s6+$0xFFFFFFF0]  }
0x509: {  	v41 =	vmul.f32 v41, v32;
	v33 =	vsel vm1, v35, v33;
	v45 =	vbroadcast v42, $0xF  }
0x50a: {  	v42 =	vmul.f32 v50, v49;
	v33 =	vsel vm2, v33, v37;
	v37 =	vbroadcast v38, $0xF  }
0x50b: {  	v44 =	vmul.f32 v31, v32;
	v38 =	vld [tilespmem:s15+$0x5570];
	v31 =	vsel vm3, v33, v45;
	v33 =	vbroadcast v40, $0xF  }
0x50c: {  	v34 =	vbroadcast v34, $0xF;
	v29 =	vadd.f32 v29, v41;
	v31 =	vsel vm4, v31, v37;
	v35, _, _ =	vpop (xrf2)  }
0x50d: {  	v33 =	vsel vm5, v31, v33;
	v35 =	vbroadcast v35, $0xF;
	v31 =	vunpack.i.l.bf16.f32 v43  }
0x50e: {  	v41 =	vperm.xlane v16, v3;
	v40 =	vunpack.i.u.bf16.f32 v43;
	v37 =	vld [tilespmem:s15+$0x2D50];
	v43 =	vadd.f32 v31, v46  }
0x50f: {  	v40 =	vadd.f32 v40, v47;
	v31 =	vld [tilespmem:s15+$0x5550];
	v33 =	vsel vm6, v33, v35;
	v35 =	vperm.xlane v16, v4  }
0x510: {  	v45 =	vld [tilespmem:s15+$0x2D40];
	v46 =	vunpack.i.l.bf16.f32 v38;
	(xrf2) =	vadd.scan.msk.f32 $0xffff, v29;
	v29 =	vsel vm7, v33, v34;
	v34 =	vmul.f32 v43, v41  }
0x511: {  	v41 =	vadd.f32 v42, v44;
	v33 =	vld [tilespmem:s15+$0x5540];
	v29 =	vmul.f32 $1.442695020e+00, v29;
	v35 =	vmul.f32 v35, v40  }
0x512: {  	v42 =	vmul.f32 v30, v32;
	v43 =	vunpack.i.u.bf16.f32 v14;
	v14 =	vmovc v28;
	v36 =	vmul.f32 v46, v36;
	v40 =	vld [tilespmem:s15+$0x2D30];
	[tilespmem:s5+$0xFFFFFFE0] =	vst v34  }
0x513: {  	v28 =	vmovc v38;
	v30 =	vld [tilespmem:s15+$0x5530];
	v34 =	vunpack.i.u.bf16.f32 v37;
	(xrf2) =	vadd.scan.msk.f32 $0xffff, v41;
	(erf) = vpow2.f32 v29;
	[tilespmem:s5+$0xFFFFFFF0] =	vst v35  }
0x514: {  	v29 =	vunpack.i.l.bf16.f32 v37;
	v36 =	vadd.f32 v36, v42;
	v35 =	vunpack.i.l.bf16.f32 v31;
	v37 =	vld [tilespmem:s6+$0x0]  }
0x515: {  	v34 =	vmul.f32 v34, v32;
	v29 =	vmul.f32 v35, v29;
	v35 =	vunpack.i.u.bf16.f32 v13;
	v13 =	vmovc v24;
	v24 =	vmovc v39  }
.Ltmp5:
0x516: {  	v38 =	vunpack.i.u.bf16.f32 v45;
	v39 =	vunpack.i.l.bf16.f32 v45;
	v41 =	vunpack.i.l.bf16.f32 v33;
	(xrf2) =	vadd.scan.msk.f32 $0xffff, v36;
	(pc) =	sbr.rel @p0 .LBB2_12-.Ltmp5, $4  }
0x517: {  	v38 =	vmul.f32 v38, v32;
	v39 =	vmul.f32 v41, v39;
	v44 =	vadd.f32 v29, v34;
	v41 =	vld [tilespmem:s15+$0x2D60]  }
0x518: {  	v36 =	vunpack.i.u.bf16.f32 v40;
	v40 =	vunpack.i.l.bf16.f32 v40;
	v42 =	vunpack.i.l.bf16.f32 v30;
	v29 =	vld [tilespmem:s15+$0x5560]  }
0x519: {  	v40 =	vmul.f32 v42, v40;
	v42 =	vadd.f32 v39, v38;
	(xrf2) =	vadd.scan.msk.f32 $0xffff, v44;
	v38 =	vunpack.i.l.bf16.f32 v37  }
0x51a: {  	s18 =	sadd.s32 $0x200, s18;
	v39 =	vunpack.i.u.bf16.f32 v37;
	v37 =	vperm.xlane v16, v5;
	v34, _, _ =	vpop (xrf2);
	v38 =	vadd.f32 v38, v43  }
0x51b: {  	v43 =	vld [tilespmem:s15+$0x2D90]  }
0x51c: {  	v44 =	vmul.f32 v36, v32;
	v36 =	vld [tilespmem:s15+$0x5590]  }
0x51d: {  	v45 =	vunpack.i.u.bf16.f32 v41;
	v62 =	vunpack.i.l.bf16.f32 v41;
	v46 =	vunpack.i.l.bf16.f32 v29  }
0x51e: {  	v40 =	vadd.f32 v40, v44;
	v63 =	vmul.f32 v45, v32;
	v41 =	vmul.f32 v46, v62  }
0x51f: {  	(xrf2) =	vadd.scan.msk.f32 $0xffff, v42  }
0x520: {  	(xrf2) =	vadd.scan.msk.f32 $0xffff, v40;
	v45 =	vadd.f32 v41, v63  }
0x521: {  	v46 =	vunpack.i.u.bf16.f32 v43;
	v47 =	vunpack.i.l.bf16.f32 v43;
	v48 =	vunpack.i.l.bf16.f32 v36  }
0x522: {  	v42 =	vmul.f32 v48, v47;
	v49 =	vmul.f32 v46, v32  }
0x523: {  	(xrf2) =	vadd.scan.msk.f32 $0xffff, v45  }
0x524: {  	v32 =	vadd.f32 v42, v49;
	_ =	sdelay $0x1  }
0x525: {  	v50, _, _ =	vpop (xrf2);
	(xrf2) =	vadd.scan.msk.f32 $0xffff, v32  }
0x526: {  	v51, _, _ =	vpop (xrf2)  }
0x527: {  	v52, _, _ =	vpop (xrf2)  }
0x528: {  	v53, _, _ =	vpop (xrf2)  }
0x529: {  	v54, _, _ =	vpop (xrf2)  }
0x52a: {  	v43 =	vbroadcast v54, $0xF  }
0x52b: {  	v42 =	vbroadcast v53, $0xF  }
0x52c: {  	v41 =	vbroadcast v52, $0xF;
	v43 =	vnsel vm0, $0x0, v43;
	v55, _, _ =	vpop (xrf2)  }
0x52d: {  	v42 =	vsel vm1, v43, v42;
	v56 =	vbroadcast v55, $0xF  }
0x52e: {  	v32 =	vbroadcast v51, $0xF;
	v41 =	vsel vm2, v42, v41  }
0x52f: {  	v40 =	vbroadcast v50, $0xF;
	v41 =	vsel vm3, v41, v56;
	v57, _, _ =	vpop (xrf2)  }
0x530: {  	v32 =	vsel vm4, v41, v32;
	v58 =	vbroadcast v57, $0xF  }
0x531: {  	v34 =	vbroadcast v34, $0xF;
	v32 =	vsel vm5, v32, v40  }
0x532: {  	v32 =	vsel vm6, v32, v58  }
0x533: {  	v32 =	vsel vm7, v32, v34  }
0x534: {  	v32 =	vmul.f32 $1.442695020e+00, v32;
	_ =	sdelay $0x1  }
0x535: {  	(erf) = vpow2.f32 v32;
	_ =	sdelay $0x5  }
0x536: {  	s5 =	sadd.s32 $0x90, s5;
	v32 =	vpop (erf)  }
0x537: {  	s17 =	sadd.s32 $0x40, s6;
	[tilespmem:s5+$0x40] =	vst v32  }
0x538: {  	v59 =	vld [tilespmem:s17+$0xFFFFFFE0]  }
0x539: {  	s6 =	sadd.s32 $0x90, s5;
	v40 =	vpop (erf)  }
0x53a: {  	s18 =	sadd.s32 $0x40, s17;
	[tilespmem:s6+$0x40] =	vst v40  }
0x53b: {  	v60 =	vld [tilespmem:s18+$0xFFFFFFE0]  }
0x53c: {  	v27 =	vunpack.i.u.bf16.f32 v27  }
0x53d: {  	v25 =	vunpack.i.u.bf16.f32 v25;
	v30 =	vunpack.i.u.bf16.f32 v30;
	v61 =	vunpack.i.l.bf16.f32 v59  }
0x53e: {  	v62 =	vperm.xlane v32, v1;
	v34 =	vunpack.i.u.bf16.f32 v59;
	v27 =	vadd.f32 v61, v27  }
0x53f: {  	v33 =	vunpack.i.u.bf16.f32 v33;
	v63 =	vperm.xlane v32, v2;
	v25 =	vadd.f32 v34, v25  }
0x540: {  	v45 =	vperm.xlane v40, v1;
	v27 =	vmul.f32 v27, v62;
	v44 =	vunpack.i.l.bf16.f32 v60  }
0x541: {  	v25 =	vmul.f32 v63, v25;
	v46 =	vunpack.i.u.bf16.f32 v60;
	v30 =	vadd.f32 v44, v30  }
0x542: {  	v47 =	vperm.xlane v40, v2;
	[tilespmem:s5+$0xFFFFFFC0] =	vst v27;
	v33 =	vadd.f32 v46, v33  }
0x543: {  	[tilespmem:s5+$0xFFFFFFD0] =	vst v25;
	v27 =	vmul.f32 v30, v45  }
0x544: {  	v48 =	vld [tilespmem:s17+$0xFFFFFFF0];
	v25 =	vmul.f32 v47, v33  }
0x545: {  	[tilespmem:s6+$0xFFFFFFC0] =	vst v27  }
0x546: {  	[tilespmem:s6+$0xFFFFFFD0] =	vst v25  }
0x547: {  	v50 =	vld [tilespmem:s18+$0xFFFFFFF0]  }
0x548: {  	v23 =	vunpack.i.u.bf16.f32 v23  }
0x549: {  	v49 =	vunpack.i.u.bf16.f32 v26;
	v55 =	vunpack.i.u.bf16.f32 v31;
	v51 =	vunpack.i.l.bf16.f32 v48  }
0x54a: {  	v53 =	vperm.xlane v32, v3;
	v52 =	vunpack.i.u.bf16.f32 v48;
	v23 =	vadd.f32 v51, v23  }
0x54b: {  	v56 =	vunpack.i.u.bf16.f32 v29;
	v54 =	vperm.xlane v32, v4;
	v25 =	vadd.f32 v52, v49  }
0x54c: {  	v59 =	vperm.xlane v40, v3;
	v23 =	vmul.f32 v23, v53;
	v57 =	vunpack.i.l.bf16.f32 v50  }
0x54d: {  	v25 =	vmul.f32 v54, v25;
	v58 =	vunpack.i.u.bf16.f32 v50;
	v27 =	vadd.f32 v57, v55  }
0x54e: {  	v60 =	vperm.xlane v40, v4;
	[tilespmem:s5+$0xFFFFFFE0] =	vst v23;
	v23 =	vadd.f32 v58, v56  }
0x54f: {  	[tilespmem:s5+$0xFFFFFFF0] =	vst v25;
	v26 =	vmul.f32 v27, v59  }
0x550: {  	v61 =	vld [tilespmem:s17+$0x0];
	v23 =	vmul.f32 v60, v23  }
0x551: {  	[tilespmem:s6+$0xFFFFFFE0] =	vst v26  }
0x552: {  	[tilespmem:s6+$0xFFFFFFF0] =	vst v23  }
0x553: {  	v14 =	vunpack.i.u.bf16.f32 v14;
	v13 =	vunpack.i.u.bf16.f32 v13;
	v63 =	vld [tilespmem:s18+$0x0]  }
0x554: {  	v24 =	vunpack.i.u.bf16.f32 v24;
	v41 =	vunpack.i.u.bf16.f32 v28;
	v62 =	vperm.xlane v16, v6  }
0x555: {  	v33 =	vadd.f32 v39, v35;
	v35 =	vmul.f32 v38, v37;
	v34 =	vunpack.i.l.bf16.f32 v61  }
0x556: {  	v37 =	vperm.xlane v32, v5;
	v38 =	vunpack.i.u.bf16.f32 v61;
	v14 =	vadd.f32 v34, v14  }
0x557: {  	v39 =	vperm.xlane v32, v6;
	v23 =	vmul.f32 v62, v33;
	v13 =	vadd.f32 v38, v13  }
0x558: {  	v44 =	vperm.xlane v40, v5;
	[tilespmem:s12+$0x0] =	vst v35;
	v14 =	vmul.f32 v14, v37;
	v42 =	vunpack.i.l.bf16.f32 v63  }
0x559: {  	[tilespmem:s12+$0x10] =	vst v23;
	v13 =	vmul.f32 v39, v13;
	v25 =	vunpack.i.u.bf16.f32 v63;
	v23 =	vadd.f32 v42, v41  }
0x55a: {  	v45 =	vperm.xlane v40, v6;
	v43 =	vld [tilespmem:s13+$0x10];
	[tilespmem:s5+$0x0] =	vst v14;
	v24 =	vadd.f32 v25, v24  }
0x55b: {  	[tilespmem:s5+$0x10] =	vst v13;
	v46 =	vmul.f32 v23, v44  }
0x55c: {  	v48 =	vld [tilespmem:s17+$0x10];
	v47 =	vmul.f32 v45, v24  }
0x55d: {  	v9 =	vunpack.i.u.bf16.f32 v9;
	v18 =	vunpack.i.u.bf16.f32 v18;
	v12 =	vmul.f32 v20, v12;
	[tilespmem:s6+$0x0] =	vst v46  }
0x55e: {  	v10 =	vunpack.i.u.bf16.f32 v10;
	v49 =	vunpack.i.l.bf16.f32 v22;
	v51 =	vperm.xlane v16, v8;
	[tilespmem:s6+$0x10] =	vst v47  }
0x55f: {  	v52 =	vperm.xlane v32, v7;
	v11 =	vadd.f32 v49, v11;
	v50 =	vunpack.i.u.bf16.f32 v43;
	v13 =	vld [tilespmem:s18+$0x10]  }
0x560: {  	v54 =	vunpack.i.u.bf16.f32 v36;
	v53 =	vunpack.i.l.bf16.f32 v43;
	v9 =	vadd.f32 v50, v9  }
0x561: {  	v11 =	vmul.f32 v11, v19;
	v16 =	vadd.f32 v53, v17;
	v55 =	vunpack.i.u.bf16.f32 v48  }
0x562: {  	[tilespmem:s0+$0x20] =	vst v12;
	v56 =	vperm.xlane v32, v8;
	v9 =	vmul.f32 v51, v9;
	v10 =	vadd.f32 v55, v10  }
0x563: {  	[tilespmem:s2+$0x20] =	vst v11;
	v58 =	vunpack.i.u.bf16.f32 v21;
	v57 =	vunpack.i.l.bf16.f32 v48;
	v11 =	vmul.f32 v16, v15  }
0x564: {  	[tilespmem:s12+$0x30] =	vst v9;
	v9 =	vmul.f32 v56, v10;
	v10 =	vadd.f32 v57, v18;
	v59 =	vunpack.i.u.bf16.f32 v13  }
0x565: {  	v60 =	vperm.xlane v40, v8;
	[tilespmem:s12+$0x20] =	vst v11;
	v62 =	vunpack.i.l.bf16.f32 v13;
	v61 =	vadd.f32 v59, v58  }
0x566: {  	v11 =	vperm.xlane v40, v7;
	[tilespmem:s5+$0x30] =	vst v9;
	v9 =	vmul.f32 v10, v52;
	v12 =	vadd.f32 v62, v54  }
0x567: {  	v63 =	vmul.f32 v60, v61  }
0x568: {  	[tilespmem:s5+$0x20] =	vst v9;
	v10 =	vmul.f32 v12, v11  }
0x569: {  	[tilespmem:s6+$0x30] =	vst v63  }
0x56a: {  	s17 =	rddreg [dreg:$0x2];
	s18 =	simm.s32 $0x69A0;
	[tilespmem:s6+$0x20] =	vst v10  }
0x56b: {  	[spmem:s17] =	stream.indirect.scatter.add.f32 [tilespmem:s18], [sflag:$0xD], $0x90, s16, s29, $0xb8;
	[tilespmem:$0x1DFB0] =	vst v63  }
0x56c: {  	_ =	swait.ge [sflag:s19], $0x1680  }
0x56d: {  	[sflag:s19] =	ssyncset.done $0x0  }
0x56e: {  	[sflag:s19] =	ssyncadd.s32 $0xFFFFE980  }
0x56f: {  	s2 =	stileid.u32;
	[bflag:$0x0] =	sbarrier.arrive $0xFFFF  }
0x570: {  	s0 =	sshll.u32 s2, $0x6;
	s15 =	rddreg [dreg:$0x14]  }
0x571: {  	s0 =	sor.u32 $0x1C0D, s0;
	s6 =	rddreg [dreg:$0x4];
	s5 =	sshrl.u32 s15, $0x3  }
0x572: {  	[hbm:s6], [sflag:s0] =	dma.local [spmem:s5], $0x2D0  }
0x573: {  	_ =	swait.ge [sflag:s19], $0x2D0  }
0x574: {  	[sflag:s19] =	ssyncset.done $0x0  }
0x575: {  	s12 =	sshrl.u32 s28, $0x3;
	s13 =	rddreg [dreg:$0x5];
	[sflag:s19] =	ssyncadd.s32 $0xFFFFFD30  }
0x576: {  	[hbm:s13], [sflag:s0] =	dma.local [spmem:s12], $0x2D0  }
0x577: {  	_ =	swait.ge [sflag:s19], $0x2D0  }
0x578: {  	[sflag:s19] =	ssyncset.done $0x0;
	s17 =	rddreg [dreg:$0x16]  }
0x579: {  	s18 =	rddreg [dreg:$0x6];
	[sflag:s19] =	ssyncadd.s32 $0xFFFFFD30;
	s2 =	sshrl.u32 s17, $0x3  }
0x57a: {  	[hbm:s18], [sflag:s0] =	dma.local [spmem:s2], $0x2D0  }
0x57b: {  	_ =	swait.ge [sflag:s19], $0x2D0  }
0x57c: {  	[sflag:s19] =	ssyncset.done $0x0;
	s5 =	rddreg [dreg:$0x17]  }
0x57d: {  	s6 =	rddreg [dreg:$0x7];
	[sflag:s19] =	ssyncadd.s32 $0xFFFFFD30;
	s2 =	sshrl.u32 s5, $0x3  }
0x57e: {  	[hbm:s6], [sflag:s0] =	dma.local [spmem:s2], $0x2D0  }
0x57f: {  	_ =	swait.ge [sflag:s19], $0x2D0  }
0x580: {  	[sflag:s19] =	ssyncset.done $0x0;
	s12 =	rddreg [dreg:$0x18]  }
0x581: {  	s13 =	rddreg [dreg:$0x8];
	[sflag:s19] =	ssyncadd.s32 $0xFFFFFD30;
	s2 =	sshrl.u32 s12, $0x3  }
0x582: {  	[hbm:s13], [sflag:s0] =	dma.local [spmem:s2], $0x2D0  }
0x583: {  	_ =	swait.ge [sflag:s19], $0x2D0  }
0x584: {  	[sflag:s19] =	ssyncset.done $0x0;
	s17 =	rddreg [dreg:$0x19]  }
0x585: {  	s18 =	rddreg [dreg:$0x9];
	[sflag:s19] =	ssyncadd.s32 $0xFFFFFD30;
	s2 =	sshrl.u32 s17, $0x3  }
0x586: {  	[hbm:s18], [sflag:s0] =	dma.local [spmem:s2], $0x2D0  }
0x587: {  	_ =	swait.ge [sflag:s19], $0x2D0  }
0x588: {  	[sflag:s19] =	ssyncset.done $0x0;
	s5 =	rddreg [dreg:$0x1a]  }
0x589: {  	s6 =	rddreg [dreg:$0xa];
	[sflag:s19] =	ssyncadd.s32 $0xFFFFFD30;
	s2 =	sshrl.u32 s5, $0x3  }
0x58a: {  	[hbm:s6], [sflag:s0] =	dma.local [spmem:s2], $0x2D0  }
0x58b: {  	_ =	swait.ge [sflag:s19], $0x2D0  }
0x58c: {  	[sflag:s19] =	ssyncset.done $0x0;
	s12 =	rddreg [dreg:$0x1b]  }
0x58d: {  	s13 =	rddreg [dreg:$0xb];
	[sflag:s19] =	ssyncadd.s32 $0xFFFFFD30;
	s2 =	sshrl.u32 s12, $0x3  }
0x58e: {  	[hbm:s13], [sflag:s0] =	dma.local [spmem:s2], $0x2D0  }
0x58f: {  	_ =	swait.ge [sflag:s19], $0x2D0  }
0x590: {  	[sflag:s19] =	ssyncset.done $0x0;
	s12 =	rddreg [dreg:$0x1c]  }
0x591: {  	s18 =	rddreg [dreg:$0xc];
	[sflag:s19] =	ssyncadd.s32 $0xFFFFFD30;
	s17 =	sshrl.u32 s12, $0x3  }
0x592: {  	[hbm:s18], [sflag:s0] =	dma.local [spmem:s17], $0x2D0  }
0x593: {  	_ =	swait.ge [sflag:s19], $0x2D0  }
0x594: {  	[sflag:s19] =	ssyncset.done $0x0;
	s13 =	rddreg [dreg:$0x1d]  }
0x595: {  	s6 =	rddreg [dreg:$0xd];
	[sflag:s19] =	ssyncadd.s32 $0xFFFFFD30;
	s5 =	sshrl.u32 s13, $0x3  }
0x596: {  	[hbm:s6], [sflag:s0] =	dma.local [spmem:s5], $0x2D0  }
0x597: {  	_ =	swait.ge [sflag:s19], $0x2D0  }
0x598: {  	[sflag:s19] =	ssyncset.done $0x0;
	s17 =	rddreg [dreg:$0x1e]  }
0x599: {  	s18 =	rddreg [dreg:$0xe];
	[sflag:s19] =	ssyncadd.s32 $0xFFFFFD30;
	s2 =	sshrl.u32 s17, $0x3  }
0x59a: {  	[hbm:s18], [sflag:s0] =	dma.local [spmem:s2], $0x2D0  }
0x59b: {  	_ =	swait.ge [sflag:s19], $0x2D0  }
0x59c: {  	[sflag:s19] =	ssyncset.done $0x0;
	s17 =	rddreg [dreg:$0x1f]  }
0x59d: {  	s18 =	rddreg [dreg:$0xf];
	[sflag:s19] =	ssyncadd.s32 $0xFFFFFD30;
	s6 =	sshrl.u32 s17, $0x3  }
0x59e: {  	[hbm:s18], [sflag:s0] =	dma.local [spmem:s6], $0x2D0  }
0x59f: {  	_ =	swait.ge [sflag:s19], $0x2D0  }
0x5a0: {  	s18 =	sld [smem:$0x7FC];
	_ =	sdelay $0x1  }
0x5a1: {  	[sflag:s19] =	ssyncset.done $0x0  }
0x5a2: {  	s6 =	rddreg [dreg:$0x10];
	[sflag:s19] =	ssyncadd.s32 $0xFFFFFD30;
	s5 =	sshrl.u32 s18, $0x3  }
0x5a3: {  	[hbm:s6], [sflag:s0] =	dma.local [spmem:s5], $0x2D0  }
0x5a4: {  	_ =	swait.ge [sflag:s19], $0x2D0  }
0x5a5: {  	s5 =	sld [smem:$0x7EF];
	_ =	sdelay $0x1  }
0x5a6: {  	[sflag:s19] =	ssyncset.done $0x0  }
0x5a7: {  	s6 =	rddreg [dreg:$0x11];
	[sflag:s19] =	ssyncadd.s32 $0xFFFFFD30;
	s2 =	sshrl.u32 s5, $0x3  }
0x5a8: {  	[hbm:s6], [sflag:s0] =	dma.local [spmem:s2], $0x2D0  }
0x5a9: {  	_ =	swait.ge [sflag:s19], $0x2D0  }
0x5aa: {  	[sflag:s19] =	ssyncset.done $0x0  }
0x5ab: {  	s5 =	sshrl.u32 s20, $0x3;
	s6 =	rddreg [dreg:$0x12];
	[sflag:s19] =	ssyncadd.s32 $0xFFFFFD30  }
0x5ac: {  	[hbm:s6], [sflag:s0] =	dma.local [spmem:s5], $0x2D0  }
0x5ad: {  	_ =	swait.ge [sflag:s19], $0x2D0  }
0x5ae: {  	s5 =	sld [smem:$0x7F0];
	_ =	sdelay $0x1  }
0x5af: {  	[sflag:s19] =	ssyncset.done $0x0  }
0x5b0: {  	s6 =	rddreg [dreg:$0x13];
	[sflag:s19] =	ssyncadd.s32 $0xFFFFFD30;
	s2 =	sshrl.u32 s5, $0x3  }
0x5b1: {  	[hbm:s6], [sflag:s0] =	dma.local [spmem:s2], $0x1C2  }
0x5b2: {  	_ =	swait.ge [sflag:s19], $0x1C2  }
0x5b3: {  	s5 =	sld [smem:$0x7EE]  }
0x5b4: {  	s6 =	sld [smem:$0x7FB];
	_ =	sdelay $0x1  }
0x5b5: {  	s2 =	sadd.s32 $0x1, s5  }
0x5b6: {  	p0 =	sne.s32 s2, s6  }
.Ltmp6:
0x5b7: {  	_ = 	snop;
	(pc) =	sbr.rel @p0 .LBB2_1-.Ltmp6, $3  }
0x5b8: {  	_ =	sdelay $0x1  }
0x5b9: {  	[sflag:s19] =	ssyncset.done $0x0  }
0x5ba: {  	[sflag:s19] =	ssyncadd.s32 $0xFFFFFE3E  }
0x5bb: {  	_ =	sfence.sel $0x180000  }
0x5bc: {  	[bflag:$0x0] =	sbarrier.arrive $0xFFFF  }
0x5bd: {  	_ =	strace $0x9000004A  }
0x5be: {  	s0 =	stileid.u32;
	[bflag:$0x2] =	sbarrier.arrive $0xFFFF  }
0x5bf: {  	p0 =	sne.s32 s0, $0x0;
	s0 =	rddreg [dreg:$0x3]  }
0x5c0: {  	s0 =	sadd.s32 @!p0 $0x100000, s0  }
0x5c1: {  	[sflag:s0] =	ssyncadd.tile.s32 @!p0 $0x1;
	_ =	shalt  }
.Lfunc_end2:
_tile_overlayer_lowered:
.L_overlay_start_2:
0x5c2: {  	(tag) =	ssettag $0x2  }
0x5c3: {  	s0 =	rddreg [dreg:$0x0];
	s2 =	stileid.u32  }
0x5c4: {  	s1 =	rddreg [dreg:$0x1];
	p0 =	sne.s32 s2, $0x0  }
0x5c5: {  	s3 =	rddreg [dreg:$0x2];
	[bflag:$0x3] =	sbarrier.arrive $0xFFFF;
	s2 =	simm.s32 @!p0 $0x1C0D  }
0x5c6: {  	[timem:s3], [sflag:s2] =	dma.local @!p0 [hbm:s0], s1  }
0x5c7: {  	s0 =	simm.s32 @!p0 $0xD  }
0x5c8: {  	_ =	swait.ge @!p0 [sflag:s0], s1  }
0x5c9: {  	s1 =	ssub.s32 @!p0 $0x0, s1;
	[sflag:s0] =	ssyncset.done @!p0 $0x0  }
0x5ca: {  	[sflag:s0] =	ssyncadd.s32 @!p0 s1  }
0x5cb: {  	[bflag:$0x3] =	sbarrier.arrive $0xFFFF  }
0x5cc: {  	_ =	shalt  }

// kernel: sparse-core-data-format-call.cloned.1.call-start
scs
called_computation_lowered:
.L_overlay_start_0:
0x0: {  	s1 =	sld [smem:$0x3FD9]  }
0x1: {  	s2 =	sld [smem:$0x3FFE];
	_ =	sdelay $0x1  }
0x2: {  	s3 =	srdreg.scid  }
0x3: {  	s0 =	sand.u32 $0x1, s3  }
0x4: {  	s17 =	sshll.u32 s0, $0xA;
	s1 =	sadd.s32 s2, s1  }
0x5: {  	s1 =	sadd.s32 s1, s17  }
0x6: {  	[smem:$0x3FBA] =	sst s1  }
0x7: {  	_ = 	snop  }
0x8: {  	(tm) =	ssettm $0x1  }
0x9: {  	s18 =	sld [smem:$0x3FFB];
	_ =	sdelay $0x3  }
0xa: {  	_ =	strace s18  }
0xb: {  	s1 =	sld [smem:$0x3FFC];
	_ =	sdelay $0x3  }
0xc: {  	_ =	strace s1  }
0xd: {  	s1 =	sld [smem:$0x3FFD];
	_ =	sdelay $0x3  }
0xe: {  	_ =	strace s1  }
0xf: {  	_ =	strace $0x8FFFFFFF  }
0x10: {  	s19 =	sld [smem:$0x3FDB];
	_ =	sdelay $0x1  }
0x11: {  	s20 =	simm.s32 $_scs_section_size  }
0x12: {  	s4 =	simm.s32 $_size__tile_overlayer_lowered;
	s5 =	simm.s32 $_tile_overlayer_lowered  }
0x13: {  	s23 =	simm.s32 $0x1BFF;
	s22 =	sshll.u32 s5, $0x1;
	s1 =	sadd.s32 s20, s19  }
0x14: {  	s6 =	simm.s32 $0x0;
	s21 =	sshll.u32 s4, $0x1;
	s4 =	sadd.s32 s22, s1  }
0x15: {  	[timem:s6], [sflag:s23] =	dma.local [hbm:s4], s21  }
0x16: {  	_ =	swait.ge [sflag:s23], s21  }
0x17: {  	s2 =	ssub.s32 $0x0, s21;
	[sflag:s23] =	ssyncset.done $0x0  }
0x18: {  	[sflag:s23] =	ssyncadd.s32 s2;
	_ =	sdelay $0x1  }
0x19: {  	s24 =	simm.s32 $0x1B8B  }
0x1a: {  	_ =	swait.ge [sflag:s24], $0x1  }
0x1b: {  	[sflag:s24] =	ssyncset.done $0x0  }
0x1c: {  	s26 =	simm.s32 $0x1B8E;
	s25 =	sld [smem:$0x3FFE];
	[sflag:s24] =	ssyncadd.s32 $0xFFFFFFFF  }
0x1d: {  	s27 =	simm.s32 $execute0_lowered;
	[smem:$0x3FD2] =	sst s26  }
0x1e: {  	s4 =	sshll.u32 s27, $0x1;
	_ =	strace $0x80000046;
	[dreg:$0x1] =	wrdreg $0xFFFFFFFF  }
0x1f: {  	s28 =	simm.s32 $_size_execute0_lowered;
	s1 =	sadd.s32 s1, s4;
	[dreg:$0x0] =	wrdreg $0x0  }
0x20: {  	s4 =	sshll.u32 s28, $0x1;
	[dreg:$0x2] =	wrdreg s1  }
0x21: {  	[dreg:$0x3] =	wrdreg s4  }
0x22: {  	[dreg:$0x4] =	wrdreg $0xC0  }
0x23: {  	_ =	task [dreg:s6], $0x5FFFF  }
0x24: {  	[dreg:$0x1] =	wrdreg $0xFFFFFFFF  }
0x25: {  	[dreg:$0x0] =	wrdreg $0x60  }
0x26: {  	[dreg:$0x2] =	wrdreg s25  }
0x27: {  	[dreg:$0x3] =	wrdreg $0x9  }
0x28: {  	_ =	task.clear_ibuf [dreg:s6], $0x4FFFF;
	_ =	strace $0x90000046  }
0x29: {  	s29 =	simm.s32 $0x9;
	_ =	strace $0x80000048  }
0x2a: {  	_ =	swait.ge [sflag:s29], $0x1  }
0x2b: {  	[sflag:s29] =	ssyncadd.s32 $0xFFFFFFFF  }
0x2c: {  	_ =	strace $0x90000048  }
0x2d: {  	_ =	sfence  }
0x2e: {  	s30 =	sld [smem:$0x0];
	_ =	sdelay $0x2  }
0x2f: {  	s31 =	sshll.u32 s3, $0xD;
	s3 =	sshrl.u32 s3, $0x2  }
0x30: {  	s2 =	sand.u32 $0x4000, s31;
	s1 =	sadd.s32 s3, s30  }
0x31: {  	s0 =	sor.u32 s2, s0;
	s1 =	sshll.u32 s1, $0x11  }
0x32: {  	s0 =	sor.u32 s1, s0  }
0x33: {  	s0 =	sadd.s32 $0x8F2B, s0  }
0x34: {  	[sflag:s0] =	ssyncadd.remote.s32 $0x1  }
0x35: {  	_ =	sfence.sel $0xFFFF  }
0x36: {  	[dreg:$0x0] =	wrdreg $0xFFFFFFFF;
	(pc) =	sbr.abs _section_cstart, $3  }
0x37: {  	[dreg:$0x1] =	wrdreg $0xFFFFFFFF  }
0x38: {  	_ =	task.clear_ibuf [dreg:s6], $0x2FFFF;
	_ =	strace $0x9FFFFFFF  }
0x39: {  	(tm) =	ssettm $0x7FFFFFFF  }
tec
execute0_lowered:
.L_overlay_start_1:
0x0: {  	(tag) =	ssettag $0x1  }
0x1: {  	s0 =	srdreg.scid  }
0x2: {  	s1 =	sshll.u32 s0, $0x4  }
0x3: {  	s4 =	rddreg [dreg:$0x0];
	s0 =	stileid.u32;
	s1 =	sand.u32 $0x10, s1  }
0x4: {  	s7 =	simm.s32 $0x1;
	s8 =	simm.s32 $0x2;
	s2 =	sor.u32 s0, s1  }
0x5: {  	s9 =	simm.s32 $0x0;
	s12 =	simm.s32 $0x0;
	s2 =	sshll.u32 s2, $0x4  }
0x6: {  	s11 =	simm.s32 $0x0;
	s3 =	sadd.s32 $0x4E4E00, s4;
	s6 =	ssub.s32 $0x4E20, s2  }
.Ltmp0:
0x7: {  	s4 =	sadd.s32 $0x755E00, s4;
	s5 =	sand.u32 $0x1F0, s6;
	(pc) =	sbr.rel .LBB1_1-.Ltmp0, $4  }
0x8: {  	s1 =	rddreg [dreg:$0x1];
	_ =	strace $0x80000047;
	p0 =	sne.s32 s5, $0x0  }
0x9: {  	s6 =	sshrl.u32 s6, $0x9;
	s5 =	simm.s32 $0x1;
	s7 =	simm.s32 @!p0 $0x0  }
0xa: {  	s10 =	smov.u32 s2;
	[sflag:s5] =	ssyncpa.u1 $0x0;
	s6 =	sadd.s32 s7, s6  }
0xb: {  	[sflag:s8] =	ssyncpa.u1 $0x0;
	s8 =	simm.s32 $0x0;
	s7 =	sadd.s32 $0x1, s6  }
.LBB1_7:
0xc: {  	s14 =	sadd.s32 $0x200, s10  }
0xd: {  	p1 =	sgt.s32 s14, $0x4E1F  }
0xe: {  	s14 =	smov.u32 @p1 s2;
	p1 =	sne.s32 s11, s7  }
.Ltmp1:
0xf: {  	p0 =	slt.u32 s11, $0x2;
	(pc) =	sbr.rel @!p1 .LBB1_8-.Ltmp1, $4  }
0x10: {  	s13 =	simm.s32 @!p0 $0x2  }
0x11: {  	s15 =	sadd.s32 $0x1, s11;
	_ =	swait.ge @!p0 [sflag:s13], $0x4000  }
0x12: {  	s12 =	smov.u32 s10;
	s9 =	sadd.s32 $0x8000, s9;
	[sflag:s13] =	ssyncset.done @!p0 $0x0  }
0x13: {  	s11 =	smov.u32 s15;
	s10 =	smov.u32 s14;
	[sflag:s13] =	ssyncadd.s32 @!p0 $0xFFFFC000  }
.LBB1_1:
0x14: {  	p0 =	sge.u32 s11, s6  }
0x15: {  	s13 =	sxor.u32 @!p0 $0xFFFFFFFF, s11  }
0x16: {  	s31 =	sadd.s32 $0xFFFFFFFF, s11;
	s14 =	sshll.u32 @!p0 s10, $0x7;
	s13 =	sshll.u32 @!p0 s13, $0xE  }
0x17: {  	s15 =	simm.s32 @!p0 $0x0;
	s14 =	sadd.s32 @!p0 s3, s14;
	s13 =	sand.u32 @!p0 $0x4000, s13  }
0x18: {  	[tilespmem:s13], [sflag:$0x1] =	stream.linear.gather @!p0 [hbm4b:s14+s15], $0x4000, $0x38;
	[tilespmem:$0x10000] =	vst v63  }
0x19: {  	p0 =	sge.u32 s31, s6  }
.Ltmp2:
0x1a: {  	_ = 	snop;
	(pc) =	sbr.rel @p0 .LBB1_7-.Ltmp2, $1  }
0x1b: {  	_ =	sdelay $0x3  }
0x1c: {  	s13 =	sshrl.u32 s9, $0x1;
	_ =	swait.ge [sflag:s5], $0x4000  }
0x1d: {  	s15 =	sshll.u32 s11, $0xE;
	s16 =	simm.s32 $0x0;
	s14 =	sand.u32 $0x4000, s13  }
0x1e: {  	[sflag:s5] =	ssyncset.done $0x0;
	s15 =	sand.u32 $0x4000, s15;
	s13 =	sor.u32 $0x200, s14  }
0x1f: {  	s14 =	sor.u32 $0x8080, s14;
	[sflag:s5] =	ssyncadd.s32 $0xFFFFC000;
	s15 =	sor.u32 $0x8000, s15  }
.LBB1_3:
0x20: {  	v0 =	vld [tilespmem:s13+$0xFFFFFE70]  }
0x21: {  	v1 =	vld [tilespmem:s13+$0x70]  }
0x22: {  	v2 =	vld [tilespmem:s13+$0x0]  }
0x23: {  	v3 =	vld [tilespmem:s13+$0xFFFFFE10]  }
0x24: {  	v4 =	vld [tilespmem:s13+$0x10]  }
0x25: {  	v5 =	vld [tilespmem:s13+$0xFFFFFE20]  }
0x26: {  	v7 =	vld [tilespmem:s13+$0x20]  }
0x27: {  	v11 =	vld [tilespmem:s13+$0x30];
	v6 =	vunpack.i.l.s16.s32 v0;
	v8 =	vunpack.i.u.s16.s32 v0;
	v9 =	vunpack.i.u.s16.s32 v1  }
0x28: {  	v10 =	vunpack.i.l.s16.s32 v1;
	v0 =	vunpack.i.u.s16.s32 v2;
	v1 =	vunpack.i.l.s16.s32 v2;
	v2 =	vld [tilespmem:s13+$0xFFFFFE30]  }
0x29: {  	v8 =	vpack.i.b32.b16 v9, v8;
	v9 =	vunpack.i.u.s16.s32 v3;
	v3 =	vunpack.i.l.s16.s32 v3  }
0x2a: {  	v12 =	vld [tilespmem:s13+$0xFFFFFE40];
	v6 =	vpack.i.b32.b16 v10, v6;
	[tilespmem:s14+$0x70] =	vst v8;
	v8 =	vunpack.i.u.s16.s32 v4;
	v4 =	vunpack.i.l.s16.s32 v4  }
0x2b: {  	v13 =	vld [tilespmem:s13+$0x40];
	v10 =	vunpack.i.u.s16.s32 v5;
	v5 =	vunpack.i.l.s16.s32 v5;
	[tilespmem:s14+$0xFFFFFFF0] =	vst v6;
	v3 =	vpack.i.b32.b16 v4, v3  }
0x2c: {  	v6 =	vunpack.i.l.s16.s32 v7;
	v4 =	vld [tilespmem:s13+$0xFFFFFE50];
	[tilespmem:s14+$0xFFFFFF90] =	vst v3;
	v3 =	vpack.i.b32.b16 v8, v9;
	v8 =	vunpack.i.u.s16.s32 v7  }
0x2d: {  	v7 =	vunpack.i.l.s16.s32 v11;
	[tilespmem:s14+$0x10] =	vst v3;
	v3 =	vpack.i.b32.b16 v6, v5;
	v9 =	vunpack.i.u.s16.s32 v2;
	v6 =	vld [tilespmem:s13+$0x50]  }
0x2e: {  	v5 =	vunpack.i.l.s16.s32 v2;
	v2 =	vld [tilespmem:s13+$0xFFFFFE60];
	[tilespmem:s14+$0xFFFFFFA0] =	vst v3;
	v3 =	vpack.i.b32.b16 v8, v10;
	v10 =	vunpack.i.u.s16.s32 v11  }
0x2f: {  	s19 =	simm.s32 $0x0;
	v11 =	vpack.i.b32.b16 v7, v5;
	v7 =	vunpack.i.u.s16.s32 v12;
	v8 =	vunpack.i.l.s16.s32 v12;
	[tilespmem:s14+$0x20] =	vst v3;
	v3 =	vld [tilespmem:s13+$0x60]  }
0x30: {  	s20 =	sadd.s32 $0x80, s13;
	s18 =	smov.u32 s14;
	s17 =	smov.u32 s14;
	v5 =	vld [tilespmem:s13+$0xFFFFFE00];
	[tilespmem:s14+$0xFFFFFFB0] =	vst v11;
	v10 =	vpack.i.b32.b16 v10, v9;
	v9 =	vunpack.i.u.s16.s32 v13;
	v11 =	vunpack.i.l.s16.s32 v13  }
.LBB1_4:
0x31: {  	v12 =	vld [tilespmem:s20+$0xFFFFFE70];
	[tilespmem:s18+$0x30] =	vst v10;
	v8 =	vpack.i.b32.b16 v11, v8;
	v10 =	vunpack.i.u.s16.s32 v4;
	v4 =	vunpack.i.l.s16.s32 v4  }
0x32: {  	s19 =	sadd.s32 $0x2, s19;
	v7 =	vpack.i.b32.b16 v9, v7;
	v11 =	vld [tilespmem:s20+$0x70];
	[tilespmem:s18+$0xFFFFFFC0] =	vst v8;
	v8 =	vunpack.i.u.s16.s32 v6;
	v6 =	vunpack.i.l.s16.s32 v6  }
0x33: {  	p0 =	slt.u32 s19, $0x6;
	v9 =	vld [tilespmem:s20+$0x0];
	[tilespmem:s18+$0x40] =	vst v7;
	v4 =	vpack.i.b32.b16 v6, v4;
	v6 =	vunpack.i.u.s16.s32 v2;
	v2 =	vunpack.i.l.s16.s32 v2  }
0x34: {  	v7 =	vld [tilespmem:s20+$0xFFFFFE10];
	[tilespmem:s18+$0xFFFFFFD0] =	vst v4;
	v4 =	vpack.i.b32.b16 v8, v10;
	v8 =	vunpack.i.u.s16.s32 v3;
	v3 =	vunpack.i.l.s16.s32 v3  }
0x35: {  	v10 =	vld [tilespmem:s20+$0x10];
	v13 =	vunpack.i.u.s16.s32 v5;
	v5 =	vunpack.i.l.s16.s32 v5;
	[tilespmem:s18+$0x50] =	vst v4;
	v2 =	vpack.i.b32.b16 v3, v2  }
0x36: {  	v3 =	vld [tilespmem:s20+$0xFFFFFE20];
	v4 =	vunpack.i.l.s16.s32 v12;
	v1 =	vpack.i.b32.b16 v1, v5;
	v5 =	vpack.i.b32.b16 v0, v13;
	[tilespmem:s18+$0xFFFFFFE0] =	vst v2  }
0x37: {  	v12 =	vunpack.i.u.s16.s32 v12;
	v2 =	vld [tilespmem:s20+$0x20];
	v13 =	vunpack.i.u.s16.s32 v11;
	v11 =	vunpack.i.l.s16.s32 v11;
	[tilespmem:s18+$0xFFFFFF80] =	vst v1  }
0x38: {  	s18 =	sadd.s32 $0x100, s18;
	v0 =	vunpack.i.u.s16.s32 v9;
	v1 =	vunpack.i.l.s16.s32 v9;
	v9 =	vld [tilespmem:s20+$0xFFFFFE30];
	v12 =	vpack.i.b32.b16 v13, v12;
	[tilespmem:s17+$0x0] =	vst v5  }
0x39: {  	v6 =	vpack.i.b32.b16 v8, v6;
	v5 =	vunpack.i.u.s16.s32 v7;
	v7 =	vunpack.i.l.s16.s32 v7;
	v13 =	vld [tilespmem:s20+$0x30];
	[tilespmem:s18+$0x70] =	vst v12  }
0x3a: {  	v4 =	vpack.i.b32.b16 v11, v4;
	v8 =	vunpack.i.u.s16.s32 v10;
	v10 =	vunpack.i.l.s16.s32 v10;
	v12 =	vld [tilespmem:s20+$0xFFFFFE40];
	[tilespmem:s17+$0x60] =	vst v6;
	s17 =	smov.u32 s18  }
0x3b: {  	v6 =	vpack.i.b32.b16 v10, v7;
	v7 =	vunpack.i.u.s16.s32 v3;
	v3 =	vunpack.i.l.s16.s32 v3;
	v11 =	vld [tilespmem:s20+$0x40];
	[tilespmem:s18+$0xFFFFFFF0] =	vst v4  }
.Ltmp3:
0x3c: {  	v5 =	vpack.i.b32.b16 v8, v5;
	[tilespmem:s18+$0xFFFFFF90] =	vst v6;
	v8 =	vunpack.i.u.s16.s32 v2;
	v2 =	vunpack.i.l.s16.s32 v2;
	v4 =	vld [tilespmem:s20+$0xFFFFFE50];
	(pc) =	sbr.rel @p0 .LBB1_4-.Ltmp3, $4  }
0x3d: {  	[tilespmem:s18+$0x10] =	vst v5;
	v2 =	vpack.i.b32.b16 v2, v3;
	v10 =	vunpack.i.u.s16.s32 v9;
	v3 =	vunpack.i.l.s16.s32 v9;
	v6 =	vld [tilespmem:s20+$0x50]  }
0x3e: {  	v5 =	vpack.i.b32.b16 v8, v7;
	[tilespmem:s18+$0xFFFFFFA0] =	vst v2;
	v9 =	vunpack.i.u.s16.s32 v13;
	v7 =	vunpack.i.l.s16.s32 v13;
	v2 =	vld [tilespmem:s20+$0xFFFFFE60]  }
0x3f: {  	[tilespmem:s18+$0x20] =	vst v5;
	v13 =	vpack.i.b32.b16 v7, v3;
	v7 =	vunpack.i.u.s16.s32 v12;
	v8 =	vunpack.i.l.s16.s32 v12;
	v3 =	vld [tilespmem:s20+$0x60]  }
0x40: {  	v10 =	vpack.i.b32.b16 v9, v10;
	v5 =	vld [tilespmem:s20+$0xFFFFFE00];
	[tilespmem:s18+$0xFFFFFFB0] =	vst v13;
	v9 =	vunpack.i.u.s16.s32 v11;
	v11 =	vunpack.i.l.s16.s32 v11;
	s20 =	sadd.s32 $0x80, s20  }
0x41: {  	[tilespmem:s18+$0x30] =	vst v10;
	v8 =	vpack.i.b32.b16 v11, v8  }
0x42: {  	v51 =	vunpack.i.l.s16.s32 v4;
	v7 =	vpack.i.b32.b16 v9, v7;
	[tilespmem:s18+$0xFFFFFFC0] =	vst v8;
	v52 =	vunpack.i.l.s16.s32 v6  }
0x43: {  	v53 =	vunpack.i.u.s16.s32 v4;
	s16 =	sadd.s32 $0x1, s16;
	v54 =	vunpack.i.u.s16.s32 v6;
	[tilespmem:s18+$0x40] =	vst v7;
	v55 =	vpack.i.b32.b16 v52, v51  }
0x44: {  	p0 =	sne.s32 s16, $0x10;
	v56 =	vunpack.i.l.s16.s32 v2;
	v4 =	vpack.i.b32.b16 v54, v53;
	[tilespmem:s18+$0xFFFFFFD0] =	vst v55;
	v57 =	vunpack.i.l.s16.s32 v3  }
.Ltmp4:
0x45: {  	[tilespmem:s18+$0x50] =	vst v4;
	v58 =	vunpack.i.l.s16.s32 v5;
	v59 =	vpack.i.b32.b16 v57, v56;
	(pc) =	sbr.rel @p0 .LBB1_3-.Ltmp4, $4  }
0x46: {  	v61 =	vunpack.i.u.s16.s32 v2;
	v62 =	vunpack.i.u.s16.s32 v3;
	v1 =	vpack.i.b32.b16 v1, v58;
	[tilespmem:s18+$0xFFFFFFE0] =	vst v59  }
0x47: {  	v60 =	vunpack.i.u.s16.s32 v5;
	v63 =	vpack.i.b32.b16 v62, v61;
	[tilespmem:s18+$0xFFFFFF80] =	vst v1  }
0x48: {  	v0 =	vpack.i.b32.b16 v0, v60;
	[tilespmem:s17+$0x60] =	vst v63  }
0x49: {  	s13 =	sadd.s32 $0x400, s13;
	s14 =	sadd.s32 $0x400, s14;
	[tilespmem:s17+$0x0] =	vst v0  }
.Ltmp5:
0x4a: {  	(pc) =	sbr.rel .LBB1_7-.Ltmp5, $4  }
0x4b: {  	_ = 	snop  }
0x4c: {  	s12 =	sshll.u32 s12, $0x7  }
0x4d: {  	s12 =	sadd.s32 s4, s12  }
0x4e: {  	[hbm4b:s12+s8] =	stream.linear.scatter [tilespmem:s15], [sflag:$0x2], $0x4000, $0x38;
	[tilespmem:$0x10000] =	vst v63  }
.LBB1_8:
0x4f: {  	_ =	sfence.sel $0x180000  }
0x50: {  	s2 =	simm.s32 $0x1;
	[bflag:$0x0] =	sbarrier.arrive $0xFFFF  }
0x51: {  	s31 =	simm.s32 $0x2;
	[sflag:s2] =	ssyncpa.u1 $0x1  }
0x52: {  	[sflag:s31] =	ssyncpa.u1 $0x1  }
0x53: {  	p0 =	sne.s32 s0, $0x0;
	_ =	strace $0x90000047  }
0x54: {  	s0 =	sadd.s32 @!p0 $0x100000, s1;
	[bflag:$0x2] =	sbarrier.arrive $0xFFFF  }
0x55: {  	[sflag:s0] =	ssyncadd.tile.s32 @!p0 $0x1;
	_ =	shalt  }
.Lfunc_end1:
_tile_overlayer_lowered:
.L_overlay_start_2:
0x56: {  	(tag) =	ssettag $0x2  }
0x57: {  	s0 =	rddreg [dreg:$0x0];
	s2 =	stileid.u32  }
0x58: {  	s1 =	rddreg [dreg:$0x1];
	p0 =	sne.s32 s2, $0x0  }
0x59: {  	s3 =	rddreg [dreg:$0x2];
	[bflag:$0x3] =	sbarrier.arrive $0xFFFF;
	s2 =	simm.s32 @!p0 $0x1C01  }
0x5a: {  	[timem:s3], [sflag:s2] =	dma.local @!p0 [hbm:s0], s1  }
0x5b: {  	s0 =	simm.s32 @!p0 $0x1  }
0x5c: {  	_ =	swait.ge @!p0 [sflag:s0], s1  }
0x5d: {  	s1 =	ssub.s32 @!p0 $0x0, s1;
	[sflag:s0] =	ssyncset.done @!p0 $0x0  }
0x5e: {  	[sflag:s0] =	ssyncadd.s32 @!p0 s1  }
0x5f: {  	[bflag:$0x3] =	sbarrier.arrive $0xFFFF  }
0x60: {  	_ =	shalt  }

</sc_bundles>
